<compile_context>
chip_gen: v7x
topology: tpu7x:2x2x1
jax: 0.10.2.dev20260603
libtpu: 0.0.44.dev20260713+nightly
codegen_flags: <defaults>
</compile_context>

<pallas_src>
import functools

import jax
import jax.numpy as jnp
from jax import lax
from jax.experimental import pallas as pl
from jax.experimental.pallas import tpu as pltpu
from jax.experimental.pallas import tpu_sc as plsc

N = 10000
E = 320000
D = 128

NC = 2
NS = 16
NW = NC * NS
CH = 64
EPT = 10240
EPAD = EPT * NW
CPT = EPT // CH
NPAD = NW * 316
RPT = NPAD // NS

_mesh = plsc.VectorSubcoreMesh(core_axis_name="c", subcore_axis_name="s")



@functools.partial(
    pl.kernel,
    out_type=jax.ShapeDtypeStruct((NW, NPAD), jnp.float32),
    mesh=_mesh,
    scratch_types=[
        pltpu.VMEM((EPT,), jnp.int32),
        pltpu.VMEM((NPAD,), jnp.float32),
    ],
    compiler_params=pltpu.CompilerParams(needs_layout_passes=False),
)
def _sc_deg(col_hbm, out_hbm, colbuf, deg):
    cid = lax.axis_index("c")
    sid = lax.axis_index("s")
    wid = cid * NS + sid

    def zero(i, carry):
        deg[pl.ds(i * 16, 16)] = jnp.zeros((16,), jnp.float32)
        return carry

    lax.fori_loop(0, NPAD // 16, zero, 0)

    pltpu.sync_copy(col_hbm.at[pl.ds(wid * EPT, EPT)], colbuf)
    ones = jnp.ones((16,), jnp.float32)

    def count(i, carry):
        idx = colbuf[pl.ds(i * 16, 16)]
        plsc.addupdate_scatter(deg, [idx], ones)
        return carry

    lax.fori_loop(0, EPT // 16, count, 0)
    pltpu.sync_copy(deg, out_hbm.at[wid])


@functools.partial(
    pl.kernel,
    out_type=jax.ShapeDtypeStruct((NC, NPAD, D), jnp.float32),
    mesh=_mesh,
    scratch_types=[
        pltpu.VMEM((EPT // 2,), jnp.int32),
        pltpu.VMEM((CPT // 2, CH), jnp.int32),
        pltpu.VMEM((CH, D), jnp.float32),
        pltpu.VMEM((CH, D), jnp.float32),
        pltpu.VMEM((CH, D), jnp.float32),
        pltpu.VMEM((CH, D), jnp.float32),
        pltpu.VMEM_SHARED((NPAD, D), jnp.float32),
        pltpu.SemaphoreType.DMA,
        pltpu.SemaphoreType.DMA,
        pltpu.SemaphoreType.DMA,
        pltpu.SemaphoreType.DMA,
    ],
)
def _sc_scatter(xw_hbm, row_hbm, col2d_hbm, zeros_hbm, out_hbm,
                rowbuf, colbuf, m0, m1, m2, m3, acc, s0, s1, s2, s3):
    cid = lax.axis_index("c")
    sid = lax.axis_index("s")
    wid = cid * NS + sid
    bufs = ((m0, s0), (m1, s1), (m2, s2), (m3, s3))
    NB = len(bufs)
    EPP = EPT // 2
    CPP = CPT // 2

    pltpu.sync_copy(zeros_hbm, acc.at[pl.ds(sid * RPT, RPT)])
    plsc.subcore_barrier()

    def gather(c, msg, sem):
        pltpu.async_copy(xw_hbm.at[rowbuf.at[pl.ds(c * CH, CH)]], msg, sem)

    def wait_gather(c, msg, sem):
        pltpu.make_async_copy(xw_hbm.at[rowbuf.at[pl.ds(c * CH, CH)]],
                              msg, sem).wait()

    def scatter(c, msg):
        pltpu.sync_copy(msg, acc.at[colbuf.at[c]], add=True)

    for h in (0, 1):
        base = wid * EPT + h * EPP
        cbase = wid * CPT + h * CPP
        pltpu.sync_copy(row_hbm.at[pl.ds(base, EPP)], rowbuf)
        pltpu.sync_copy(col2d_hbm.at[pl.ds(cbase, CPP)], colbuf)
        for b in range(NB):
            gather(b, *bufs[b])

        def body(i, carry):
            c = NB * i
            for b in range(NB):
                wait_gather(c + b, *bufs[b])
                scatter(c + b, bufs[b][0])
                gather(c + b + NB, *bufs[b])
            return carry

        lax.fori_loop(0, CPP // NB - 1, body, 0)
        ctail = CPP - NB
        for b in range(NB):
            wait_gather(ctail + b, *bufs[b])
            scatter(ctail + b, bufs[b][0])

    plsc.subcore_barrier()
    pltpu.sync_copy(acc.at[pl.ds(sid * RPT, RPT)],
                    out_hbm.at[cid, pl.ds(sid * RPT, RPT)])



BLK = 1000


def _tc_dinv_body(degp_ref, dinv_ref):
    deg = 1.0 + jnp.sum(degp_ref[...], axis=0)
    dinv_ref[...] = lax.rsqrt(deg).reshape(NPAD, 1)


def _tc_pre_body(x_ref, w_ref, dinv_ref, xw_ref):
    xw_ref[...] = dinv_ref[...] * jnp.dot(x_ref[...], w_ref[...],
                                          preferred_element_type=jnp.float32,
                                          precision=lax.Precision.HIGHEST)


def _tc_mid_body(acc_ref, xwp_ref, dinv_ref, b_ref, w_ref, out_ref):
    dinv = dinv_ref[...]
    a = acc_ref[0] + acc_ref[1] + xwp_ref[...]
    h = jnp.maximum(dinv * a + b_ref[...], 0.0)
    out_ref[...] = dinv * jnp.dot(h, w_ref[...],
                                  preferred_element_type=jnp.float32,
                                  precision=lax.Precision.HIGHEST)


def _tc_post_body(acc_ref, xwp_ref, dinv_ref, b_ref, out_ref):
    a = acc_ref[0] + acc_ref[1] + xwp_ref[...]
    out_ref[...] = dinv_ref[...] * a + b_ref[...]


_spec_rows = pl.BlockSpec((BLK, D), lambda i: (i, 0))
_spec_w = pl.BlockSpec((D, D), lambda i: (0, 0))
_spec_b = pl.BlockSpec((1, D), lambda i: (0, 0))
_spec_dinv = pl.BlockSpec((BLK, 1), lambda i: (i, 0))
_spec_acc = pl.BlockSpec((NC, BLK, D), lambda i: (0, i, 0))

_tc_dinv = pl.pallas_call(
    _tc_dinv_body,
    out_shape=jax.ShapeDtypeStruct((NPAD, 1), jnp.float32),
)

_tc_pre = pl.pallas_call(
    _tc_pre_body,
    grid=(N // BLK,),
    in_specs=[_spec_rows, _spec_w, _spec_dinv],
    out_specs=_spec_rows,
    out_shape=jax.ShapeDtypeStruct((N, D), jnp.float32),
)

_tc_mid = pl.pallas_call(
    _tc_mid_body,
    grid=(N // BLK,),
    in_specs=[_spec_acc, _spec_rows, _spec_dinv, _spec_b, _spec_w],
    out_specs=_spec_rows,
    out_shape=jax.ShapeDtypeStruct((N, D), jnp.float32),
)

_tc_post = pl.pallas_call(
    _tc_post_body,
    grid=(N // BLK,),
    in_specs=[_spec_acc, _spec_rows, _spec_dinv, _spec_b],
    out_specs=_spec_rows,
    out_shape=jax.ShapeDtypeStruct((N, D), jnp.float32),
)



@jax.jit
def kernel(x, edge_index, W1, b1, W2, b2, W3, b3):
    row = edge_index[0].astype(jnp.int32)
    col = edge_index[1].astype(jnp.int32)
    rowp = jnp.concatenate([row, jnp.zeros((EPAD - E,), jnp.int32)])
    colp = jnp.concatenate([col, jnp.full((EPAD - E,), N, jnp.int32)])
    col2d = colp.reshape(EPAD // CH, CH)
    zeros = jnp.zeros((RPT, D), jnp.float32)

    degp = _sc_deg(colp)
    dinv = _tc_dinv(degp)
    xw1 = _tc_pre(x, W1, dinv)
    acc = _sc_scatter(xw1, rowp, col2d, zeros)
    xw2 = _tc_mid(acc, xw1, dinv, b1.reshape(1, D), W2)
    acc = _sc_scatter(xw2, rowp, col2d, zeros)
    xw3 = _tc_mid(acc, xw2, dinv, b2.reshape(1, D), W3)
    acc = _sc_scatter(xw3, rowp, col2d, zeros)
    return _tc_post(acc, xw3, dinv, b3.reshape(1, D))

# --- scband reference (transcript-rebuilt; emitter-appended) ---
"""Pipeline reference for scband-supervised-gcn-4080218931849 (READ-ONLY COPY).

The authoritative reference and input builder live on the scoring server;
editing this copy changes nothing except your own understanding.
"""

import jax, jax.numpy as jnp
import numpy as np

N_NODES = 10000
N_EDGES = 320000
D_IN = 128
D_HID = 128
D_OUT = 128


def setup_inputs(seed: int = 0) -> dict:
    key = jax.random.key(seed)
    ks = jax.random.split(key, 8)
    x = jax.random.normal(ks[0], (N_NODES, D_IN), dtype=jnp.float32)
    edge_index = jax.random.randint(ks[1], (2, N_EDGES), 0, N_NODES, dtype=jnp.int64)
    s1 = 1.0 / np.sqrt(D_IN)
    s2 = 1.0 / np.sqrt(D_HID)
    W1 = jax.random.uniform(ks[2], (D_IN, D_HID), jnp.float32, -s1, s1)
    b1 = jnp.zeros((D_HID,), jnp.float32)
    W2 = jax.random.uniform(ks[3], (D_HID, D_HID), jnp.float32, -s2, s2)
    b2 = jnp.zeros((D_HID,), jnp.float32)
    W3 = jax.random.uniform(ks[4], (D_HID, D_OUT), jnp.float32, -s2, s2)
    b3 = jnp.zeros((D_OUT,), jnp.float32)
    return {"x": x, "edge_index": edge_index, "W1": W1, "b1": b1, "W2": W2, "b2": b2, "W3": W3, "b3": b3}


def _gcn_conv(x, row, col, norm, W, b, n_nodes):
    # GCNConv: x @ W, propagate with symmetric normalization, add bias
    xw = x @ W
    msg = jnp.take(xw, row, axis=0) * norm[:, None]
    out = jnp.zeros((n_nodes, W.shape[1]), dtype=x.dtype).at[col].add(msg)
    return out + b


def _build_norm(edge_index, n_nodes):
    # add self-loops, compute D^{-1/2} A_hat D^{-1/2} edge normalization (PyG GCNConv)
    loop = jnp.arange(n_nodes, dtype=edge_index.dtype)
    row = jnp.concatenate([edge_index[0], loop])
    col = jnp.concatenate([edge_index[1], loop])
    deg = jnp.zeros((n_nodes,), jnp.float32).at[col].add(1.0)
    dinv = jnp.where(deg > 0, deg ** -0.5, 0.0)
    norm = dinv[row] * dinv[col]
    return row, col, norm


def reference(x, edge_index, W1, b1, W2, b2, W3, b3):
    n = x.shape[0]
    row, col, norm = _build_norm(edge_index, n)
    h = _gcn_conv(x, row, col, norm, W1, b1, n)
    h = jax.nn.relu(h)  # dropout inactive in eval mode
    h = _gcn_conv(h, row, col, norm, W2, b2, n)
    h = jax.nn.relu(h)
    h = _gcn_conv(h, row, col, norm, W3, b3, n)
    return h

if __name__ == "__main__":
    import jax
    _d = setup_inputs()
    print(jax.jit(kernel)(*tuple(_d.values())))

</pallas_src>

<mosaic_0001>
#map = affine_map<(d0, d1) -> (0, 0)>
#map1 = affine_map<(d0, d1) -> (0)>
#map2 = affine_map<(d0, d1) -> (0, 0, 0)>
module attributes {stable_mosaic.version = 14 : i64} {
  func.func @_sc_scatter(%arg0: i32, %arg1: i32, %arg2: memref<10000x128xf32, #tpu.memory_space<hbm>>, %arg3: memref<327680xi32, #tpu.memory_space<hbm>>, %arg4: memref<5120x64xi32, #tpu.memory_space<hbm>>, %arg5: memref<632x128xf32, #tpu.memory_space<hbm>>, %arg6: memref<2x10112x128xf32, #tpu.memory_space<hbm>>, %arg7: memref<5120xi32, #tpu.memory_space<vmem>>, %arg8: memref<80x64xi32, #tpu.memory_space<vmem>>, %arg9: memref<64x128xf32, #tpu.memory_space<vmem>>, %arg10: memref<64x128xf32, #tpu.memory_space<vmem>>, %arg11: memref<64x128xf32, #tpu.memory_space<vmem>>, %arg12: memref<64x128xf32, #tpu.memory_space<vmem>>, %arg13: memref<10112x128xf32, #tpu.memory_space<vmem_shared>>, %arg14: memref<!tpu.dma_semaphore, #tpu.memory_space<semaphore_mem>>, %arg15: memref<!tpu.dma_semaphore, #tpu.memory_space<semaphore_mem>>, %arg16: memref<!tpu.dma_semaphore, #tpu.memory_space<semaphore_mem>>, %arg17: memref<!tpu.dma_semaphore, #tpu.memory_space<semaphore_mem>>) attributes {dimension_semantics = [#tpu.dimension_semantics<core_parallel>, #tpu.dimension_semantics<subcore_parallel>], iteration_bounds = array<i64: 2, 16>, scalar_prefetch = 0 : i64, scratch_operands = 11 : i64, tpu.core_type = #tpu.core_type<sc_vector_subcore>, window_params = [{transform_indices = #map}, {transform_indices = #map1}, {transform_indices = #map}, {transform_indices = #map}, {transform_indices = #map2}]} {
    %mul3A = arith.constant 16 : i32
    %mul3A_0 = arith.muli %arg0, %mul3A : i32
    %add3A = arith.addi %mul3A_0, %arg1 : i32
    %mul3A_1 = arith.constant 632 : i32
    %mul3A_2 = arith.muli %arg1, %mul3A_1 : i32
    "tpu.region"() ({
      %run_scoped3A_120 = tpu.sem_alloc : memref<!tpu.dma_semaphore, #tpu.memory_space<semaphore_mem>>
      %dma_start3A_121 = arith.constant 0 : i32
      %dma_start3A_122 = tpu.memref_slice %arg13[%mul3A_2, %dma_start3A_121] : memref<10112x128xf32, #tpu.memory_space<vmem_shared>> -> memref<632x128xf32, #tpu.memory_space<vmem_shared>>
      tpu.enqueue_dma source(%arg5 : memref<632x128xf32, #tpu.memory_space<hbm>>) target(%dma_start3A_122 : memref<632x128xf32, #tpu.memory_space<vmem_shared>>) target_semaphore(%run_scoped3A_120 : memref<!tpu.dma_semaphore, #tpu.memory_space<semaphore_mem>>)
      %dma_wait3A_123 = arith.constant 0 : i32
      %dma_wait3A_124 = tpu.memref_slice %arg13[%mul3A_2, %dma_wait3A_123] : memref<10112x128xf32, #tpu.memory_space<vmem_shared>> -> memref<632x128xf32, #tpu.memory_space<vmem_shared>>
      tpu.wait_dma2 semaphore(%run_scoped3A_120 : memref<!tpu.dma_semaphore, #tpu.memory_space<semaphore_mem>>) src(%arg5 : memref<632x128xf32, #tpu.memory_space<hbm>>) dst(%dma_wait3A_124 : memref<632x128xf32, #tpu.memory_space<vmem_shared>>)
      tpu.yield
    }) : () -> ()
    %barrier3A = arith.constant 0 : index
    tpu.barrier barrier_id(%barrier3A)
    %mul3A_3 = arith.constant 10240 : i32
    %mul3A_4 = arith.muli %add3A, %mul3A_3 : i32
    %add3A_5 = arith.constant 0 : i32
    %add3A_6 = arith.addi %mul3A_4, %add3A_5 : i32
    %mul3A_7 = arith.constant 160 : i32
    %mul3A_8 = arith.muli %add3A, %mul3A_7 : i32
    %add3A_9 = arith.constant 0 : i32
    %add3A_10 = arith.addi %mul3A_8, %add3A_9 : i32
    "tpu.region"() ({
      %run_scoped3A_120 = tpu.sem_alloc : memref<!tpu.dma_semaphore, #tpu.memory_space<semaphore_mem>>
      %dma_start3A_121 = tpu.memref_slice %arg3[%add3A_6] : memref<327680xi32, #tpu.memory_space<hbm>> -> memref<5120xi32, #tpu.memory_space<hbm>>
      %dma_start3A_122 = tpu.memref_slice %arg3[%add3A_6] : memref<327680xi32, #tpu.memory_space<hbm>> -> memref<5120xi32, #tpu.memory_space<hbm>>
      tpu.enqueue_dma source(%dma_start3A_122 : memref<5120xi32, #tpu.memory_space<hbm>>) target(%arg7 : memref<5120xi32, #tpu.memory_space<vmem>>) target_semaphore(%run_scoped3A_120 : memref<!tpu.dma_semaphore, #tpu.memory_space<semaphore_mem>>)
      %dma_wait3A_123 = tpu.memref_slice %arg3[%add3A_6] : memref<327680xi32, #tpu.memory_space<hbm>> -> memref<5120xi32, #tpu.memory_space<hbm>>
      %dma_wait3A_124 = tpu.memref_slice %arg3[%add3A_6] : memref<327680xi32, #tpu.memory_space<hbm>> -> memref<5120xi32, #tpu.memory_space<hbm>>
      tpu.wait_dma2 semaphore(%run_scoped3A_120 : memref<!tpu.dma_semaphore, #tpu.memory_space<semaphore_mem>>) src(%dma_wait3A_124 : memref<5120xi32, #tpu.memory_space<hbm>>) dst(%arg7 : memref<5120xi32, #tpu.memory_space<vmem>>)
      tpu.yield
    }) : () -> ()
    "tpu.region"() ({
      %run_scoped3A_120 = tpu.sem_alloc : memref<!tpu.dma_semaphore, #tpu.memory_space<semaphore_mem>>
      %dma_start3A_121 = arith.constant 0 : i32
      %dma_start3A_122 = tpu.memref_slice %arg4[%add3A_10, %dma_start3A_121] : memref<5120x64xi32, #tpu.memory_space<hbm>> -> memref<80x64xi32, #tpu.memory_space<hbm>>
      %dma_start3A_123 = arith.constant 0 : i32
      %dma_start3A_124 = tpu.memref_slice %arg4[%add3A_10, %dma_start3A_123] : memref<5120x64xi32, #tpu.memory_space<hbm>> -> memref<80x64xi32, #tpu.memory_space<hbm>>
      tpu.enqueue_dma source(%dma_start3A_124 : memref<80x64xi32, #tpu.memory_space<hbm>>) target(%arg8 : memref<80x64xi32, #tpu.memory_space<vmem>>) target_semaphore(%run_scoped3A_120 : memref<!tpu.dma_semaphore, #tpu.memory_space<semaphore_mem>>)
      %dma_wait3A_125 = arith.constant 0 : i32
      %dma_wait3A_126 = tpu.memref_slice %arg4[%add3A_10, %dma_wait3A_125] : memref<5120x64xi32, #tpu.memory_space<hbm>> -> memref<80x64xi32, #tpu.memory_space<hbm>>
      %dma_wait3A_127 = arith.constant 0 : i32
      %dma_wait3A_128 = tpu.memref_slice %arg4[%add3A_10, %dma_wait3A_127] : memref<5120x64xi32, #tpu.memory_space<hbm>> -> memref<80x64xi32, #tpu.memory_space<hbm>>
      tpu.wait_dma2 semaphore(%run_scoped3A_120 : memref<!tpu.dma_semaphore, #tpu.memory_space<semaphore_mem>>) src(%dma_wait3A_128 : memref<80x64xi32, #tpu.memory_space<hbm>>) dst(%arg8 : memref<80x64xi32, #tpu.memory_space<vmem>>)
      tpu.yield
    }) : () -> ()
    %dma_start3A = arith.constant 0 : i32
    %dma_start3A_11 = tpu.memref_slice %arg7[%dma_start3A] : memref<5120xi32, #tpu.memory_space<vmem>> -> memref<64xi32, #tpu.memory_space<vmem>>
    %dma_start3A_12 = arith.constant 0 : i32
    %dma_start3A_13 = arith.constant 0 : i32
    %dma_start3A_14 = tpu.memref_slice %arg2[%dma_start3A_12, %dma_start3A_13] : memref<10000x128xf32, #tpu.memory_space<hbm>> -> memref<10000x128xf32, #tpu.memory_space<hbm>>
    tpu.enqueue_indirect_dma source(%dma_start3A_14 : memref<10000x128xf32, #tpu.memory_space<hbm>>) target(%arg9 : memref<64x128xf32, #tpu.memory_space<vmem>>) offsets(%dma_start3A_11 : memref<64xi32, #tpu.memory_space<vmem>>) semaphore(%arg14 : memref<!tpu.dma_semaphore, #tpu.memory_space<semaphore_mem>>)
    %dma_start3A_15 = arith.constant 64 : i32
    %dma_start3A_16 = tpu.memref_slice %arg7[%dma_start3A_15] : memref<5120xi32, #tpu.memory_space<vmem>> -> memref<64xi32, #tpu.memory_space<vmem>>
    %dma_start3A_17 = arith.constant 0 : i32
    %dma_start3A_18 = arith.constant 0 : i32
    %dma_start3A_19 = tpu.memref_slice %arg2[%dma_start3A_17, %dma_start3A_18] : memref<10000x128xf32, #tpu.memory_space<hbm>> -> memref<10000x128xf32, #tpu.memory_space<hbm>>
    tpu.enqueue_indirect_dma source(%dma_start3A_19 : memref<10000x128xf32, #tpu.memory_space<hbm>>) target(%arg10 : memref<64x128xf32, #tpu.memory_space<vmem>>) offsets(%dma_start3A_16 : memref<64xi32, #tpu.memory_space<vmem>>) semaphore(%arg15 : memref<!tpu.dma_semaphore, #tpu.memory_space<semaphore_mem>>)
    %dma_start3A_20 = arith.constant 128 : i32
    %dma_start3A_21 = tpu.memref_slice %arg7[%dma_start3A_20] : memref<5120xi32, #tpu.memory_space<vmem>> -> memref<64xi32, #tpu.memory_space<vmem>>
    %dma_start3A_22 = arith.constant 0 : i32
    %dma_start3A_23 = arith.constant 0 : i32
    %dma_start3A_24 = tpu.memref_slice %arg2[%dma_start3A_22, %dma_start3A_23] : memref<10000x128xf32, #tpu.memory_space<hbm>> -> memref<10000x128xf32, #tpu.memory_space<hbm>>
    tpu.enqueue_indirect_dma source(%dma_start3A_24 : memref<10000x128xf32, #tpu.memory_space<hbm>>) target(%arg11 : memref<64x128xf32, #tpu.memory_space<vmem>>) offsets(%dma_start3A_21 : memref<64xi32, #tpu.memory_space<vmem>>) semaphore(%arg16 : memref<!tpu.dma_semaphore, #tpu.memory_space<semaphore_mem>>)
    %dma_start3A_25 = arith.constant 192 : i32
    %dma_start3A_26 = tpu.memref_slice %arg7[%dma_start3A_25] : memref<5120xi32, #tpu.memory_space<vmem>> -> memref<64xi32, #tpu.memory_space<vmem>>
    %dma_start3A_27 = arith.constant 0 : i32
    %dma_start3A_28 = arith.constant 0 : i32
    %dma_start3A_29 = tpu.memref_slice %arg2[%dma_start3A_27, %dma_start3A_28] : memref<10000x128xf32, #tpu.memory_space<hbm>> -> memref<10000x128xf32, #tpu.memory_space<hbm>>
    tpu.enqueue_indirect_dma source(%dma_start3A_29 : memref<10000x128xf32, #tpu.memory_space<hbm>>) target(%arg12 : memref<64x128xf32, #tpu.memory_space<vmem>>) offsets(%dma_start3A_26 : memref<64xi32, #tpu.memory_space<vmem>>) semaphore(%arg17 : memref<!tpu.dma_semaphore, #tpu.memory_space<semaphore_mem>>)
    %scan3A = arith.constant 0 : i32
    %scan3A_30 = arith.constant 0 : i32
    %scan3A_31 = arith.constant 19 : i32
    %scan3A_32 = arith.addi %scan3A_30, %scan3A_31 : i32
    %scan3A_33 = arith.constant 1 : i32
    scf.for %scan3A_120 = %scan3A_30 to %scan3A_32 step %scan3A_33  : i32 {
      %mul3A_121 = arith.constant 4 : i32
      %mul3A_122 = arith.muli %mul3A_121, %scan3A_120 : i32
      %add3A_123 = arith.constant 0 : i32
      %add3A_124 = arith.addi %mul3A_122, %add3A_123 : i32
      %mul3A_125 = arith.constant 64 : i32
      %mul3A_126 = arith.muli %add3A_124, %mul3A_125 : i32
      %dma_wait3A_127 = tpu.memref_slice %arg7[%mul3A_126] : memref<5120xi32, #tpu.memory_space<vmem>> -> memref<64xi32, #tpu.memory_space<vmem>>
      %dma_wait3A_128 = arith.constant 0 : i32
      %dma_wait3A_129 = arith.constant 0 : i32
      %dma_wait3A_130 = tpu.memref_slice %arg2[%dma_wait3A_128, %dma_wait3A_129] : memref<10000x128xf32, #tpu.memory_space<hbm>> -> memref<10000x128xf32, #tpu.memory_space<hbm>>
      tpu.wait_indirect_dma semaphore(%arg14 : memref<!tpu.dma_semaphore, #tpu.memory_space<semaphore_mem>>) src(%dma_wait3A_130 : memref<10000x128xf32, #tpu.memory_space<hbm>>) dst(%arg9 : memref<64x128xf32, #tpu.memory_space<vmem>>)
      %add3A_131 = arith.constant 0 : i32
      %add3A_132 = arith.addi %mul3A_122, %add3A_131 : i32
      "tpu.region"() ({
        %run_scoped3A_203 = tpu.sem_alloc : memref<!tpu.dma_semaphore, #tpu.memory_space<semaphore_mem>>
        %dma_start3A_204 = arith.constant 0 : i32
        %dma_start3A_205 = tpu.memref_slice %arg8[%add3A_132, %dma_start3A_204] : memref<80x64xi32, #tpu.memory_space<vmem>> -> memref<1x64xi32, #tpu.memory_space<vmem>>
        %dma_start3A_206 = tpu.memref_squeeze %dma_start3A_205 : memref<1x64xi32, #tpu.memory_space<vmem>> -> memref<64xi32, #tpu.memory_space<vmem>>
        %dma_start3A_207 = arith.constant 0 : i32
        %dma_start3A_208 = arith.constant 0 : i32
        %dma_start3A_209 = tpu.memref_slice %arg13[%dma_start3A_207, %dma_start3A_208] : memref<10112x128xf32, #tpu.memory_space<vmem_shared>> -> memref<10112x128xf32, #tpu.memory_space<vmem_shared>>
        tpu.enqueue_indirect_dma source(%arg9 : memref<64x128xf32, #tpu.memory_space<vmem>>) target(%dma_start3A_209 : memref<10112x128xf32, #tpu.memory_space<vmem_shared>>) offsets(%dma_start3A_206 : memref<64xi32, #tpu.memory_space<vmem>>) semaphore(%run_scoped3A_203 : memref<!tpu.dma_semaphore, #tpu.memory_space<semaphore_mem>>) {add = true}
        %dma_wait3A_210 = arith.constant 0 : i32
        %dma_wait3A_211 = tpu.memref_slice %arg8[%add3A_132, %dma_wait3A_210] : memref<80x64xi32, #tpu.memory_space<vmem>> -> memref<1x64xi32, #tpu.memory_space<vmem>>
        %dma_wait3A_212 = tpu.memref_squeeze %dma_wait3A_211 : memref<1x64xi32, #tpu.memory_space<vmem>> -> memref<64xi32, #tpu.memory_space<vmem>>
        %dma_wait3A_213 = arith.constant 0 : i32
        %dma_wait3A_214 = arith.constant 0 : i32
        %dma_wait3A_215 = tpu.memref_slice %arg13[%dma_wait3A_213, %dma_wait3A_214] : memref<10112x128xf32, #tpu.memory_space<vmem_shared>> -> memref<10112x128xf32, #tpu.memory_space<vmem_shared>>
        tpu.wait_indirect_dma semaphore(%run_scoped3A_203 : memref<!tpu.dma_semaphore, #tpu.memory_space<semaphore_mem>>) src(%arg9 : memref<64x128xf32, #tpu.memory_space<vmem>>) dst(%dma_wait3A_215 : memref<10112x128xf32, #tpu.memory_space<vmem_shared>>)
        tpu.yield
      }) : () -> ()
      %add3A_133 = arith.constant 0 : i32
      %add3A_134 = arith.addi %mul3A_122, %add3A_133 : i32
      %add3A_135 = arith.constant 4 : i32
      %add3A_136 = arith.addi %add3A_134, %add3A_135 : i32
      %mul3A_137 = arith.constant 64 : i32
      %mul3A_138 = arith.muli %add3A_136, %mul3A_137 : i32
      %dma_start3A_139 = tpu.memref_slice %arg7[%mul3A_138] : memref<5120xi32, #tpu.memory_space<vmem>> -> memref<64xi32, #tpu.memory_space<vmem>>
      %dma_start3A_140 = arith.constant 0 : i32
      %dma_start3A_141 = arith.constant 0 : i32
      %dma_start3A_142 = tpu.memref_slice %arg2[%dma_start3A_140, %dma_start3A_141] : memref<10000x128xf32, #tpu.memory_space<hbm>> -> memref<10000x128xf32, #tpu.memory_space<hbm>>
      tpu.enqueue_indirect_dma source(%dma_start3A_142 : memref<10000x128xf32, #tpu.memory_space<hbm>>) target(%arg9 : memref<64x128xf32, #tpu.memory_space<vmem>>) offsets(%dma_start3A_139 : memref<64xi32, #tpu.memory_space<vmem>>) semaphore(%arg14 : memref<!tpu.dma_semaphore, #tpu.memory_space<semaphore_mem>>)
      %add3A_143 = arith.constant 1 : i32
      %add3A_144 = arith.addi %mul3A_122, %add3A_143 : i32
      %mul3A_145 = arith.constant 64 : i32
      %mul3A_146 = arith.muli %add3A_144, %mul3A_145 : i32
      %dma_wait3A_147 = tpu.memref_slice %arg7[%mul3A_146] : memref<5120xi32, #tpu.memory_space<vmem>> -> memref<64xi32, #tpu.memory_space<vmem>>
      %dma_wait3A_148 = arith.constant 0 : i32
      %dma_wait3A_149 = arith.constant 0 : i32
      %dma_wait3A_150 = tpu.memref_slice %arg2[%dma_wait3A_148, %dma_wait3A_149] : memref<10000x128xf32, #tpu.memory_space<hbm>> -> memref<10000x128xf32, #tpu.memory_space<hbm>>
      tpu.wait_indirect_dma semaphore(%arg15 : memref<!tpu.dma_semaphore, #tpu.memory_space<semaphore_mem>>) src(%dma_wait3A_150 : memref<10000x128xf32, #tpu.memory_space<hbm>>) dst(%arg10 : memref<64x128xf32, #tpu.memory_space<vmem>>)
      %add3A_151 = arith.constant 1 : i32
      %add3A_152 = arith.addi %mul3A_122, %add3A_151 : i32
      "tpu.region"() ({
        %run_scoped3A_203 = tpu.sem_alloc : memref<!tpu.dma_semaphore, #tpu.memory_space<semaphore_mem>>
        %dma_start3A_204 = arith.constant 0 : i32
        %dma_start3A_205 = tpu.memref_slice %arg8[%add3A_152, %dma_start3A_204] : memref<80x64xi32, #tpu.memory_space<vmem>> -> memref<1x64xi32, #tpu.memory_space<vmem>>
        %dma_start3A_206 = tpu.memref_squeeze %dma_start3A_205 : memref<1x64xi32, #tpu.memory_space<vmem>> -> memref<64xi32, #tpu.memory_space<vmem>>
        %dma_start3A_207 = arith.constant 0 : i32
        %dma_start3A_208 = arith.constant 0 : i32
        %dma_start3A_209 = tpu.memref_slice %arg13[%dma_start3A_207, %dma_start3A_208] : memref<10112x128xf32, #tpu.memory_space<vmem_shared>> -> memref<10112x128xf32, #tpu.memory_space<vmem_shared>>
        tpu.enqueue_indirect_dma source(%arg10 : memref<64x128xf32, #tpu.memory_space<vmem>>) target(%dma_start3A_209 : memref<10112x128xf32, #tpu.memory_space<vmem_shared>>) offsets(%dma_start3A_206 : memref<64xi32, #tpu.memory_space<vmem>>) semaphore(%run_scoped3A_203 : memref<!tpu.dma_semaphore, #tpu.memory_space<semaphore_mem>>) {add = true}
        %dma_wait3A_210 = arith.constant 0 : i32
        %dma_wait3A_211 = tpu.memref_slice %arg8[%add3A_152, %dma_wait3A_210] : memref<80x64xi32, #tpu.memory_space<vmem>> -> memref<1x64xi32, #tpu.memory_space<vmem>>
        %dma_wait3A_212 = tpu.memref_squeeze %dma_wait3A_211 : memref<1x64xi32, #tpu.memory_space<vmem>> -> memref<64xi32, #tpu.memory_space<vmem>>
        %dma_wait3A_213 = arith.constant 0 : i32
        %dma_wait3A_214 = arith.constant 0 : i32
        %dma_wait3A_215 = tpu.memref_slice %arg13[%dma_wait3A_213, %dma_wait3A_214] : memref<10112x128xf32, #tpu.memory_space<vmem_shared>> -> memref<10112x128xf32, #tpu.memory_space<vmem_shared>>
        tpu.wait_indirect_dma semaphore(%run_scoped3A_203 : memref<!tpu.dma_semaphore, #tpu.memory_space<semaphore_mem>>) src(%arg10 : memref<64x128xf32, #tpu.memory_space<vmem>>) dst(%dma_wait3A_215 : memref<10112x128xf32, #tpu.memory_space<vmem_shared>>)
        tpu.yield
      }) : () -> ()
      %add3A_153 = arith.constant 1 : i32
      %add3A_154 = arith.addi %mul3A_122, %add3A_153 : i32
      %add3A_155 = arith.constant 4 : i32
      %add3A_156 = arith.addi %add3A_154, %add3A_155 : i32
      %mul3A_157 = arith.constant 64 : i32
      %mul3A_158 = arith.muli %add3A_156, %mul3A_157 : i32
      %dma_start3A_159 = tpu.memref_slice %arg7[%mul3A_158] : memref<5120xi32, #tpu.memory_space<vmem>> -> memref<64xi32, #tpu.memory_space<vmem>>
      %dma_start3A_160 = arith.constant 0 : i32
      %dma_start3A_161 = arith.constant 0 : i32
      %dma_start3A_162 = tpu.memref_slice %arg2[%dma_start3A_160, %dma_start3A_161] : memref<10000x128xf32, #tpu.memory_space<hbm>> -> memref<10000x128xf32, #tpu.memory_space<hbm>>
      tpu.enqueue_indirect_dma source(%dma_start3A_162 : memref<10000x128xf32, #tpu.memory_space<hbm>>) target(%arg10 : memref<64x128xf32, #tpu.memory_space<vmem>>) offsets(%dma_start3A_159 : memref<64xi32, #tpu.memory_space<vmem>>) semaphore(%arg15 : memref<!tpu.dma_semaphore, #tpu.memory_space<semaphore_mem>>)
      %add3A_163 = arith.constant 2 : i32
      %add3A_164 = arith.addi %mul3A_122, %add3A_163 : i32
      %mul3A_165 = arith.constant 64 : i32
      %mul3A_166 = arith.muli %add3A_164, %mul3A_165 : i32
      %dma_wait3A_167 = tpu.memref_slice %arg7[%mul3A_166] : memref<5120xi32, #tpu.memory_space<vmem>> -> memref<64xi32, #tpu.memory_space<vmem>>
      %dma_wait3A_168 = arith.constant 0 : i32
      %dma_wait3A_169 = arith.constant 0 : i32
      %dma_wait3A_170 = tpu.memref_slice %arg2[%dma_wait3A_168, %dma_wait3A_169] : memref<10000x128xf32, #tpu.memory_space<hbm>> -> memref<10000x128xf32, #tpu.memory_space<hbm>>
      tpu.wait_indirect_dma semaphore(%arg16 : memref<!tpu.dma_semaphore, #tpu.memory_space<semaphore_mem>>) src(%dma_wait3A_170 : memref<10000x128xf32, #tpu.memory_space<hbm>>) dst(%arg11 : memref<64x128xf32, #tpu.memory_space<vmem>>)
      %add3A_171 = arith.constant 2 : i32
      %add3A_172 = arith.addi %mul3A_122, %add3A_171 : i32
      "tpu.region"() ({
        %run_scoped3A_203 = tpu.sem_alloc : memref<!tpu.dma_semaphore, #tpu.memory_space<semaphore_mem>>
        %dma_start3A_204 = arith.constant 0 : i32
        %dma_start3A_205 = tpu.memref_slice %arg8[%add3A_172, %dma_start3A_204] : memref<80x64xi32, #tpu.memory_space<vmem>> -> memref<1x64xi32, #tpu.memory_space<vmem>>
        %dma_start3A_206 = tpu.memref_squeeze %dma_start3A_205 : memref<1x64xi32, #tpu.memory_space<vmem>> -> memref<64xi32, #tpu.memory_space<vmem>>
        %dma_start3A_207 = arith.constant 0 : i32
        %dma_start3A_208 = arith.constant 0 : i32
        %dma_start3A_209 = tpu.memref_slice %arg13[%dma_start3A_207, %dma_start3A_208] : memref<10112x128xf32, #tpu.memory_space<vmem_shared>> -> memref<10112x128xf32, #tpu.memory_space<vmem_shared>>
        tpu.enqueue_indirect_dma source(%arg11 : memref<64x128xf32, #tpu.memory_space<vmem>>) target(%dma_start3A_209 : memref<10112x128xf32, #tpu.memory_space<vmem_shared>>) offsets(%dma_start3A_206 : memref<64xi32, #tpu.memory_space<vmem>>) semaphore(%run_scoped3A_203 : memref<!tpu.dma_semaphore, #tpu.memory_space<semaphore_mem>>) {add = true}
        %dma_wait3A_210 = arith.constant 0 : i32
        %dma_wait3A_211 = tpu.memref_slice %arg8[%add3A_172, %dma_wait3A_210] : memref<80x64xi32, #tpu.memory_space<vmem>> -> memref<1x64xi32, #tpu.memory_space<vmem>>
        %dma_wait3A_212 = tpu.memref_squeeze %dma_wait3A_211 : memref<1x64xi32, #tpu.memory_space<vmem>> -> memref<64xi32, #tpu.memory_space<vmem>>
        %dma_wait3A_213 = arith.constant 0 : i32
        %dma_wait3A_214 = arith.constant 0 : i32
        %dma_wait3A_215 = tpu.memref_slice %arg13[%dma_wait3A_213, %dma_wait3A_214] : memref<10112x128xf32, #tpu.memory_space<vmem_shared>> -> memref<10112x128xf32, #tpu.memory_space<vmem_shared>>
        tpu.wait_indirect_dma semaphore(%run_scoped3A_203 : memref<!tpu.dma_semaphore, #tpu.memory_space<semaphore_mem>>) src(%arg11 : memref<64x128xf32, #tpu.memory_space<vmem>>) dst(%dma_wait3A_215 : memref<10112x128xf32, #tpu.memory_space<vmem_shared>>)
        tpu.yield
      }) : () -> ()
      %add3A_173 = arith.constant 2 : i32
      %add3A_174 = arith.addi %mul3A_122, %add3A_173 : i32
      %add3A_175 = arith.constant 4 : i32
      %add3A_176 = arith.addi %add3A_174, %add3A_175 : i32
      %mul3A_177 = arith.constant 64 : i32
      %mul3A_178 = arith.muli %add3A_176, %mul3A_177 : i32
      %dma_start3A_179 = tpu.memref_slice %arg7[%mul3A_178] : memref<5120xi32, #tpu.memory_space<vmem>> -> memref<64xi32, #tpu.memory_space<vmem>>
      %dma_start3A_180 = arith.constant 0 : i32
      %dma_start3A_181 = arith.constant 0 : i32
      %dma_start3A_182 = tpu.memref_slice %arg2[%dma_start3A_180, %dma_start3A_181] : memref<10000x128xf32, #tpu.memory_space<hbm>> -> memref<10000x128xf32, #tpu.memory_space<hbm>>
      tpu.enqueue_indirect_dma source(%dma_start3A_182 : memref<10000x128xf32, #tpu.memory_space<hbm>>) target(%arg11 : memref<64x128xf32, #tpu.memory_space<vmem>>) offsets(%dma_start3A_179 : memref<64xi32, #tpu.memory_space<vmem>>) semaphore(%arg16 : memref<!tpu.dma_semaphore, #tpu.memory_space<semaphore_mem>>)
      %add3A_183 = arith.constant 3 : i32
      %add3A_184 = arith.addi %mul3A_122, %add3A_183 : i32
      %mul3A_185 = arith.constant 64 : i32
      %mul3A_186 = arith.muli %add3A_184, %mul3A_185 : i32
      %dma_wait3A_187 = tpu.memref_slice %arg7[%mul3A_186] : memref<5120xi32, #tpu.memory_space<vmem>> -> memref<64xi32, #tpu.memory_space<vmem>>
      %dma_wait3A_188 = arith.constant 0 : i32
      %dma_wait3A_189 = arith.constant 0 : i32
      %dma_wait3A_190 = tpu.memref_slice %arg2[%dma_wait3A_188, %dma_wait3A_189] : memref<10000x128xf32, #tpu.memory_space<hbm>> -> memref<10000x128xf32, #tpu.memory_space<hbm>>
      tpu.wait_indirect_dma semaphore(%arg17 : memref<!tpu.dma_semaphore, #tpu.memory_space<semaphore_mem>>) src(%dma_wait3A_190 : memref<10000x128xf32, #tpu.memory_space<hbm>>) dst(%arg12 : memref<64x128xf32, #tpu.memory_space<vmem>>)
      %add3A_191 = arith.constant 3 : i32
      %add3A_192 = arith.addi %mul3A_122, %add3A_191 : i32
      "tpu.region"() ({
        %run_scoped3A_203 = tpu.sem_alloc : memref<!tpu.dma_semaphore, #tpu.memory_space<semaphore_mem>>
        %dma_start3A_204 = arith.constant 0 : i32
        %dma_start3A_205 = tpu.memref_slice %arg8[%add3A_192, %dma_start3A_204] : memref<80x64xi32, #tpu.memory_space<vmem>> -> memref<1x64xi32, #tpu.memory_space<vmem>>
        %dma_start3A_206 = tpu.memref_squeeze %dma_start3A_205 : memref<1x64xi32, #tpu.memory_space<vmem>> -> memref<64xi32, #tpu.memory_space<vmem>>
        %dma_start3A_207 = arith.constant 0 : i32
        %dma_start3A_208 = arith.constant 0 : i32
        %dma_start3A_209 = tpu.memref_slice %arg13[%dma_start3A_207, %dma_start3A_208] : memref<10112x128xf32, #tpu.memory_space<vmem_shared>> -> memref<10112x128xf32, #tpu.memory_space<vmem_shared>>
        tpu.enqueue_indirect_dma source(%arg12 : memref<64x128xf32, #tpu.memory_space<vmem>>) target(%dma_start3A_209 : memref<10112x128xf32, #tpu.memory_space<vmem_shared>>) offsets(%dma_start3A_206 : memref<64xi32, #tpu.memory_space<vmem>>) semaphore(%run_scoped3A_203 : memref<!tpu.dma_semaphore, #tpu.memory_space<semaphore_mem>>) {add = true}
        %dma_wait3A_210 = arith.constant 0 : i32
        %dma_wait3A_211 = tpu.memref_slice %arg8[%add3A_192, %dma_wait3A_210] : memref<80x64xi32, #tpu.memory_space<vmem>> -> memref<1x64xi32, #tpu.memory_space<vmem>>
        %dma_wait3A_212 = tpu.memref_squeeze %dma_wait3A_211 : memref<1x64xi32, #tpu.memory_space<vmem>> -> memref<64xi32, #tpu.memory_space<vmem>>
        %dma_wait3A_213 = arith.constant 0 : i32
        %dma_wait3A_214 = arith.constant 0 : i32
        %dma_wait3A_215 = tpu.memref_slice %arg13[%dma_wait3A_213, %dma_wait3A_214] : memref<10112x128xf32, #tpu.memory_space<vmem_shared>> -> memref<10112x128xf32, #tpu.memory_space<vmem_shared>>
        tpu.wait_indirect_dma semaphore(%run_scoped3A_203 : memref<!tpu.dma_semaphore, #tpu.memory_space<semaphore_mem>>) src(%arg12 : memref<64x128xf32, #tpu.memory_space<vmem>>) dst(%dma_wait3A_215 : memref<10112x128xf32, #tpu.memory_space<vmem_shared>>)
        tpu.yield
      }) : () -> ()
      %add3A_193 = arith.constant 3 : i32
      %add3A_194 = arith.addi %mul3A_122, %add3A_193 : i32
      %add3A_195 = arith.constant 4 : i32
      %add3A_196 = arith.addi %add3A_194, %add3A_195 : i32
      %mul3A_197 = arith.constant 64 : i32
      %mul3A_198 = arith.muli %add3A_196, %mul3A_197 : i32
      %dma_start3A_199 = tpu.memref_slice %arg7[%mul3A_198] : memref<5120xi32, #tpu.memory_space<vmem>> -> memref<64xi32, #tpu.memory_space<vmem>>
      %dma_start3A_200 = arith.constant 0 : i32
      %dma_start3A_201 = arith.constant 0 : i32
      %dma_start3A_202 = tpu.memref_slice %arg2[%dma_start3A_200, %dma_start3A_201] : memref<10000x128xf32, #tpu.memory_space<hbm>> -> memref<10000x128xf32, #tpu.memory_space<hbm>>
      tpu.enqueue_indirect_dma source(%dma_start3A_202 : memref<10000x128xf32, #tpu.memory_space<hbm>>) target(%arg12 : memref<64x128xf32, #tpu.memory_space<vmem>>) offsets(%dma_start3A_199 : memref<64xi32, #tpu.memory_space<vmem>>) semaphore(%arg17 : memref<!tpu.dma_semaphore, #tpu.memory_space<semaphore_mem>>)
    }
    %scan3A_34 = arith.constant 19 : i32
    %dma_wait3A = arith.constant 4864 : i32
    %dma_wait3A_35 = tpu.memref_slice %arg7[%dma_wait3A] : memref<5120xi32, #tpu.memory_space<vmem>> -> memref<64xi32, #tpu.memory_space<vmem>>
    %dma_wait3A_36 = arith.constant 0 : i32
    %dma_wait3A_37 = arith.constant 0 : i32
    %dma_wait3A_38 = tpu.memref_slice %arg2[%dma_wait3A_36, %dma_wait3A_37] : memref<10000x128xf32, #tpu.memory_space<hbm>> -> memref<10000x128xf32, #tpu.memory_space<hbm>>
    tpu.wait_indirect_dma semaphore(%arg14 : memref<!tpu.dma_semaphore, #tpu.memory_space<semaphore_mem>>) src(%dma_wait3A_38 : memref<10000x128xf32, #tpu.memory_space<hbm>>) dst(%arg9 : memref<64x128xf32, #tpu.memory_space<vmem>>)
    %run_scoped3A = arith.constant 76 : i32
    "tpu.region"() ({
      %run_scoped3A_120 = tpu.sem_alloc : memref<!tpu.dma_semaphore, #tpu.memory_space<semaphore_mem>>
      %dma_start3A_121 = arith.constant 0 : i32
      %dma_start3A_122 = tpu.memref_slice %arg8[%run_scoped3A, %dma_start3A_121] : memref<80x64xi32, #tpu.memory_space<vmem>> -> memref<1x64xi32, #tpu.memory_space<vmem>>
      %dma_start3A_123 = tpu.memref_squeeze %dma_start3A_122 : memref<1x64xi32, #tpu.memory_space<vmem>> -> memref<64xi32, #tpu.memory_space<vmem>>
      %dma_start3A_124 = arith.constant 0 : i32
      %dma_start3A_125 = arith.constant 0 : i32
      %dma_start3A_126 = tpu.memref_slice %arg13[%dma_start3A_124, %dma_start3A_125] : memref<10112x128xf32, #tpu.memory_space<vmem_shared>> -> memref<10112x128xf32, #tpu.memory_space<vmem_shared>>
      tpu.enqueue_indirect_dma source(%arg9 : memref<64x128xf32, #tpu.memory_space<vmem>>) target(%dma_start3A_126 : memref<10112x128xf32, #tpu.memory_space<vmem_shared>>) offsets(%dma_start3A_123 : memref<64xi32, #tpu.memory_space<vmem>>) semaphore(%run_scoped3A_120 : memref<!tpu.dma_semaphore, #tpu.memory_space<semaphore_mem>>) {add = true}
      %dma_wait3A_127 = arith.constant 0 : i32
      %dma_wait3A_128 = tpu.memref_slice %arg8[%run_scoped3A, %dma_wait3A_127] : memref<80x64xi32, #tpu.memory_space<vmem>> -> memref<1x64xi32, #tpu.memory_space<vmem>>
      %dma_wait3A_129 = tpu.memref_squeeze %dma_wait3A_128 : memref<1x64xi32, #tpu.memory_space<vmem>> -> memref<64xi32, #tpu.memory_space<vmem>>
      %dma_wait3A_130 = arith.constant 0 : i32
      %dma_wait3A_131 = arith.constant 0 : i32
      %dma_wait3A_132 = tpu.memref_slice %arg13[%dma_wait3A_130, %dma_wait3A_131] : memref<10112x128xf32, #tpu.memory_space<vmem_shared>> -> memref<10112x128xf32, #tpu.memory_space<vmem_shared>>
      tpu.wait_indirect_dma semaphore(%run_scoped3A_120 : memref<!tpu.dma_semaphore, #tpu.memory_space<semaphore_mem>>) src(%arg9 : memref<64x128xf32, #tpu.memory_space<vmem>>) dst(%dma_wait3A_132 : memref<10112x128xf32, #tpu.memory_space<vmem_shared>>)
      tpu.yield
    }) : () -> ()
    %dma_wait3A_39 = arith.constant 4928 : i32
    %dma_wait3A_40 = tpu.memref_slice %arg7[%dma_wait3A_39] : memref<5120xi32, #tpu.memory_space<vmem>> -> memref<64xi32, #tpu.memory_space<vmem>>
    %dma_wait3A_41 = arith.constant 0 : i32
    %dma_wait3A_42 = arith.constant 0 : i32
    %dma_wait3A_43 = tpu.memref_slice %arg2[%dma_wait3A_41, %dma_wait3A_42] : memref<10000x128xf32, #tpu.memory_space<hbm>> -> memref<10000x128xf32, #tpu.memory_space<hbm>>
    tpu.wait_indirect_dma semaphore(%arg15 : memref<!tpu.dma_semaphore, #tpu.memory_space<semaphore_mem>>) src(%dma_wait3A_43 : memref<10000x128xf32, #tpu.memory_space<hbm>>) dst(%arg10 : memref<64x128xf32, #tpu.memory_space<vmem>>)
    %run_scoped3A_44 = arith.constant 77 : i32
    "tpu.region"() ({
      %run_scoped3A_120 = tpu.sem_alloc : memref<!tpu.dma_semaphore, #tpu.memory_space<semaphore_mem>>
      %dma_start3A_121 = arith.constant 0 : i32
      %dma_start3A_122 = tpu.memref_slice %arg8[%run_scoped3A_44, %dma_start3A_121] : memref<80x64xi32, #tpu.memory_space<vmem>> -> memref<1x64xi32, #tpu.memory_space<vmem>>
      %dma_start3A_123 = tpu.memref_squeeze %dma_start3A_122 : memref<1x64xi32, #tpu.memory_space<vmem>> -> memref<64xi32, #tpu.memory_space<vmem>>
      %dma_start3A_124 = arith.constant 0 : i32
      %dma_start3A_125 = arith.constant 0 : i32
      %dma_start3A_126 = tpu.memref_slice %arg13[%dma_start3A_124, %dma_start3A_125] : memref<10112x128xf32, #tpu.memory_space<vmem_shared>> -> memref<10112x128xf32, #tpu.memory_space<vmem_shared>>
      tpu.enqueue_indirect_dma source(%arg10 : memref<64x128xf32, #tpu.memory_space<vmem>>) target(%dma_start3A_126 : memref<10112x128xf32, #tpu.memory_space<vmem_shared>>) offsets(%dma_start3A_123 : memref<64xi32, #tpu.memory_space<vmem>>) semaphore(%run_scoped3A_120 : memref<!tpu.dma_semaphore, #tpu.memory_space<semaphore_mem>>) {add = true}
      %dma_wait3A_127 = arith.constant 0 : i32
      %dma_wait3A_128 = tpu.memref_slice %arg8[%run_scoped3A_44, %dma_wait3A_127] : memref<80x64xi32, #tpu.memory_space<vmem>> -> memref<1x64xi32, #tpu.memory_space<vmem>>
      %dma_wait3A_129 = tpu.memref_squeeze %dma_wait3A_128 : memref<1x64xi32, #tpu.memory_space<vmem>> -> memref<64xi32, #tpu.memory_space<vmem>>
      %dma_wait3A_130 = arith.constant 0 : i32
      %dma_wait3A_131 = arith.constant 0 : i32
      %dma_wait3A_132 = tpu.memref_slice %arg13[%dma_wait3A_130, %dma_wait3A_131] : memref<10112x128xf32, #tpu.memory_space<vmem_shared>> -> memref<10112x128xf32, #tpu.memory_space<vmem_shared>>
      tpu.wait_indirect_dma semaphore(%run_scoped3A_120 : memref<!tpu.dma_semaphore, #tpu.memory_space<semaphore_mem>>) src(%arg10 : memref<64x128xf32, #tpu.memory_space<vmem>>) dst(%dma_wait3A_132 : memref<10112x128xf32, #tpu.memory_space<vmem_shared>>)
      tpu.yield
    }) : () -> ()
    %dma_wait3A_45 = arith.constant 4992 : i32
    %dma_wait3A_46 = tpu.memref_slice %arg7[%dma_wait3A_45] : memref<5120xi32, #tpu.memory_space<vmem>> -> memref<64xi32, #tpu.memory_space<vmem>>
    %dma_wait3A_47 = arith.constant 0 : i32
    %dma_wait3A_48 = arith.constant 0 : i32
    %dma_wait3A_49 = tpu.memref_slice %arg2[%dma_wait3A_47, %dma_wait3A_48] : memref<10000x128xf32, #tpu.memory_space<hbm>> -> memref<10000x128xf32, #tpu.memory_space<hbm>>
    tpu.wait_indirect_dma semaphore(%arg16 : memref<!tpu.dma_semaphore, #tpu.memory_space<semaphore_mem>>) src(%dma_wait3A_49 : memref<10000x128xf32, #tpu.memory_space<hbm>>) dst(%arg11 : memref<64x128xf32, #tpu.memory_space<vmem>>)
    %run_scoped3A_50 = arith.constant 78 : i32
    "tpu.region"() ({
      %run_scoped3A_120 = tpu.sem_alloc : memref<!tpu.dma_semaphore, #tpu.memory_space<semaphore_mem>>
      %dma_start3A_121 = arith.constant 0 : i32
      %dma_start3A_122 = tpu.memref_slice %arg8[%run_scoped3A_50, %dma_start3A_121] : memref<80x64xi32, #tpu.memory_space<vmem>> -> memref<1x64xi32, #tpu.memory_space<vmem>>
      %dma_start3A_123 = tpu.memref_squeeze %dma_start3A_122 : memref<1x64xi32, #tpu.memory_space<vmem>> -> memref<64xi32, #tpu.memory_space<vmem>>
      %dma_start3A_124 = arith.constant 0 : i32
      %dma_start3A_125 = arith.constant 0 : i32
      %dma_start3A_126 = tpu.memref_slice %arg13[%dma_start3A_124, %dma_start3A_125] : memref<10112x128xf32, #tpu.memory_space<vmem_shared>> -> memref<10112x128xf32, #tpu.memory_space<vmem_shared>>
      tpu.enqueue_indirect_dma source(%arg11 : memref<64x128xf32, #tpu.memory_space<vmem>>) target(%dma_start3A_126 : memref<10112x128xf32, #tpu.memory_space<vmem_shared>>) offsets(%dma_start3A_123 : memref<64xi32, #tpu.memory_space<vmem>>) semaphore(%run_scoped3A_120 : memref<!tpu.dma_semaphore, #tpu.memory_space<semaphore_mem>>) {add = true}
      %dma_wait3A_127 = arith.constant 0 : i32
      %dma_wait3A_128 = tpu.memref_slice %arg8[%run_scoped3A_50, %dma_wait3A_127] : memref<80x64xi32, #tpu.memory_space<vmem>> -> memref<1x64xi32, #tpu.memory_space<vmem>>
      %dma_wait3A_129 = tpu.memref_squeeze %dma_wait3A_128 : memref<1x64xi32, #tpu.memory_space<vmem>> -> memref<64xi32, #tpu.memory_space<vmem>>
      %dma_wait3A_130 = arith.constant 0 : i32
      %dma_wait3A_131 = arith.constant 0 : i32
      %dma_wait3A_132 = tpu.memref_slice %arg13[%dma_wait3A_130, %dma_wait3A_131] : memref<10112x128xf32, #tpu.memory_space<vmem_shared>> -> memref<10112x128xf32, #tpu.memory_space<vmem_shared>>
      tpu.wait_indirect_dma semaphore(%run_scoped3A_120 : memref<!tpu.dma_semaphore, #tpu.memory_space<semaphore_mem>>) src(%arg11 : memref<64x128xf32, #tpu.memory_space<vmem>>) dst(%dma_wait3A_132 : memref<10112x128xf32, #tpu.memory_space<vmem_shared>>)
      tpu.yield
    }) : () -> ()
    %dma_wait3A_51 = arith.constant 5056 : i32
    %dma_wait3A_52 = tpu.memref_slice %arg7[%dma_wait3A_51] : memref<5120xi32, #tpu.memory_space<vmem>> -> memref<64xi32, #tpu.memory_space<vmem>>
    %dma_wait3A_53 = arith.constant 0 : i32
    %dma_wait3A_54 = arith.constant 0 : i32
    %dma_wait3A_55 = tpu.memref_slice %arg2[%dma_wait3A_53, %dma_wait3A_54] : memref<10000x128xf32, #tpu.memory_space<hbm>> -> memref<10000x128xf32, #tpu.memory_space<hbm>>
    tpu.wait_indirect_dma semaphore(%arg17 : memref<!tpu.dma_semaphore, #tpu.memory_space<semaphore_mem>>) src(%dma_wait3A_55 : memref<10000x128xf32, #tpu.memory_space<hbm>>) dst(%arg12 : memref<64x128xf32, #tpu.memory_space<vmem>>)
    %run_scoped3A_56 = arith.constant 79 : i32
    "tpu.region"() ({
      %run_scoped3A_120 = tpu.sem_alloc : memref<!tpu.dma_semaphore, #tpu.memory_space<semaphore_mem>>
      %dma_start3A_121 = arith.constant 0 : i32
      %dma_start3A_122 = tpu.memref_slice %arg8[%run_scoped3A_56, %dma_start3A_121] : memref<80x64xi32, #tpu.memory_space<vmem>> -> memref<1x64xi32, #tpu.memory_space<vmem>>
      %dma_start3A_123 = tpu.memref_squeeze %dma_start3A_122 : memref<1x64xi32, #tpu.memory_space<vmem>> -> memref<64xi32, #tpu.memory_space<vmem>>
      %dma_start3A_124 = arith.constant 0 : i32
      %dma_start3A_125 = arith.constant 0 : i32
      %dma_start3A_126 = tpu.memref_slice %arg13[%dma_start3A_124, %dma_start3A_125] : memref<10112x128xf32, #tpu.memory_space<vmem_shared>> -> memref<10112x128xf32, #tpu.memory_space<vmem_shared>>
      tpu.enqueue_indirect_dma source(%arg12 : memref<64x128xf32, #tpu.memory_space<vmem>>) target(%dma_start3A_126 : memref<10112x128xf32, #tpu.memory_space<vmem_shared>>) offsets(%dma_start3A_123 : memref<64xi32, #tpu.memory_space<vmem>>) semaphore(%run_scoped3A_120 : memref<!tpu.dma_semaphore, #tpu.memory_space<semaphore_mem>>) {add = true}
      %dma_wait3A_127 = arith.constant 0 : i32
      %dma_wait3A_128 = tpu.memref_slice %arg8[%run_scoped3A_56, %dma_wait3A_127] : memref<80x64xi32, #tpu.memory_space<vmem>> -> memref<1x64xi32, #tpu.memory_space<vmem>>
      %dma_wait3A_129 = tpu.memref_squeeze %dma_wait3A_128 : memref<1x64xi32, #tpu.memory_space<vmem>> -> memref<64xi32, #tpu.memory_space<vmem>>
      %dma_wait3A_130 = arith.constant 0 : i32
      %dma_wait3A_131 = arith.constant 0 : i32
      %dma_wait3A_132 = tpu.memref_slice %arg13[%dma_wait3A_130, %dma_wait3A_131] : memref<10112x128xf32, #tpu.memory_space<vmem_shared>> -> memref<10112x128xf32, #tpu.memory_space<vmem_shared>>
      tpu.wait_indirect_dma semaphore(%run_scoped3A_120 : memref<!tpu.dma_semaphore, #tpu.memory_space<semaphore_mem>>) src(%arg12 : memref<64x128xf32, #tpu.memory_space<vmem>>) dst(%dma_wait3A_132 : memref<10112x128xf32, #tpu.memory_space<vmem_shared>>)
      tpu.yield
    }) : () -> ()
    %mul3A_57 = arith.constant 10240 : i32
    %mul3A_58 = arith.muli %add3A, %mul3A_57 : i32
    %add3A_59 = arith.constant 5120 : i32
    %add3A_60 = arith.addi %mul3A_58, %add3A_59 : i32
    %mul3A_61 = arith.constant 160 : i32
    %mul3A_62 = arith.muli %add3A, %mul3A_61 : i32
    %add3A_63 = arith.constant 80 : i32
    %add3A_64 = arith.addi %mul3A_62, %add3A_63 : i32
    "tpu.region"() ({
      %run_scoped3A_120 = tpu.sem_alloc : memref<!tpu.dma_semaphore, #tpu.memory_space<semaphore_mem>>
      %dma_start3A_121 = tpu.memref_slice %arg3[%add3A_60] : memref<327680xi32, #tpu.memory_space<hbm>> -> memref<5120xi32, #tpu.memory_space<hbm>>
      %dma_start3A_122 = tpu.memref_slice %arg3[%add3A_60] : memref<327680xi32, #tpu.memory_space<hbm>> -> memref<5120xi32, #tpu.memory_space<hbm>>
      tpu.enqueue_dma source(%dma_start3A_122 : memref<5120xi32, #tpu.memory_space<hbm>>) target(%arg7 : memref<5120xi32, #tpu.memory_space<vmem>>) target_semaphore(%run_scoped3A_120 : memref<!tpu.dma_semaphore, #tpu.memory_space<semaphore_mem>>)
      %dma_wait3A_123 = tpu.memref_slice %arg3[%add3A_60] : memref<327680xi32, #tpu.memory_space<hbm>> -> memref<5120xi32, #tpu.memory_space<hbm>>
      %dma_wait3A_124 = tpu.memref_slice %arg3[%add3A_60] : memref<327680xi32, #tpu.memory_space<hbm>> -> memref<5120xi32, #tpu.memory_space<hbm>>
      tpu.wait_dma2 semaphore(%run_scoped3A_120 : memref<!tpu.dma_semaphore, #tpu.memory_space<semaphore_mem>>) src(%dma_wait3A_124 : memref<5120xi32, #tpu.memory_space<hbm>>) dst(%arg7 : memref<5120xi32, #tpu.memory_space<vmem>>)
      tpu.yield
    }) : () -> ()
    "tpu.region"() ({
      %run_scoped3A_120 = tpu.sem_alloc : memref<!tpu.dma_semaphore, #tpu.memory_space<semaphore_mem>>
      %dma_start3A_121 = arith.constant 0 : i32
      %dma_start3A_122 = tpu.memref_slice %arg4[%add3A_64, %dma_start3A_121] : memref<5120x64xi32, #tpu.memory_space<hbm>> -> memref<80x64xi32, #tpu.memory_space<hbm>>
      %dma_start3A_123 = arith.constant 0 : i32
      %dma_start3A_124 = tpu.memref_slice %arg4[%add3A_64, %dma_start3A_123] : memref<5120x64xi32, #tpu.memory_space<hbm>> -> memref<80x64xi32, #tpu.memory_space<hbm>>
      tpu.enqueue_dma source(%dma_start3A_124 : memref<80x64xi32, #tpu.memory_space<hbm>>) target(%arg8 : memref<80x64xi32, #tpu.memory_space<vmem>>) target_semaphore(%run_scoped3A_120 : memref<!tpu.dma_semaphore, #tpu.memory_space<semaphore_mem>>)
      %dma_wait3A_125 = arith.constant 0 : i32
      %dma_wait3A_126 = tpu.memref_slice %arg4[%add3A_64, %dma_wait3A_125] : memref<5120x64xi32, #tpu.memory_space<hbm>> -> memref<80x64xi32, #tpu.memory_space<hbm>>
      %dma_wait3A_127 = arith.constant 0 : i32
      %dma_wait3A_128 = tpu.memref_slice %arg4[%add3A_64, %dma_wait3A_127] : memref<5120x64xi32, #tpu.memory_space<hbm>> -> memref<80x64xi32, #tpu.memory_space<hbm>>
      tpu.wait_dma2 semaphore(%run_scoped3A_120 : memref<!tpu.dma_semaphore, #tpu.memory_space<semaphore_mem>>) src(%dma_wait3A_128 : memref<80x64xi32, #tpu.memory_space<hbm>>) dst(%arg8 : memref<80x64xi32, #tpu.memory_space<vmem>>)
      tpu.yield
    }) : () -> ()
    %dma_start3A_65 = arith.constant 0 : i32
    %dma_start3A_66 = tpu.memref_slice %arg7[%dma_start3A_65] : memref<5120xi32, #tpu.memory_space<vmem>> -> memref<64xi32, #tpu.memory_space<vmem>>
    %dma_start3A_67 = arith.constant 0 : i32
    %dma_start3A_68 = arith.constant 0 : i32
    %dma_start3A_69 = tpu.memref_slice %arg2[%dma_start3A_67, %dma_start3A_68] : memref<10000x128xf32, #tpu.memory_space<hbm>> -> memref<10000x128xf32, #tpu.memory_space<hbm>>
    tpu.enqueue_indirect_dma source(%dma_start3A_69 : memref<10000x128xf32, #tpu.memory_space<hbm>>) target(%arg9 : memref<64x128xf32, #tpu.memory_space<vmem>>) offsets(%dma_start3A_66 : memref<64xi32, #tpu.memory_space<vmem>>) semaphore(%arg14 : memref<!tpu.dma_semaphore, #tpu.memory_space<semaphore_mem>>)
    %dma_start3A_70 = arith.constant 64 : i32
    %dma_start3A_71 = tpu.memref_slice %arg7[%dma_start3A_70] : memref<5120xi32, #tpu.memory_space<vmem>> -> memref<64xi32, #tpu.memory_space<vmem>>
    %dma_start3A_72 = arith.constant 0 : i32
    %dma_start3A_73 = arith.constant 0 : i32
    %dma_start3A_74 = tpu.memref_slice %arg2[%dma_start3A_72, %dma_start3A_73] : memref<10000x128xf32, #tpu.memory_space<hbm>> -> memref<10000x128xf32, #tpu.memory_space<hbm>>
    tpu.enqueue_indirect_dma source(%dma_start3A_74 : memref<10000x128xf32, #tpu.memory_space<hbm>>) target(%arg10 : memref<64x128xf32, #tpu.memory_space<vmem>>) offsets(%dma_start3A_71 : memref<64xi32, #tpu.memory_space<vmem>>) semaphore(%arg15 : memref<!tpu.dma_semaphore, #tpu.memory_space<semaphore_mem>>)
    %dma_start3A_75 = arith.constant 128 : i32
    %dma_start3A_76 = tpu.memref_slice %arg7[%dma_start3A_75] : memref<5120xi32, #tpu.memory_space<vmem>> -> memref<64xi32, #tpu.memory_space<vmem>>
    %dma_start3A_77 = arith.constant 0 : i32
    %dma_start3A_78 = arith.constant 0 : i32
    %dma_start3A_79 = tpu.memref_slice %arg2[%dma_start3A_77, %dma_start3A_78] : memref<10000x128xf32, #tpu.memory_space<hbm>> -> memref<10000x128xf32, #tpu.memory_space<hbm>>
    tpu.enqueue_indirect_dma source(%dma_start3A_79 : memref<10000x128xf32, #tpu.memory_space<hbm>>) target(%arg11 : memref<64x128xf32, #tpu.memory_space<vmem>>) offsets(%dma_start3A_76 : memref<64xi32, #tpu.memory_space<vmem>>) semaphore(%arg16 : memref<!tpu.dma_semaphore, #tpu.memory_space<semaphore_mem>>)
    %dma_start3A_80 = arith.constant 192 : i32
    %dma_start3A_81 = tpu.memref_slice %arg7[%dma_start3A_80] : memref<5120xi32, #tpu.memory_space<vmem>> -> memref<64xi32, #tpu.memory_space<vmem>>
    %dma_start3A_82 = arith.constant 0 : i32
    %dma_start3A_83 = arith.constant 0 : i32
    %dma_start3A_84 = tpu.memref_slice %arg2[%dma_start3A_82, %dma_start3A_83] : memref<10000x128xf32, #tpu.memory_space<hbm>> -> memref<10000x128xf32, #tpu.memory_space<hbm>>
    tpu.enqueue_indirect_dma source(%dma_start3A_84 : memref<10000x128xf32, #tpu.memory_space<hbm>>) target(%arg12 : memref<64x128xf32, #tpu.memory_space<vmem>>) offsets(%dma_start3A_81 : memref<64xi32, #tpu.memory_space<vmem>>) semaphore(%arg17 : memref<!tpu.dma_semaphore, #tpu.memory_space<semaphore_mem>>)
    %scan3A_85 = arith.constant 0 : i32
    %scan3A_86 = arith.constant 0 : i32
    %scan3A_87 = arith.constant 19 : i32
    %scan3A_88 = arith.addi %scan3A_86, %scan3A_87 : i32
    %scan3A_89 = arith.constant 1 : i32
    scf.for %scan3A_120 = %scan3A_86 to %scan3A_88 step %scan3A_89  : i32 {
      %mul3A_121 = arith.constant 4 : i32
      %mul3A_122 = arith.muli %mul3A_121, %scan3A_120 : i32
      %add3A_123 = arith.constant 0 : i32
      %add3A_124 = arith.addi %mul3A_122, %add3A_123 : i32
      %mul3A_125 = arith.constant 64 : i32
      %mul3A_126 = arith.muli %add3A_124, %mul3A_125 : i32
      %dma_wait3A_127 = tpu.memref_slice %arg7[%mul3A_126] : memref<5120xi32, #tpu.memory_space<vmem>> -> memref<64xi32, #tpu.memory_space<vmem>>
      %dma_wait3A_128 = arith.constant 0 : i32
      %dma_wait3A_129 = arith.constant 0 : i32
      %dma_wait3A_130 = tpu.memref_slice %arg2[%dma_wait3A_128, %dma_wait3A_129] : memref<10000x128xf32, #tpu.memory_space<hbm>> -> memref<10000x128xf32, #tpu.memory_space<hbm>>
      tpu.wait_indirect_dma semaphore(%arg14 : memref<!tpu.dma_semaphore, #tpu.memory_space<semaphore_mem>>) src(%dma_wait3A_130 : memref<10000x128xf32, #tpu.memory_space<hbm>>) dst(%arg9 : memref<64x128xf32, #tpu.memory_space<vmem>>)
      %add3A_131 = arith.constant 0 : i32
      %add3A_132 = arith.addi %mul3A_122, %add3A_131 : i32
      "tpu.region"() ({
        %run_scoped3A_203 = tpu.sem_alloc : memref<!tpu.dma_semaphore, #tpu.memory_space<semaphore_mem>>
        %dma_start3A_204 = arith.constant 0 : i32
        %dma_start3A_205 = tpu.memref_slice %arg8[%add3A_132, %dma_start3A_204] : memref<80x64xi32, #tpu.memory_space<vmem>> -> memref<1x64xi32, #tpu.memory_space<vmem>>
        %dma_start3A_206 = tpu.memref_squeeze %dma_start3A_205 : memref<1x64xi32, #tpu.memory_space<vmem>> -> memref<64xi32, #tpu.memory_space<vmem>>
        %dma_start3A_207 = arith.constant 0 : i32
        %dma_start3A_208 = arith.constant 0 : i32
        %dma_start3A_209 = tpu.memref_slice %arg13[%dma_start3A_207, %dma_start3A_208] : memref<10112x128xf32, #tpu.memory_space<vmem_shared>> -> memref<10112x128xf32, #tpu.memory_space<vmem_shared>>
        tpu.enqueue_indirect_dma source(%arg9 : memref<64x128xf32, #tpu.memory_space<vmem>>) target(%dma_start3A_209 : memref<10112x128xf32, #tpu.memory_space<vmem_shared>>) offsets(%dma_start3A_206 : memref<64xi32, #tpu.memory_space<vmem>>) semaphore(%run_scoped3A_203 : memref<!tpu.dma_semaphore, #tpu.memory_space<semaphore_mem>>) {add = true}
        %dma_wait3A_210 = arith.constant 0 : i32
        %dma_wait3A_211 = tpu.memref_slice %arg8[%add3A_132, %dma_wait3A_210] : memref<80x64xi32, #tpu.memory_space<vmem>> -> memref<1x64xi32, #tpu.memory_space<vmem>>
        %dma_wait3A_212 = tpu.memref_squeeze %dma_wait3A_211 : memref<1x64xi32, #tpu.memory_space<vmem>> -> memref<64xi32, #tpu.memory_space<vmem>>
        %dma_wait3A_213 = arith.constant 0 : i32
        %dma_wait3A_214 = arith.constant 0 : i32
        %dma_wait3A_215 = tpu.memref_slice %arg13[%dma_wait3A_213, %dma_wait3A_214] : memref<10112x128xf32, #tpu.memory_space<vmem_shared>> -> memref<10112x128xf32, #tpu.memory_space<vmem_shared>>
        tpu.wait_indirect_dma semaphore(%run_scoped3A_203 : memref<!tpu.dma_semaphore, #tpu.memory_space<semaphore_mem>>) src(%arg9 : memref<64x128xf32, #tpu.memory_space<vmem>>) dst(%dma_wait3A_215 : memref<10112x128xf32, #tpu.memory_space<vmem_shared>>)
        tpu.yield
      }) : () -> ()
      %add3A_133 = arith.constant 0 : i32
      %add3A_134 = arith.addi %mul3A_122, %add3A_133 : i32
      %add3A_135 = arith.constant 4 : i32
      %add3A_136 = arith.addi %add3A_134, %add3A_135 : i32
      %mul3A_137 = arith.constant 64 : i32
      %mul3A_138 = arith.muli %add3A_136, %mul3A_137 : i32
      %dma_start3A_139 = tpu.memref_slice %arg7[%mul3A_138] : memref<5120xi32, #tpu.memory_space<vmem>> -> memref<64xi32, #tpu.memory_space<vmem>>
      %dma_start3A_140 = arith.constant 0 : i32
      %dma_start3A_141 = arith.constant 0 : i32
      %dma_start3A_142 = tpu.memref_slice %arg2[%dma_start3A_140, %dma_start3A_141] : memref<10000x128xf32, #tpu.memory_space<hbm>> -> memref<10000x128xf32, #tpu.memory_space<hbm>>
      tpu.enqueue_indirect_dma source(%dma_start3A_142 : memref<10000x128xf32, #tpu.memory_space<hbm>>) target(%arg9 : memref<64x128xf32, #tpu.memory_space<vmem>>) offsets(%dma_start3A_139 : memref<64xi32, #tpu.memory_space<vmem>>) semaphore(%arg14 : memref<!tpu.dma_semaphore, #tpu.memory_space<semaphore_mem>>)
      %add3A_143 = arith.constant 1 : i32
      %add3A_144 = arith.addi %mul3A_122, %add3A_143 : i32
      %mul3A_145 = arith.constant 64 : i32
      %mul3A_146 = arith.muli %add3A_144, %mul3A_145 : i32
      %dma_wait3A_147 = tpu.memref_slice %arg7[%mul3A_146] : memref<5120xi32, #tpu.memory_space<vmem>> -> memref<64xi32, #tpu.memory_space<vmem>>
      %dma_wait3A_148 = arith.constant 0 : i32
      %dma_wait3A_149 = arith.constant 0 : i32
      %dma_wait3A_150 = tpu.memref_slice %arg2[%dma_wait3A_148, %dma_wait3A_149] : memref<10000x128xf32, #tpu.memory_space<hbm>> -> memref<10000x128xf32, #tpu.memory_space<hbm>>
      tpu.wait_indirect_dma semaphore(%arg15 : memref<!tpu.dma_semaphore, #tpu.memory_space<semaphore_mem>>) src(%dma_wait3A_150 : memref<10000x128xf32, #tpu.memory_space<hbm>>) dst(%arg10 : memref<64x128xf32, #tpu.memory_space<vmem>>)
      %add3A_151 = arith.constant 1 : i32
      %add3A_152 = arith.addi %mul3A_122, %add3A_151 : i32
      "tpu.region"() ({
        %run_scoped3A_203 = tpu.sem_alloc : memref<!tpu.dma_semaphore, #tpu.memory_space<semaphore_mem>>
        %dma_start3A_204 = arith.constant 0 : i32
        %dma_start3A_205 = tpu.memref_slice %arg8[%add3A_152, %dma_start3A_204] : memref<80x64xi32, #tpu.memory_space<vmem>> -> memref<1x64xi32, #tpu.memory_space<vmem>>
        %dma_start3A_206 = tpu.memref_squeeze %dma_start3A_205 : memref<1x64xi32, #tpu.memory_space<vmem>> -> memref<64xi32, #tpu.memory_space<vmem>>
        %dma_start3A_207 = arith.constant 0 : i32
        %dma_start3A_208 = arith.constant 0 : i32
        %dma_start3A_209 = tpu.memref_slice %arg13[%dma_start3A_207, %dma_start3A_208] : memref<10112x128xf32, #tpu.memory_space<vmem_shared>> -> memref<10112x128xf32, #tpu.memory_space<vmem_shared>>
        tpu.enqueue_indirect_dma source(%arg10 : memref<64x128xf32, #tpu.memory_space<vmem>>) target(%dma_start3A_209 : memref<10112x128xf32, #tpu.memory_space<vmem_shared>>) offsets(%dma_start3A_206 : memref<64xi32, #tpu.memory_space<vmem>>) semaphore(%run_scoped3A_203 : memref<!tpu.dma_semaphore, #tpu.memory_space<semaphore_mem>>) {add = true}
        %dma_wait3A_210 = arith.constant 0 : i32
        %dma_wait3A_211 = tpu.memref_slice %arg8[%add3A_152, %dma_wait3A_210] : memref<80x64xi32, #tpu.memory_space<vmem>> -> memref<1x64xi32, #tpu.memory_space<vmem>>
        %dma_wait3A_212 = tpu.memref_squeeze %dma_wait3A_211 : memref<1x64xi32, #tpu.memory_space<vmem>> -> memref<64xi32, #tpu.memory_space<vmem>>
        %dma_wait3A_213 = arith.constant 0 : i32
        %dma_wait3A_214 = arith.constant 0 : i32
        %dma_wait3A_215 = tpu.memref_slice %arg13[%dma_wait3A_213, %dma_wait3A_214] : memref<10112x128xf32, #tpu.memory_space<vmem_shared>> -> memref<10112x128xf32, #tpu.memory_space<vmem_shared>>
        tpu.wait_indirect_dma semaphore(%run_scoped3A_203 : memref<!tpu.dma_semaphore, #tpu.memory_space<semaphore_mem>>) src(%arg10 : memref<64x128xf32, #tpu.memory_space<vmem>>) dst(%dma_wait3A_215 : memref<10112x128xf32, #tpu.memory_space<vmem_shared>>)
        tpu.yield
      }) : () -> ()
      %add3A_153 = arith.constant 1 : i32
      %add3A_154 = arith.addi %mul3A_122, %add3A_153 : i32
      %add3A_155 = arith.constant 4 : i32
      %add3A_156 = arith.addi %add3A_154, %add3A_155 : i32
      %mul3A_157 = arith.constant 64 : i32
      %mul3A_158 = arith.muli %add3A_156, %mul3A_157 : i32
      %dma_start3A_159 = tpu.memref_slice %arg7[%mul3A_158] : memref<5120xi32, #tpu.memory_space<vmem>> -> memref<64xi32, #tpu.memory_space<vmem>>
      %dma_start3A_160 = arith.constant 0 : i32
      %dma_start3A_161 = arith.constant 0 : i32
      %dma_start3A_162 = tpu.memref_slice %arg2[%dma_start3A_160, %dma_start3A_161] : memref<10000x128xf32, #tpu.memory_space<hbm>> -> memref<10000x128xf32, #tpu.memory_space<hbm>>
      tpu.enqueue_indirect_dma source(%dma_start3A_162 : memref<10000x128xf32, #tpu.memory_space<hbm>>) target(%arg10 : memref<64x128xf32, #tpu.memory_space<vmem>>) offsets(%dma_start3A_159 : memref<64xi32, #tpu.memory_space<vmem>>) semaphore(%arg15 : memref<!tpu.dma_semaphore, #tpu.memory_space<semaphore_mem>>)
      %add3A_163 = arith.constant 2 : i32
      %add3A_164 = arith.addi %mul3A_122, %add3A_163 : i32
      %mul3A_165 = arith.constant 64 : i32
      %mul3A_166 = arith.muli %add3A_164, %mul3A_165 : i32
      %dma_wait3A_167 = tpu.memref_slice %arg7[%mul3A_166] : memref<5120xi32, #tpu.memory_space<vmem>> -> memref<64xi32, #tpu.memory_space<vmem>>
      %dma_wait3A_168 = arith.constant 0 : i32
      %dma_wait3A_169 = arith.constant 0 : i32
      %dma_wait3A_170 = tpu.memref_slice %arg2[%dma_wait3A_168, %dma_wait3A_169] : memref<10000x128xf32, #tpu.memory_space<hbm>> -> memref<10000x128xf32, #tpu.memory_space<hbm>>
      tpu.wait_indirect_dma semaphore(%arg16 : memref<!tpu.dma_semaphore, #tpu.memory_space<semaphore_mem>>) src(%dma_wait3A_170 : memref<10000x128xf32, #tpu.memory_space<hbm>>) dst(%arg11 : memref<64x128xf32, #tpu.memory_space<vmem>>)
      %add3A_171 = arith.constant 2 : i32
      %add3A_172 = arith.addi %mul3A_122, %add3A_171 : i32
      "tpu.region"() ({
        %run_scoped3A_203 = tpu.sem_alloc : memref<!tpu.dma_semaphore, #tpu.memory_space<semaphore_mem>>
        %dma_start3A_204 = arith.constant 0 : i32
        %dma_start3A_205 = tpu.memref_slice %arg8[%add3A_172, %dma_start3A_204] : memref<80x64xi32, #tpu.memory_space<vmem>> -> memref<1x64xi32, #tpu.memory_space<vmem>>
        %dma_start3A_206 = tpu.memref_squeeze %dma_start3A_205 : memref<1x64xi32, #tpu.memory_space<vmem>> -> memref<64xi32, #tpu.memory_space<vmem>>
        %dma_start3A_207 = arith.constant 0 : i32
        %dma_start3A_208 = arith.constant 0 : i32
        %dma_start3A_209 = tpu.memref_slice %arg13[%dma_start3A_207, %dma_start3A_208] : memref<10112x128xf32, #tpu.memory_space<vmem_shared>> -> memref<10112x128xf32, #tpu.memory_space<vmem_shared>>
        tpu.enqueue_indirect_dma source(%arg11 : memref<64x128xf32, #tpu.memory_space<vmem>>) target(%dma_start3A_209 : memref<10112x128xf32, #tpu.memory_space<vmem_shared>>) offsets(%dma_start3A_206 : memref<64xi32, #tpu.memory_space<vmem>>) semaphore(%run_scoped3A_203 : memref<!tpu.dma_semaphore, #tpu.memory_space<semaphore_mem>>) {add = true}
        %dma_wait3A_210 = arith.constant 0 : i32
        %dma_wait3A_211 = tpu.memref_slice %arg8[%add3A_172, %dma_wait3A_210] : memref<80x64xi32, #tpu.memory_space<vmem>> -> memref<1x64xi32, #tpu.memory_space<vmem>>
        %dma_wait3A_212 = tpu.memref_squeeze %dma_wait3A_211 : memref<1x64xi32, #tpu.memory_space<vmem>> -> memref<64xi32, #tpu.memory_space<vmem>>
        %dma_wait3A_213 = arith.constant 0 : i32
        %dma_wait3A_214 = arith.constant 0 : i32
        %dma_wait3A_215 = tpu.memref_slice %arg13[%dma_wait3A_213, %dma_wait3A_214] : memref<10112x128xf32, #tpu.memory_space<vmem_shared>> -> memref<10112x128xf32, #tpu.memory_space<vmem_shared>>
        tpu.wait_indirect_dma semaphore(%run_scoped3A_203 : memref<!tpu.dma_semaphore, #tpu.memory_space<semaphore_mem>>) src(%arg11 : memref<64x128xf32, #tpu.memory_space<vmem>>) dst(%dma_wait3A_215 : memref<10112x128xf32, #tpu.memory_space<vmem_shared>>)
        tpu.yield
      }) : () -> ()
      %add3A_173 = arith.constant 2 : i32
      %add3A_174 = arith.addi %mul3A_122, %add3A_173 : i32
      %add3A_175 = arith.constant 4 : i32
      %add3A_176 = arith.addi %add3A_174, %add3A_175 : i32
      %mul3A_177 = arith.constant 64 : i32
      %mul3A_178 = arith.muli %add3A_176, %mul3A_177 : i32
      %dma_start3A_179 = tpu.memref_slice %arg7[%mul3A_178] : memref<5120xi32, #tpu.memory_space<vmem>> -> memref<64xi32, #tpu.memory_space<vmem>>
      %dma_start3A_180 = arith.constant 0 : i32
      %dma_start3A_181 = arith.constant 0 : i32
      %dma_start3A_182 = tpu.memref_slice %arg2[%dma_start3A_180, %dma_start3A_181] : memref<10000x128xf32, #tpu.memory_space<hbm>> -> memref<10000x128xf32, #tpu.memory_space<hbm>>
      tpu.enqueue_indirect_dma source(%dma_start3A_182 : memref<10000x128xf32, #tpu.memory_space<hbm>>) target(%arg11 : memref<64x128xf32, #tpu.memory_space<vmem>>) offsets(%dma_start3A_179 : memref<64xi32, #tpu.memory_space<vmem>>) semaphore(%arg16 : memref<!tpu.dma_semaphore, #tpu.memory_space<semaphore_mem>>)
      %add3A_183 = arith.constant 3 : i32
      %add3A_184 = arith.addi %mul3A_122, %add3A_183 : i32
      %mul3A_185 = arith.constant 64 : i32
      %mul3A_186 = arith.muli %add3A_184, %mul3A_185 : i32
      %dma_wait3A_187 = tpu.memref_slice %arg7[%mul3A_186] : memref<5120xi32, #tpu.memory_space<vmem>> -> memref<64xi32, #tpu.memory_space<vmem>>
      %dma_wait3A_188 = arith.constant 0 : i32
      %dma_wait3A_189 = arith.constant 0 : i32
      %dma_wait3A_190 = tpu.memref_slice %arg2[%dma_wait3A_188, %dma_wait3A_189] : memref<10000x128xf32, #tpu.memory_space<hbm>> -> memref<10000x128xf32, #tpu.memory_space<hbm>>
      tpu.wait_indirect_dma semaphore(%arg17 : memref<!tpu.dma_semaphore, #tpu.memory_space<semaphore_mem>>) src(%dma_wait3A_190 : memref<10000x128xf32, #tpu.memory_space<hbm>>) dst(%arg12 : memref<64x128xf32, #tpu.memory_space<vmem>>)
      %add3A_191 = arith.constant 3 : i32
      %add3A_192 = arith.addi %mul3A_122, %add3A_191 : i32
      "tpu.region"() ({
        %run_scoped3A_203 = tpu.sem_alloc : memref<!tpu.dma_semaphore, #tpu.memory_space<semaphore_mem>>
        %dma_start3A_204 = arith.constant 0 : i32
        %dma_start3A_205 = tpu.memref_slice %arg8[%add3A_192, %dma_start3A_204] : memref<80x64xi32, #tpu.memory_space<vmem>> -> memref<1x64xi32, #tpu.memory_space<vmem>>
        %dma_start3A_206 = tpu.memref_squeeze %dma_start3A_205 : memref<1x64xi32, #tpu.memory_space<vmem>> -> memref<64xi32, #tpu.memory_space<vmem>>
        %dma_start3A_207 = arith.constant 0 : i32
        %dma_start3A_208 = arith.constant 0 : i32
        %dma_start3A_209 = tpu.memref_slice %arg13[%dma_start3A_207, %dma_start3A_208] : memref<10112x128xf32, #tpu.memory_space<vmem_shared>> -> memref<10112x128xf32, #tpu.memory_space<vmem_shared>>
        tpu.enqueue_indirect_dma source(%arg12 : memref<64x128xf32, #tpu.memory_space<vmem>>) target(%dma_start3A_209 : memref<10112x128xf32, #tpu.memory_space<vmem_shared>>) offsets(%dma_start3A_206 : memref<64xi32, #tpu.memory_space<vmem>>) semaphore(%run_scoped3A_203 : memref<!tpu.dma_semaphore, #tpu.memory_space<semaphore_mem>>) {add = true}
        %dma_wait3A_210 = arith.constant 0 : i32
        %dma_wait3A_211 = tpu.memref_slice %arg8[%add3A_192, %dma_wait3A_210] : memref<80x64xi32, #tpu.memory_space<vmem>> -> memref<1x64xi32, #tpu.memory_space<vmem>>
        %dma_wait3A_212 = tpu.memref_squeeze %dma_wait3A_211 : memref<1x64xi32, #tpu.memory_space<vmem>> -> memref<64xi32, #tpu.memory_space<vmem>>
        %dma_wait3A_213 = arith.constant 0 : i32
        %dma_wait3A_214 = arith.constant 0 : i32
        %dma_wait3A_215 = tpu.memref_slice %arg13[%dma_wait3A_213, %dma_wait3A_214] : memref<10112x128xf32, #tpu.memory_space<vmem_shared>> -> memref<10112x128xf32, #tpu.memory_space<vmem_shared>>
        tpu.wait_indirect_dma semaphore(%run_scoped3A_203 : memref<!tpu.dma_semaphore, #tpu.memory_space<semaphore_mem>>) src(%arg12 : memref<64x128xf32, #tpu.memory_space<vmem>>) dst(%dma_wait3A_215 : memref<10112x128xf32, #tpu.memory_space<vmem_shared>>)
        tpu.yield
      }) : () -> ()
      %add3A_193 = arith.constant 3 : i32
      %add3A_194 = arith.addi %mul3A_122, %add3A_193 : i32
      %add3A_195 = arith.constant 4 : i32
      %add3A_196 = arith.addi %add3A_194, %add3A_195 : i32
      %mul3A_197 = arith.constant 64 : i32
      %mul3A_198 = arith.muli %add3A_196, %mul3A_197 : i32
      %dma_start3A_199 = tpu.memref_slice %arg7[%mul3A_198] : memref<5120xi32, #tpu.memory_space<vmem>> -> memref<64xi32, #tpu.memory_space<vmem>>
      %dma_start3A_200 = arith.constant 0 : i32
      %dma_start3A_201 = arith.constant 0 : i32
      %dma_start3A_202 = tpu.memref_slice %arg2[%dma_start3A_200, %dma_start3A_201] : memref<10000x128xf32, #tpu.memory_space<hbm>> -> memref<10000x128xf32, #tpu.memory_space<hbm>>
      tpu.enqueue_indirect_dma source(%dma_start3A_202 : memref<10000x128xf32, #tpu.memory_space<hbm>>) target(%arg12 : memref<64x128xf32, #tpu.memory_space<vmem>>) offsets(%dma_start3A_199 : memref<64xi32, #tpu.memory_space<vmem>>) semaphore(%arg17 : memref<!tpu.dma_semaphore, #tpu.memory_space<semaphore_mem>>)
    }
    %scan3A_90 = arith.constant 19 : i32
    %dma_wait3A_91 = arith.constant 4864 : i32
    %dma_wait3A_92 = tpu.memref_slice %arg7[%dma_wait3A_91] : memref<5120xi32, #tpu.memory_space<vmem>> -> memref<64xi32, #tpu.memory_space<vmem>>
    %dma_wait3A_93 = arith.constant 0 : i32
    %dma_wait3A_94 = arith.constant 0 : i32
    %dma_wait3A_95 = tpu.memref_slice %arg2[%dma_wait3A_93, %dma_wait3A_94] : memref<10000x128xf32, #tpu.memory_space<hbm>> -> memref<10000x128xf32, #tpu.memory_space<hbm>>
    tpu.wait_indirect_dma semaphore(%arg14 : memref<!tpu.dma_semaphore, #tpu.memory_space<semaphore_mem>>) src(%dma_wait3A_95 : memref<10000x128xf32, #tpu.memory_space<hbm>>) dst(%arg9 : memref<64x128xf32, #tpu.memory_space<vmem>>)
    %run_scoped3A_96 = arith.constant 76 : i32
    "tpu.region"() ({
      %run_scoped3A_120 = tpu.sem_alloc : memref<!tpu.dma_semaphore, #tpu.memory_space<semaphore_mem>>
      %dma_start3A_121 = arith.constant 0 : i32
      %dma_start3A_122 = tpu.memref_slice %arg8[%run_scoped3A_96, %dma_start3A_121] : memref<80x64xi32, #tpu.memory_space<vmem>> -> memref<1x64xi32, #tpu.memory_space<vmem>>
      %dma_start3A_123 = tpu.memref_squeeze %dma_start3A_122 : memref<1x64xi32, #tpu.memory_space<vmem>> -> memref<64xi32, #tpu.memory_space<vmem>>
      %dma_start3A_124 = arith.constant 0 : i32
      %dma_start3A_125 = arith.constant 0 : i32
      %dma_start3A_126 = tpu.memref_slice %arg13[%dma_start3A_124, %dma_start3A_125] : memref<10112x128xf32, #tpu.memory_space<vmem_shared>> -> memref<10112x128xf32, #tpu.memory_space<vmem_shared>>
      tpu.enqueue_indirect_dma source(%arg9 : memref<64x128xf32, #tpu.memory_space<vmem>>) target(%dma_start3A_126 : memref<10112x128xf32, #tpu.memory_space<vmem_shared>>) offsets(%dma_start3A_123 : memref<64xi32, #tpu.memory_space<vmem>>) semaphore(%run_scoped3A_120 : memref<!tpu.dma_semaphore, #tpu.memory_space<semaphore_mem>>) {add = true}
      %dma_wait3A_127 = arith.constant 0 : i32
      %dma_wait3A_128 = tpu.memref_slice %arg8[%run_scoped3A_96, %dma_wait3A_127] : memref<80x64xi32, #tpu.memory_space<vmem>> -> memref<1x64xi32, #tpu.memory_space<vmem>>
      %dma_wait3A_129 = tpu.memref_squeeze %dma_wait3A_128 : memref<1x64xi32, #tpu.memory_space<vmem>> -> memref<64xi32, #tpu.memory_space<vmem>>
      %dma_wait3A_130 = arith.constant 0 : i32
      %dma_wait3A_131 = arith.constant 0 : i32
      %dma_wait3A_132 = tpu.memref_slice %arg13[%dma_wait3A_130, %dma_wait3A_131] : memref<10112x128xf32, #tpu.memory_space<vmem_shared>> -> memref<10112x128xf32, #tpu.memory_space<vmem_shared>>
      tpu.wait_indirect_dma semaphore(%run_scoped3A_120 : memref<!tpu.dma_semaphore, #tpu.memory_space<semaphore_mem>>) src(%arg9 : memref<64x128xf32, #tpu.memory_space<vmem>>) dst(%dma_wait3A_132 : memref<10112x128xf32, #tpu.memory_space<vmem_shared>>)
      tpu.yield
    }) : () -> ()
    %dma_wait3A_97 = arith.constant 4928 : i32
    %dma_wait3A_98 = tpu.memref_slice %arg7[%dma_wait3A_97] : memref<5120xi32, #tpu.memory_space<vmem>> -> memref<64xi32, #tpu.memory_space<vmem>>
    %dma_wait3A_99 = arith.constant 0 : i32
    %dma_wait3A_100 = arith.constant 0 : i32
    %dma_wait3A_101 = tpu.memref_slice %arg2[%dma_wait3A_99, %dma_wait3A_100] : memref<10000x128xf32, #tpu.memory_space<hbm>> -> memref<10000x128xf32, #tpu.memory_space<hbm>>
    tpu.wait_indirect_dma semaphore(%arg15 : memref<!tpu.dma_semaphore, #tpu.memory_space<semaphore_mem>>) src(%dma_wait3A_101 : memref<10000x128xf32, #tpu.memory_space<hbm>>) dst(%arg10 : memref<64x128xf32, #tpu.memory_space<vmem>>)
    %run_scoped3A_102 = arith.constant 77 : i32
    "tpu.region"() ({
      %run_scoped3A_120 = tpu.sem_alloc : memref<!tpu.dma_semaphore, #tpu.memory_space<semaphore_mem>>
      %dma_start3A_121 = arith.constant 0 : i32
      %dma_start3A_122 = tpu.memref_slice %arg8[%run_scoped3A_102, %dma_start3A_121] : memref<80x64xi32, #tpu.memory_space<vmem>> -> memref<1x64xi32, #tpu.memory_space<vmem>>
      %dma_start3A_123 = tpu.memref_squeeze %dma_start3A_122 : memref<1x64xi32, #tpu.memory_space<vmem>> -> memref<64xi32, #tpu.memory_space<vmem>>
      %dma_start3A_124 = arith.constant 0 : i32
      %dma_start3A_125 = arith.constant 0 : i32
      %dma_start3A_126 = tpu.memref_slice %arg13[%dma_start3A_124, %dma_start3A_125] : memref<10112x128xf32, #tpu.memory_space<vmem_shared>> -> memref<10112x128xf32, #tpu.memory_space<vmem_shared>>
      tpu.enqueue_indirect_dma source(%arg10 : memref<64x128xf32, #tpu.memory_space<vmem>>) target(%dma_start3A_126 : memref<10112x128xf32, #tpu.memory_space<vmem_shared>>) offsets(%dma_start3A_123 : memref<64xi32, #tpu.memory_space<vmem>>) semaphore(%run_scoped3A_120 : memref<!tpu.dma_semaphore, #tpu.memory_space<semaphore_mem>>) {add = true}
      %dma_wait3A_127 = arith.constant 0 : i32
      %dma_wait3A_128 = tpu.memref_slice %arg8[%run_scoped3A_102, %dma_wait3A_127] : memref<80x64xi32, #tpu.memory_space<vmem>> -> memref<1x64xi32, #tpu.memory_space<vmem>>
      %dma_wait3A_129 = tpu.memref_squeeze %dma_wait3A_128 : memref<1x64xi32, #tpu.memory_space<vmem>> -> memref<64xi32, #tpu.memory_space<vmem>>
      %dma_wait3A_130 = arith.constant 0 : i32
      %dma_wait3A_131 = arith.constant 0 : i32
      %dma_wait3A_132 = tpu.memref_slice %arg13[%dma_wait3A_130, %dma_wait3A_131] : memref<10112x128xf32, #tpu.memory_space<vmem_shared>> -> memref<10112x128xf32, #tpu.memory_space<vmem_shared>>
      tpu.wait_indirect_dma semaphore(%run_scoped3A_120 : memref<!tpu.dma_semaphore, #tpu.memory_space<semaphore_mem>>) src(%arg10 : memref<64x128xf32, #tpu.memory_space<vmem>>) dst(%dma_wait3A_132 : memref<10112x128xf32, #tpu.memory_space<vmem_shared>>)
      tpu.yield
    }) : () -> ()
    %dma_wait3A_103 = arith.constant 4992 : i32
    %dma_wait3A_104 = tpu.memref_slice %arg7[%dma_wait3A_103] : memref<5120xi32, #tpu.memory_space<vmem>> -> memref<64xi32, #tpu.memory_space<vmem>>
    %dma_wait3A_105 = arith.constant 0 : i32
    %dma_wait3A_106 = arith.constant 0 : i32
    %dma_wait3A_107 = tpu.memref_slice %arg2[%dma_wait3A_105, %dma_wait3A_106] : memref<10000x128xf32, #tpu.memory_space<hbm>> -> memref<10000x128xf32, #tpu.memory_space<hbm>>
    tpu.wait_indirect_dma semaphore(%arg16 : memref<!tpu.dma_semaphore, #tpu.memory_space<semaphore_mem>>) src(%dma_wait3A_107 : memref<10000x128xf32, #tpu.memory_space<hbm>>) dst(%arg11 : memref<64x128xf32, #tpu.memory_space<vmem>>)
    %run_scoped3A_108 = arith.constant 78 : i32
    "tpu.region"() ({
      %run_scoped3A_120 = tpu.sem_alloc : memref<!tpu.dma_semaphore, #tpu.memory_space<semaphore_mem>>
      %dma_start3A_121 = arith.constant 0 : i32
      %dma_start3A_122 = tpu.memref_slice %arg8[%run_scoped3A_108, %dma_start3A_121] : memref<80x64xi32, #tpu.memory_space<vmem>> -> memref<1x64xi32, #tpu.memory_space<vmem>>
      %dma_start3A_123 = tpu.memref_squeeze %dma_start3A_122 : memref<1x64xi32, #tpu.memory_space<vmem>> -> memref<64xi32, #tpu.memory_space<vmem>>
      %dma_start3A_124 = arith.constant 0 : i32
      %dma_start3A_125 = arith.constant 0 : i32
      %dma_start3A_126 = tpu.memref_slice %arg13[%dma_start3A_124, %dma_start3A_125] : memref<10112x128xf32, #tpu.memory_space<vmem_shared>> -> memref<10112x128xf32, #tpu.memory_space<vmem_shared>>
      tpu.enqueue_indirect_dma source(%arg11 : memref<64x128xf32, #tpu.memory_space<vmem>>) target(%dma_start3A_126 : memref<10112x128xf32, #tpu.memory_space<vmem_shared>>) offsets(%dma_start3A_123 : memref<64xi32, #tpu.memory_space<vmem>>) semaphore(%run_scoped3A_120 : memref<!tpu.dma_semaphore, #tpu.memory_space<semaphore_mem>>) {add = true}
      %dma_wait3A_127 = arith.constant 0 : i32
      %dma_wait3A_128 = tpu.memref_slice %arg8[%run_scoped3A_108, %dma_wait3A_127] : memref<80x64xi32, #tpu.memory_space<vmem>> -> memref<1x64xi32, #tpu.memory_space<vmem>>
      %dma_wait3A_129 = tpu.memref_squeeze %dma_wait3A_128 : memref<1x64xi32, #tpu.memory_space<vmem>> -> memref<64xi32, #tpu.memory_space<vmem>>
      %dma_wait3A_130 = arith.constant 0 : i32
      %dma_wait3A_131 = arith.constant 0 : i32
      %dma_wait3A_132 = tpu.memref_slice %arg13[%dma_wait3A_130, %dma_wait3A_131] : memref<10112x128xf32, #tpu.memory_space<vmem_shared>> -> memref<10112x128xf32, #tpu.memory_space<vmem_shared>>
      tpu.wait_indirect_dma semaphore(%run_scoped3A_120 : memref<!tpu.dma_semaphore, #tpu.memory_space<semaphore_mem>>) src(%arg11 : memref<64x128xf32, #tpu.memory_space<vmem>>) dst(%dma_wait3A_132 : memref<10112x128xf32, #tpu.memory_space<vmem_shared>>)
      tpu.yield
    }) : () -> ()
    %dma_wait3A_109 = arith.constant 5056 : i32
    %dma_wait3A_110 = tpu.memref_slice %arg7[%dma_wait3A_109] : memref<5120xi32, #tpu.memory_space<vmem>> -> memref<64xi32, #tpu.memory_space<vmem>>
    %dma_wait3A_111 = arith.constant 0 : i32
    %dma_wait3A_112 = arith.constant 0 : i32
    %dma_wait3A_113 = tpu.memref_slice %arg2[%dma_wait3A_111, %dma_wait3A_112] : memref<10000x128xf32, #tpu.memory_space<hbm>> -> memref<10000x128xf32, #tpu.memory_space<hbm>>
    tpu.wait_indirect_dma semaphore(%arg17 : memref<!tpu.dma_semaphore, #tpu.memory_space<semaphore_mem>>) src(%dma_wait3A_113 : memref<10000x128xf32, #tpu.memory_space<hbm>>) dst(%arg12 : memref<64x128xf32, #tpu.memory_space<vmem>>)
    %run_scoped3A_114 = arith.constant 79 : i32
    "tpu.region"() ({
      %run_scoped3A_120 = tpu.sem_alloc : memref<!tpu.dma_semaphore, #tpu.memory_space<semaphore_mem>>
      %dma_start3A_121 = arith.constant 0 : i32
      %dma_start3A_122 = tpu.memref_slice %arg8[%run_scoped3A_114, %dma_start3A_121] : memref<80x64xi32, #tpu.memory_space<vmem>> -> memref<1x64xi32, #tpu.memory_space<vmem>>
      %dma_start3A_123 = tpu.memref_squeeze %dma_start3A_122 : memref<1x64xi32, #tpu.memory_space<vmem>> -> memref<64xi32, #tpu.memory_space<vmem>>
      %dma_start3A_124 = arith.constant 0 : i32
      %dma_start3A_125 = arith.constant 0 : i32
      %dma_start3A_126 = tpu.memref_slice %arg13[%dma_start3A_124, %dma_start3A_125] : memref<10112x128xf32, #tpu.memory_space<vmem_shared>> -> memref<10112x128xf32, #tpu.memory_space<vmem_shared>>
      tpu.enqueue_indirect_dma source(%arg12 : memref<64x128xf32, #tpu.memory_space<vmem>>) target(%dma_start3A_126 : memref<10112x128xf32, #tpu.memory_space<vmem_shared>>) offsets(%dma_start3A_123 : memref<64xi32, #tpu.memory_space<vmem>>) semaphore(%run_scoped3A_120 : memref<!tpu.dma_semaphore, #tpu.memory_space<semaphore_mem>>) {add = true}
      %dma_wait3A_127 = arith.constant 0 : i32
      %dma_wait3A_128 = tpu.memref_slice %arg8[%run_scoped3A_114, %dma_wait3A_127] : memref<80x64xi32, #tpu.memory_space<vmem>> -> memref<1x64xi32, #tpu.memory_space<vmem>>
      %dma_wait3A_129 = tpu.memref_squeeze %dma_wait3A_128 : memref<1x64xi32, #tpu.memory_space<vmem>> -> memref<64xi32, #tpu.memory_space<vmem>>
      %dma_wait3A_130 = arith.constant 0 : i32
      %dma_wait3A_131 = arith.constant 0 : i32
      %dma_wait3A_132 = tpu.memref_slice %arg13[%dma_wait3A_130, %dma_wait3A_131] : memref<10112x128xf32, #tpu.memory_space<vmem_shared>> -> memref<10112x128xf32, #tpu.memory_space<vmem_shared>>
      tpu.wait_indirect_dma semaphore(%run_scoped3A_120 : memref<!tpu.dma_semaphore, #tpu.memory_space<semaphore_mem>>) src(%arg12 : memref<64x128xf32, #tpu.memory_space<vmem>>) dst(%dma_wait3A_132 : memref<10112x128xf32, #tpu.memory_space<vmem_shared>>)
      tpu.yield
    }) : () -> ()
    %barrier3A_115 = arith.constant 0 : index
    tpu.barrier barrier_id(%barrier3A_115)
    %mul3A_116 = arith.constant 632 : i32
    %mul3A_117 = arith.muli %arg1, %mul3A_116 : i32
    %mul3A_118 = arith.constant 632 : i32
    %mul3A_119 = arith.muli %arg1, %mul3A_118 : i32
    "tpu.region"() ({
      %run_scoped3A_120 = tpu.sem_alloc : memref<!tpu.dma_semaphore, #tpu.memory_space<semaphore_mem>>
      %dma_start3A_121 = arith.constant 0 : i32
      %dma_start3A_122 = tpu.memref_slice %arg6[%arg0, %mul3A_119, %dma_start3A_121] : memref<2x10112x128xf32, #tpu.memory_space<hbm>> -> memref<1x632x128xf32, #tpu.memory_space<hbm>>
      %dma_start3A_123 = tpu.memref_squeeze %dma_start3A_122 : memref<1x632x128xf32, #tpu.memory_space<hbm>> -> memref<632x128xf32, #tpu.memory_space<hbm>>
      %dma_start3A_124 = arith.constant 0 : i32
      %dma_start3A_125 = tpu.memref_slice %arg13[%mul3A_117, %dma_start3A_124] : memref<10112x128xf32, #tpu.memory_space<vmem_shared>> -> memref<632x128xf32, #tpu.memory_space<vmem_shared>>
      tpu.enqueue_dma source(%dma_start3A_125 : memref<632x128xf32, #tpu.memory_space<vmem_shared>>) target(%dma_start3A_123 : memref<632x128xf32, #tpu.memory_space<hbm>>) target_semaphore(%run_scoped3A_120 : memref<!tpu.dma_semaphore, #tpu.memory_space<semaphore_mem>>)
      %dma_wait3A_126 = arith.constant 0 : i32
      %dma_wait3A_127 = tpu.memref_slice %arg6[%arg0, %mul3A_119, %dma_wait3A_126] : memref<2x10112x128xf32, #tpu.memory_space<hbm>> -> memref<1x632x128xf32, #tpu.memory_space<hbm>>
      %dma_wait3A_128 = tpu.memref_squeeze %dma_wait3A_127 : memref<1x632x128xf32, #tpu.memory_space<hbm>> -> memref<632x128xf32, #tpu.memory_space<hbm>>
      %dma_wait3A_129 = arith.constant 0 : i32
      %dma_wait3A_130 = tpu.memref_slice %arg13[%mul3A_117, %dma_wait3A_129] : memref<10112x128xf32, #tpu.memory_space<vmem_shared>> -> memref<632x128xf32, #tpu.memory_space<vmem_shared>>
      tpu.wait_dma2 semaphore(%run_scoped3A_120 : memref<!tpu.dma_semaphore, #tpu.memory_space<semaphore_mem>>) src(%dma_wait3A_130 : memref<632x128xf32, #tpu.memory_space<vmem_shared>>) dst(%dma_wait3A_128 : memref<632x128xf32, #tpu.memory_space<hbm>>)
      tpu.yield
    }) : () -> ()
    return
  }
}

#map = affine_map<(d0, d1) -> (0, 0)>
#map1 = affine_map<(d0, d1) -> (0)>
#map2 = affine_map<(d0, d1) -> (0, 0, 0)>
module attributes {stable_mosaic.version = 14 : i64} {
  func.func @_sc_scatter(%arg0: i32, %arg1: i32, %arg2: memref<10000x128xf32, #tpu.memory_space<hbm>>, %arg3: memref<327680xi32, #tpu.memory_space<hbm>>, %arg4: memref<5120x64xi32, #tpu.memory_space<hbm>>, %arg5: memref<632x128xf32, #tpu.memory_space<hbm>>, %arg6: memref<2x10112x128xf32, #tpu.memory_space<hbm>>, %arg7: memref<5120xi32, #tpu.memory_space<vmem>>, %arg8: memref<80x64xi32, #tpu.memory_space<vmem>>, %arg9: memref<64x128xf32, #tpu.memory_space<vmem>>, %arg10: memref<64x128xf32, #tpu.memory_space<vmem>>, %arg11: memref<64x128xf32, #tpu.memory_space<vmem>>, %arg12: memref<64x128xf32, #tpu.memory_space<vmem>>, %arg13: memref<10112x128xf32, #tpu.memory_space<vmem_shared>>, %arg14: memref<!tpu.dma_semaphore, #tpu.memory_space<semaphore_mem>>, %arg15: memref<!tpu.dma_semaphore, #tpu.memory_space<semaphore_mem>>, %arg16: memref<!tpu.dma_semaphore, #tpu.memory_space<semaphore_mem>>, %arg17: memref<!tpu.dma_semaphore, #tpu.memory_space<semaphore_mem>>) attributes {dimension_semantics = [#tpu.dimension_semantics<core_parallel>, #tpu.dimension_semantics<subcore_parallel>], iteration_bounds = array<i64: 2, 16>, scalar_prefetch = 0 : i64, scratch_operands = 11 : i64, tpu.core_type = #tpu.core_type<sc_vector_subcore>, window_params = [{transform_indices = #map}, {transform_indices = #map1}, {transform_indices = #map}, {transform_indices = #map}, {transform_indices = #map2}]} {
    %mul3A = arith.constant 16 : i32
    %mul3A_0 = arith.muli %arg0, %mul3A : i32
    %add3A = arith.addi %mul3A_0, %arg1 : i32
    %mul3A_1 = arith.constant 632 : i32
    %mul3A_2 = arith.muli %arg1, %mul3A_1 : i32
    "tpu.region"() ({
      %run_scoped3A_120 = tpu.sem_alloc : memref<!tpu.dma_semaphore, #tpu.memory_space<semaphore_mem>>
      %dma_start3A_121 = arith.constant 0 : i32
      %dma_start3A_122 = tpu.memref_slice %arg13[%mul3A_2, %dma_start3A_121] : memref<10112x128xf32, #tpu.memory_space<vmem_shared>> -> memref<632x128xf32, #tpu.memory_space<vmem_shared>>
      tpu.enqueue_dma source(%arg5 : memref<632x128xf32, #tpu.memory_space<hbm>>) target(%dma_start3A_122 : memref<632x128xf32, #tpu.memory_space<vmem_shared>>) target_semaphore(%run_scoped3A_120 : memref<!tpu.dma_semaphore, #tpu.memory_space<semaphore_mem>>)
      %dma_wait3A_123 = arith.constant 0 : i32
      %dma_wait3A_124 = tpu.memref_slice %arg13[%mul3A_2, %dma_wait3A_123] : memref<10112x128xf32, #tpu.memory_space<vmem_shared>> -> memref<632x128xf32, #tpu.memory_space<vmem_shared>>
      tpu.wait_dma2 semaphore(%run_scoped3A_120 : memref<!tpu.dma_semaphore, #tpu.memory_space<semaphore_mem>>) src(%arg5 : memref<632x128xf32, #tpu.memory_space<hbm>>) dst(%dma_wait3A_124 : memref<632x128xf32, #tpu.memory_space<vmem_shared>>)
      tpu.yield
    }) : () -> ()
    %barrier3A = arith.constant 0 : index
    tpu.barrier barrier_id(%barrier3A)
    %mul3A_3 = arith.constant 10240 : i32
    %mul3A_4 = arith.muli %add3A, %mul3A_3 : i32
    %add3A_5 = arith.constant 0 : i32
    %add3A_6 = arith.addi %mul3A_4, %add3A_5 : i32
    %mul3A_7 = arith.constant 160 : i32
    %mul3A_8 = arith.muli %add3A, %mul3A_7 : i32
    %add3A_9 = arith.constant 0 : i32
    %add3A_10 = arith.addi %mul3A_8, %add3A_9 : i32
    "tpu.region"() ({
      %run_scoped3A_120 = tpu.sem_alloc : memref<!tpu.dma_semaphore, #tpu.memory_space<semaphore_mem>>
      %dma_start3A_121 = tpu.memref_slice %arg3[%add3A_6] : memref<327680xi32, #tpu.memory_space<hbm>> -> memref<5120xi32, #tpu.memory_space<hbm>>
      %dma_start3A_122 = tpu.memref_slice %arg3[%add3A_6] : memref<327680xi32, #tpu.memory_space<hbm>> -> memref<5120xi32, #tpu.memory_space<hbm>>
      tpu.enqueue_dma source(%dma_start3A_122 : memref<5120xi32, #tpu.memory_space<hbm>>) target(%arg7 : memref<5120xi32, #tpu.memory_space<vmem>>) target_semaphore(%run_scoped3A_120 : memref<!tpu.dma_semaphore, #tpu.memory_space<semaphore_mem>>)
      %dma_wait3A_123 = tpu.memref_slice %arg3[%add3A_6] : memref<327680xi32, #tpu.memory_space<hbm>> -> memref<5120xi32, #tpu.memory_space<hbm>>
      %dma_wait3A_124 = tpu.memref_slice %arg3[%add3A_6] : memref<327680xi32, #tpu.memory_space<hbm>> -> memref<5120xi32, #tpu.memory_space<hbm>>
      tpu.wait_dma2 semaphore(%run_scoped3A_120 : memref<!tpu.dma_semaphore, #tpu.memory_space<semaphore_mem>>) src(%dma_wait3A_124 : memref<5120xi32, #tpu.memory_space<hbm>>) dst(%arg7 : memref<5120xi32, #tpu.memory_space<vmem>>)
      tpu.yield
    }) : () -> ()
    "tpu.region"() ({
      %run_scoped3A_120 = tpu.sem_alloc : memref<!tpu.dma_semaphore, #tpu.memory_space<semaphore_mem>>
      %dma_start3A_121 = arith.constant 0 : i32
      %dma_start3A_122 = tpu.memref_slice %arg4[%add3A_10, %dma_start3A_121] : memref<5120x64xi32, #tpu.memory_space<hbm>> -> memref<80x64xi32, #tpu.memory_space<hbm>>
      %dma_start3A_123 = arith.constant 0 : i32
      %dma_start3A_124 = tpu.memref_slice %arg4[%add3A_10, %dma_start3A_123] : memref<5120x64xi32, #tpu.memory_space<hbm>> -> memref<80x64xi32, #tpu.memory_space<hbm>>
      tpu.enqueue_dma source(%dma_start3A_124 : memref<80x64xi32, #tpu.memory_space<hbm>>) target(%arg8 : memref<80x64xi32, #tpu.memory_space<vmem>>) target_semaphore(%run_scoped3A_120 : memref<!tpu.dma_semaphore, #tpu.memory_space<semaphore_mem>>)
      %dma_wait3A_125 = arith.constant 0 : i32
      %dma_wait3A_126 = tpu.memref_slice %arg4[%add3A_10, %dma_wait3A_125] : memref<5120x64xi32, #tpu.memory_space<hbm>> -> memref<80x64xi32, #tpu.memory_space<hbm>>
      %dma_wait3A_127 = arith.constant 0 : i32
      %dma_wait3A_128 = tpu.memref_slice %arg4[%add3A_10, %dma_wait3A_127] : memref<5120x64xi32, #tpu.memory_space<hbm>> -> memref<80x64xi32, #tpu.memory_space<hbm>>
      tpu.wait_dma2 semaphore(%run_scoped3A_120 : memref<!tpu.dma_semaphore, #tpu.memory_space<semaphore_mem>>) src(%dma_wait3A_128 : memref<80x64xi32, #tpu.memory_space<hbm>>) dst(%arg8 : memref<80x64xi32, #tpu.memory_space<vmem>>)
      tpu.yield
    }) : () -> ()
    %dma_start3A = arith.constant 0 : i32
    %dma_start3A_11 = tpu.memref_slice %arg7[%dma_start3A] : memref<5120xi32, #tpu.memory_space<vmem>> -> memref<64xi32, #tpu.memory_space<vmem>>
    %dma_start3A_12 = arith.constant 0 : i32
    %dma_start3A_13 = arith.constant 0 : i32
    %dma_start3A_14 = tpu.memref_slice %arg2[%dma_start3A_12, %dma_start3A_13] : memref<10000x128xf32, #tpu.memory_space<hbm>> -> memref<10000x128xf32, #tpu.memory_space<hbm>>
    tpu.enqueue_indirect_dma source(%dma_start3A_14 : memref<10000x128xf32, #tpu.memory_space<hbm>>) target(%arg9 : memref<64x128xf32, #tpu.memory_space<vmem>>) offsets(%dma_start3A_11 : memref<64xi32, #tpu.memory_space<vmem>>) semaphore(%arg14 : memref<!tpu.dma_semaphore, #tpu.memory_space<semaphore_mem>>)
    %dma_start3A_15 = arith.constant 64 : i32
    %dma_start3A_16 = tpu.memref_slice %arg7[%dma_start3A_15] : memref<5120xi32, #tpu.memory_space<vmem>> -> memref<64xi32, #tpu.memory_space<vmem>>
    %dma_start3A_17 = arith.constant 0 : i32
    %dma_start3A_18 = arith.constant 0 : i32
    %dma_start3A_19 = tpu.memref_slice %arg2[%dma_start3A_17, %dma_start3A_18] : memref<10000x128xf32, #tpu.memory_space<hbm>> -> memref<10000x128xf32, #tpu.memory_space<hbm>>
    tpu.enqueue_indirect_dma source(%dma_start3A_19 : memref<10000x128xf32, #tpu.memory_space<hbm>>) target(%arg10 : memref<64x128xf32, #tpu.memory_space<vmem>>) offsets(%dma_start3A_16 : memref<64xi32, #tpu.memory_space<vmem>>) semaphore(%arg15 : memref<!tpu.dma_semaphore, #tpu.memory_space<semaphore_mem>>)
    %dma_start3A_20 = arith.constant 128 : i32
    %dma_start3A_21 = tpu.memref_slice %arg7[%dma_start3A_20] : memref<5120xi32, #tpu.memory_space<vmem>> -> memref<64xi32, #tpu.memory_space<vmem>>
    %dma_start3A_22 = arith.constant 0 : i32
    %dma_start3A_23 = arith.constant 0 : i32
    %dma_start3A_24 = tpu.memref_slice %arg2[%dma_start3A_22, %dma_start3A_23] : memref<10000x128xf32, #tpu.memory_space<hbm>> -> memref<10000x128xf32, #tpu.memory_space<hbm>>
    tpu.enqueue_indirect_dma source(%dma_start3A_24 : memref<10000x128xf32, #tpu.memory_space<hbm>>) target(%arg11 : memref<64x128xf32, #tpu.memory_space<vmem>>) offsets(%dma_start3A_21 : memref<64xi32, #tpu.memory_space<vmem>>) semaphore(%arg16 : memref<!tpu.dma_semaphore, #tpu.memory_space<semaphore_mem>>)
    %dma_start3A_25 = arith.constant 192 : i32
    %dma_start3A_26 = tpu.memref_slice %arg7[%dma_start3A_25] : memref<5120xi32, #tpu.memory_space<vmem>> -> memref<64xi32, #tpu.memory_space<vmem>>
    %dma_start3A_27 = arith.constant 0 : i32
    %dma_start3A_28 = arith.constant 0 : i32
    %dma_start3A_29 = tpu.memref_slice %arg2[%dma_start3A_27, %dma_start3A_28] : memref<10000x128xf32, #tpu.memory_space<hbm>> -> memref<10000x128xf32, #tpu.memory_space<hbm>>
    tpu.enqueue_indirect_dma source(%dma_start3A_29 : memref<10000x128xf32, #tpu.memory_space<hbm>>) target(%arg12 : memref<64x128xf32, #tpu.memory_space<vmem>>) offsets(%dma_start3A_26 : memref<64xi32, #tpu.memory_space<vmem>>) semaphore(%arg17 : memref<!tpu.dma_semaphore, #tpu.memory_space<semaphore_mem>>)
    %scan3A = arith.constant 0 : i32
    %scan3A_30 = arith.constant 0 : i32
    %scan3A_31 = arith.constant 19 : i32
    %scan3A_32 = arith.addi %scan3A_30, %scan3A_31 : i32
    %scan3A_33 = arith.constant 1 : i32
    scf.for %scan3A_120 = %scan3A_30 to %scan3A_32 step %scan3A_33  : i32 {
      %mul3A_121 = arith.constant 4 : i32
      %mul3A_122 = arith.muli %mul3A_121, %scan3A_120 : i32
      %add3A_123 = arith.constant 0 : i32
      %add3A_124 = arith.addi %mul3A_122, %add3A_123 : i32
      %mul3A_125 = arith.constant 64 : i32
      %mul3A_126 = arith.muli %add3A_124, %mul3A_125 : i32
      %dma_wait3A_127 = tpu.memref_slice %arg7[%mul3A_126] : memref<5120xi32, #tpu.memory_space<vmem>> -> memref<64xi32, #tpu.memory_space<vmem>>
      %dma_wait3A_128 = arith.constant 0 : i32
      %dma_wait3A_129 = arith.constant 0 : i32
      %dma_wait3A_130 = tpu.memref_slice %arg2[%dma_wait3A_128, %dma_wait3A_129] : memref<10000x128xf32, #tpu.memory_space<hbm>> -> memref<10000x128xf32, #tpu.memory_space<hbm>>
      tpu.wait_indirect_dma semaphore(%arg14 : memref<!tpu.dma_semaphore, #tpu.memory_space<semaphore_mem>>) src(%dma_wait3A_130 : memref<10000x128xf32, #tpu.memory_space<hbm>>) dst(%arg9 : memref<64x128xf32, #tpu.memory_space<vmem>>)
      %add3A_131 = arith.constant 0 : i32
      %add3A_132 = arith.addi %mul3A_122, %add3A_131 : i32
      "tpu.region"() ({
        %run_scoped3A_203 = tpu.sem_alloc : memref<!tpu.dma_semaphore, #tpu.memory_space<semaphore_mem>>
        %dma_start3A_204 = arith.constant 0 : i32
        %dma_start3A_205 = tpu.memref_slice %arg8[%add3A_132, %dma_start3A_204] : memref<80x64xi32, #tpu.memory_space<vmem>> -> memref<1x64xi32, #tpu.memory_space<vmem>>
        %dma_start3A_206 = tpu.memref_squeeze %dma_start3A_205 : memref<1x64xi32, #tpu.memory_space<vmem>> -> memref<64xi32, #tpu.memory_space<vmem>>
        %dma_start3A_207 = arith.constant 0 : i32
        %dma_start3A_208 = arith.constant 0 : i32
        %dma_start3A_209 = tpu.memref_slice %arg13[%dma_start3A_207, %dma_start3A_208] : memref<10112x128xf32, #tpu.memory_space<vmem_shared>> -> memref<10112x128xf32, #tpu.memory_space<vmem_shared>>
        tpu.enqueue_indirect_dma source(%arg9 : memref<64x128xf32, #tpu.memory_space<vmem>>) target(%dma_start3A_209 : memref<10112x128xf32, #tpu.memory_space<vmem_shared>>) offsets(%dma_start3A_206 : memref<64xi32, #tpu.memory_space<vmem>>) semaphore(%run_scoped3A_203 : memref<!tpu.dma_semaphore, #tpu.memory_space<semaphore_mem>>) {add = true}
        %dma_wait3A_210 = arith.constant 0 : i32
        %dma_wait3A_211 = tpu.memref_slice %arg8[%add3A_132, %dma_wait3A_210] : memref<80x64xi32, #tpu.memory_space<vmem>> -> memref<1x64xi32, #tpu.memory_space<vmem>>
        %dma_wait3A_212 = tpu.memref_squeeze %dma_wait3A_211 : memref<1x64xi32, #tpu.memory_space<vmem>> -> memref<64xi32, #tpu.memory_space<vmem>>
        %dma_wait3A_213 = arith.constant 0 : i32
        %dma_wait3A_214 = arith.constant 0 : i32
        %dma_wait3A_215 = tpu.memref_slice %arg13[%dma_wait3A_213, %dma_wait3A_214] : memref<10112x128xf32, #tpu.memory_space<vmem_shared>> -> memref<10112x128xf32, #tpu.memory_space<vmem_shared>>
        tpu.wait_indirect_dma semaphore(%run_scoped3A_203 : memref<!tpu.dma_semaphore, #tpu.memory_space<semaphore_mem>>) src(%arg9 : memref<64x128xf32, #tpu.memory_space<vmem>>) dst(%dma_wait3A_215 : memref<10112x128xf32, #tpu.memory_space<vmem_shared>>)
        tpu.yield
      }) : () -> ()
      %add3A_133 = arith.constant 0 : i32
      %add3A_134 = arith.addi %mul3A_122, %add3A_133 : i32
      %add3A_135 = arith.constant 4 : i32
      %add3A_136 = arith.addi %add3A_134, %add3A_135 : i32
      %mul3A_137 = arith.constant 64 : i32
      %mul3A_138 = arith.muli %add3A_136, %mul3A_137 : i32
      %dma_start3A_139 = tpu.memref_slice %arg7[%mul3A_138] : memref<5120xi32, #tpu.memory_space<vmem>> -> memref<64xi32, #tpu.memory_space<vmem>>
      %dma_start3A_140 = arith.constant 0 : i32
      %dma_start3A_141 = arith.constant 0 : i32
      %dma_start3A_142 = tpu.memref_slice %arg2[%dma_start3A_140, %dma_start3A_141] : memref<10000x128xf32, #tpu.memory_space<hbm>> -> memref<10000x128xf32, #tpu.memory_space<hbm>>
      tpu.enqueue_indirect_dma source(%dma_start3A_142 : memref<10000x128xf32, #tpu.memory_space<hbm>>) target(%arg9 : memref<64x128xf32, #tpu.memory_space<vmem>>) offsets(%dma_start3A_139 : memref<64xi32, #tpu.memory_space<vmem>>) semaphore(%arg14 : memref<!tpu.dma_semaphore, #tpu.memory_space<semaphore_mem>>)
      %add3A_143 = arith.constant 1 : i32
      %add3A_144 = arith.addi %mul3A_122, %add3A_143 : i32
      %mul3A_145 = arith.constant 64 : i32
      %mul3A_146 = arith.muli %add3A_144, %mul3A_145 : i32
      %dma_wait3A_147 = tpu.memref_slice %arg7[%mul3A_146] : memref<5120xi32, #tpu.memory_space<vmem>> -> memref<64xi32, #tpu.memory_space<vmem>>
      %dma_wait3A_148 = arith.constant 0 : i32
      %dma_wait3A_149 = arith.constant 0 : i32
      %dma_wait3A_150 = tpu.memref_slice %arg2[%dma_wait3A_148, %dma_wait3A_149] : memref<10000x128xf32, #tpu.memory_space<hbm>> -> memref<10000x128xf32, #tpu.memory_space<hbm>>
      tpu.wait_indirect_dma semaphore(%arg15 : memref<!tpu.dma_semaphore, #tpu.memory_space<semaphore_mem>>) src(%dma_wait3A_150 : memref<10000x128xf32, #tpu.memory_space<hbm>>) dst(%arg10 : memref<64x128xf32, #tpu.memory_space<vmem>>)
      %add3A_151 = arith.constant 1 : i32
      %add3A_152 = arith.addi %mul3A_122, %add3A_151 : i32
      "tpu.region"() ({
        %run_scoped3A_203 = tpu.sem_alloc : memref<!tpu.dma_semaphore, #tpu.memory_space<semaphore_mem>>
        %dma_start3A_204 = arith.constant 0 : i32
        %dma_start3A_205 = tpu.memref_slice %arg8[%add3A_152, %dma_start3A_204] : memref<80x64xi32, #tpu.memory_space<vmem>> -> memref<1x64xi32, #tpu.memory_space<vmem>>
        %dma_start3A_206 = tpu.memref_squeeze %dma_start3A_205 : memref<1x64xi32, #tpu.memory_space<vmem>> -> memref<64xi32, #tpu.memory_space<vmem>>
        %dma_start3A_207 = arith.constant 0 : i32
        %dma_start3A_208 = arith.constant 0 : i32
        %dma_start3A_209 = tpu.memref_slice %arg13[%dma_start3A_207, %dma_start3A_208] : memref<10112x128xf32, #tpu.memory_space<vmem_shared>> -> memref<10112x128xf32, #tpu.memory_space<vmem_shared>>
        tpu.enqueue_indirect_dma source(%arg10 : memref<64x128xf32, #tpu.memory_space<vmem>>) target(%dma_start3A_209 : memref<10112x128xf32, #tpu.memory_space<vmem_shared>>) offsets(%dma_start3A_206 : memref<64xi32, #tpu.memory_space<vmem>>) semaphore(%run_scoped3A_203 : memref<!tpu.dma_semaphore, #tpu.memory_space<semaphore_mem>>) {add = true}
        %dma_wait3A_210 = arith.constant 0 : i32
        %dma_wait3A_211 = tpu.memref_slice %arg8[%add3A_152, %dma_wait3A_210] : memref<80x64xi32, #tpu.memory_space<vmem>> -> memref<1x64xi32, #tpu.memory_space<vmem>>
        %dma_wait3A_212 = tpu.memref_squeeze %dma_wait3A_211 : memref<1x64xi32, #tpu.memory_space<vmem>> -> memref<64xi32, #tpu.memory_space<vmem>>
        %dma_wait3A_213 = arith.constant 0 : i32
        %dma_wait3A_214 = arith.constant 0 : i32
        %dma_wait3A_215 = tpu.memref_slice %arg13[%dma_wait3A_213, %dma_wait3A_214] : memref<10112x128xf32, #tpu.memory_space<vmem_shared>> -> memref<10112x128xf32, #tpu.memory_space<vmem_shared>>
        tpu.wait_indirect_dma semaphore(%run_scoped3A_203 : memref<!tpu.dma_semaphore, #tpu.memory_space<semaphore_mem>>) src(%arg10 : memref<64x128xf32, #tpu.memory_space<vmem>>) dst(%dma_wait3A_215 : memref<10112x128xf32, #tpu.memory_space<vmem_shared>>)
        tpu.yield
      }) : () -> ()
      %add3A_153 = arith.constant 1 : i32
      %add3A_154 = arith.addi %mul3A_122, %add3A_153 : i32
      %add3A_155 = arith.constant 4 : i32
      %add3A_156 = arith.addi %add3A_154, %add3A_155 : i32
      %mul3A_157 = arith.constant 64 : i32
      %mul3A_158 = arith.muli %add3A_156, %mul3A_157 : i32
      %dma_start3A_159 = tpu.memref_slice %arg7[%mul3A_158] : memref<5120xi32, #tpu.memory_space<vmem>> -> memref<64xi32, #tpu.memory_space<vmem>>
      %dma_start3A_160 = arith.constant 0 : i32
      %dma_start3A_161 = arith.constant 0 : i32
      %dma_start3A_162 = tpu.memref_slice %arg2[%dma_start3A_160, %dma_start3A_161] : memref<10000x128xf32, #tpu.memory_space<hbm>> -> memref<10000x128xf32, #tpu.memory_space<hbm>>
      tpu.enqueue_indirect_dma source(%dma_start3A_162 : memref<10000x128xf32, #tpu.memory_space<hbm>>) target(%arg10 : memref<64x128xf32, #tpu.memory_space<vmem>>) offsets(%dma_start3A_159 : memref<64xi32, #tpu.memory_space<vmem>>) semaphore(%arg15 : memref<!tpu.dma_semaphore, #tpu.memory_space<semaphore_mem>>)
      %add3A_163 = arith.constant 2 : i32
      %add3A_164 = arith.addi %mul3A_122, %add3A_163 : i32
      %mul3A_165 = arith.constant 64 : i32
      %mul3A_166 = arith.muli %add3A_164, %mul3A_165 : i32
      %dma_wait3A_167 = tpu.memref_slice %arg7[%mul3A_166] : memref<5120xi32, #tpu.memory_space<vmem>> -> memref<64xi32, #tpu.memory_space<vmem>>
      %dma_wait3A_168 = arith.constant 0 : i32
      %dma_wait3A_169 = arith.constant 0 : i32
      %dma_wait3A_170 = tpu.memref_slice %arg2[%dma_wait3A_168, %dma_wait3A_169] : memref<10000x128xf32, #tpu.memory_space<hbm>> -> memref<10000x128xf32, #tpu.memory_space<hbm>>
      tpu.wait_indirect_dma semaphore(%arg16 : memref<!tpu.dma_semaphore, #tpu.memory_space<semaphore_mem>>) src(%dma_wait3A_170 : memref<10000x128xf32, #tpu.memory_space<hbm>>) dst(%arg11 : memref<64x128xf32, #tpu.memory_space<vmem>>)
      %add3A_171 = arith.constant 2 : i32
      %add3A_172 = arith.addi %mul3A_122, %add3A_171 : i32
      "tpu.region"() ({
        %run_scoped3A_203 = tpu.sem_alloc : memref<!tpu.dma_semaphore, #tpu.memory_space<semaphore_mem>>
        %dma_start3A_204 = arith.constant 0 : i32
        %dma_start3A_205 = tpu.memref_slice %arg8[%add3A_172, %dma_start3A_204] : memref<80x64xi32, #tpu.memory_space<vmem>> -> memref<1x64xi32, #tpu.memory_space<vmem>>
        %dma_start3A_206 = tpu.memref_squeeze %dma_start3A_205 : memref<1x64xi32, #tpu.memory_space<vmem>> -> memref<64xi32, #tpu.memory_space<vmem>>
        %dma_start3A_207 = arith.constant 0 : i32
        %dma_start3A_208 = arith.constant 0 : i32
        %dma_start3A_209 = tpu.memref_slice %arg13[%dma_start3A_207, %dma_start3A_208] : memref<10112x128xf32, #tpu.memory_space<vmem_shared>> -> memref<10112x128xf32, #tpu.memory_space<vmem_shared>>
        tpu.enqueue_indirect_dma source(%arg11 : memref<64x128xf32, #tpu.memory_space<vmem>>) target(%dma_start3A_209 : memref<10112x128xf32, #tpu.memory_space<vmem_shared>>) offsets(%dma_start3A_206 : memref<64xi32, #tpu.memory_space<vmem>>) semaphore(%run_scoped3A_203 : memref<!tpu.dma_semaphore, #tpu.memory_space<semaphore_mem>>) {add = true}
        %dma_wait3A_210 = arith.constant 0 : i32
        %dma_wait3A_211 = tpu.memref_slice %arg8[%add3A_172, %dma_wait3A_210] : memref<80x64xi32, #tpu.memory_space<vmem>> -> memref<1x64xi32, #tpu.memory_space<vmem>>
        %dma_wait3A_212 = tpu.memref_squeeze %dma_wait3A_211 : memref<1x64xi32, #tpu.memory_space<vmem>> -> memref<64xi32, #tpu.memory_space<vmem>>
        %dma_wait3A_213 = arith.constant 0 : i32
        %dma_wait3A_214 = arith.constant 0 : i32
        %dma_wait3A_215 = tpu.memref_slice %arg13[%dma_wait3A_213, %dma_wait3A_214] : memref<10112x128xf32, #tpu.memory_space<vmem_shared>> -> memref<10112x128xf32, #tpu.memory_space<vmem_shared>>
        tpu.wait_indirect_dma semaphore(%run_scoped3A_203 : memref<!tpu.dma_semaphore, #tpu.memory_space<semaphore_mem>>) src(%arg11 : memref<64x128xf32, #tpu.memory_space<vmem>>) dst(%dma_wait3A_215 : memref<10112x128xf32, #tpu.memory_space<vmem_shared>>)
        tpu.yield
      }) : () -> ()
      %add3A_173 = arith.constant 2 : i32
      %add3A_174 = arith.addi %mul3A_122, %add3A_173 : i32
      %add3A_175 = arith.constant 4 : i32
      %add3A_176 = arith.addi %add3A_174, %add3A_175 : i32
      %mul3A_177 = arith.constant 64 : i32
      %mul3A_178 = arith.muli %add3A_176, %mul3A_177 : i32
      %dma_start3A_179 = tpu.memref_slice %arg7[%mul3A_178] : memref<5120xi32, #tpu.memory_space<vmem>> -> memref<64xi32, #tpu.memory_space<vmem>>
      %dma_start3A_180 = arith.constant 0 : i32
      %dma_start3A_181 = arith.constant 0 : i32
      %dma_start3A_182 = tpu.memref_slice %arg2[%dma_start3A_180, %dma_start3A_181] : memref<10000x128xf32, #tpu.memory_space<hbm>> -> memref<10000x128xf32, #tpu.memory_space<hbm>>
      tpu.enqueue_indirect_dma source(%dma_start3A_182 : memref<10000x128xf32, #tpu.memory_space<hbm>>) target(%arg11 : memref<64x128xf32, #tpu.memory_space<vmem>>) offsets(%dma_start3A_179 : memref<64xi32, #tpu.memory_space<vmem>>) semaphore(%arg16 : memref<!tpu.dma_semaphore, #tpu.memory_space<semaphore_mem>>)
      %add3A_183 = arith.constant 3 : i32
      %add3A_184 = arith.addi %mul3A_122, %add3A_183 : i32
      %mul3A_185 = arith.constant 64 : i32
      %mul3A_186 = arith.muli %add3A_184, %mul3A_185 : i32
      %dma_wait3A_187 = tpu.memref_slice %arg7[%mul3A_186] : memref<5120xi32, #tpu.memory_space<vmem>> -> memref<64xi32, #tpu.memory_space<vmem>>
      %dma_wait3A_188 = arith.constant 0 : i32
      %dma_wait3A_189 = arith.constant 0 : i32
      %dma_wait3A_190 = tpu.memref_slice %arg2[%dma_wait3A_188, %dma_wait3A_189] : memref<10000x128xf32, #tpu.memory_space<hbm>> -> memref<10000x128xf32, #tpu.memory_space<hbm>>
      tpu.wait_indirect_dma semaphore(%arg17 : memref<!tpu.dma_semaphore, #tpu.memory_space<semaphore_mem>>) src(%dma_wait3A_190 : memref<10000x128xf32, #tpu.memory_space<hbm>>) dst(%arg12 : memref<64x128xf32, #tpu.memory_space<vmem>>)
      %add3A_191 = arith.constant 3 : i32
      %add3A_192 = arith.addi %mul3A_122, %add3A_191 : i32
      "tpu.region"() ({
        %run_scoped3A_203 = tpu.sem_alloc : memref<!tpu.dma_semaphore, #tpu.memory_space<semaphore_mem>>
        %dma_start3A_204 = arith.constant 0 : i32
        %dma_start3A_205 = tpu.memref_slice %arg8[%add3A_192, %dma_start3A_204] : memref<80x64xi32, #tpu.memory_space<vmem>> -> memref<1x64xi32, #tpu.memory_space<vmem>>
        %dma_start3A_206 = tpu.memref_squeeze %dma_start3A_205 : memref<1x64xi32, #tpu.memory_space<vmem>> -> memref<64xi32, #tpu.memory_space<vmem>>
        %dma_start3A_207 = arith.constant 0 : i32
        %dma_start3A_208 = arith.constant 0 : i32
        %dma_start3A_209 = tpu.memref_slice %arg13[%dma_start3A_207, %dma_start3A_208] : memref<10112x128xf32, #tpu.memory_space<vmem_shared>> -> memref<10112x128xf32, #tpu.memory_space<vmem_shared>>
        tpu.enqueue_indirect_dma source(%arg12 : memref<64x128xf32, #tpu.memory_space<vmem>>) target(%dma_start3A_209 : memref<10112x128xf32, #tpu.memory_space<vmem_shared>>) offsets(%dma_start3A_206 : memref<64xi32, #tpu.memory_space<vmem>>) semaphore(%run_scoped3A_203 : memref<!tpu.dma_semaphore, #tpu.memory_space<semaphore_mem>>) {add = true}
        %dma_wait3A_210 = arith.constant 0 : i32
        %dma_wait3A_211 = tpu.memref_slice %arg8[%add3A_192, %dma_wait3A_210] : memref<80x64xi32, #tpu.memory_space<vmem>> -> memref<1x64xi32, #tpu.memory_space<vmem>>
        %dma_wait3A_212 = tpu.memref_squeeze %dma_wait3A_211 : memref<1x64xi32, #tpu.memory_space<vmem>> -> memref<64xi32, #tpu.memory_space<vmem>>
        %dma_wait3A_213 = arith.constant 0 : i32
        %dma_wait3A_214 = arith.constant 0 : i32
        %dma_wait3A_215 = tpu.memref_slice %arg13[%dma_wait3A_213, %dma_wait3A_214] : memref<10112x128xf32, #tpu.memory_space<vmem_shared>> -> memref<10112x128xf32, #tpu.memory_space<vmem_shared>>
        tpu.wait_indirect_dma semaphore(%run_scoped3A_203 : memref<!tpu.dma_semaphore, #tpu.memory_space<semaphore_mem>>) src(%arg12 : memref<64x128xf32, #tpu.memory_space<vmem>>) dst(%dma_wait3A_215 : memref<10112x128xf32, #tpu.memory_space<vmem_shared>>)
        tpu.yield
      }) : () -> ()
      %add3A_193 = arith.constant 3 : i32
      %add3A_194 = arith.addi %mul3A_122, %add3A_193 : i32
      %add3A_195 = arith.constant 4 : i32
      %add3A_196 = arith.addi %add3A_194, %add3A_195 : i32
      %mul3A_197 = arith.constant 64 : i32
      %mul3A_198 = arith.muli %add3A_196, %mul3A_197 : i32
      %dma_start3A_199 = tpu.memref_slice %arg7[%mul3A_198] : memref<5120xi32, #tpu.memory_space<vmem>> -> memref<64xi32, #tpu.memory_space<vmem>>
      %dma_start3A_200 = arith.constant 0 : i32
      %dma_start3A_201 = arith.constant 0 : i32
      %dma_start3A_202 = tpu.memref_slice %arg2[%dma_start3A_200, %dma_start3A_201] : memref<10000x128xf32, #tpu.memory_space<hbm>> -> memref<10000x128xf32, #tpu.memory_space<hbm>>
      tpu.enqueue_indirect_dma source(%dma_start3A_202 : memref<10000x128xf32, #tpu.memory_space<hbm>>) target(%arg12 : memref<64x128xf32, #tpu.memory_space<vmem>>) offsets(%dma_start3A_199 : memref<64xi32, #tpu.memory_space<vmem>>) semaphore(%arg17 : memref<!tpu.dma_semaphore, #tpu.memory_space<semaphore_mem>>)
    }
    %scan3A_34 = arith.constant 19 : i32
    %dma_wait3A = arith.constant 4864 : i32
    %dma_wait3A_35 = tpu.memref_slice %arg7[%dma_wait3A] : memref<5120xi32, #tpu.memory_space<vmem>> -> memref<64xi32, #tpu.memory_space<vmem>>
    %dma_wait3A_36 = arith.constant 0 : i32
    %dma_wait3A_37 = arith.constant 0 : i32
    %dma_wait3A_38 = tpu.memref_slice %arg2[%dma_wait3A_36, %dma_wait3A_37] : memref<10000x128xf32, #tpu.memory_space<hbm>> -> memref<10000x128xf32, #tpu.memory_space<hbm>>
    tpu.wait_indirect_dma semaphore(%arg14 : memref<!tpu.dma_semaphore, #tpu.memory_space<semaphore_mem>>) src(%dma_wait3A_38 : memref<10000x128xf32, #tpu.memory_space<hbm>>) dst(%arg9 : memref<64x128xf32, #tpu.memory_space<vmem>>)
    %run_scoped3A = arith.constant 76 : i32
    "tpu.region"() ({
      %run_scoped3A_120 = tpu.sem_alloc : memref<!tpu.dma_semaphore, #tpu.memory_space<semaphore_mem>>
      %dma_start3A_121 = arith.constant 0 : i32
      %dma_start3A_122 = tpu.memref_slice %arg8[%run_scoped3A, %dma_start3A_121] : memref<80x64xi32, #tpu.memory_space<vmem>> -> memref<1x64xi32, #tpu.memory_space<vmem>>
      %dma_start3A_123 = tpu.memref_squeeze %dma_start3A_122 : memref<1x64xi32, #tpu.memory_space<vmem>> -> memref<64xi32, #tpu.memory_space<vmem>>
      %dma_start3A_124 = arith.constant 0 : i32
      %dma_start3A_125 = arith.constant 0 : i32
      %dma_start3A_126 = tpu.memref_slice %arg13[%dma_start3A_124, %dma_start3A_125] : memref<10112x128xf32, #tpu.memory_space<vmem_shared>> -> memref<10112x128xf32, #tpu.memory_space<vmem_shared>>
      tpu.enqueue_indirect_dma source(%arg9 : memref<64x128xf32, #tpu.memory_space<vmem>>) target(%dma_start3A_126 : memref<10112x128xf32, #tpu.memory_space<vmem_shared>>) offsets(%dma_start3A_123 : memref<64xi32, #tpu.memory_space<vmem>>) semaphore(%run_scoped3A_120 : memref<!tpu.dma_semaphore, #tpu.memory_space<semaphore_mem>>) {add = true}
      %dma_wait3A_127 = arith.constant 0 : i32
      %dma_wait3A_128 = tpu.memref_slice %arg8[%run_scoped3A, %dma_wait3A_127] : memref<80x64xi32, #tpu.memory_space<vmem>> -> memref<1x64xi32, #tpu.memory_space<vmem>>
      %dma_wait3A_129 = tpu.memref_squeeze %dma_wait3A_128 : memref<1x64xi32, #tpu.memory_space<vmem>> -> memref<64xi32, #tpu.memory_space<vmem>>
      %dma_wait3A_130 = arith.constant 0 : i32
      %dma_wait3A_131 = arith.constant 0 : i32
      %dma_wait3A_132 = tpu.memref_slice %arg13[%dma_wait3A_130, %dma_wait3A_131] : memref<10112x128xf32, #tpu.memory_space<vmem_shared>> -> memref<10112x128xf32, #tpu.memory_space<vmem_shared>>
      tpu.wait_indirect_dma semaphore(%run_scoped3A_120 : memref<!tpu.dma_semaphore, #tpu.memory_space<semaphore_mem>>) src(%arg9 : memref<64x128xf32, #tpu.memory_space<vmem>>) dst(%dma_wait3A_132 : memref<10112x128xf32, #tpu.memory_space<vmem_shared>>)
      tpu.yield
    }) : () -> ()
    %dma_wait3A_39 = arith.constant 4928 : i32
    %dma_wait3A_40 = tpu.memref_slice %arg7[%dma_wait3A_39] : memref<5120xi32, #tpu.memory_space<vmem>> -> memref<64xi32, #tpu.memory_space<vmem>>
    %dma_wait3A_41 = arith.constant 0 : i32
    %dma_wait3A_42 = arith.constant 0 : i32
    %dma_wait3A_43 = tpu.memref_slice %arg2[%dma_wait3A_41, %dma_wait3A_42] : memref<10000x128xf32, #tpu.memory_space<hbm>> -> memref<10000x128xf32, #tpu.memory_space<hbm>>
    tpu.wait_indirect_dma semaphore(%arg15 : memref<!tpu.dma_semaphore, #tpu.memory_space<semaphore_mem>>) src(%dma_wait3A_43 : memref<10000x128xf32, #tpu.memory_space<hbm>>) dst(%arg10 : memref<64x128xf32, #tpu.memory_space<vmem>>)
    %run_scoped3A_44 = arith.constant 77 : i32
    "tpu.region"() ({
      %run_scoped3A_120 = tpu.sem_alloc : memref<!tpu.dma_semaphore, #tpu.memory_space<semaphore_mem>>
      %dma_start3A_121 = arith.constant 0 : i32
      %dma_start3A_122 = tpu.memref_slice %arg8[%run_scoped3A_44, %dma_start3A_121] : memref<80x64xi32, #tpu.memory_space<vmem>> -> memref<1x64xi32, #tpu.memory_space<vmem>>
      %dma_start3A_123 = tpu.memref_squeeze %dma_start3A_122 : memref<1x64xi32, #tpu.memory_space<vmem>> -> memref<64xi32, #tpu.memory_space<vmem>>
      %dma_start3A_124 = arith.constant 0 : i32
      %dma_start3A_125 = arith.constant 0 : i32
      %dma_start3A_126 = tpu.memref_slice %arg13[%dma_start3A_124, %dma_start3A_125] : memref<10112x128xf32, #tpu.memory_space<vmem_shared>> -> memref<10112x128xf32, #tpu.memory_space<vmem_shared>>
      tpu.enqueue_indirect_dma source(%arg10 : memref<64x128xf32, #tpu.memory_space<vmem>>) target(%dma_start3A_126 : memref<10112x128xf32, #tpu.memory_space<vmem_shared>>) offsets(%dma_start3A_123 : memref<64xi32, #tpu.memory_space<vmem>>) semaphore(%run_scoped3A_120 : memref<!tpu.dma_semaphore, #tpu.memory_space<semaphore_mem>>) {add = true}
      %dma_wait3A_127 = arith.constant 0 : i32
      %dma_wait3A_128 = tpu.memref_slice %arg8[%run_scoped3A_44, %dma_wait3A_127] : memref<80x64xi32, #tpu.memory_space<vmem>> -> memref<1x64xi32, #tpu.memory_space<vmem>>
      %dma_wait3A_129 = tpu.memref_squeeze %dma_wait3A_128 : memref<1x64xi32, #tpu.memory_space<vmem>> -> memref<64xi32, #tpu.memory_space<vmem>>
      %dma_wait3A_130 = arith.constant 0 : i32
      %dma_wait3A_131 = arith.constant 0 : i32
      %dma_wait3A_132 = tpu.memref_slice %arg13[%dma_wait3A_130, %dma_wait3A_131] : memref<10112x128xf32, #tpu.memory_space<vmem_shared>> -> memref<10112x128xf32, #tpu.memory_space<vmem_shared>>
      tpu.wait_indirect_dma semaphore(%run_scoped3A_120 : memref<!tpu.dma_semaphore, #tpu.memory_space<semaphore_mem>>) src(%arg10 : memref<64x128xf32, #tpu.memory_space<vmem>>) dst(%dma_wait3A_132 : memref<10112x128xf32, #tpu.memory_space<vmem_shared>>)
      tpu.yield
    }) : () -> ()
    %dma_wait3A_45 = arith.constant 4992 : i32
    %dma_wait3A_46 = tpu.memref_slice %arg7[%dma_wait3A_45] : memref<5120xi32, #tpu.memory_space<vmem>> -> memref<64xi32, #tpu.memory_space<vmem>>
    %dma_wait3A_47 = arith.constant 0 : i32
    %dma_wait3A_48 = arith.constant 0 : i32
    %dma_wait3A_49 = tpu.memref_slice %arg2[%dma_wait3A_47, %dma_wait3A_48] : memref<10000x128xf32, #tpu.memory_space<hbm>> -> memref<10000x128xf32, #tpu.memory_space<hbm>>
    tpu.wait_indirect_dma semaphore(%arg16 : memref<!tpu.dma_semaphore, #tpu.memory_space<semaphore_mem>>) src(%dma_wait3A_49 : memref<10000x128xf32, #tpu.memory_space<hbm>>) dst(%arg11 : memref<64x128xf32, #tpu.memory_space<vmem>>)
    %run_scoped3A_50 = arith.constant 78 : i32
    "tpu.region"() ({
      %run_scoped3A_120 = tpu.sem_alloc : memref<!tpu.dma_semaphore, #tpu.memory_space<semaphore_mem>>
      %dma_start3A_121 = arith.constant 0 : i32
      %dma_start3A_122 = tpu.memref_slice %arg8[%run_scoped3A_50, %dma_start3A_121] : memref<80x64xi32, #tpu.memory_space<vmem>> -> memref<1x64xi32, #tpu.memory_space<vmem>>
      %dma_start3A_123 = tpu.memref_squeeze %dma_start3A_122 : memref<1x64xi32, #tpu.memory_space<vmem>> -> memref<64xi32, #tpu.memory_space<vmem>>
      %dma_start3A_124 = arith.constant 0 : i32
      %dma_start3A_125 = arith.constant 0 : i32
      %dma_start3A_126 = tpu.memref_slice %arg13[%dma_start3A_124, %dma_start3A_125] : memref<10112x128xf32, #tpu.memory_space<vmem_shared>> -> memref<10112x128xf32, #tpu.memory_space<vmem_shared>>
      tpu.enqueue_indirect_dma source(%arg11 : memref<64x128xf32, #tpu.memory_space<vmem>>) target(%dma_start3A_126 : memref<10112x128xf32, #tpu.memory_space<vmem_shared>>) offsets(%dma_start3A_123 : memref<64xi32, #tpu.memory_space<vmem>>) semaphore(%run_scoped3A_120 : memref<!tpu.dma_semaphore, #tpu.memory_space<semaphore_mem>>) {add = true}
      %dma_wait3A_127 = arith.constant 0 : i32
      %dma_wait3A_128 = tpu.memref_slice %arg8[%run_scoped3A_50, %dma_wait3A_127] : memref<80x64xi32, #tpu.memory_space<vmem>> -> memref<1x64xi32, #tpu.memory_space<vmem>>
      %dma_wait3A_129 = tpu.memref_squeeze %dma_wait3A_128 : memref<1x64xi32, #tpu.memory_space<vmem>> -> memref<64xi32, #tpu.memory_space<vmem>>
      %dma_wait3A_130 = arith.constant 0 : i32
      %dma_wait3A_131 = arith.constant 0 : i32
      %dma_wait3A_132 = tpu.memref_slice %arg13[%dma_wait3A_130, %dma_wait3A_131] : memref<10112x128xf32, #tpu.memory_space<vmem_shared>> -> memref<10112x128xf32, #tpu.memory_space<vmem_shared>>
      tpu.wait_indirect_dma semaphore(%run_scoped3A_120 : memref<!tpu.dma_semaphore, #tpu.memory_space<semaphore_mem>>) src(%arg11 : memref<64x128xf32, #tpu.memory_space<vmem>>) dst(%dma_wait3A_132 : memref<10112x128xf32, #tpu.memory_space<vmem_shared>>)
      tpu.yield
    }) : () -> ()
    %dma_wait3A_51 = arith.constant 5056 : i32
    %dma_wait3A_52 = tpu.memref_slice %arg7[%dma_wait3A_51] : memref<5120xi32, #tpu.memory_space<vmem>> -> memref<64xi32, #tpu.memory_space<vmem>>
    %dma_wait3A_53 = arith.constant 0 : i32
    %dma_wait3A_54 = arith.constant 0 : i32
    %dma_wait3A_55 = tpu.memref_slice %arg2[%dma_wait3A_53, %dma_wait3A_54] : memref<10000x128xf32, #tpu.memory_space<hbm>> -> memref<10000x128xf32, #tpu.memory_space<hbm>>
    tpu.wait_indirect_dma semaphore(%arg17 : memref<!tpu.dma_semaphore, #tpu.memory_space<semaphore_mem>>) src(%dma_wait3A_55 : memref<10000x128xf32, #tpu.memory_space<hbm>>) dst(%arg12 : memref<64x128xf32, #tpu.memory_space<vmem>>)
    %run_scoped3A_56 = arith.constant 79 : i32
    "tpu.region"() ({
      %run_scoped3A_120 = tpu.sem_alloc : memref<!tpu.dma_semaphore, #tpu.memory_space<semaphore_mem>>
      %dma_start3A_121 = arith.constant 0 : i32
      %dma_start3A_122 = tpu.memref_slice %arg8[%run_scoped3A_56, %dma_start3A_121] : memref<80x64xi32, #tpu.memory_space<vmem>> -> memref<1x64xi32, #tpu.memory_space<vmem>>
      %dma_start3A_123 = tpu.memref_squeeze %dma_start3A_122 : memref<1x64xi32, #tpu.memory_space<vmem>> -> memref<64xi32, #tpu.memory_space<vmem>>
      %dma_start3A_124 = arith.constant 0 : i32
      %dma_start3A_125 = arith.constant 0 : i32
      %dma_start3A_126 = tpu.memref_slice %arg13[%dma_start3A_124, %dma_start3A_125] : memref<10112x128xf32, #tpu.memory_space<vmem_shared>> -> memref<10112x128xf32, #tpu.memory_space<vmem_shared>>
      tpu.enqueue_indirect_dma source(%arg12 : memref<64x128xf32, #tpu.memory_space<vmem>>) target(%dma_start3A_126 : memref<10112x128xf32, #tpu.memory_space<vmem_shared>>) offsets(%dma_start3A_123 : memref<64xi32, #tpu.memory_space<vmem>>) semaphore(%run_scoped3A_120 : memref<!tpu.dma_semaphore, #tpu.memory_space<semaphore_mem>>) {add = true}
      %dma_wait3A_127 = arith.constant 0 : i32
      %dma_wait3A_128 = tpu.memref_slice %arg8[%run_scoped3A_56, %dma_wait3A_127] : memref<80x64xi32, #tpu.memory_space<vmem>> -> memref<1x64xi32, #tpu.memory_space<vmem>>
      %dma_wait3A_129 = tpu.memref_squeeze %dma_wait3A_128 : memref<1x64xi32, #tpu.memory_space<vmem>> -> memref<64xi32, #tpu.memory_space<vmem>>
      %dma_wait3A_130 = arith.constant 0 : i32
      %dma_wait3A_131 = arith.constant 0 : i32
      %dma_wait3A_132 = tpu.memref_slice %arg13[%dma_wait3A_130, %dma_wait3A_131] : memref<10112x128xf32, #tpu.memory_space<vmem_shared>> -> memref<10112x128xf32, #tpu.memory_space<vmem_shared>>
      tpu.wait_indirect_dma semaphore(%run_scoped3A_120 : memref<!tpu.dma_semaphore, #tpu.memory_space<semaphore_mem>>) src(%arg12 : memref<64x128xf32, #tpu.memory_space<vmem>>) dst(%dma_wait3A_132 : memref<10112x128xf32, #tpu.memory_space<vmem_shared>>)
      tpu.yield
    }) : () -> ()
    %mul3A_57 = arith.constant 10240 : i32
    %mul3A_58 = arith.muli %add3A, %mul3A_57 : i32
    %add3A_59 = arith.constant 5120 : i32
    %add3A_60 = arith.addi %mul3A_58, %add3A_59 : i32
    %mul3A_61 = arith.constant 160 : i32
    %mul3A_62 = arith.muli %add3A, %mul3A_61 : i32
    %add3A_63 = arith.constant 80 : i32
    %add3A_64 = arith.addi %mul3A_62, %add3A_63 : i32
    "tpu.region"() ({
      %run_scoped3A_120 = tpu.sem_alloc : memref<!tpu.dma_semaphore, #tpu.memory_space<semaphore_mem>>
      %dma_start3A_121 = tpu.memref_slice %arg3[%add3A_60] : memref<327680xi32, #tpu.memory_space<hbm>> -> memref<5120xi32, #tpu.memory_space<hbm>>
      %dma_start3A_122 = tpu.memref_slice %arg3[%add3A_60] : memref<327680xi32, #tpu.memory_space<hbm>> -> memref<5120xi32, #tpu.memory_space<hbm>>
      tpu.enqueue_dma source(%dma_start3A_122 : memref<5120xi32, #tpu.memory_space<hbm>>) target(%arg7 : memref<5120xi32, #tpu.memory_space<vmem>>) target_semaphore(%run_scoped3A_120 : memref<!tpu.dma_semaphore, #tpu.memory_space<semaphore_mem>>)
      %dma_wait3A_123 = tpu.memref_slice %arg3[%add3A_60] : memref<327680xi32, #tpu.memory_space<hbm>> -> memref<5120xi32, #tpu.memory_space<hbm>>
      %dma_wait3A_124 = tpu.memref_slice %arg3[%add3A_60] : memref<327680xi32, #tpu.memory_space<hbm>> -> memref<5120xi32, #tpu.memory_space<hbm>>
      tpu.wait_dma2 semaphore(%run_scoped3A_120 : memref<!tpu.dma_semaphore, #tpu.memory_space<semaphore_mem>>) src(%dma_wait3A_124 : memref<5120xi32, #tpu.memory_space<hbm>>) dst(%arg7 : memref<5120xi32, #tpu.memory_space<vmem>>)
      tpu.yield
    }) : () -> ()
    "tpu.region"() ({
      %run_scoped3A_120 = tpu.sem_alloc : memref<!tpu.dma_semaphore, #tpu.memory_space<semaphore_mem>>
      %dma_start3A_121 = arith.constant 0 : i32
      %dma_start3A_122 = tpu.memref_slice %arg4[%add3A_64, %dma_start3A_121] : memref<5120x64xi32, #tpu.memory_space<hbm>> -> memref<80x64xi32, #tpu.memory_space<hbm>>
      %dma_start3A_123 = arith.constant 0 : i32
      %dma_start3A_124 = tpu.memref_slice %arg4[%add3A_64, %dma_start3A_123] : memref<5120x64xi32, #tpu.memory_space<hbm>> -> memref<80x64xi32, #tpu.memory_space<hbm>>
      tpu.enqueue_dma source(%dma_start3A_124 : memref<80x64xi32, #tpu.memory_space<hbm>>) target(%arg8 : memref<80x64xi32, #tpu.memory_space<vmem>>) target_semaphore(%run_scoped3A_120 : memref<!tpu.dma_semaphore, #tpu.memory_space<semaphore_mem>>)
      %dma_wait3A_125 = arith.constant 0 : i32
      %dma_wait3A_126 = tpu.memref_slice %arg4[%add3A_64, %dma_wait3A_125] : memref<5120x64xi32, #tpu.memory_space<hbm>> -> memref<80x64xi32, #tpu.memory_space<hbm>>
      %dma_wait3A_127 = arith.constant 0 : i32
      %dma_wait3A_128 = tpu.memref_slice %arg4[%add3A_64, %dma_wait3A_127] : memref<5120x64xi32, #tpu.memory_space<hbm>> -> memref<80x64xi32, #tpu.memory_space<hbm>>
      tpu.wait_dma2 semaphore(%run_scoped3A_120 : memref<!tpu.dma_semaphore, #tpu.memory_space<semaphore_mem>>) src(%dma_wait3A_128 : memref<80x64xi32, #tpu.memory_space<hbm>>) dst(%arg8 : memref<80x64xi32, #tpu.memory_space<vmem>>)
      tpu.yield
    }) : () -> ()
    %dma_start3A_65 = arith.constant 0 : i32
    %dma_start3A_66 = tpu.memref_slice %arg7[%dma_start3A_65] : memref<5120xi32, #tpu.memory_space<vmem>> -> memref<64xi32, #tpu.memory_space<vmem>>
    %dma_start3A_67 = arith.constant 0 : i32
    %dma_start3A_68 = arith.constant 0 : i32
    %dma_start3A_69 = tpu.memref_slice %arg2[%dma_start3A_67, %dma_start3A_68] : memref<10000x128xf32, #tpu.memory_space<hbm>> -> memref<10000x128xf32, #tpu.memory_space<hbm>>
    tpu.enqueue_indirect_dma source(%dma_start3A_69 : memref<10000x128xf32, #tpu.memory_space<hbm>>) target(%arg9 : memref<64x128xf32, #tpu.memory_space<vmem>>) offsets(%dma_start3A_66 : memref<64xi32, #tpu.memory_space<vmem>>) semaphore(%arg14 : memref<!tpu.dma_semaphore, #tpu.memory_space<semaphore_mem>>)
    %dma_start3A_70 = arith.constant 64 : i32
    %dma_start3A_71 = tpu.memref_slice %arg7[%dma_start3A_70] : memref<5120xi32, #tpu.memory_space<vmem>> -> memref<64xi32, #tpu.memory_space<vmem>>
    %dma_start3A_72 = arith.constant 0 : i32
    %dma_start3A_73 = arith.constant 0 : i32
    %dma_start3A_74 = tpu.memref_slice %arg2[%dma_start3A_72, %dma_start3A_73] : memref<10000x128xf32, #tpu.memory_space<hbm>> -> memref<10000x128xf32, #tpu.memory_space<hbm>>
    tpu.enqueue_indirect_dma source(%dma_start3A_74 : memref<10000x128xf32, #tpu.memory_space<hbm>>) target(%arg10 : memref<64x128xf32, #tpu.memory_space<vmem>>) offsets(%dma_start3A_71 : memref<64xi32, #tpu.memory_space<vmem>>) semaphore(%arg15 : memref<!tpu.dma_semaphore, #tpu.memory_space<semaphore_mem>>)
    %dma_start3A_75 = arith.constant 128 : i32
    %dma_start3A_76 = tpu.memref_slice %arg7[%dma_start3A_75] : memref<5120xi32, #tpu.memory_space<vmem>> -> memref<64xi32, #tpu.memory_space<vmem>>
    %dma_start3A_77 = arith.constant 0 : i32
    %dma_start3A_78 = arith.constant 0 : i32
    %dma_start3A_79 = tpu.memref_slice %arg2[%dma_start3A_77, %dma_start3A_78] : memref<10000x128xf32, #tpu.memory_space<hbm>> -> memref<10000x128xf32, #tpu.memory_space<hbm>>
    tpu.enqueue_indirect_dma source(%dma_start3A_79 : memref<10000x128xf32, #tpu.memory_space<hbm>>) target(%arg11 : memref<64x128xf32, #tpu.memory_space<vmem>>) offsets(%dma_start3A_76 : memref<64xi32, #tpu.memory_space<vmem>>) semaphore(%arg16 : memref<!tpu.dma_semaphore, #tpu.memory_space<semaphore_mem>>)
    %dma_start3A_80 = arith.constant 192 : i32
    %dma_start3A_81 = tpu.memref_slice %arg7[%dma_start3A_80] : memref<5120xi32, #tpu.memory_space<vmem>> -> memref<64xi32, #tpu.memory_space<vmem>>
    %dma_start3A_82 = arith.constant 0 : i32
    %dma_start3A_83 = arith.constant 0 : i32
    %dma_start3A_84 = tpu.memref_slice %arg2[%dma_start3A_82, %dma_start3A_83] : memref<10000x128xf32, #tpu.memory_space<hbm>> -> memref<10000x128xf32, #tpu.memory_space<hbm>>
    tpu.enqueue_indirect_dma source(%dma_start3A_84 : memref<10000x128xf32, #tpu.memory_space<hbm>>) target(%arg12 : memref<64x128xf32, #tpu.memory_space<vmem>>) offsets(%dma_start3A_81 : memref<64xi32, #tpu.memory_space<vmem>>) semaphore(%arg17 : memref<!tpu.dma_semaphore, #tpu.memory_space<semaphore_mem>>)
    %scan3A_85 = arith.constant 0 : i32
    %scan3A_86 = arith.constant 0 : i32
    %scan3A_87 = arith.constant 19 : i32
    %scan3A_88 = arith.addi %scan3A_86, %scan3A_87 : i32
    %scan3A_89 = arith.constant 1 : i32
    scf.for %scan3A_120 = %scan3A_86 to %scan3A_88 step %scan3A_89  : i32 {
      %mul3A_121 = arith.constant 4 : i32
      %mul3A_122 = arith.muli %mul3A_121, %scan3A_120 : i32
      %add3A_123 = arith.constant 0 : i32
      %add3A_124 = arith.addi %mul3A_122, %add3A_123 : i32
      %mul3A_125 = arith.constant 64 : i32
      %mul3A_126 = arith.muli %add3A_124, %mul3A_125 : i32
      %dma_wait3A_127 = tpu.memref_slice %arg7[%mul3A_126] : memref<5120xi32, #tpu.memory_space<vmem>> -> memref<64xi32, #tpu.memory_space<vmem>>
      %dma_wait3A_128 = arith.constant 0 : i32
      %dma_wait3A_129 = arith.constant 0 : i32
      %dma_wait3A_130 = tpu.memref_slice %arg2[%dma_wait3A_128, %dma_wait3A_129] : memref<10000x128xf32, #tpu.memory_space<hbm>> -> memref<10000x128xf32, #tpu.memory_space<hbm>>
      tpu.wait_indirect_dma semaphore(%arg14 : memref<!tpu.dma_semaphore, #tpu.memory_space<semaphore_mem>>) src(%dma_wait3A_130 : memref<10000x128xf32, #tpu.memory_space<hbm>>) dst(%arg9 : memref<64x128xf32, #tpu.memory_space<vmem>>)
      %add3A_131 = arith.constant 0 : i32
      %add3A_132 = arith.addi %mul3A_122, %add3A_131 : i32
      "tpu.region"() ({
        %run_scoped3A_203 = tpu.sem_alloc : memref<!tpu.dma_semaphore, #tpu.memory_space<semaphore_mem>>
        %dma_start3A_204 = arith.constant 0 : i32
        %dma_start3A_205 = tpu.memref_slice %arg8[%add3A_132, %dma_start3A_204] : memref<80x64xi32, #tpu.memory_space<vmem>> -> memref<1x64xi32, #tpu.memory_space<vmem>>
        %dma_start3A_206 = tpu.memref_squeeze %dma_start3A_205 : memref<1x64xi32, #tpu.memory_space<vmem>> -> memref<64xi32, #tpu.memory_space<vmem>>
        %dma_start3A_207 = arith.constant 0 : i32
        %dma_start3A_208 = arith.constant 0 : i32
        %dma_start3A_209 = tpu.memref_slice %arg13[%dma_start3A_207, %dma_start3A_208] : memref<10112x128xf32, #tpu.memory_space<vmem_shared>> -> memref<10112x128xf32, #tpu.memory_space<vmem_shared>>
        tpu.enqueue_indirect_dma source(%arg9 : memref<64x128xf32, #tpu.memory_space<vmem>>) target(%dma_start3A_209 : memref<10112x128xf32, #tpu.memory_space<vmem_shared>>) offsets(%dma_start3A_206 : memref<64xi32, #tpu.memory_space<vmem>>) semaphore(%run_scoped3A_203 : memref<!tpu.dma_semaphore, #tpu.memory_space<semaphore_mem>>) {add = true}
        %dma_wait3A_210 = arith.constant 0 : i32
        %dma_wait3A_211 = tpu.memref_slice %arg8[%add3A_132, %dma_wait3A_210] : memref<80x64xi32, #tpu.memory_space<vmem>> -> memref<1x64xi32, #tpu.memory_space<vmem>>
        %dma_wait3A_212 = tpu.memref_squeeze %dma_wait3A_211 : memref<1x64xi32, #tpu.memory_space<vmem>> -> memref<64xi32, #tpu.memory_space<vmem>>
        %dma_wait3A_213 = arith.constant 0 : i32
        %dma_wait3A_214 = arith.constant 0 : i32
        %dma_wait3A_215 = tpu.memref_slice %arg13[%dma_wait3A_213, %dma_wait3A_214] : memref<10112x128xf32, #tpu.memory_space<vmem_shared>> -> memref<10112x128xf32, #tpu.memory_space<vmem_shared>>
        tpu.wait_indirect_dma semaphore(%run_scoped3A_203 : memref<!tpu.dma_semaphore, #tpu.memory_space<semaphore_mem>>) src(%arg9 : memref<64x128xf32, #tpu.memory_space<vmem>>) dst(%dma_wait3A_215 : memref<10112x128xf32, #tpu.memory_space<vmem_shared>>)
        tpu.yield
      }) : () -> ()
      %add3A_133 = arith.constant 0 : i32
      %add3A_134 = arith.addi %mul3A_122, %add3A_133 : i32
      %add3A_135 = arith.constant 4 : i32
      %add3A_136 = arith.addi %add3A_134, %add3A_135 : i32
      %mul3A_137 = arith.constant 64 : i32
      %mul3A_138 = arith.muli %add3A_136, %mul3A_137 : i32
      %dma_start3A_139 = tpu.memref_slice %arg7[%mul3A_138] : memref<5120xi32, #tpu.memory_space<vmem>> -> memref<64xi32, #tpu.memory_space<vmem>>
      %dma_start3A_140 = arith.constant 0 : i32
      %dma_start3A_141 = arith.constant 0 : i32
      %dma_start3A_142 = tpu.memref_slice %arg2[%dma_start3A_140, %dma_start3A_141] : memref<10000x128xf32, #tpu.memory_space<hbm>> -> memref<10000x128xf32, #tpu.memory_space<hbm>>
      tpu.enqueue_indirect_dma source(%dma_start3A_142 : memref<10000x128xf32, #tpu.memory_space<hbm>>) target(%arg9 : memref<64x128xf32, #tpu.memory_space<vmem>>) offsets(%dma_start3A_139 : memref<64xi32, #tpu.memory_space<vmem>>) semaphore(%arg14 : memref<!tpu.dma_semaphore, #tpu.memory_space<semaphore_mem>>)
      %add3A_143 = arith.constant 1 : i32
      %add3A_144 = arith.addi %mul3A_122, %add3A_143 : i32
      %mul3A_145 = arith.constant 64 : i32
      %mul3A_146 = arith.muli %add3A_144, %mul3A_145 : i32
      %dma_wait3A_147 = tpu.memref_slice %arg7[%mul3A_146] : memref<5120xi32, #tpu.memory_space<vmem>> -> memref<64xi32, #tpu.memory_space<vmem>>
      %dma_wait3A_148 = arith.constant 0 : i32
      %dma_wait3A_149 = arith.constant 0 : i32
      %dma_wait3A_150 = tpu.memref_slice %arg2[%dma_wait3A_148, %dma_wait3A_149] : memref<10000x128xf32, #tpu.memory_space<hbm>> -> memref<10000x128xf32, #tpu.memory_space<hbm>>
      tpu.wait_indirect_dma semaphore(%arg15 : memref<!tpu.dma_semaphore, #tpu.memory_space<semaphore_mem>>) src(%dma_wait3A_150 : memref<10000x128xf32, #tpu.memory_space<hbm>>) dst(%arg10 : memref<64x128xf32, #tpu.memory_space<vmem>>)
      %add3A_151 = arith.constant 1 : i32
      %add3A_152 = arith.addi %mul3A_122, %add3A_151 : i32
      "tpu.region"() ({
        %run_scoped3A_203 = tpu.sem_alloc : memref<!tpu.dma_semaphore, #tpu.memory_space<semaphore_mem>>
        %dma_start3A_204 = arith.constant 0 : i32
        %dma_start3A_205 = tpu.memref_slice %arg8[%add3A_152, %dma_start3A_204] : memref<80x64xi32, #tpu.memory_space<vmem>> -> memref<1x64xi32, #tpu.memory_space<vmem>>
        %dma_start3A_206 = tpu.memref_squeeze %dma_start3A_205 : memref<1x64xi32, #tpu.memory_space<vmem>> -> memref<64xi32, #tpu.memory_space<vmem>>
        %dma_start3A_207 = arith.constant 0 : i32
        %dma_start3A_208 = arith.constant 0 : i32
        %dma_start3A_209 = tpu.memref_slice %arg13[%dma_start3A_207, %dma_start3A_208] : memref<10112x128xf32, #tpu.memory_space<vmem_shared>> -> memref<10112x128xf32, #tpu.memory_space<vmem_shared>>
        tpu.enqueue_indirect_dma source(%arg10 : memref<64x128xf32, #tpu.memory_space<vmem>>) target(%dma_start3A_209 : memref<10112x128xf32, #tpu.memory_space<vmem_shared>>) offsets(%dma_start3A_206 : memref<64xi32, #tpu.memory_space<vmem>>) semaphore(%run_scoped3A_203 : memref<!tpu.dma_semaphore, #tpu.memory_space<semaphore_mem>>) {add = true}
        %dma_wait3A_210 = arith.constant 0 : i32
        %dma_wait3A_211 = tpu.memref_slice %arg8[%add3A_152, %dma_wait3A_210] : memref<80x64xi32, #tpu.memory_space<vmem>> -> memref<1x64xi32, #tpu.memory_space<vmem>>
        %dma_wait3A_212 = tpu.memref_squeeze %dma_wait3A_211 : memref<1x64xi32, #tpu.memory_space<vmem>> -> memref<64xi32, #tpu.memory_space<vmem>>
        %dma_wait3A_213 = arith.constant 0 : i32
        %dma_wait3A_214 = arith.constant 0 : i32
        %dma_wait3A_215 = tpu.memref_slice %arg13[%dma_wait3A_213, %dma_wait3A_214] : memref<10112x128xf32, #tpu.memory_space<vmem_shared>> -> memref<10112x128xf32, #tpu.memory_space<vmem_shared>>
        tpu.wait_indirect_dma semaphore(%run_scoped3A_203 : memref<!tpu.dma_semaphore, #tpu.memory_space<semaphore_mem>>) src(%arg10 : memref<64x128xf32, #tpu.memory_space<vmem>>) dst(%dma_wait3A_215 : memref<10112x128xf32, #tpu.memory_space<vmem_shared>>)
        tpu.yield
      }) : () -> ()
      %add3A_153 = arith.constant 1 : i32
      %add3A_154 = arith.addi %mul3A_122, %add3A_153 : i32
      %add3A_155 = arith.constant 4 : i32
      %add3A_156 = arith.addi %add3A_154, %add3A_155 : i32
      %mul3A_157 = arith.constant 64 : i32
      %mul3A_158 = arith.muli %add3A_156, %mul3A_157 : i32
      %dma_start3A_159 = tpu.memref_slice %arg7[%mul3A_158] : memref<5120xi32, #tpu.memory_space<vmem>> -> memref<64xi32, #tpu.memory_space<vmem>>
      %dma_start3A_160 = arith.constant 0 : i32
      %dma_start3A_161 = arith.constant 0 : i32
      %dma_start3A_162 = tpu.memref_slice %arg2[%dma_start3A_160, %dma_start3A_161] : memref<10000x128xf32, #tpu.memory_space<hbm>> -> memref<10000x128xf32, #tpu.memory_space<hbm>>
      tpu.enqueue_indirect_dma source(%dma_start3A_162 : memref<10000x128xf32, #tpu.memory_space<hbm>>) target(%arg10 : memref<64x128xf32, #tpu.memory_space<vmem>>) offsets(%dma_start3A_159 : memref<64xi32, #tpu.memory_space<vmem>>) semaphore(%arg15 : memref<!tpu.dma_semaphore, #tpu.memory_space<semaphore_mem>>)
      %add3A_163 = arith.constant 2 : i32
      %add3A_164 = arith.addi %mul3A_122, %add3A_163 : i32
      %mul3A_165 = arith.constant 64 : i32
      %mul3A_166 = arith.muli %add3A_164, %mul3A_165 : i32
      %dma_wait3A_167 = tpu.memref_slice %arg7[%mul3A_166] : memref<5120xi32, #tpu.memory_space<vmem>> -> memref<64xi32, #tpu.memory_space<vmem>>
      %dma_wait3A_168 = arith.constant 0 : i32
      %dma_wait3A_169 = arith.constant 0 : i32
      %dma_wait3A_170 = tpu.memref_slice %arg2[%dma_wait3A_168, %dma_wait3A_169] : memref<10000x128xf32, #tpu.memory_space<hbm>> -> memref<10000x128xf32, #tpu.memory_space<hbm>>
      tpu.wait_indirect_dma semaphore(%arg16 : memref<!tpu.dma_semaphore, #tpu.memory_space<semaphore_mem>>) src(%dma_wait3A_170 : memref<10000x128xf32, #tpu.memory_space<hbm>>) dst(%arg11 : memref<64x128xf32, #tpu.memory_space<vmem>>)
      %add3A_171 = arith.constant 2 : i32
      %add3A_172 = arith.addi %mul3A_122, %add3A_171 : i32
      "tpu.region"() ({
        %run_scoped3A_203 = tpu.sem_alloc : memref<!tpu.dma_semaphore, #tpu.memory_space<semaphore_mem>>
        %dma_start3A_204 = arith.constant 0 : i32
        %dma_start3A_205 = tpu.memref_slice %arg8[%add3A_172, %dma_start3A_204] : memref<80x64xi32, #tpu.memory_space<vmem>> -> memref<1x64xi32, #tpu.memory_space<vmem>>
        %dma_start3A_206 = tpu.memref_squeeze %dma_start3A_205 : memref<1x64xi32, #tpu.memory_space<vmem>> -> memref<64xi32, #tpu.memory_space<vmem>>
        %dma_start3A_207 = arith.constant 0 : i32
        %dma_start3A_208 = arith.constant 0 : i32
        %dma_start3A_209 = tpu.memref_slice %arg13[%dma_start3A_207, %dma_start3A_208] : memref<10112x128xf32, #tpu.memory_space<vmem_shared>> -> memref<10112x128xf32, #tpu.memory_space<vmem_shared>>
        tpu.enqueue_indirect_dma source(%arg11 : memref<64x128xf32, #tpu.memory_space<vmem>>) target(%dma_start3A_209 : memref<10112x128xf32, #tpu.memory_space<vmem_shared>>) offsets(%dma_start3A_206 : memref<64xi32, #tpu.memory_space<vmem>>) semaphore(%run_scoped3A_203 : memref<!tpu.dma_semaphore, #tpu.memory_space<semaphore_mem>>) {add = true}
        %dma_wait3A_210 = arith.constant 0 : i32
        %dma_wait3A_211 = tpu.memref_slice %arg8[%add3A_172, %dma_wait3A_210] : memref<80x64xi32, #tpu.memory_space<vmem>> -> memref<1x64xi32, #tpu.memory_space<vmem>>
        %dma_wait3A_212 = tpu.memref_squeeze %dma_wait3A_211 : memref<1x64xi32, #tpu.memory_space<vmem>> -> memref<64xi32, #tpu.memory_space<vmem>>
        %dma_wait3A_213 = arith.constant 0 : i32
        %dma_wait3A_214 = arith.constant 0 : i32
        %dma_wait3A_215 = tpu.memref_slice %arg13[%dma_wait3A_213, %dma_wait3A_214] : memref<10112x128xf32, #tpu.memory_space<vmem_shared>> -> memref<10112x128xf32, #tpu.memory_space<vmem_shared>>
        tpu.wait_indirect_dma semaphore(%run_scoped3A_203 : memref<!tpu.dma_semaphore, #tpu.memory_space<semaphore_mem>>) src(%arg11 : memref<64x128xf32, #tpu.memory_space<vmem>>) dst(%dma_wait3A_215 : memref<10112x128xf32, #tpu.memory_space<vmem_shared>>)
        tpu.yield
      }) : () -> ()
      %add3A_173 = arith.constant 2 : i32
      %add3A_174 = arith.addi %mul3A_122, %add3A_173 : i32
      %add3A_175 = arith.constant 4 : i32
      %add3A_176 = arith.addi %add3A_174, %add3A_175 : i32
      %mul3A_177 = arith.constant 64 : i32
      %mul3A_178 = arith.muli %add3A_176, %mul3A_177 : i32
      %dma_start3A_179 = tpu.memref_slice %arg7[%mul3A_178] : memref<5120xi32, #tpu.memory_space<vmem>> -> memref<64xi32, #tpu.memory_space<vmem>>
      %dma_start3A_180 = arith.constant 0 : i32
      %dma_start3A_181 = arith.constant 0 : i32
      %dma_start3A_182 = tpu.memref_slice %arg2[%dma_start3A_180, %dma_start3A_181] : memref<10000x128xf32, #tpu.memory_space<hbm>> -> memref<10000x128xf32, #tpu.memory_space<hbm>>
      tpu.enqueue_indirect_dma source(%dma_start3A_182 : memref<10000x128xf32, #tpu.memory_space<hbm>>) target(%arg11 : memref<64x128xf32, #tpu.memory_space<vmem>>) offsets(%dma_start3A_179 : memref<64xi32, #tpu.memory_space<vmem>>) semaphore(%arg16 : memref<!tpu.dma_semaphore, #tpu.memory_space<semaphore_mem>>)
      %add3A_183 = arith.constant 3 : i32
      %add3A_184 = arith.addi %mul3A_122, %add3A_183 : i32
      %mul3A_185 = arith.constant 64 : i32
      %mul3A_186 = arith.muli %add3A_184, %mul3A_185 : i32
      %dma_wait3A_187 = tpu.memref_slice %arg7[%mul3A_186] : memref<5120xi32, #tpu.memory_space<vmem>> -> memref<64xi32, #tpu.memory_space<vmem>>
      %dma_wait3A_188 = arith.constant 0 : i32
      %dma_wait3A_189 = arith.constant 0 : i32
      %dma_wait3A_190 = tpu.memref_slice %arg2[%dma_wait3A_188, %dma_wait3A_189] : memref<10000x128xf32, #tpu.memory_space<hbm>> -> memref<10000x128xf32, #tpu.memory_space<hbm>>
      tpu.wait_indirect_dma semaphore(%arg17 : memref<!tpu.dma_semaphore, #tpu.memory_space<semaphore_mem>>) src(%dma_wait3A_190 : memref<10000x128xf32, #tpu.memory_space<hbm>>) dst(%arg12 : memref<64x128xf32, #tpu.memory_space<vmem>>)
      %add3A_191 = arith.constant 3 : i32
      %add3A_192 = arith.addi %mul3A_122, %add3A_191 : i32
      "tpu.region"() ({
        %run_scoped3A_203 = tpu.sem_alloc : memref<!tpu.dma_semaphore, #tpu.memory_space<semaphore_mem>>
        %dma_start3A_204 = arith.constant 0 : i32
        %dma_start3A_205 = tpu.memref_slice %arg8[%add3A_192, %dma_start3A_204] : memref<80x64xi32, #tpu.memory_space<vmem>> -> memref<1x64xi32, #tpu.memory_space<vmem>>
        %dma_start3A_206 = tpu.memref_squeeze %dma_start3A_205 : memref<1x64xi32, #tpu.memory_space<vmem>> -> memref<64xi32, #tpu.memory_space<vmem>>
        %dma_start3A_207 = arith.constant 0 : i32
        %dma_start3A_208 = arith.constant 0 : i32
        %dma_start3A_209 = tpu.memref_slice %arg13[%dma_start3A_207, %dma_start3A_208] : memref<10112x128xf32, #tpu.memory_space<vmem_shared>> -> memref<10112x128xf32, #tpu.memory_space<vmem_shared>>
        tpu.enqueue_indirect_dma source(%arg12 : memref<64x128xf32, #tpu.memory_space<vmem>>) target(%dma_start3A_209 : memref<10112x128xf32, #tpu.memory_space<vmem_shared>>) offsets(%dma_start3A_206 : memref<64xi32, #tpu.memory_space<vmem>>) semaphore(%run_scoped3A_203 : memref<!tpu.dma_semaphore, #tpu.memory_space<semaphore_mem>>) {add = true}
        %dma_wait3A_210 = arith.constant 0 : i32
        %dma_wait3A_211 = tpu.memref_slice %arg8[%add3A_192, %dma_wait3A_210] : memref<80x64xi32, #tpu.memory_space<vmem>> -> memref<1x64xi32, #tpu.memory_space<vmem>>
        %dma_wait3A_212 = tpu.memref_squeeze %dma_wait3A_211 : memref<1x64xi32, #tpu.memory_space<vmem>> -> memref<64xi32, #tpu.memory_space<vmem>>
        %dma_wait3A_213 = arith.constant 0 : i32
        %dma_wait3A_214 = arith.constant 0 : i32
        %dma_wait3A_215 = tpu.memref_slice %arg13[%dma_wait3A_213, %dma_wait3A_214] : memref<10112x128xf32, #tpu.memory_space<vmem_shared>> -> memref<10112x128xf32, #tpu.memory_space<vmem_shared>>
        tpu.wait_indirect_dma semaphore(%run_scoped3A_203 : memref<!tpu.dma_semaphore, #tpu.memory_space<semaphore_mem>>) src(%arg12 : memref<64x128xf32, #tpu.memory_space<vmem>>) dst(%dma_wait3A_215 : memref<10112x128xf32, #tpu.memory_space<vmem_shared>>)
        tpu.yield
      }) : () -> ()
      %add3A_193 = arith.constant 3 : i32
      %add3A_194 = arith.addi %mul3A_122, %add3A_193 : i32
      %add3A_195 = arith.constant 4 : i32
      %add3A_196 = arith.addi %add3A_194, %add3A_195 : i32
      %mul3A_197 = arith.constant 64 : i32
      %mul3A_198 = arith.muli %add3A_196, %mul3A_197 : i32
      %dma_start3A_199 = tpu.memref_slice %arg7[%mul3A_198] : memref<5120xi32, #tpu.memory_space<vmem>> -> memref<64xi32, #tpu.memory_space<vmem>>
      %dma_start3A_200 = arith.constant 0 : i32
      %dma_start3A_201 = arith.constant 0 : i32
      %dma_start3A_202 = tpu.memref_slice %arg2[%dma_start3A_200, %dma_start3A_201] : memref<10000x128xf32, #tpu.memory_space<hbm>> -> memref<10000x128xf32, #tpu.memory_space<hbm>>
      tpu.enqueue_indirect_dma source(%dma_start3A_202 : memref<10000x128xf32, #tpu.memory_space<hbm>>) target(%arg12 : memref<64x128xf32, #tpu.memory_space<vmem>>) offsets(%dma_start3A_199 : memref<64xi32, #tpu.memory_space<vmem>>) semaphore(%arg17 : memref<!tpu.dma_semaphore, #tpu.memory_space<semaphore_mem>>)
    }
    %scan3A_90 = arith.constant 19 : i32
    %dma_wait3A_91 = arith.constant 4864 : i32
    %dma_wait3A_92 = tpu.memref_slice %arg7[%dma_wait3A_91] : memref<5120xi32, #tpu.memory_space<vmem>> -> memref<64xi32, #tpu.memory_space<vmem>>
    %dma_wait3A_93 = arith.constant 0 : i32
    %dma_wait3A_94 = arith.constant 0 : i32
    %dma_wait3A_95 = tpu.memref_slice %arg2[%dma_wait3A_93, %dma_wait3A_94] : memref<10000x128xf32, #tpu.memory_space<hbm>> -> memref<10000x128xf32, #tpu.memory_space<hbm>>
    tpu.wait_indirect_dma semaphore(%arg14 : memref<!tpu.dma_semaphore, #tpu.memory_space<semaphore_mem>>) src(%dma_wait3A_95 : memref<10000x128xf32, #tpu.memory_space<hbm>>) dst(%arg9 : memref<64x128xf32, #tpu.memory_space<vmem>>)
    %run_scoped3A_96 = arith.constant 76 : i32
    "tpu.region"() ({
      %run_scoped3A_120 = tpu.sem_alloc : memref<!tpu.dma_semaphore, #tpu.memory_space<semaphore_mem>>
      %dma_start3A_121 = arith.constant 0 : i32
      %dma_start3A_122 = tpu.memref_slice %arg8[%run_scoped3A_96, %dma_start3A_121] : memref<80x64xi32, #tpu.memory_space<vmem>> -> memref<1x64xi32, #tpu.memory_space<vmem>>
      %dma_start3A_123 = tpu.memref_squeeze %dma_start3A_122 : memref<1x64xi32, #tpu.memory_space<vmem>> -> memref<64xi32, #tpu.memory_space<vmem>>
      %dma_start3A_124 = arith.constant 0 : i32
      %dma_start3A_125 = arith.constant 0 : i32
      %dma_start3A_126 = tpu.memref_slice %arg13[%dma_start3A_124, %dma_start3A_125] : memref<10112x128xf32, #tpu.memory_space<vmem_shared>> -> memref<10112x128xf32, #tpu.memory_space<vmem_shared>>
      tpu.enqueue_indirect_dma source(%arg9 : memref<64x128xf32, #tpu.memory_space<vmem>>) target(%dma_start3A_126 : memref<10112x128xf32, #tpu.memory_space<vmem_shared>>) offsets(%dma_start3A_123 : memref<64xi32, #tpu.memory_space<vmem>>) semaphore(%run_scoped3A_120 : memref<!tpu.dma_semaphore, #tpu.memory_space<semaphore_mem>>) {add = true}
      %dma_wait3A_127 = arith.constant 0 : i32
      %dma_wait3A_128 = tpu.memref_slice %arg8[%run_scoped3A_96, %dma_wait3A_127] : memref<80x64xi32, #tpu.memory_space<vmem>> -> memref<1x64xi32, #tpu.memory_space<vmem>>
      %dma_wait3A_129 = tpu.memref_squeeze %dma_wait3A_128 : memref<1x64xi32, #tpu.memory_space<vmem>> -> memref<64xi32, #tpu.memory_space<vmem>>
      %dma_wait3A_130 = arith.constant 0 : i32
      %dma_wait3A_131 = arith.constant 0 : i32
      %dma_wait3A_132 = tpu.memref_slice %arg13[%dma_wait3A_130, %dma_wait3A_131] : memref<10112x128xf32, #tpu.memory_space<vmem_shared>> -> memref<10112x128xf32, #tpu.memory_space<vmem_shared>>
      tpu.wait_indirect_dma semaphore(%run_scoped3A_120 : memref<!tpu.dma_semaphore, #tpu.memory_space<semaphore_mem>>) src(%arg9 : memref<64x128xf32, #tpu.memory_space<vmem>>) dst(%dma_wait3A_132 : memref<10112x128xf32, #tpu.memory_space<vmem_shared>>)
      tpu.yield
    }) : () -> ()
    %dma_wait3A_97 = arith.constant 4928 : i32
    %dma_wait3A_98 = tpu.memref_slice %arg7[%dma_wait3A_97] : memref<5120xi32, #tpu.memory_space<vmem>> -> memref<64xi32, #tpu.memory_space<vmem>>
    %dma_wait3A_99 = arith.constant 0 : i32
    %dma_wait3A_100 = arith.constant 0 : i32
    %dma_wait3A_101 = tpu.memref_slice %arg2[%dma_wait3A_99, %dma_wait3A_100] : memref<10000x128xf32, #tpu.memory_space<hbm>> -> memref<10000x128xf32, #tpu.memory_space<hbm>>
    tpu.wait_indirect_dma semaphore(%arg15 : memref<!tpu.dma_semaphore, #tpu.memory_space<semaphore_mem>>) src(%dma_wait3A_101 : memref<10000x128xf32, #tpu.memory_space<hbm>>) dst(%arg10 : memref<64x128xf32, #tpu.memory_space<vmem>>)
    %run_scoped3A_102 = arith.constant 77 : i32
    "tpu.region"() ({
      %run_scoped3A_120 = tpu.sem_alloc : memref<!tpu.dma_semaphore, #tpu.memory_space<semaphore_mem>>
      %dma_start3A_121 = arith.constant 0 : i32
      %dma_start3A_122 = tpu.memref_slice %arg8[%run_scoped3A_102, %dma_start3A_121] : memref<80x64xi32, #tpu.memory_space<vmem>> -> memref<1x64xi32, #tpu.memory_space<vmem>>
      %dma_start3A_123 = tpu.memref_squeeze %dma_start3A_122 : memref<1x64xi32, #tpu.memory_space<vmem>> -> memref<64xi32, #tpu.memory_space<vmem>>
      %dma_start3A_124 = arith.constant 0 : i32
      %dma_start3A_125 = arith.constant 0 : i32
      %dma_start3A_126 = tpu.memref_slice %arg13[%dma_start3A_124, %dma_start3A_125] : memref<10112x128xf32, #tpu.memory_space<vmem_shared>> -> memref<10112x128xf32, #tpu.memory_space<vmem_shared>>
      tpu.enqueue_indirect_dma source(%arg10 : memref<64x128xf32, #tpu.memory_space<vmem>>) target(%dma_start3A_126 : memref<10112x128xf32, #tpu.memory_space<vmem_shared>>) offsets(%dma_start3A_123 : memref<64xi32, #tpu.memory_space<vmem>>) semaphore(%run_scoped3A_120 : memref<!tpu.dma_semaphore, #tpu.memory_space<semaphore_mem>>) {add = true}
      %dma_wait3A_127 = arith.constant 0 : i32
      %dma_wait3A_128 = tpu.memref_slice %arg8[%run_scoped3A_102, %dma_wait3A_127] : memref<80x64xi32, #tpu.memory_space<vmem>> -> memref<1x64xi32, #tpu.memory_space<vmem>>
      %dma_wait3A_129 = tpu.memref_squeeze %dma_wait3A_128 : memref<1x64xi32, #tpu.memory_space<vmem>> -> memref<64xi32, #tpu.memory_space<vmem>>
      %dma_wait3A_130 = arith.constant 0 : i32
      %dma_wait3A_131 = arith.constant 0 : i32
      %dma_wait3A_132 = tpu.memref_slice %arg13[%dma_wait3A_130, %dma_wait3A_131] : memref<10112x128xf32, #tpu.memory_space<vmem_shared>> -> memref<10112x128xf32, #tpu.memory_space<vmem_shared>>
      tpu.wait_indirect_dma semaphore(%run_scoped3A_120 : memref<!tpu.dma_semaphore, #tpu.memory_space<semaphore_mem>>) src(%arg10 : memref<64x128xf32, #tpu.memory_space<vmem>>) dst(%dma_wait3A_132 : memref<10112x128xf32, #tpu.memory_space<vmem_shared>>)
      tpu.yield
    }) : () -> ()
    %dma_wait3A_103 = arith.constant 4992 : i32
    %dma_wait3A_104 = tpu.memref_slice %arg7[%dma_wait3A_103] : memref<5120xi32, #tpu.memory_space<vmem>> -> memref<64xi32, #tpu.memory_space<vmem>>
    %dma_wait3A_105 = arith.constant 0 : i32
    %dma_wait3A_106 = arith.constant 0 : i32
    %dma_wait3A_107 = tpu.memref_slice %arg2[%dma_wait3A_105, %dma_wait3A_106] : memref<10000x128xf32, #tpu.memory_space<hbm>> -> memref<10000x128xf32, #tpu.memory_space<hbm>>
    tpu.wait_indirect_dma semaphore(%arg16 : memref<!tpu.dma_semaphore, #tpu.memory_space<semaphore_mem>>) src(%dma_wait3A_107 : memref<10000x128xf32, #tpu.memory_space<hbm>>) dst(%arg11 : memref<64x128xf32, #tpu.memory_space<vmem>>)
    %run_scoped3A_108 = arith.constant 78 : i32
    "tpu.region"() ({
      %run_scoped3A_120 = tpu.sem_alloc : memref<!tpu.dma_semaphore, #tpu.memory_space<semaphore_mem>>
      %dma_start3A_121 = arith.constant 0 : i32
      %dma_start3A_122 = tpu.memref_slice %arg8[%run_scoped3A_108, %dma_start3A_121] : memref<80x64xi32, #tpu.memory_space<vmem>> -> memref<1x64xi32, #tpu.memory_space<vmem>>
      %dma_start3A_123 = tpu.memref_squeeze %dma_start3A_122 : memref<1x64xi32, #tpu.memory_space<vmem>> -> memref<64xi32, #tpu.memory_space<vmem>>
      %dma_start3A_124 = arith.constant 0 : i32
      %dma_start3A_125 = arith.constant 0 : i32
      %dma_start3A_126 = tpu.memref_slice %arg13[%dma_start3A_124, %dma_start3A_125] : memref<10112x128xf32, #tpu.memory_space<vmem_shared>> -> memref<10112x128xf32, #tpu.memory_space<vmem_shared>>
      tpu.enqueue_indirect_dma source(%arg11 : memref<64x128xf32, #tpu.memory_space<vmem>>) target(%dma_start3A_126 : memref<10112x128xf32, #tpu.memory_space<vmem_shared>>) offsets(%dma_start3A_123 : memref<64xi32, #tpu.memory_space<vmem>>) semaphore(%run_scoped3A_120 : memref<!tpu.dma_semaphore, #tpu.memory_space<semaphore_mem>>) {add = true}
      %dma_wait3A_127 = arith.constant 0 : i32
      %dma_wait3A_128 = tpu.memref_slice %arg8[%run_scoped3A_108, %dma_wait3A_127] : memref<80x64xi32, #tpu.memory_space<vmem>> -> memref<1x64xi32, #tpu.memory_space<vmem>>
      %dma_wait3A_129 = tpu.memref_squeeze %dma_wait3A_128 : memref<1x64xi32, #tpu.memory_space<vmem>> -> memref<64xi32, #tpu.memory_space<vmem>>
      %dma_wait3A_130 = arith.constant 0 : i32
      %dma_wait3A_131 = arith.constant 0 : i32
      %dma_wait3A_132 = tpu.memref_slice %arg13[%dma_wait3A_130, %dma_wait3A_131] : memref<10112x128xf32, #tpu.memory_space<vmem_shared>> -> memref<10112x128xf32, #tpu.memory_space<vmem_shared>>
      tpu.wait_indirect_dma semaphore(%run_scoped3A_120 : memref<!tpu.dma_semaphore, #tpu.memory_space<semaphore_mem>>) src(%arg11 : memref<64x128xf32, #tpu.memory_space<vmem>>) dst(%dma_wait3A_132 : memref<10112x128xf32, #tpu.memory_space<vmem_shared>>)
      tpu.yield
    }) : () -> ()
    %dma_wait3A_109 = arith.constant 5056 : i32
    %dma_wait3A_110 = tpu.memref_slice %arg7[%dma_wait3A_109] : memref<5120xi32, #tpu.memory_space<vmem>> -> memref<64xi32, #tpu.memory_space<vmem>>
    %dma_wait3A_111 = arith.constant 0 : i32
    %dma_wait3A_112 = arith.constant 0 : i32
    %dma_wait3A_113 = tpu.memref_slice %arg2[%dma_wait3A_111, %dma_wait3A_112] : memref<10000x128xf32, #tpu.memory_space<hbm>> -> memref<10000x128xf32, #tpu.memory_space<hbm>>
    tpu.wait_indirect_dma semaphore(%arg17 : memref<!tpu.dma_semaphore, #tpu.memory_space<semaphore_mem>>) src(%dma_wait3A_113 : memref<10000x128xf32, #tpu.memory_space<hbm>>) dst(%arg12 : memref<64x128xf32, #tpu.memory_space<vmem>>)
    %run_scoped3A_114 = arith.constant 79 : i32
    "tpu.region"() ({
      %run_scoped3A_120 = tpu.sem_alloc : memref<!tpu.dma_semaphore, #tpu.memory_space<semaphore_mem>>
      %dma_start3A_121 = arith.constant 0 : i32
      %dma_start3A_122 = tpu.memref_slice %arg8[%run_scoped3A_114, %dma_start3A_121] : memref<80x64xi32, #tpu.memory_space<vmem>> -> memref<1x64xi32, #tpu.memory_space<vmem>>
      %dma_start3A_123 = tpu.memref_squeeze %dma_start3A_122 : memref<1x64xi32, #tpu.memory_space<vmem>> -> memref<64xi32, #tpu.memory_space<vmem>>
      %dma_start3A_124 = arith.constant 0 : i32
      %dma_start3A_125 = arith.constant 0 : i32
      %dma_start3A_126 = tpu.memref_slice %arg13[%dma_start3A_124, %dma_start3A_125] : memref<10112x128xf32, #tpu.memory_space<vmem_shared>> -> memref<10112x128xf32, #tpu.memory_space<vmem_shared>>
      tpu.enqueue_indirect_dma source(%arg12 : memref<64x128xf32, #tpu.memory_space<vmem>>) target(%dma_start3A_126 : memref<10112x128xf32, #tpu.memory_space<vmem_shared>>) offsets(%dma_start3A_123 : memref<64xi32, #tpu.memory_space<vmem>>) semaphore(%run_scoped3A_120 : memref<!tpu.dma_semaphore, #tpu.memory_space<semaphore_mem>>) {add = true}
      %dma_wait3A_127 = arith.constant 0 : i32
      %dma_wait3A_128 = tpu.memref_slice %arg8[%run_scoped3A_114, %dma_wait3A_127] : memref<80x64xi32, #tpu.memory_space<vmem>> -> memref<1x64xi32, #tpu.memory_space<vmem>>
      %dma_wait3A_129 = tpu.memref_squeeze %dma_wait3A_128 : memref<1x64xi32, #tpu.memory_space<vmem>> -> memref<64xi32, #tpu.memory_space<vmem>>
      %dma_wait3A_130 = arith.constant 0 : i32
      %dma_wait3A_131 = arith.constant 0 : i32
      %dma_wait3A_132 = tpu.memref_slice %arg13[%dma_wait3A_130, %dma_wait3A_131] : memref<10112x128xf32, #tpu.memory_space<vmem_shared>> -> memref<10112x128xf32, #tpu.memory_space<vmem_shared>>
      tpu.wait_indirect_dma semaphore(%run_scoped3A_120 : memref<!tpu.dma_semaphore, #tpu.memory_space<semaphore_mem>>) src(%arg12 : memref<64x128xf32, #tpu.memory_space<vmem>>) dst(%dma_wait3A_132 : memref<10112x128xf32, #tpu.memory_space<vmem_shared>>)
      tpu.yield
    }) : () -> ()
    %barrier3A_115 = arith.constant 0 : index
    tpu.barrier barrier_id(%barrier3A_115)
    %mul3A_116 = arith.constant 632 : i32
    %mul3A_117 = arith.muli %arg1, %mul3A_116 : i32
    %mul3A_118 = arith.constant 632 : i32
    %mul3A_119 = arith.muli %arg1, %mul3A_118 : i32
    "tpu.region"() ({
      %run_scoped3A_120 = tpu.sem_alloc : memref<!tpu.dma_semaphore, #tpu.memory_space<semaphore_mem>>
      %dma_start3A_121 = arith.constant 0 : i32
      %dma_start3A_122 = tpu.memref_slice %arg6[%arg0, %mul3A_119, %dma_start3A_121] : memref<2x10112x128xf32, #tpu.memory_space<hbm>> -> memref<1x632x128xf32, #tpu.memory_space<hbm>>
      %dma_start3A_123 = tpu.memref_squeeze %dma_start3A_122 : memref<1x632x128xf32, #tpu.memory_space<hbm>> -> memref<632x128xf32, #tpu.memory_space<hbm>>
      %dma_start3A_124 = arith.constant 0 : i32
      %dma_start3A_125 = tpu.memref_slice %arg13[%mul3A_117, %dma_start3A_124] : memref<10112x128xf32, #tpu.memory_space<vmem_shared>> -> memref<632x128xf32, #tpu.memory_space<vmem_shared>>
      tpu.enqueue_dma source(%dma_start3A_125 : memref<632x128xf32, #tpu.memory_space<vmem_shared>>) target(%dma_start3A_123 : memref<632x128xf32, #tpu.memory_space<hbm>>) target_semaphore(%run_scoped3A_120 : memref<!tpu.dma_semaphore, #tpu.memory_space<semaphore_mem>>)
      %dma_wait3A_126 = arith.constant 0 : i32
      %dma_wait3A_127 = tpu.memref_slice %arg6[%arg0, %mul3A_119, %dma_wait3A_126] : memref<2x10112x128xf32, #tpu.memory_space<hbm>> -> memref<1x632x128xf32, #tpu.memory_space<hbm>>
      %dma_wait3A_128 = tpu.memref_squeeze %dma_wait3A_127 : memref<1x632x128xf32, #tpu.memory_space<hbm>> -> memref<632x128xf32, #tpu.memory_space<hbm>>
      %dma_wait3A_129 = arith.constant 0 : i32
      %dma_wait3A_130 = tpu.memref_slice %arg13[%mul3A_117, %dma_wait3A_129] : memref<10112x128xf32, #tpu.memory_space<vmem_shared>> -> memref<632x128xf32, #tpu.memory_space<vmem_shared>>
      tpu.wait_dma2 semaphore(%run_scoped3A_120 : memref<!tpu.dma_semaphore, #tpu.memory_space<semaphore_mem>>) src(%dma_wait3A_130 : memref<632x128xf32, #tpu.memory_space<vmem_shared>>) dst(%dma_wait3A_128 : memref<632x128xf32, #tpu.memory_space<hbm>>)
      tpu.yield
    }) : () -> ()
    return
  }
}

#map = affine_map<(d0, d1) -> (0)>
#map1 = affine_map<(d0, d1) -> (0, 0)>
module attributes {stable_mosaic.version = 14 : i64} {
  func.func @_sc_deg(%arg0: i32, %arg1: i32, %arg2: memref<327680xi32, #tpu.memory_space<hbm>>, %arg3: memref<32x10112xf32, #tpu.memory_space<hbm>>, %arg4: memref<10240xi32, #tpu.memory_space<vmem>>, %arg5: memref<10112xf32, #tpu.memory_space<vmem>>) attributes {dimension_semantics = [#tpu.dimension_semantics<core_parallel>, #tpu.dimension_semantics<subcore_parallel>], iteration_bounds = array<i64: 2, 16>, scalar_prefetch = 0 : i64, scratch_operands = 2 : i64, tpu.core_type = #tpu.core_type<sc_vector_subcore>, window_params = [{transform_indices = #map}, {transform_indices = #map1}]} {
    %mul3A = arith.constant 16 : i32
    %mul3A_0 = arith.muli %arg0, %mul3A : i32
    %add3A = arith.addi %mul3A_0, %arg1 : i32
    %scan3A = arith.constant 0 : i32
    %scan3A_1 = arith.constant 0 : i32
    %scan3A_2 = arith.constant 632 : i32
    %scan3A_3 = arith.addi %scan3A_1, %scan3A_2 : i32
    %scan3A_4 = arith.constant 1 : i32
    scf.for %scan3A_15 = %scan3A_1 to %scan3A_3 step %scan3A_4  : i32 {
      %broadcast_in_dim3A_16 = arith.constant 0.000000e+00 : f32
      %broadcast_in_dim3A_17 = vector.broadcast %broadcast_in_dim3A_16 : f32 to vector<16xf32>
      %mul3A_18 = arith.constant 16 : i32
      %mul3A_19 = arith.muli %scan3A_15, %mul3A_18 : i32
      %swap3A = arith.index_cast %mul3A_19 : i32 to index
      %swap3A_20 = tpu.vector_load %arg5[%swap3A] {strides = array<i32>} : memref<10112xf32, #tpu.memory_space<vmem>>, vector<16xf32>,
      tpu.vector_store %arg5[%swap3A], %broadcast_in_dim3A_17 {strides = array<i32>} : memref<10112xf32, #tpu.memory_space<vmem>>, vector<16xf32>,
    }
    %scan3A_5 = arith.constant 632 : i32
    %mul3A_6 = arith.constant 10240 : i32
    %mul3A_7 = arith.muli %add3A, %mul3A_6 : i32
    "tpu.region"() ({
      %run_scoped3A = tpu.sem_alloc : memref<!tpu.dma_semaphore, #tpu.memory_space<semaphore_mem>>
      %dma_start3A = tpu.memref_slice %arg2[%mul3A_7] : memref<327680xi32, #tpu.memory_space<hbm>> -> memref<10240xi32, #tpu.memory_space<hbm>>
      %dma_start3A_15 = tpu.memref_slice %arg2[%mul3A_7] : memref<327680xi32, #tpu.memory_space<hbm>> -> memref<10240xi32, #tpu.memory_space<hbm>>
      tpu.enqueue_dma source(%dma_start3A_15 : memref<10240xi32, #tpu.memory_space<hbm>>) target(%arg4 : memref<10240xi32, #tpu.memory_space<vmem>>) target_semaphore(%run_scoped3A : memref<!tpu.dma_semaphore, #tpu.memory_space<semaphore_mem>>)
      %dma_wait3A = tpu.memref_slice %arg2[%mul3A_7] : memref<327680xi32, #tpu.memory_space<hbm>> -> memref<10240xi32, #tpu.memory_space<hbm>>
      %dma_wait3A_16 = tpu.memref_slice %arg2[%mul3A_7] : memref<327680xi32, #tpu.memory_space<hbm>> -> memref<10240xi32, #tpu.memory_space<hbm>>
      tpu.wait_dma2 semaphore(%run_scoped3A : memref<!tpu.dma_semaphore, #tpu.memory_space<semaphore_mem>>) src(%dma_wait3A_16 : memref<10240xi32, #tpu.memory_space<hbm>>) dst(%arg4 : memref<10240xi32, #tpu.memory_space<vmem>>)
      tpu.yield
    }) : () -> ()
    %broadcast_in_dim3A = arith.constant 1.000000e+00 : f32
    %broadcast_in_dim3A_8 = vector.broadcast %broadcast_in_dim3A : f32 to vector<16xf32>
    %scan3A_9 = arith.constant 0 : i32
    %scan3A_10 = arith.constant 0 : i32
    %scan3A_11 = arith.constant 640 : i32
    %scan3A_12 = arith.addi %scan3A_10, %scan3A_11 : i32
    %scan3A_13 = arith.constant 1 : i32
    scf.for %scan3A_15 = %scan3A_10 to %scan3A_12 step %scan3A_13  : i32 {
      %mul3A_16 = arith.constant 16 : i32
      %mul3A_17 = arith.muli %scan3A_15, %mul3A_16 : i32
      %get3A = arith.index_cast %mul3A_17 : i32 to index
      %get3A_18 = tpu.vector_load %arg4[%get3A] {strides = array<i32>} : memref<10240xi32, #tpu.memory_space<vmem>>, vector<16xi32>,
      tpu.vector_store_idx %arg5[%get3A_18], %broadcast_in_dim3A_8 {add = true} : memref<10112xf32, #tpu.memory_space<vmem>>[vector<16xi32>], vector<16xf32>,
    }
    %scan3A_14 = arith.constant 640 : i32
    "tpu.region"() ({
      %run_scoped3A = tpu.sem_alloc : memref<!tpu.dma_semaphore, #tpu.memory_space<semaphore_mem>>
      %dma_start3A = arith.constant 0 : i32
      %dma_start3A_15 = tpu.memref_slice %arg3[%add3A, %dma_start3A] : memref<32x10112xf32, #tpu.memory_space<hbm>> -> memref<1x10112xf32, #tpu.memory_space<hbm>>
      %dma_start3A_16 = tpu.memref_squeeze %dma_start3A_15 : memref<1x10112xf32, #tpu.memory_space<hbm>> -> memref<10112xf32, #tpu.memory_space<hbm>>
      %dma_start3A_17 = arith.constant 0 : i32
      %dma_start3A_18 = tpu.memref_slice %arg3[%add3A, %dma_start3A_17] : memref<32x10112xf32, #tpu.memory_space<hbm>> -> memref<1x10112xf32, #tpu.memory_space<hbm>>
      %dma_start3A_19 = tpu.memref_squeeze %dma_start3A_18 : memref<1x10112xf32, #tpu.memory_space<hbm>> -> memref<10112xf32, #tpu.memory_space<hbm>>
      tpu.enqueue_dma source(%arg5 : memref<10112xf32, #tpu.memory_space<vmem>>) target(%dma_start3A_19 : memref<10112xf32, #tpu.memory_space<hbm>>) target_semaphore(%run_scoped3A : memref<!tpu.dma_semaphore, #tpu.memory_space<semaphore_mem>>)
      %dma_wait3A = arith.constant 0 : i32
      %dma_wait3A_20 = tpu.memref_slice %arg3[%add3A, %dma_wait3A] : memref<32x10112xf32, #tpu.memory_space<hbm>> -> memref<1x10112xf32, #tpu.memory_space<hbm>>
      %dma_wait3A_21 = tpu.memref_squeeze %dma_wait3A_20 : memref<1x10112xf32, #tpu.memory_space<hbm>> -> memref<10112xf32, #tpu.memory_space<hbm>>
      %dma_wait3A_22 = arith.constant 0 : i32
      %dma_wait3A_23 = tpu.memref_slice %arg3[%add3A, %dma_wait3A_22] : memref<32x10112xf32, #tpu.memory_space<hbm>> -> memref<1x10112xf32, #tpu.memory_space<hbm>>
      %dma_wait3A_24 = tpu.memref_squeeze %dma_wait3A_23 : memref<1x10112xf32, #tpu.memory_space<hbm>> -> memref<10112xf32, #tpu.memory_space<hbm>>
      tpu.wait_dma2 semaphore(%run_scoped3A : memref<!tpu.dma_semaphore, #tpu.memory_space<semaphore_mem>>) src(%arg5 : memref<10112xf32, #tpu.memory_space<vmem>>) dst(%dma_wait3A_24 : memref<10112xf32, #tpu.memory_space<hbm>>)
      tpu.yield
    }) : () -> ()
    return
  }
}

#map = affine_map<(d0, d1) -> (0, 0)>
#map1 = affine_map<(d0, d1) -> (0)>
#map2 = affine_map<(d0, d1) -> (0, 0, 0)>
module attributes {stable_mosaic.version = 14 : i64} {
  func.func @_sc_scatter(%arg0: i32, %arg1: i32, %arg2: memref<10000x128xf32, #tpu.memory_space<hbm>>, %arg3: memref<327680xi32, #tpu.memory_space<hbm>>, %arg4: memref<5120x64xi32, #tpu.memory_space<hbm>>, %arg5: memref<632x128xf32, #tpu.memory_space<hbm>>, %arg6: memref<2x10112x128xf32, #tpu.memory_space<hbm>>, %arg7: memref<5120xi32, #tpu.memory_space<vmem>>, %arg8: memref<80x64xi32, #tpu.memory_space<vmem>>, %arg9: memref<64x128xf32, #tpu.memory_space<vmem>>, %arg10: memref<64x128xf32, #tpu.memory_space<vmem>>, %arg11: memref<64x128xf32, #tpu.memory_space<vmem>>, %arg12: memref<64x128xf32, #tpu.memory_space<vmem>>, %arg13: memref<10112x128xf32, #tpu.memory_space<vmem_shared>>, %arg14: memref<!tpu.dma_semaphore, #tpu.memory_space<semaphore_mem>>, %arg15: memref<!tpu.dma_semaphore, #tpu.memory_space<semaphore_mem>>, %arg16: memref<!tpu.dma_semaphore, #tpu.memory_space<semaphore_mem>>, %arg17: memref<!tpu.dma_semaphore, #tpu.memory_space<semaphore_mem>>) attributes {dimension_semantics = [#tpu.dimension_semantics<core_parallel>, #tpu.dimension_semantics<subcore_parallel>], iteration_bounds = array<i64: 2, 16>, scalar_prefetch = 0 : i64, scratch_operands = 11 : i64, tpu.core_type = #tpu.core_type<sc_vector_subcore>, window_params = [{transform_indices = #map}, {transform_indices = #map1}, {transform_indices = #map}, {transform_indices = #map}, {transform_indices = #map2}]} {
    %mul3A = arith.constant 16 : i32
    %mul3A_0 = arith.muli %arg0, %mul3A : i32
    %add3A = arith.addi %mul3A_0, %arg1 : i32
    %mul3A_1 = arith.constant 632 : i32
    %mul3A_2 = arith.muli %arg1, %mul3A_1 : i32
    "tpu.region"() ({
      %run_scoped3A_120 = tpu.sem_alloc : memref<!tpu.dma_semaphore, #tpu.memory_space<semaphore_mem>>
      %dma_start3A_121 = arith.constant 0 : i32
      %dma_start3A_122 = tpu.memref_slice %arg13[%mul3A_2, %dma_start3A_121] : memref<10112x128xf32, #tpu.memory_space<vmem_shared>> -> memref<632x128xf32, #tpu.memory_space<vmem_shared>>
      tpu.enqueue_dma source(%arg5 : memref<632x128xf32, #tpu.memory_space<hbm>>) target(%dma_start3A_122 : memref<632x128xf32, #tpu.memory_space<vmem_shared>>) target_semaphore(%run_scoped3A_120 : memref<!tpu.dma_semaphore, #tpu.memory_space<semaphore_mem>>)
      %dma_wait3A_123 = arith.constant 0 : i32
      %dma_wait3A_124 = tpu.memref_slice %arg13[%mul3A_2, %dma_wait3A_123] : memref<10112x128xf32, #tpu.memory_space<vmem_shared>> -> memref<632x128xf32, #tpu.memory_space<vmem_shared>>
      tpu.wait_dma2 semaphore(%run_scoped3A_120 : memref<!tpu.dma_semaphore, #tpu.memory_space<semaphore_mem>>) src(%arg5 : memref<632x128xf32, #tpu.memory_space<hbm>>) dst(%dma_wait3A_124 : memref<632x128xf32, #tpu.memory_space<vmem_shared>>)
      tpu.yield
    }) : () -> ()
    %barrier3A = arith.constant 0 : index
    tpu.barrier barrier_id(%barrier3A)
    %mul3A_3 = arith.constant 10240 : i32
    %mul3A_4 = arith.muli %add3A, %mul3A_3 : i32
    %add3A_5 = arith.constant 0 : i32
    %add3A_6 = arith.addi %mul3A_4, %add3A_5 : i32
    %mul3A_7 = arith.constant 160 : i32
    %mul3A_8 = arith.muli %add3A, %mul3A_7 : i32
    %add3A_9 = arith.constant 0 : i32
    %add3A_10 = arith.addi %mul3A_8, %add3A_9 : i32
    "tpu.region"() ({
      %run_scoped3A_120 = tpu.sem_alloc : memref<!tpu.dma_semaphore, #tpu.memory_space<semaphore_mem>>
      %dma_start3A_121 = tpu.memref_slice %arg3[%add3A_6] : memref<327680xi32, #tpu.memory_space<hbm>> -> memref<5120xi32, #tpu.memory_space<hbm>>
      %dma_start3A_122 = tpu.memref_slice %arg3[%add3A_6] : memref<327680xi32, #tpu.memory_space<hbm>> -> memref<5120xi32, #tpu.memory_space<hbm>>
      tpu.enqueue_dma source(%dma_start3A_122 : memref<5120xi32, #tpu.memory_space<hbm>>) target(%arg7 : memref<5120xi32, #tpu.memory_space<vmem>>) target_semaphore(%run_scoped3A_120 : memref<!tpu.dma_semaphore, #tpu.memory_space<semaphore_mem>>)
      %dma_wait3A_123 = tpu.memref_slice %arg3[%add3A_6] : memref<327680xi32, #tpu.memory_space<hbm>> -> memref<5120xi32, #tpu.memory_space<hbm>>
      %dma_wait3A_124 = tpu.memref_slice %arg3[%add3A_6] : memref<327680xi32, #tpu.memory_space<hbm>> -> memref<5120xi32, #tpu.memory_space<hbm>>
      tpu.wait_dma2 semaphore(%run_scoped3A_120 : memref<!tpu.dma_semaphore, #tpu.memory_space<semaphore_mem>>) src(%dma_wait3A_124 : memref<5120xi32, #tpu.memory_space<hbm>>) dst(%arg7 : memref<5120xi32, #tpu.memory_space<vmem>>)
      tpu.yield
    }) : () -> ()
    "tpu.region"() ({
      %run_scoped3A_120 = tpu.sem_alloc : memref<!tpu.dma_semaphore, #tpu.memory_space<semaphore_mem>>
      %dma_start3A_121 = arith.constant 0 : i32
      %dma_start3A_122 = tpu.memref_slice %arg4[%add3A_10, %dma_start3A_121] : memref<5120x64xi32, #tpu.memory_space<hbm>> -> memref<80x64xi32, #tpu.memory_space<hbm>>
      %dma_start3A_123 = arith.constant 0 : i32
      %dma_start3A_124 = tpu.memref_slice %arg4[%add3A_10, %dma_start3A_123] : memref<5120x64xi32, #tpu.memory_space<hbm>> -> memref<80x64xi32, #tpu.memory_space<hbm>>
      tpu.enqueue_dma source(%dma_start3A_124 : memref<80x64xi32, #tpu.memory_space<hbm>>) target(%arg8 : memref<80x64xi32, #tpu.memory_space<vmem>>) target_semaphore(%run_scoped3A_120 : memref<!tpu.dma_semaphore, #tpu.memory_space<semaphore_mem>>)
      %dma_wait3A_125 = arith.constant 0 : i32
      %dma_wait3A_126 = tpu.memref_slice %arg4[%add3A_10, %dma_wait3A_125] : memref<5120x64xi32, #tpu.memory_space<hbm>> -> memref<80x64xi32, #tpu.memory_space<hbm>>
      %dma_wait3A_127 = arith.constant 0 : i32
      %dma_wait3A_128 = tpu.memref_slice %arg4[%add3A_10, %dma_wait3A_127] : memref<5120x64xi32, #tpu.memory_space<hbm>> -> memref<80x64xi32, #tpu.memory_space<hbm>>
      tpu.wait_dma2 semaphore(%run_scoped3A_120 : memref<!tpu.dma_semaphore, #tpu.memory_space<semaphore_mem>>) src(%dma_wait3A_128 : memref<80x64xi32, #tpu.memory_space<hbm>>) dst(%arg8 : memref<80x64xi32, #tpu.memory_space<vmem>>)
      tpu.yield
    }) : () -> ()
    %dma_start3A = arith.constant 0 : i32
    %dma_start3A_11 = tpu.memref_slice %arg7[%dma_start3A] : memref<5120xi32, #tpu.memory_space<vmem>> -> memref<64xi32, #tpu.memory_space<vmem>>
    %dma_start3A_12 = arith.constant 0 : i32
    %dma_start3A_13 = arith.constant 0 : i32
    %dma_start3A_14 = tpu.memref_slice %arg2[%dma_start3A_12, %dma_start3A_13] : memref<10000x128xf32, #tpu.memory_space<hbm>> -> memref<10000x128xf32, #tpu.memory_space<hbm>>
    tpu.enqueue_indirect_dma source(%dma_start3A_14 : memref<10000x128xf32, #tpu.memory_space<hbm>>) target(%arg9 : memref<64x128xf32, #tpu.memory_space<vmem>>) offsets(%dma_start3A_11 : memref<64xi32, #tpu.memory_space<vmem>>) semaphore(%arg14 : memref<!tpu.dma_semaphore, #tpu.memory_space<semaphore_mem>>)
    %dma_start3A_15 = arith.constant 64 : i32
    %dma_start3A_16 = tpu.memref_slice %arg7[%dma_start3A_15] : memref<5120xi32, #tpu.memory_space<vmem>> -> memref<64xi32, #tpu.memory_space<vmem>>
    %dma_start3A_17 = arith.constant 0 : i32
    %dma_start3A_18 = arith.constant 0 : i32
    %dma_start3A_19 = tpu.memref_slice %arg2[%dma_start3A_17, %dma_start3A_18] : memref<10000x128xf32, #tpu.memory_space<hbm>> -> memref<10000x128xf32, #tpu.memory_space<hbm>>
    tpu.enqueue_indirect_dma source(%dma_start3A_19 : memref<10000x128xf32, #tpu.memory_space<hbm>>) target(%arg10 : memref<64x128xf32, #tpu.memory_space<vmem>>) offsets(%dma_start3A_16 : memref<64xi32, #tpu.memory_space<vmem>>) semaphore(%arg15 : memref<!tpu.dma_semaphore, #tpu.memory_space<semaphore_mem>>)
    %dma_start3A_20 = arith.constant 128 : i32
    %dma_start3A_21 = tpu.memref_slice %arg7[%dma_start3A_20] : memref<5120xi32, #tpu.memory_space<vmem>> -> memref<64xi32, #tpu.memory_space<vmem>>
    %dma_start3A_22 = arith.constant 0 : i32
    %dma_start3A_23 = arith.constant 0 : i32
    %dma_start3A_24 = tpu.memref_slice %arg2[%dma_start3A_22, %dma_start3A_23] : memref<10000x128xf32, #tpu.memory_space<hbm>> -> memref<10000x128xf32, #tpu.memory_space<hbm>>
    tpu.enqueue_indirect_dma source(%dma_start3A_24 : memref<10000x128xf32, #tpu.memory_space<hbm>>) target(%arg11 : memref<64x128xf32, #tpu.memory_space<vmem>>) offsets(%dma_start3A_21 : memref<64xi32, #tpu.memory_space<vmem>>) semaphore(%arg16 : memref<!tpu.dma_semaphore, #tpu.memory_space<semaphore_mem>>)
    %dma_start3A_25 = arith.constant 192 : i32
    %dma_start3A_26 = tpu.memref_slice %arg7[%dma_start3A_25] : memref<5120xi32, #tpu.memory_space<vmem>> -> memref<64xi32, #tpu.memory_space<vmem>>
    %dma_start3A_27 = arith.constant 0 : i32
    %dma_start3A_28 = arith.constant 0 : i32
    %dma_start3A_29 = tpu.memref_slice %arg2[%dma_start3A_27, %dma_start3A_28] : memref<10000x128xf32, #tpu.memory_space<hbm>> -> memref<10000x128xf32, #tpu.memory_space<hbm>>
    tpu.enqueue_indirect_dma source(%dma_start3A_29 : memref<10000x128xf32, #tpu.memory_space<hbm>>) target(%arg12 : memref<64x128xf32, #tpu.memory_space<vmem>>) offsets(%dma_start3A_26 : memref<64xi32, #tpu.memory_space<vmem>>) semaphore(%arg17 : memref<!tpu.dma_semaphore, #tpu.memory_space<semaphore_mem>>)
    %scan3A = arith.constant 0 : i32
    %scan3A_30 = arith.constant 0 : i32
    %scan3A_31 = arith.constant 19 : i32
    %scan3A_32 = arith.addi %scan3A_30, %scan3A_31 : i32
    %scan3A_33 = arith.constant 1 : i32
    scf.for %scan3A_120 = %scan3A_30 to %scan3A_32 step %scan3A_33  : i32 {
      %mul3A_121 = arith.constant 4 : i32
      %mul3A_122 = arith.muli %mul3A_121, %scan3A_120 : i32
      %add3A_123 = arith.constant 0 : i32
      %add3A_124 = arith.addi %mul3A_122, %add3A_123 : i32
      %mul3A_125 = arith.constant 64 : i32
      %mul3A_126 = arith.muli %add3A_124, %mul3A_125 : i32
      %dma_wait3A_127 = tpu.memref_slice %arg7[%mul3A_126] : memref<5120xi32, #tpu.memory_space<vmem>> -> memref<64xi32, #tpu.memory_space<vmem>>
      %dma_wait3A_128 = arith.constant 0 : i32
      %dma_wait3A_129 = arith.constant 0 : i32
      %dma_wait3A_130 = tpu.memref_slice %arg2[%dma_wait3A_128, %dma_wait3A_129] : memref<10000x128xf32, #tpu.memory_space<hbm>> -> memref<10000x128xf32, #tpu.memory_space<hbm>>
      tpu.wait_indirect_dma semaphore(%arg14 : memref<!tpu.dma_semaphore, #tpu.memory_space<semaphore_mem>>) src(%dma_wait3A_130 : memref<10000x128xf32, #tpu.memory_space<hbm>>) dst(%arg9 : memref<64x128xf32, #tpu.memory_space<vmem>>)
      %add3A_131 = arith.constant 0 : i32
      %add3A_132 = arith.addi %mul3A_122, %add3A_131 : i32
      "tpu.region"() ({
        %run_scoped3A_203 = tpu.sem_alloc : memref<!tpu.dma_semaphore, #tpu.memory_space<semaphore_mem>>
        %dma_start3A_204 = arith.constant 0 : i32
        %dma_start3A_205 = tpu.memref_slice %arg8[%add3A_132, %dma_start3A_204] : memref<80x64xi32, #tpu.memory_space<vmem>> -> memref<1x64xi32, #tpu.memory_space<vmem>>
        %dma_start3A_206 = tpu.memref_squeeze %dma_start3A_205 : memref<1x64xi32, #tpu.memory_space<vmem>> -> memref<64xi32, #tpu.memory_space<vmem>>
        %dma_start3A_207 = arith.constant 0 : i32
        %dma_start3A_208 = arith.constant 0 : i32
        %dma_start3A_209 = tpu.memref_slice %arg13[%dma_start3A_207, %dma_start3A_208] : memref<10112x128xf32, #tpu.memory_space<vmem_shared>> -> memref<10112x128xf32, #tpu.memory_space<vmem_shared>>
        tpu.enqueue_indirect_dma source(%arg9 : memref<64x128xf32, #tpu.memory_space<vmem>>) target(%dma_start3A_209 : memref<10112x128xf32, #tpu.memory_space<vmem_shared>>) offsets(%dma_start3A_206 : memref<64xi32, #tpu.memory_space<vmem>>) semaphore(%run_scoped3A_203 : memref<!tpu.dma_semaphore, #tpu.memory_space<semaphore_mem>>) {add = true}
        %dma_wait3A_210 = arith.constant 0 : i32
        %dma_wait3A_211 = tpu.memref_slice %arg8[%add3A_132, %dma_wait3A_210] : memref<80x64xi32, #tpu.memory_space<vmem>> -> memref<1x64xi32, #tpu.memory_space<vmem>>
        %dma_wait3A_212 = tpu.memref_squeeze %dma_wait3A_211 : memref<1x64xi32, #tpu.memory_space<vmem>> -> memref<64xi32, #tpu.memory_space<vmem>>
        %dma_wait3A_213 = arith.constant 0 : i32
        %dma_wait3A_214 = arith.constant 0 : i32
        %dma_wait3A_215 = tpu.memref_slice %arg13[%dma_wait3A_213, %dma_wait3A_214] : memref<10112x128xf32, #tpu.memory_space<vmem_shared>> -> memref<10112x128xf32, #tpu.memory_space<vmem_shared>>
        tpu.wait_indirect_dma semaphore(%run_scoped3A_203 : memref<!tpu.dma_semaphore, #tpu.memory_space<semaphore_mem>>) src(%arg9 : memref<64x128xf32, #tpu.memory_space<vmem>>) dst(%dma_wait3A_215 : memref<10112x128xf32, #tpu.memory_space<vmem_shared>>)
        tpu.yield
      }) : () -> ()
      %add3A_133 = arith.constant 0 : i32
      %add3A_134 = arith.addi %mul3A_122, %add3A_133 : i32
      %add3A_135 = arith.constant 4 : i32
      %add3A_136 = arith.addi %add3A_134, %add3A_135 : i32
      %mul3A_137 = arith.constant 64 : i32
      %mul3A_138 = arith.muli %add3A_136, %mul3A_137 : i32
      %dma_start3A_139 = tpu.memref_slice %arg7[%mul3A_138] : memref<5120xi32, #tpu.memory_space<vmem>> -> memref<64xi32, #tpu.memory_space<vmem>>
      %dma_start3A_140 = arith.constant 0 : i32
      %dma_start3A_141 = arith.constant 0 : i32
      %dma_start3A_142 = tpu.memref_slice %arg2[%dma_start3A_140, %dma_start3A_141] : memref<10000x128xf32, #tpu.memory_space<hbm>> -> memref<10000x128xf32, #tpu.memory_space<hbm>>
      tpu.enqueue_indirect_dma source(%dma_start3A_142 : memref<10000x128xf32, #tpu.memory_space<hbm>>) target(%arg9 : memref<64x128xf32, #tpu.memory_space<vmem>>) offsets(%dma_start3A_139 : memref<64xi32, #tpu.memory_space<vmem>>) semaphore(%arg14 : memref<!tpu.dma_semaphore, #tpu.memory_space<semaphore_mem>>)
      %add3A_143 = arith.constant 1 : i32
      %add3A_144 = arith.addi %mul3A_122, %add3A_143 : i32
      %mul3A_145 = arith.constant 64 : i32
      %mul3A_146 = arith.muli %add3A_144, %mul3A_145 : i32
      %dma_wait3A_147 = tpu.memref_slice %arg7[%mul3A_146] : memref<5120xi32, #tpu.memory_space<vmem>> -> memref<64xi32, #tpu.memory_space<vmem>>
      %dma_wait3A_148 = arith.constant 0 : i32
      %dma_wait3A_149 = arith.constant 0 : i32
      %dma_wait3A_150 = tpu.memref_slice %arg2[%dma_wait3A_148, %dma_wait3A_149] : memref<10000x128xf32, #tpu.memory_space<hbm>> -> memref<10000x128xf32, #tpu.memory_space<hbm>>
      tpu.wait_indirect_dma semaphore(%arg15 : memref<!tpu.dma_semaphore, #tpu.memory_space<semaphore_mem>>) src(%dma_wait3A_150 : memref<10000x128xf32, #tpu.memory_space<hbm>>) dst(%arg10 : memref<64x128xf32, #tpu.memory_space<vmem>>)
      %add3A_151 = arith.constant 1 : i32
      %add3A_152 = arith.addi %mul3A_122, %add3A_151 : i32
      "tpu.region"() ({
        %run_scoped3A_203 = tpu.sem_alloc : memref<!tpu.dma_semaphore, #tpu.memory_space<semaphore_mem>>
        %dma_start3A_204 = arith.constant 0 : i32
        %dma_start3A_205 = tpu.memref_slice %arg8[%add3A_152, %dma_start3A_204] : memref<80x64xi32, #tpu.memory_space<vmem>> -> memref<1x64xi32, #tpu.memory_space<vmem>>
        %dma_start3A_206 = tpu.memref_squeeze %dma_start3A_205 : memref<1x64xi32, #tpu.memory_space<vmem>> -> memref<64xi32, #tpu.memory_space<vmem>>
        %dma_start3A_207 = arith.constant 0 : i32
        %dma_start3A_208 = arith.constant 0 : i32
        %dma_start3A_209 = tpu.memref_slice %arg13[%dma_start3A_207, %dma_start3A_208] : memref<10112x128xf32, #tpu.memory_space<vmem_shared>> -> memref<10112x128xf32, #tpu.memory_space<vmem_shared>>
        tpu.enqueue_indirect_dma source(%arg10 : memref<64x128xf32, #tpu.memory_space<vmem>>) target(%dma_start3A_209 : memref<10112x128xf32, #tpu.memory_space<vmem_shared>>) offsets(%dma_start3A_206 : memref<64xi32, #tpu.memory_space<vmem>>) semaphore(%run_scoped3A_203 : memref<!tpu.dma_semaphore, #tpu.memory_space<semaphore_mem>>) {add = true}
        %dma_wait3A_210 = arith.constant 0 : i32
        %dma_wait3A_211 = tpu.memref_slice %arg8[%add3A_152, %dma_wait3A_210] : memref<80x64xi32, #tpu.memory_space<vmem>> -> memref<1x64xi32, #tpu.memory_space<vmem>>
        %dma_wait3A_212 = tpu.memref_squeeze %dma_wait3A_211 : memref<1x64xi32, #tpu.memory_space<vmem>> -> memref<64xi32, #tpu.memory_space<vmem>>
        %dma_wait3A_213 = arith.constant 0 : i32
        %dma_wait3A_214 = arith.constant 0 : i32
        %dma_wait3A_215 = tpu.memref_slice %arg13[%dma_wait3A_213, %dma_wait3A_214] : memref<10112x128xf32, #tpu.memory_space<vmem_shared>> -> memref<10112x128xf32, #tpu.memory_space<vmem_shared>>
        tpu.wait_indirect_dma semaphore(%run_scoped3A_203 : memref<!tpu.dma_semaphore, #tpu.memory_space<semaphore_mem>>) src(%arg10 : memref<64x128xf32, #tpu.memory_space<vmem>>) dst(%dma_wait3A_215 : memref<10112x128xf32, #tpu.memory_space<vmem_shared>>)
        tpu.yield
      }) : () -> ()
      %add3A_153 = arith.constant 1 : i32
      %add3A_154 = arith.addi %mul3A_122, %add3A_153 : i32
      %add3A_155 = arith.constant 4 : i32
      %add3A_156 = arith.addi %add3A_154, %add3A_155 : i32
      %mul3A_157 = arith.constant 64 : i32
      %mul3A_158 = arith.muli %add3A_156, %mul3A_157 : i32
      %dma_start3A_159 = tpu.memref_slice %arg7[%mul3A_158] : memref<5120xi32, #tpu.memory_space<vmem>> -> memref<64xi32, #tpu.memory_space<vmem>>
      %dma_start3A_160 = arith.constant 0 : i32
      %dma_start3A_161 = arith.constant 0 : i32
      %dma_start3A_162 = tpu.memref_slice %arg2[%dma_start3A_160, %dma_start3A_161] : memref<10000x128xf32, #tpu.memory_space<hbm>> -> memref<10000x128xf32, #tpu.memory_space<hbm>>
      tpu.enqueue_indirect_dma source(%dma_start3A_162 : memref<10000x128xf32, #tpu.memory_space<hbm>>) target(%arg10 : memref<64x128xf32, #tpu.memory_space<vmem>>) offsets(%dma_start3A_159 : memref<64xi32, #tpu.memory_space<vmem>>) semaphore(%arg15 : memref<!tpu.dma_semaphore, #tpu.memory_space<semaphore_mem>>)
      %add3A_163 = arith.constant 2 : i32
      %add3A_164 = arith.addi %mul3A_122, %add3A_163 : i32
      %mul3A_165 = arith.constant 64 : i32
      %mul3A_166 = arith.muli %add3A_164, %mul3A_165 : i32
      %dma_wait3A_167 = tpu.memref_slice %arg7[%mul3A_166] : memref<5120xi32, #tpu.memory_space<vmem>> -> memref<64xi32, #tpu.memory_space<vmem>>
      %dma_wait3A_168 = arith.constant 0 : i32
      %dma_wait3A_169 = arith.constant 0 : i32
      %dma_wait3A_170 = tpu.memref_slice %arg2[%dma_wait3A_168, %dma_wait3A_169] : memref<10000x128xf32, #tpu.memory_space<hbm>> -> memref<10000x128xf32, #tpu.memory_space<hbm>>
      tpu.wait_indirect_dma semaphore(%arg16 : memref<!tpu.dma_semaphore, #tpu.memory_space<semaphore_mem>>) src(%dma_wait3A_170 : memref<10000x128xf32, #tpu.memory_space<hbm>>) dst(%arg11 : memref<64x128xf32, #tpu.memory_space<vmem>>)
      %add3A_171 = arith.constant 2 : i32
      %add3A_172 = arith.addi %mul3A_122, %add3A_171 : i32
      "tpu.region"() ({
        %run_scoped3A_203 = tpu.sem_alloc : memref<!tpu.dma_semaphore, #tpu.memory_space<semaphore_mem>>
        %dma_start3A_204 = arith.constant 0 : i32
        %dma_start3A_205 = tpu.memref_slice %arg8[%add3A_172, %dma_start3A_204] : memref<80x64xi32, #tpu.memory_space<vmem>> -> memref<1x64xi32, #tpu.memory_space<vmem>>
        %dma_start3A_206 = tpu.memref_squeeze %dma_start3A_205 : memref<1x64xi32, #tpu.memory_space<vmem>> -> memref<64xi32, #tpu.memory_space<vmem>>
        %dma_start3A_207 = arith.constant 0 : i32
        %dma_start3A_208 = arith.constant 0 : i32
        %dma_start3A_209 = tpu.memref_slice %arg13[%dma_start3A_207, %dma_start3A_208] : memref<10112x128xf32, #tpu.memory_space<vmem_shared>> -> memref<10112x128xf32, #tpu.memory_space<vmem_shared>>
        tpu.enqueue_indirect_dma source(%arg11 : memref<64x128xf32, #tpu.memory_space<vmem>>) target(%dma_start3A_209 : memref<10112x128xf32, #tpu.memory_space<vmem_shared>>) offsets(%dma_start3A_206 : memref<64xi32, #tpu.memory_space<vmem>>) semaphore(%run_scoped3A_203 : memref<!tpu.dma_semaphore, #tpu.memory_space<semaphore_mem>>) {add = true}
        %dma_wait3A_210 = arith.constant 0 : i32
        %dma_wait3A_211 = tpu.memref_slice %arg8[%add3A_172, %dma_wait3A_210] : memref<80x64xi32, #tpu.memory_space<vmem>> -> memref<1x64xi32, #tpu.memory_space<vmem>>
        %dma_wait3A_212 = tpu.memref_squeeze %dma_wait3A_211 : memref<1x64xi32, #tpu.memory_space<vmem>> -> memref<64xi32, #tpu.memory_space<vmem>>
        %dma_wait3A_213 = arith.constant 0 : i32
        %dma_wait3A_214 = arith.constant 0 : i32
        %dma_wait3A_215 = tpu.memref_slice %arg13[%dma_wait3A_213, %dma_wait3A_214] : memref<10112x128xf32, #tpu.memory_space<vmem_shared>> -> memref<10112x128xf32, #tpu.memory_space<vmem_shared>>
        tpu.wait_indirect_dma semaphore(%run_scoped3A_203 : memref<!tpu.dma_semaphore, #tpu.memory_space<semaphore_mem>>) src(%arg11 : memref<64x128xf32, #tpu.memory_space<vmem>>) dst(%dma_wait3A_215 : memref<10112x128xf32, #tpu.memory_space<vmem_shared>>)
        tpu.yield
      }) : () -> ()
      %add3A_173 = arith.constant 2 : i32
      %add3A_174 = arith.addi %mul3A_122, %add3A_173 : i32
      %add3A_175 = arith.constant 4 : i32
      %add3A_176 = arith.addi %add3A_174, %add3A_175 : i32
      %mul3A_177 = arith.constant 64 : i32
      %mul3A_178 = arith.muli %add3A_176, %mul3A_177 : i32
      %dma_start3A_179 = tpu.memref_slice %arg7[%mul3A_178] : memref<5120xi32, #tpu.memory_space<vmem>> -> memref<64xi32, #tpu.memory_space<vmem>>
      %dma_start3A_180 = arith.constant 0 : i32
      %dma_start3A_181 = arith.constant 0 : i32
      %dma_start3A_182 = tpu.memref_slice %arg2[%dma_start3A_180, %dma_start3A_181] : memref<10000x128xf32, #tpu.memory_space<hbm>> -> memref<10000x128xf32, #tpu.memory_space<hbm>>
      tpu.enqueue_indirect_dma source(%dma_start3A_182 : memref<10000x128xf32, #tpu.memory_space<hbm>>) target(%arg11 : memref<64x128xf32, #tpu.memory_space<vmem>>) offsets(%dma_start3A_179 : memref<64xi32, #tpu.memory_space<vmem>>) semaphore(%arg16 : memref<!tpu.dma_semaphore, #tpu.memory_space<semaphore_mem>>)
      %add3A_183 = arith.constant 3 : i32
      %add3A_184 = arith.addi %mul3A_122, %add3A_183 : i32
      %mul3A_185 = arith.constant 64 : i32
      %mul3A_186 = arith.muli %add3A_184, %mul3A_185 : i32
      %dma_wait3A_187 = tpu.memref_slice %arg7[%mul3A_186] : memref<5120xi32, #tpu.memory_space<vmem>> -> memref<64xi32, #tpu.memory_space<vmem>>
      %dma_wait3A_188 = arith.constant 0 : i32
      %dma_wait3A_189 = arith.constant 0 : i32
      %dma_wait3A_190 = tpu.memref_slice %arg2[%dma_wait3A_188, %dma_wait3A_189] : memref<10000x128xf32, #tpu.memory_space<hbm>> -> memref<10000x128xf32, #tpu.memory_space<hbm>>
      tpu.wait_indirect_dma semaphore(%arg17 : memref<!tpu.dma_semaphore, #tpu.memory_space<semaphore_mem>>) src(%dma_wait3A_190 : memref<10000x128xf32, #tpu.memory_space<hbm>>) dst(%arg12 : memref<64x128xf32, #tpu.memory_space<vmem>>)
      %add3A_191 = arith.constant 3 : i32
      %add3A_192 = arith.addi %mul3A_122, %add3A_191 : i32
      "tpu.region"() ({
        %run_scoped3A_203 = tpu.sem_alloc : memref<!tpu.dma_semaphore, #tpu.memory_space<semaphore_mem>>
        %dma_start3A_204 = arith.constant 0 : i32
        %dma_start3A_205 = tpu.memref_slice %arg8[%add3A_192, %dma_start3A_204] : memref<80x64xi32, #tpu.memory_space<vmem>> -> memref<1x64xi32, #tpu.memory_space<vmem>>
        %dma_start3A_206 = tpu.memref_squeeze %dma_start3A_205 : memref<1x64xi32, #tpu.memory_space<vmem>> -> memref<64xi32, #tpu.memory_space<vmem>>
        %dma_start3A_207 = arith.constant 0 : i32
        %dma_start3A_208 = arith.constant 0 : i32
        %dma_start3A_209 = tpu.memref_slice %arg13[%dma_start3A_207, %dma_start3A_208] : memref<10112x128xf32, #tpu.memory_space<vmem_shared>> -> memref<10112x128xf32, #tpu.memory_space<vmem_shared>>
        tpu.enqueue_indirect_dma source(%arg12 : memref<64x128xf32, #tpu.memory_space<vmem>>) target(%dma_start3A_209 : memref<10112x128xf32, #tpu.memory_space<vmem_shared>>) offsets(%dma_start3A_206 : memref<64xi32, #tpu.memory_space<vmem>>) semaphore(%run_scoped3A_203 : memref<!tpu.dma_semaphore, #tpu.memory_space<semaphore_mem>>) {add = true}
        %dma_wait3A_210 = arith.constant 0 : i32
        %dma_wait3A_211 = tpu.memref_slice %arg8[%add3A_192, %dma_wait3A_210] : memref<80x64xi32, #tpu.memory_space<vmem>> -> memref<1x64xi32, #tpu.memory_space<vmem>>
        %dma_wait3A_212 = tpu.memref_squeeze %dma_wait3A_211 : memref<1x64xi32, #tpu.memory_space<vmem>> -> memref<64xi32, #tpu.memory_space<vmem>>
        %dma_wait3A_213 = arith.constant 0 : i32
        %dma_wait3A_214 = arith.constant 0 : i32
        %dma_wait3A_215 = tpu.memref_slice %arg13[%dma_wait3A_213, %dma_wait3A_214] : memref<10112x128xf32, #tpu.memory_space<vmem_shared>> -> memref<10112x128xf32, #tpu.memory_space<vmem_shared>>
        tpu.wait_indirect_dma semaphore(%run_scoped3A_203 : memref<!tpu.dma_semaphore, #tpu.memory_space<semaphore_mem>>) src(%arg12 : memref<64x128xf32, #tpu.memory_space<vmem>>) dst(%dma_wait3A_215 : memref<10112x128xf32, #tpu.memory_space<vmem_shared>>)
        tpu.yield
      }) : () -> ()
      %add3A_193 = arith.constant 3 : i32
      %add3A_194 = arith.addi %mul3A_122, %add3A_193 : i32
      %add3A_195 = arith.constant 4 : i32
      %add3A_196 = arith.addi %add3A_194, %add3A_195 : i32
      %mul3A_197 = arith.constant 64 : i32
      %mul3A_198 = arith.muli %add3A_196, %mul3A_197 : i32
      %dma_start3A_199 = tpu.memref_slice %arg7[%mul3A_198] : memref<5120xi32, #tpu.memory_space<vmem>> -> memref<64xi32, #tpu.memory_space<vmem>>
      %dma_start3A_200 = arith.constant 0 : i32
      %dma_start3A_201 = arith.constant 0 : i32
      %dma_start3A_202 = tpu.memref_slice %arg2[%dma_start3A_200, %dma_start3A_201] : memref<10000x128xf32, #tpu.memory_space<hbm>> -> memref<10000x128xf32, #tpu.memory_space<hbm>>
      tpu.enqueue_indirect_dma source(%dma_start3A_202 : memref<10000x128xf32, #tpu.memory_space<hbm>>) target(%arg12 : memref<64x128xf32, #tpu.memory_space<vmem>>) offsets(%dma_start3A_199 : memref<64xi32, #tpu.memory_space<vmem>>) semaphore(%arg17 : memref<!tpu.dma_semaphore, #tpu.memory_space<semaphore_mem>>)
    }
    %scan3A_34 = arith.constant 19 : i32
    %dma_wait3A = arith.constant 4864 : i32
    %dma_wait3A_35 = tpu.memref_slice %arg7[%dma_wait3A] : memref<5120xi32, #tpu.memory_space<vmem>> -> memref<64xi32, #tpu.memory_space<vmem>>
    %dma_wait3A_36 = arith.constant 0 : i32
    %dma_wait3A_37 = arith.constant 0 : i32
    %dma_wait3A_38 = tpu.memref_slice %arg2[%dma_wait3A_36, %dma_wait3A_37] : memref<10000x128xf32, #tpu.memory_space<hbm>> -> memref<10000x128xf32, #tpu.memory_space<hbm>>
    tpu.wait_indirect_dma semaphore(%arg14 : memref<!tpu.dma_semaphore, #tpu.memory_space<semaphore_mem>>) src(%dma_wait3A_38 : memref<10000x128xf32, #tpu.memory_space<hbm>>) dst(%arg9 : memref<64x128xf32, #tpu.memory_space<vmem>>)
    %run_scoped3A = arith.constant 76 : i32
    "tpu.region"() ({
      %run_scoped3A_120 = tpu.sem_alloc : memref<!tpu.dma_semaphore, #tpu.memory_space<semaphore_mem>>
      %dma_start3A_121 = arith.constant 0 : i32
      %dma_start3A_122 = tpu.memref_slice %arg8[%run_scoped3A, %dma_start3A_121] : memref<80x64xi32, #tpu.memory_space<vmem>> -> memref<1x64xi32, #tpu.memory_space<vmem>>
      %dma_start3A_123 = tpu.memref_squeeze %dma_start3A_122 : memref<1x64xi32, #tpu.memory_space<vmem>> -> memref<64xi32, #tpu.memory_space<vmem>>
      %dma_start3A_124 = arith.constant 0 : i32
      %dma_start3A_125 = arith.constant 0 : i32
      %dma_start3A_126 = tpu.memref_slice %arg13[%dma_start3A_124, %dma_start3A_125] : memref<10112x128xf32, #tpu.memory_space<vmem_shared>> -> memref<10112x128xf32, #tpu.memory_space<vmem_shared>>
      tpu.enqueue_indirect_dma source(%arg9 : memref<64x128xf32, #tpu.memory_space<vmem>>) target(%dma_start3A_126 : memref<10112x128xf32, #tpu.memory_space<vmem_shared>>) offsets(%dma_start3A_123 : memref<64xi32, #tpu.memory_space<vmem>>) semaphore(%run_scoped3A_120 : memref<!tpu.dma_semaphore, #tpu.memory_space<semaphore_mem>>) {add = true}
      %dma_wait3A_127 = arith.constant 0 : i32
      %dma_wait3A_128 = tpu.memref_slice %arg8[%run_scoped3A, %dma_wait3A_127] : memref<80x64xi32, #tpu.memory_space<vmem>> -> memref<1x64xi32, #tpu.memory_space<vmem>>
      %dma_wait3A_129 = tpu.memref_squeeze %dma_wait3A_128 : memref<1x64xi32, #tpu.memory_space<vmem>> -> memref<64xi32, #tpu.memory_space<vmem>>
      %dma_wait3A_130 = arith.constant 0 : i32
      %dma_wait3A_131 = arith.constant 0 : i32
      %dma_wait3A_132 = tpu.memref_slice %arg13[%dma_wait3A_130, %dma_wait3A_131] : memref<10112x128xf32, #tpu.memory_space<vmem_shared>> -> memref<10112x128xf32, #tpu.memory_space<vmem_shared>>
      tpu.wait_indirect_dma semaphore(%run_scoped3A_120 : memref<!tpu.dma_semaphore, #tpu.memory_space<semaphore_mem>>) src(%arg9 : memref<64x128xf32, #tpu.memory_space<vmem>>) dst(%dma_wait3A_132 : memref<10112x128xf32, #tpu.memory_space<vmem_shared>>)
      tpu.yield
    }) : () -> ()
    %dma_wait3A_39 = arith.constant 4928 : i32
    %dma_wait3A_40 = tpu.memref_slice %arg7[%dma_wait3A_39] : memref<5120xi32, #tpu.memory_space<vmem>> -> memref<64xi32, #tpu.memory_space<vmem>>
    %dma_wait3A_41 = arith.constant 0 : i32
    %dma_wait3A_42 = arith.constant 0 : i32
    %dma_wait3A_43 = tpu.memref_slice %arg2[%dma_wait3A_41, %dma_wait3A_42] : memref<10000x128xf32, #tpu.memory_space<hbm>> -> memref<10000x128xf32, #tpu.memory_space<hbm>>
    tpu.wait_indirect_dma semaphore(%arg15 : memref<!tpu.dma_semaphore, #tpu.memory_space<semaphore_mem>>) src(%dma_wait3A_43 : memref<10000x128xf32, #tpu.memory_space<hbm>>) dst(%arg10 : memref<64x128xf32, #tpu.memory_space<vmem>>)
    %run_scoped3A_44 = arith.constant 77 : i32
    "tpu.region"() ({
      %run_scoped3A_120 = tpu.sem_alloc : memref<!tpu.dma_semaphore, #tpu.memory_space<semaphore_mem>>
      %dma_start3A_121 = arith.constant 0 : i32
      %dma_start3A_122 = tpu.memref_slice %arg8[%run_scoped3A_44, %dma_start3A_121] : memref<80x64xi32, #tpu.memory_space<vmem>> -> memref<1x64xi32, #tpu.memory_space<vmem>>
      %dma_start3A_123 = tpu.memref_squeeze %dma_start3A_122 : memref<1x64xi32, #tpu.memory_space<vmem>> -> memref<64xi32, #tpu.memory_space<vmem>>
      %dma_start3A_124 = arith.constant 0 : i32
      %dma_start3A_125 = arith.constant 0 : i32
      %dma_start3A_126 = tpu.memref_slice %arg13[%dma_start3A_124, %dma_start3A_125] : memref<10112x128xf32, #tpu.memory_space<vmem_shared>> -> memref<10112x128xf32, #tpu.memory_space<vmem_shared>>
      tpu.enqueue_indirect_dma source(%arg10 : memref<64x128xf32, #tpu.memory_space<vmem>>) target(%dma_start3A_126 : memref<10112x128xf32, #tpu.memory_space<vmem_shared>>) offsets(%dma_start3A_123 : memref<64xi32, #tpu.memory_space<vmem>>) semaphore(%run_scoped3A_120 : memref<!tpu.dma_semaphore, #tpu.memory_space<semaphore_mem>>) {add = true}
      %dma_wait3A_127 = arith.constant 0 : i32
      %dma_wait3A_128 = tpu.memref_slice %arg8[%run_scoped3A_44, %dma_wait3A_127] : memref<80x64xi32, #tpu.memory_space<vmem>> -> memref<1x64xi32, #tpu.memory_space<vmem>>
      %dma_wait3A_129 = tpu.memref_squeeze %dma_wait3A_128 : memref<1x64xi32, #tpu.memory_space<vmem>> -> memref<64xi32, #tpu.memory_space<vmem>>
      %dma_wait3A_130 = arith.constant 0 : i32
      %dma_wait3A_131 = arith.constant 0 : i32
      %dma_wait3A_132 = tpu.memref_slice %arg13[%dma_wait3A_130, %dma_wait3A_131] : memref<10112x128xf32, #tpu.memory_space<vmem_shared>> -> memref<10112x128xf32, #tpu.memory_space<vmem_shared>>
      tpu.wait_indirect_dma semaphore(%run_scoped3A_120 : memref<!tpu.dma_semaphore, #tpu.memory_space<semaphore_mem>>) src(%arg10 : memref<64x128xf32, #tpu.memory_space<vmem>>) dst(%dma_wait3A_132 : memref<10112x128xf32, #tpu.memory_space<vmem_shared>>)
      tpu.yield
    }) : () -> ()
    %dma_wait3A_45 = arith.constant 4992 : i32
    %dma_wait3A_46 = tpu.memref_slice %arg7[%dma_wait3A_45] : memref<5120xi32, #tpu.memory_space<vmem>> -> memref<64xi32, #tpu.memory_space<vmem>>
    %dma_wait3A_47 = arith.constant 0 : i32
    %dma_wait3A_48 = arith.constant 0 : i32
    %dma_wait3A_49 = tpu.memref_slice %arg2[%dma_wait3A_47, %dma_wait3A_48] : memref<10000x128xf32, #tpu.memory_space<hbm>> -> memref<10000x128xf32, #tpu.memory_space<hbm>>
    tpu.wait_indirect_dma semaphore(%arg16 : memref<!tpu.dma_semaphore, #tpu.memory_space<semaphore_mem>>) src(%dma_wait3A_49 : memref<10000x128xf32, #tpu.memory_space<hbm>>) dst(%arg11 : memref<64x128xf32, #tpu.memory_space<vmem>>)
    %run_scoped3A_50 = arith.constant 78 : i32
    "tpu.region"() ({
      %run_scoped3A_120 = tpu.sem_alloc : memref<!tpu.dma_semaphore, #tpu.memory_space<semaphore_mem>>
      %dma_start3A_121 = arith.constant 0 : i32
      %dma_start3A_122 = tpu.memref_slice %arg8[%run_scoped3A_50, %dma_start3A_121] : memref<80x64xi32, #tpu.memory_space<vmem>> -> memref<1x64xi32, #tpu.memory_space<vmem>>
      %dma_start3A_123 = tpu.memref_squeeze %dma_start3A_122 : memref<1x64xi32, #tpu.memory_space<vmem>> -> memref<64xi32, #tpu.memory_space<vmem>>
      %dma_start3A_124 = arith.constant 0 : i32
      %dma_start3A_125 = arith.constant 0 : i32
      %dma_start3A_126 = tpu.memref_slice %arg13[%dma_start3A_124, %dma_start3A_125] : memref<10112x128xf32, #tpu.memory_space<vmem_shared>> -> memref<10112x128xf32, #tpu.memory_space<vmem_shared>>
      tpu.enqueue_indirect_dma source(%arg11 : memref<64x128xf32, #tpu.memory_space<vmem>>) target(%dma_start3A_126 : memref<10112x128xf32, #tpu.memory_space<vmem_shared>>) offsets(%dma_start3A_123 : memref<64xi32, #tpu.memory_space<vmem>>) semaphore(%run_scoped3A_120 : memref<!tpu.dma_semaphore, #tpu.memory_space<semaphore_mem>>) {add = true}
      %dma_wait3A_127 = arith.constant 0 : i32
      %dma_wait3A_128 = tpu.memref_slice %arg8[%run_scoped3A_50, %dma_wait3A_127] : memref<80x64xi32, #tpu.memory_space<vmem>> -> memref<1x64xi32, #tpu.memory_space<vmem>>
      %dma_wait3A_129 = tpu.memref_squeeze %dma_wait3A_128 : memref<1x64xi32, #tpu.memory_space<vmem>> -> memref<64xi32, #tpu.memory_space<vmem>>
      %dma_wait3A_130 = arith.constant 0 : i32
      %dma_wait3A_131 = arith.constant 0 : i32
      %dma_wait3A_132 = tpu.memref_slice %arg13[%dma_wait3A_130, %dma_wait3A_131] : memref<10112x128xf32, #tpu.memory_space<vmem_shared>> -> memref<10112x128xf32, #tpu.memory_space<vmem_shared>>
      tpu.wait_indirect_dma semaphore(%run_scoped3A_120 : memref<!tpu.dma_semaphore, #tpu.memory_space<semaphore_mem>>) src(%arg11 : memref<64x128xf32, #tpu.memory_space<vmem>>) dst(%dma_wait3A_132 : memref<10112x128xf32, #tpu.memory_space<vmem_shared>>)
      tpu.yield
    }) : () -> ()
    %dma_wait3A_51 = arith.constant 5056 : i32
    %dma_wait3A_52 = tpu.memref_slice %arg7[%dma_wait3A_51] : memref<5120xi32, #tpu.memory_space<vmem>> -> memref<64xi32, #tpu.memory_space<vmem>>
    %dma_wait3A_53 = arith.constant 0 : i32
    %dma_wait3A_54 = arith.constant 0 : i32
    %dma_wait3A_55 = tpu.memref_slice %arg2[%dma_wait3A_53, %dma_wait3A_54] : memref<10000x128xf32, #tpu.memory_space<hbm>> -> memref<10000x128xf32, #tpu.memory_space<hbm>>
    tpu.wait_indirect_dma semaphore(%arg17 : memref<!tpu.dma_semaphore, #tpu.memory_space<semaphore_mem>>) src(%dma_wait3A_55 : memref<10000x128xf32, #tpu.memory_space<hbm>>) dst(%arg12 : memref<64x128xf32, #tpu.memory_space<vmem>>)
    %run_scoped3A_56 = arith.constant 79 : i32
    "tpu.region"() ({
      %run_scoped3A_120 = tpu.sem_alloc : memref<!tpu.dma_semaphore, #tpu.memory_space<semaphore_mem>>
      %dma_start3A_121 = arith.constant 0 : i32
      %dma_start3A_122 = tpu.memref_slice %arg8[%run_scoped3A_56, %dma_start3A_121] : memref<80x64xi32, #tpu.memory_space<vmem>> -> memref<1x64xi32, #tpu.memory_space<vmem>>
      %dma_start3A_123 = tpu.memref_squeeze %dma_start3A_122 : memref<1x64xi32, #tpu.memory_space<vmem>> -> memref<64xi32, #tpu.memory_space<vmem>>
      %dma_start3A_124 = arith.constant 0 : i32
      %dma_start3A_125 = arith.constant 0 : i32
      %dma_start3A_126 = tpu.memref_slice %arg13[%dma_start3A_124, %dma_start3A_125] : memref<10112x128xf32, #tpu.memory_space<vmem_shared>> -> memref<10112x128xf32, #tpu.memory_space<vmem_shared>>
      tpu.enqueue_indirect_dma source(%arg12 : memref<64x128xf32, #tpu.memory_space<vmem>>) target(%dma_start3A_126 : memref<10112x128xf32, #tpu.memory_space<vmem_shared>>) offsets(%dma_start3A_123 : memref<64xi32, #tpu.memory_space<vmem>>) semaphore(%run_scoped3A_120 : memref<!tpu.dma_semaphore, #tpu.memory_space<semaphore_mem>>) {add = true}
      %dma_wait3A_127 = arith.constant 0 : i32
      %dma_wait3A_128 = tpu.memref_slice %arg8[%run_scoped3A_56, %dma_wait3A_127] : memref<80x64xi32, #tpu.memory_space<vmem>> -> memref<1x64xi32, #tpu.memory_space<vmem>>
      %dma_wait3A_129 = tpu.memref_squeeze %dma_wait3A_128 : memref<1x64xi32, #tpu.memory_space<vmem>> -> memref<64xi32, #tpu.memory_space<vmem>>
      %dma_wait3A_130 = arith.constant 0 : i32
      %dma_wait3A_131 = arith.constant 0 : i32
      %dma_wait3A_132 = tpu.memref_slice %arg13[%dma_wait3A_130, %dma_wait3A_131] : memref<10112x128xf32, #tpu.memory_space<vmem_shared>> -> memref<10112x128xf32, #tpu.memory_space<vmem_shared>>
      tpu.wait_indirect_dma semaphore(%run_scoped3A_120 : memref<!tpu.dma_semaphore, #tpu.memory_space<semaphore_mem>>) src(%arg12 : memref<64x128xf32, #tpu.memory_space<vmem>>) dst(%dma_wait3A_132 : memref<10112x128xf32, #tpu.memory_space<vmem_shared>>)
      tpu.yield
    }) : () -> ()
    %mul3A_57 = arith.constant 10240 : i32
    %mul3A_58 = arith.muli %add3A, %mul3A_57 : i32
    %add3A_59 = arith.constant 5120 : i32
    %add3A_60 = arith.addi %mul3A_58, %add3A_59 : i32
    %mul3A_61 = arith.constant 160 : i32
    %mul3A_62 = arith.muli %add3A, %mul3A_61 : i32
    %add3A_63 = arith.constant 80 : i32
    %add3A_64 = arith.addi %mul3A_62, %add3A_63 : i32
    "tpu.region"() ({
      %run_scoped3A_120 = tpu.sem_alloc : memref<!tpu.dma_semaphore, #tpu.memory_space<semaphore_mem>>
      %dma_start3A_121 = tpu.memref_slice %arg3[%add3A_60] : memref<327680xi32, #tpu.memory_space<hbm>> -> memref<5120xi32, #tpu.memory_space<hbm>>
      %dma_start3A_122 = tpu.memref_slice %arg3[%add3A_60] : memref<327680xi32, #tpu.memory_space<hbm>> -> memref<5120xi32, #tpu.memory_space<hbm>>
      tpu.enqueue_dma source(%dma_start3A_122 : memref<5120xi32, #tpu.memory_space<hbm>>) target(%arg7 : memref<5120xi32, #tpu.memory_space<vmem>>) target_semaphore(%run_scoped3A_120 : memref<!tpu.dma_semaphore, #tpu.memory_space<semaphore_mem>>)
      %dma_wait3A_123 = tpu.memref_slice %arg3[%add3A_60] : memref<327680xi32, #tpu.memory_space<hbm>> -> memref<5120xi32, #tpu.memory_space<hbm>>
      %dma_wait3A_124 = tpu.memref_slice %arg3[%add3A_60] : memref<327680xi32, #tpu.memory_space<hbm>> -> memref<5120xi32, #tpu.memory_space<hbm>>
      tpu.wait_dma2 semaphore(%run_scoped3A_120 : memref<!tpu.dma_semaphore, #tpu.memory_space<semaphore_mem>>) src(%dma_wait3A_124 : memref<5120xi32, #tpu.memory_space<hbm>>) dst(%arg7 : memref<5120xi32, #tpu.memory_space<vmem>>)
      tpu.yield
    }) : () -> ()
    "tpu.region"() ({
      %run_scoped3A_120 = tpu.sem_alloc : memref<!tpu.dma_semaphore, #tpu.memory_space<semaphore_mem>>
      %dma_start3A_121 = arith.constant 0 : i32
      %dma_start3A_122 = tpu.memref_slice %arg4[%add3A_64, %dma_start3A_121] : memref<5120x64xi32, #tpu.memory_space<hbm>> -> memref<80x64xi32, #tpu.memory_space<hbm>>
      %dma_start3A_123 = arith.constant 0 : i32
      %dma_start3A_124 = tpu.memref_slice %arg4[%add3A_64, %dma_start3A_123] : memref<5120x64xi32, #tpu.memory_space<hbm>> -> memref<80x64xi32, #tpu.memory_space<hbm>>
      tpu.enqueue_dma source(%dma_start3A_124 : memref<80x64xi32, #tpu.memory_space<hbm>>) target(%arg8 : memref<80x64xi32, #tpu.memory_space<vmem>>) target_semaphore(%run_scoped3A_120 : memref<!tpu.dma_semaphore, #tpu.memory_space<semaphore_mem>>)
      %dma_wait3A_125 = arith.constant 0 : i32
      %dma_wait3A_126 = tpu.memref_slice %arg4[%add3A_64, %dma_wait3A_125] : memref<5120x64xi32, #tpu.memory_space<hbm>> -> memref<80x64xi32, #tpu.memory_space<hbm>>
      %dma_wait3A_127 = arith.constant 0 : i32
      %dma_wait3A_128 = tpu.memref_slice %arg4[%add3A_64, %dma_wait3A_127] : memref<5120x64xi32, #tpu.memory_space<hbm>> -> memref<80x64xi32, #tpu.memory_space<hbm>>
      tpu.wait_dma2 semaphore(%run_scoped3A_120 : memref<!tpu.dma_semaphore, #tpu.memory_space<semaphore_mem>>) src(%dma_wait3A_128 : memref<80x64xi32, #tpu.memory_space<hbm>>) dst(%arg8 : memref<80x64xi32, #tpu.memory_space<vmem>>)
      tpu.yield
    }) : () -> ()
    %dma_start3A_65 = arith.constant 0 : i32
    %dma_start3A_66 = tpu.memref_slice %arg7[%dma_start3A_65] : memref<5120xi32, #tpu.memory_space<vmem>> -> memref<64xi32, #tpu.memory_space<vmem>>
    %dma_start3A_67 = arith.constant 0 : i32
    %dma_start3A_68 = arith.constant 0 : i32
    %dma_start3A_69 = tpu.memref_slice %arg2[%dma_start3A_67, %dma_start3A_68] : memref<10000x128xf32, #tpu.memory_space<hbm>> -> memref<10000x128xf32, #tpu.memory_space<hbm>>
    tpu.enqueue_indirect_dma source(%dma_start3A_69 : memref<10000x128xf32, #tpu.memory_space<hbm>>) target(%arg9 : memref<64x128xf32, #tpu.memory_space<vmem>>) offsets(%dma_start3A_66 : memref<64xi32, #tpu.memory_space<vmem>>) semaphore(%arg14 : memref<!tpu.dma_semaphore, #tpu.memory_space<semaphore_mem>>)
    %dma_start3A_70 = arith.constant 64 : i32
    %dma_start3A_71 = tpu.memref_slice %arg7[%dma_start3A_70] : memref<5120xi32, #tpu.memory_space<vmem>> -> memref<64xi32, #tpu.memory_space<vmem>>
    %dma_start3A_72 = arith.constant 0 : i32
    %dma_start3A_73 = arith.constant 0 : i32
    %dma_start3A_74 = tpu.memref_slice %arg2[%dma_start3A_72, %dma_start3A_73] : memref<10000x128xf32, #tpu.memory_space<hbm>> -> memref<10000x128xf32, #tpu.memory_space<hbm>>
    tpu.enqueue_indirect_dma source(%dma_start3A_74 : memref<10000x128xf32, #tpu.memory_space<hbm>>) target(%arg10 : memref<64x128xf32, #tpu.memory_space<vmem>>) offsets(%dma_start3A_71 : memref<64xi32, #tpu.memory_space<vmem>>) semaphore(%arg15 : memref<!tpu.dma_semaphore, #tpu.memory_space<semaphore_mem>>)
    %dma_start3A_75 = arith.constant 128 : i32
    %dma_start3A_76 = tpu.memref_slice %arg7[%dma_start3A_75] : memref<5120xi32, #tpu.memory_space<vmem>> -> memref<64xi32, #tpu.memory_space<vmem>>
    %dma_start3A_77 = arith.constant 0 : i32
    %dma_start3A_78 = arith.constant 0 : i32
    %dma_start3A_79 = tpu.memref_slice %arg2[%dma_start3A_77, %dma_start3A_78] : memref<10000x128xf32, #tpu.memory_space<hbm>> -> memref<10000x128xf32, #tpu.memory_space<hbm>>
    tpu.enqueue_indirect_dma source(%dma_start3A_79 : memref<10000x128xf32, #tpu.memory_space<hbm>>) target(%arg11 : memref<64x128xf32, #tpu.memory_space<vmem>>) offsets(%dma_start3A_76 : memref<64xi32, #tpu.memory_space<vmem>>) semaphore(%arg16 : memref<!tpu.dma_semaphore, #tpu.memory_space<semaphore_mem>>)
    %dma_start3A_80 = arith.constant 192 : i32
    %dma_start3A_81 = tpu.memref_slice %arg7[%dma_start3A_80] : memref<5120xi32, #tpu.memory_space<vmem>> -> memref<64xi32, #tpu.memory_space<vmem>>
    %dma_start3A_82 = arith.constant 0 : i32
    %dma_start3A_83 = arith.constant 0 : i32
    %dma_start3A_84 = tpu.memref_slice %arg2[%dma_start3A_82, %dma_start3A_83] : memref<10000x128xf32, #tpu.memory_space<hbm>> -> memref<10000x128xf32, #tpu.memory_space<hbm>>
    tpu.enqueue_indirect_dma source(%dma_start3A_84 : memref<10000x128xf32, #tpu.memory_space<hbm>>) target(%arg12 : memref<64x128xf32, #tpu.memory_space<vmem>>) offsets(%dma_start3A_81 : memref<64xi32, #tpu.memory_space<vmem>>) semaphore(%arg17 : memref<!tpu.dma_semaphore, #tpu.memory_space<semaphore_mem>>)
    %scan3A_85 = arith.constant 0 : i32
    %scan3A_86 = arith.constant 0 : i32
    %scan3A_87 = arith.constant 19 : i32
    %scan3A_88 = arith.addi %scan3A_86, %scan3A_87 : i32
    %scan3A_89 = arith.constant 1 : i32
    scf.for %scan3A_120 = %scan3A_86 to %scan3A_88 step %scan3A_89  : i32 {
      %mul3A_121 = arith.constant 4 : i32
      %mul3A_122 = arith.muli %mul3A_121, %scan3A_120 : i32
      %add3A_123 = arith.constant 0 : i32
      %add3A_124 = arith.addi %mul3A_122, %add3A_123 : i32
      %mul3A_125 = arith.constant 64 : i32
      %mul3A_126 = arith.muli %add3A_124, %mul3A_125 : i32
      %dma_wait3A_127 = tpu.memref_slice %arg7[%mul3A_126] : memref<5120xi32, #tpu.memory_space<vmem>> -> memref<64xi32, #tpu.memory_space<vmem>>
      %dma_wait3A_128 = arith.constant 0 : i32
      %dma_wait3A_129 = arith.constant 0 : i32
      %dma_wait3A_130 = tpu.memref_slice %arg2[%dma_wait3A_128, %dma_wait3A_129] : memref<10000x128xf32, #tpu.memory_space<hbm>> -> memref<10000x128xf32, #tpu.memory_space<hbm>>
      tpu.wait_indirect_dma semaphore(%arg14 : memref<!tpu.dma_semaphore, #tpu.memory_space<semaphore_mem>>) src(%dma_wait3A_130 : memref<10000x128xf32, #tpu.memory_space<hbm>>) dst(%arg9 : memref<64x128xf32, #tpu.memory_space<vmem>>)
      %add3A_131 = arith.constant 0 : i32
      %add3A_132 = arith.addi %mul3A_122, %add3A_131 : i32
      "tpu.region"() ({
        %run_scoped3A_203 = tpu.sem_alloc : memref<!tpu.dma_semaphore, #tpu.memory_space<semaphore_mem>>
        %dma_start3A_204 = arith.constant 0 : i32
        %dma_start3A_205 = tpu.memref_slice %arg8[%add3A_132, %dma_start3A_204] : memref<80x64xi32, #tpu.memory_space<vmem>> -> memref<1x64xi32, #tpu.memory_space<vmem>>
        %dma_start3A_206 = tpu.memref_squeeze %dma_start3A_205 : memref<1x64xi32, #tpu.memory_space<vmem>> -> memref<64xi32, #tpu.memory_space<vmem>>
        %dma_start3A_207 = arith.constant 0 : i32
        %dma_start3A_208 = arith.constant 0 : i32
        %dma_start3A_209 = tpu.memref_slice %arg13[%dma_start3A_207, %dma_start3A_208] : memref<10112x128xf32, #tpu.memory_space<vmem_shared>> -> memref<10112x128xf32, #tpu.memory_space<vmem_shared>>
        tpu.enqueue_indirect_dma source(%arg9 : memref<64x128xf32, #tpu.memory_space<vmem>>) target(%dma_start3A_209 : memref<10112x128xf32, #tpu.memory_space<vmem_shared>>) offsets(%dma_start3A_206 : memref<64xi32, #tpu.memory_space<vmem>>) semaphore(%run_scoped3A_203 : memref<!tpu.dma_semaphore, #tpu.memory_space<semaphore_mem>>) {add = true}
        %dma_wait3A_210 = arith.constant 0 : i32
        %dma_wait3A_211 = tpu.memref_slice %arg8[%add3A_132, %dma_wait3A_210] : memref<80x64xi32, #tpu.memory_space<vmem>> -> memref<1x64xi32, #tpu.memory_space<vmem>>
        %dma_wait3A_212 = tpu.memref_squeeze %dma_wait3A_211 : memref<1x64xi32, #tpu.memory_space<vmem>> -> memref<64xi32, #tpu.memory_space<vmem>>
        %dma_wait3A_213 = arith.constant 0 : i32
        %dma_wait3A_214 = arith.constant 0 : i32
        %dma_wait3A_215 = tpu.memref_slice %arg13[%dma_wait3A_213, %dma_wait3A_214] : memref<10112x128xf32, #tpu.memory_space<vmem_shared>> -> memref<10112x128xf32, #tpu.memory_space<vmem_shared>>
        tpu.wait_indirect_dma semaphore(%run_scoped3A_203 : memref<!tpu.dma_semaphore, #tpu.memory_space<semaphore_mem>>) src(%arg9 : memref<64x128xf32, #tpu.memory_space<vmem>>) dst(%dma_wait3A_215 : memref<10112x128xf32, #tpu.memory_space<vmem_shared>>)
        tpu.yield
      }) : () -> ()
      %add3A_133 = arith.constant 0 : i32
      %add3A_134 = arith.addi %mul3A_122, %add3A_133 : i32
      %add3A_135 = arith.constant 4 : i32
      %add3A_136 = arith.addi %add3A_134, %add3A_135 : i32
      %mul3A_137 = arith.constant 64 : i32
      %mul3A_138 = arith.muli %add3A_136, %mul3A_137 : i32
      %dma_start3A_139 = tpu.memref_slice %arg7[%mul3A_138] : memref<5120xi32, #tpu.memory_space<vmem>> -> memref<64xi32, #tpu.memory_space<vmem>>
      %dma_start3A_140 = arith.constant 0 : i32
      %dma_start3A_141 = arith.constant 0 : i32
      %dma_start3A_142 = tpu.memref_slice %arg2[%dma_start3A_140, %dma_start3A_141] : memref<10000x128xf32, #tpu.memory_space<hbm>> -> memref<10000x128xf32, #tpu.memory_space<hbm>>
      tpu.enqueue_indirect_dma source(%dma_start3A_142 : memref<10000x128xf32, #tpu.memory_space<hbm>>) target(%arg9 : memref<64x128xf32, #tpu.memory_space<vmem>>) offsets(%dma_start3A_139 : memref<64xi32, #tpu.memory_space<vmem>>) semaphore(%arg14 : memref<!tpu.dma_semaphore, #tpu.memory_space<semaphore_mem>>)
      %add3A_143 = arith.constant 1 : i32
      %add3A_144 = arith.addi %mul3A_122, %add3A_143 : i32
      %mul3A_145 = arith.constant 64 : i32
      %mul3A_146 = arith.muli %add3A_144, %mul3A_145 : i32
      %dma_wait3A_147 = tpu.memref_slice %arg7[%mul3A_146] : memref<5120xi32, #tpu.memory_space<vmem>> -> memref<64xi32, #tpu.memory_space<vmem>>
      %dma_wait3A_148 = arith.constant 0 : i32
      %dma_wait3A_149 = arith.constant 0 : i32
      %dma_wait3A_150 = tpu.memref_slice %arg2[%dma_wait3A_148, %dma_wait3A_149] : memref<10000x128xf32, #tpu.memory_space<hbm>> -> memref<10000x128xf32, #tpu.memory_space<hbm>>
      tpu.wait_indirect_dma semaphore(%arg15 : memref<!tpu.dma_semaphore, #tpu.memory_space<semaphore_mem>>) src(%dma_wait3A_150 : memref<10000x128xf32, #tpu.memory_space<hbm>>) dst(%arg10 : memref<64x128xf32, #tpu.memory_space<vmem>>)
      %add3A_151 = arith.constant 1 : i32
      %add3A_152 = arith.addi %mul3A_122, %add3A_151 : i32
      "tpu.region"() ({
        %run_scoped3A_203 = tpu.sem_alloc : memref<!tpu.dma_semaphore, #tpu.memory_space<semaphore_mem>>
        %dma_start3A_204 = arith.constant 0 : i32
        %dma_start3A_205 = tpu.memref_slice %arg8[%add3A_152, %dma_start3A_204] : memref<80x64xi32, #tpu.memory_space<vmem>> -> memref<1x64xi32, #tpu.memory_space<vmem>>
        %dma_start3A_206 = tpu.memref_squeeze %dma_start3A_205 : memref<1x64xi32, #tpu.memory_space<vmem>> -> memref<64xi32, #tpu.memory_space<vmem>>
        %dma_start3A_207 = arith.constant 0 : i32
        %dma_start3A_208 = arith.constant 0 : i32
        %dma_start3A_209 = tpu.memref_slice %arg13[%dma_start3A_207, %dma_start3A_208] : memref<10112x128xf32, #tpu.memory_space<vmem_shared>> -> memref<10112x128xf32, #tpu.memory_space<vmem_shared>>
        tpu.enqueue_indirect_dma source(%arg10 : memref<64x128xf32, #tpu.memory_space<vmem>>) target(%dma_start3A_209 : memref<10112x128xf32, #tpu.memory_space<vmem_shared>>) offsets(%dma_start3A_206 : memref<64xi32, #tpu.memory_space<vmem>>) semaphore(%run_scoped3A_203 : memref<!tpu.dma_semaphore, #tpu.memory_space<semaphore_mem>>) {add = true}
        %dma_wait3A_210 = arith.constant 0 : i32
        %dma_wait3A_211 = tpu.memref_slice %arg8[%add3A_152, %dma_wait3A_210] : memref<80x64xi32, #tpu.memory_space<vmem>> -> memref<1x64xi32, #tpu.memory_space<vmem>>
        %dma_wait3A_212 = tpu.memref_squeeze %dma_wait3A_211 : memref<1x64xi32, #tpu.memory_space<vmem>> -> memref<64xi32, #tpu.memory_space<vmem>>
        %dma_wait3A_213 = arith.constant 0 : i32
        %dma_wait3A_214 = arith.constant 0 : i32
        %dma_wait3A_215 = tpu.memref_slice %arg13[%dma_wait3A_213, %dma_wait3A_214] : memref<10112x128xf32, #tpu.memory_space<vmem_shared>> -> memref<10112x128xf32, #tpu.memory_space<vmem_shared>>
        tpu.wait_indirect_dma semaphore(%run_scoped3A_203 : memref<!tpu.dma_semaphore, #tpu.memory_space<semaphore_mem>>) src(%arg10 : memref<64x128xf32, #tpu.memory_space<vmem>>) dst(%dma_wait3A_215 : memref<10112x128xf32, #tpu.memory_space<vmem_shared>>)
        tpu.yield
      }) : () -> ()
      %add3A_153 = arith.constant 1 : i32
      %add3A_154 = arith.addi %mul3A_122, %add3A_153 : i32
      %add3A_155 = arith.constant 4 : i32
      %add3A_156 = arith.addi %add3A_154, %add3A_155 : i32
      %mul3A_157 = arith.constant 64 : i32
      %mul3A_158 = arith.muli %add3A_156, %mul3A_157 : i32
      %dma_start3A_159 = tpu.memref_slice %arg7[%mul3A_158] : memref<5120xi32, #tpu.memory_space<vmem>> -> memref<64xi32, #tpu.memory_space<vmem>>
      %dma_start3A_160 = arith.constant 0 : i32
      %dma_start3A_161 = arith.constant 0 : i32
      %dma_start3A_162 = tpu.memref_slice %arg2[%dma_start3A_160, %dma_start3A_161] : memref<10000x128xf32, #tpu.memory_space<hbm>> -> memref<10000x128xf32, #tpu.memory_space<hbm>>
      tpu.enqueue_indirect_dma source(%dma_start3A_162 : memref<10000x128xf32, #tpu.memory_space<hbm>>) target(%arg10 : memref<64x128xf32, #tpu.memory_space<vmem>>) offsets(%dma_start3A_159 : memref<64xi32, #tpu.memory_space<vmem>>) semaphore(%arg15 : memref<!tpu.dma_semaphore, #tpu.memory_space<semaphore_mem>>)
      %add3A_163 = arith.constant 2 : i32
      %add3A_164 = arith.addi %mul3A_122, %add3A_163 : i32
      %mul3A_165 = arith.constant 64 : i32
      %mul3A_166 = arith.muli %add3A_164, %mul3A_165 : i32
      %dma_wait3A_167 = tpu.memref_slice %arg7[%mul3A_166] : memref<5120xi32, #tpu.memory_space<vmem>> -> memref<64xi32, #tpu.memory_space<vmem>>
      %dma_wait3A_168 = arith.constant 0 : i32
      %dma_wait3A_169 = arith.constant 0 : i32
      %dma_wait3A_170 = tpu.memref_slice %arg2[%dma_wait3A_168, %dma_wait3A_169] : memref<10000x128xf32, #tpu.memory_space<hbm>> -> memref<10000x128xf32, #tpu.memory_space<hbm>>
      tpu.wait_indirect_dma semaphore(%arg16 : memref<!tpu.dma_semaphore, #tpu.memory_space<semaphore_mem>>) src(%dma_wait3A_170 : memref<10000x128xf32, #tpu.memory_space<hbm>>) dst(%arg11 : memref<64x128xf32, #tpu.memory_space<vmem>>)
      %add3A_171 = arith.constant 2 : i32
      %add3A_172 = arith.addi %mul3A_122, %add3A_171 : i32
      "tpu.region"() ({
        %run_scoped3A_203 = tpu.sem_alloc : memref<!tpu.dma_semaphore, #tpu.memory_space<semaphore_mem>>
        %dma_start3A_204 = arith.constant 0 : i32
        %dma_start3A_205 = tpu.memref_slice %arg8[%add3A_172, %dma_start3A_204] : memref<80x64xi32, #tpu.memory_space<vmem>> -> memref<1x64xi32, #tpu.memory_space<vmem>>
        %dma_start3A_206 = tpu.memref_squeeze %dma_start3A_205 : memref<1x64xi32, #tpu.memory_space<vmem>> -> memref<64xi32, #tpu.memory_space<vmem>>
        %dma_start3A_207 = arith.constant 0 : i32
        %dma_start3A_208 = arith.constant 0 : i32
        %dma_start3A_209 = tpu.memref_slice %arg13[%dma_start3A_207, %dma_start3A_208] : memref<10112x128xf32, #tpu.memory_space<vmem_shared>> -> memref<10112x128xf32, #tpu.memory_space<vmem_shared>>
        tpu.enqueue_indirect_dma source(%arg11 : memref<64x128xf32, #tpu.memory_space<vmem>>) target(%dma_start3A_209 : memref<10112x128xf32, #tpu.memory_space<vmem_shared>>) offsets(%dma_start3A_206 : memref<64xi32, #tpu.memory_space<vmem>>) semaphore(%run_scoped3A_203 : memref<!tpu.dma_semaphore, #tpu.memory_space<semaphore_mem>>) {add = true}
        %dma_wait3A_210 = arith.constant 0 : i32
        %dma_wait3A_211 = tpu.memref_slice %arg8[%add3A_172, %dma_wait3A_210] : memref<80x64xi32, #tpu.memory_space<vmem>> -> memref<1x64xi32, #tpu.memory_space<vmem>>
        %dma_wait3A_212 = tpu.memref_squeeze %dma_wait3A_211 : memref<1x64xi32, #tpu.memory_space<vmem>> -> memref<64xi32, #tpu.memory_space<vmem>>
        %dma_wait3A_213 = arith.constant 0 : i32
        %dma_wait3A_214 = arith.constant 0 : i32
        %dma_wait3A_215 = tpu.memref_slice %arg13[%dma_wait3A_213, %dma_wait3A_214] : memref<10112x128xf32, #tpu.memory_space<vmem_shared>> -> memref<10112x128xf32, #tpu.memory_space<vmem_shared>>
        tpu.wait_indirect_dma semaphore(%run_scoped3A_203 : memref<!tpu.dma_semaphore, #tpu.memory_space<semaphore_mem>>) src(%arg11 : memref<64x128xf32, #tpu.memory_space<vmem>>) dst(%dma_wait3A_215 : memref<10112x128xf32, #tpu.memory_space<vmem_shared>>)
        tpu.yield
      }) : () -> ()
      %add3A_173 = arith.constant 2 : i32
      %add3A_174 = arith.addi %mul3A_122, %add3A_173 : i32
      %add3A_175 = arith.constant 4 : i32
      %add3A_176 = arith.addi %add3A_174, %add3A_175 : i32
      %mul3A_177 = arith.constant 64 : i32
      %mul3A_178 = arith.muli %add3A_176, %mul3A_177 : i32
      %dma_start3A_179 = tpu.memref_slice %arg7[%mul3A_178] : memref<5120xi32, #tpu.memory_space<vmem>> -> memref<64xi32, #tpu.memory_space<vmem>>
      %dma_start3A_180 = arith.constant 0 : i32
      %dma_start3A_181 = arith.constant 0 : i32
      %dma_start3A_182 = tpu.memref_slice %arg2[%dma_start3A_180, %dma_start3A_181] : memref<10000x128xf32, #tpu.memory_space<hbm>> -> memref<10000x128xf32, #tpu.memory_space<hbm>>
      tpu.enqueue_indirect_dma source(%dma_start3A_182 : memref<10000x128xf32, #tpu.memory_space<hbm>>) target(%arg11 : memref<64x128xf32, #tpu.memory_space<vmem>>) offsets(%dma_start3A_179 : memref<64xi32, #tpu.memory_space<vmem>>) semaphore(%arg16 : memref<!tpu.dma_semaphore, #tpu.memory_space<semaphore_mem>>)
      %add3A_183 = arith.constant 3 : i32
      %add3A_184 = arith.addi %mul3A_122, %add3A_183 : i32
      %mul3A_185 = arith.constant 64 : i32
      %mul3A_186 = arith.muli %add3A_184, %mul3A_185 : i32
      %dma_wait3A_187 = tpu.memref_slice %arg7[%mul3A_186] : memref<5120xi32, #tpu.memory_space<vmem>> -> memref<64xi32, #tpu.memory_space<vmem>>
      %dma_wait3A_188 = arith.constant 0 : i32
      %dma_wait3A_189 = arith.constant 0 : i32
      %dma_wait3A_190 = tpu.memref_slice %arg2[%dma_wait3A_188, %dma_wait3A_189] : memref<10000x128xf32, #tpu.memory_space<hbm>> -> memref<10000x128xf32, #tpu.memory_space<hbm>>
      tpu.wait_indirect_dma semaphore(%arg17 : memref<!tpu.dma_semaphore, #tpu.memory_space<semaphore_mem>>) src(%dma_wait3A_190 : memref<10000x128xf32, #tpu.memory_space<hbm>>) dst(%arg12 : memref<64x128xf32, #tpu.memory_space<vmem>>)
      %add3A_191 = arith.constant 3 : i32
      %add3A_192 = arith.addi %mul3A_122, %add3A_191 : i32
      "tpu.region"() ({
        %run_scoped3A_203 = tpu.sem_alloc : memref<!tpu.dma_semaphore, #tpu.memory_space<semaphore_mem>>
        %dma_start3A_204 = arith.constant 0 : i32
        %dma_start3A_205 = tpu.memref_slice %arg8[%add3A_192, %dma_start3A_204] : memref<80x64xi32, #tpu.memory_space<vmem>> -> memref<1x64xi32, #tpu.memory_space<vmem>>
        %dma_start3A_206 = tpu.memref_squeeze %dma_start3A_205 : memref<1x64xi32, #tpu.memory_space<vmem>> -> memref<64xi32, #tpu.memory_space<vmem>>
        %dma_start3A_207 = arith.constant 0 : i32
        %dma_start3A_208 = arith.constant 0 : i32
        %dma_start3A_209 = tpu.memref_slice %arg13[%dma_start3A_207, %dma_start3A_208] : memref<10112x128xf32, #tpu.memory_space<vmem_shared>> -> memref<10112x128xf32, #tpu.memory_space<vmem_shared>>
        tpu.enqueue_indirect_dma source(%arg12 : memref<64x128xf32, #tpu.memory_space<vmem>>) target(%dma_start3A_209 : memref<10112x128xf32, #tpu.memory_space<vmem_shared>>) offsets(%dma_start3A_206 : memref<64xi32, #tpu.memory_space<vmem>>) semaphore(%run_scoped3A_203 : memref<!tpu.dma_semaphore, #tpu.memory_space<semaphore_mem>>) {add = true}
        %dma_wait3A_210 = arith.constant 0 : i32
        %dma_wait3A_211 = tpu.memref_slice %arg8[%add3A_192, %dma_wait3A_210] : memref<80x64xi32, #tpu.memory_space<vmem>> -> memref<1x64xi32, #tpu.memory_space<vmem>>
        %dma_wait3A_212 = tpu.memref_squeeze %dma_wait3A_211 : memref<1x64xi32, #tpu.memory_space<vmem>> -> memref<64xi32, #tpu.memory_space<vmem>>
        %dma_wait3A_213 = arith.constant 0 : i32
        %dma_wait3A_214 = arith.constant 0 : i32
        %dma_wait3A_215 = tpu.memref_slice %arg13[%dma_wait3A_213, %dma_wait3A_214] : memref<10112x128xf32, #tpu.memory_space<vmem_shared>> -> memref<10112x128xf32, #tpu.memory_space<vmem_shared>>
        tpu.wait_indirect_dma semaphore(%run_scoped3A_203 : memref<!tpu.dma_semaphore, #tpu.memory_space<semaphore_mem>>) src(%arg12 : memref<64x128xf32, #tpu.memory_space<vmem>>) dst(%dma_wait3A_215 : memref<10112x128xf32, #tpu.memory_space<vmem_shared>>)
        tpu.yield
      }) : () -> ()
      %add3A_193 = arith.constant 3 : i32
      %add3A_194 = arith.addi %mul3A_122, %add3A_193 : i32
      %add3A_195 = arith.constant 4 : i32
      %add3A_196 = arith.addi %add3A_194, %add3A_195 : i32
      %mul3A_197 = arith.constant 64 : i32
      %mul3A_198 = arith.muli %add3A_196, %mul3A_197 : i32
      %dma_start3A_199 = tpu.memref_slice %arg7[%mul3A_198] : memref<5120xi32, #tpu.memory_space<vmem>> -> memref<64xi32, #tpu.memory_space<vmem>>
      %dma_start3A_200 = arith.constant 0 : i32
      %dma_start3A_201 = arith.constant 0 : i32
      %dma_start3A_202 = tpu.memref_slice %arg2[%dma_start3A_200, %dma_start3A_201] : memref<10000x128xf32, #tpu.memory_space<hbm>> -> memref<10000x128xf32, #tpu.memory_space<hbm>>
      tpu.enqueue_indirect_dma source(%dma_start3A_202 : memref<10000x128xf32, #tpu.memory_space<hbm>>) target(%arg12 : memref<64x128xf32, #tpu.memory_space<vmem>>) offsets(%dma_start3A_199 : memref<64xi32, #tpu.memory_space<vmem>>) semaphore(%arg17 : memref<!tpu.dma_semaphore, #tpu.memory_space<semaphore_mem>>)
    }
    %scan3A_90 = arith.constant 19 : i32
    %dma_wait3A_91 = arith.constant 4864 : i32
    %dma_wait3A_92 = tpu.memref_slice %arg7[%dma_wait3A_91] : memref<5120xi32, #tpu.memory_space<vmem>> -> memref<64xi32, #tpu.memory_space<vmem>>
    %dma_wait3A_93 = arith.constant 0 : i32
    %dma_wait3A_94 = arith.constant 0 : i32
    %dma_wait3A_95 = tpu.memref_slice %arg2[%dma_wait3A_93, %dma_wait3A_94] : memref<10000x128xf32, #tpu.memory_space<hbm>> -> memref<10000x128xf32, #tpu.memory_space<hbm>>
    tpu.wait_indirect_dma semaphore(%arg14 : memref<!tpu.dma_semaphore, #tpu.memory_space<semaphore_mem>>) src(%dma_wait3A_95 : memref<10000x128xf32, #tpu.memory_space<hbm>>) dst(%arg9 : memref<64x128xf32, #tpu.memory_space<vmem>>)
    %run_scoped3A_96 = arith.constant 76 : i32
    "tpu.region"() ({
      %run_scoped3A_120 = tpu.sem_alloc : memref<!tpu.dma_semaphore, #tpu.memory_space<semaphore_mem>>
      %dma_start3A_121 = arith.constant 0 : i32
      %dma_start3A_122 = tpu.memref_slice %arg8[%run_scoped3A_96, %dma_start3A_121] : memref<80x64xi32, #tpu.memory_space<vmem>> -> memref<1x64xi32, #tpu.memory_space<vmem>>
      %dma_start3A_123 = tpu.memref_squeeze %dma_start3A_122 : memref<1x64xi32, #tpu.memory_space<vmem>> -> memref<64xi32, #tpu.memory_space<vmem>>
      %dma_start3A_124 = arith.constant 0 : i32
      %dma_start3A_125 = arith.constant 0 : i32
      %dma_start3A_126 = tpu.memref_slice %arg13[%dma_start3A_124, %dma_start3A_125] : memref<10112x128xf32, #tpu.memory_space<vmem_shared>> -> memref<10112x128xf32, #tpu.memory_space<vmem_shared>>
      tpu.enqueue_indirect_dma source(%arg9 : memref<64x128xf32, #tpu.memory_space<vmem>>) target(%dma_start3A_126 : memref<10112x128xf32, #tpu.memory_space<vmem_shared>>) offsets(%dma_start3A_123 : memref<64xi32, #tpu.memory_space<vmem>>) semaphore(%run_scoped3A_120 : memref<!tpu.dma_semaphore, #tpu.memory_space<semaphore_mem>>) {add = true}
      %dma_wait3A_127 = arith.constant 0 : i32
      %dma_wait3A_128 = tpu.memref_slice %arg8[%run_scoped3A_96, %dma_wait3A_127] : memref<80x64xi32, #tpu.memory_space<vmem>> -> memref<1x64xi32, #tpu.memory_space<vmem>>
      %dma_wait3A_129 = tpu.memref_squeeze %dma_wait3A_128 : memref<1x64xi32, #tpu.memory_space<vmem>> -> memref<64xi32, #tpu.memory_space<vmem>>
      %dma_wait3A_130 = arith.constant 0 : i32
      %dma_wait3A_131 = arith.constant 0 : i32
      %dma_wait3A_132 = tpu.memref_slice %arg13[%dma_wait3A_130, %dma_wait3A_131] : memref<10112x128xf32, #tpu.memory_space<vmem_shared>> -> memref<10112x128xf32, #tpu.memory_space<vmem_shared>>
      tpu.wait_indirect_dma semaphore(%run_scoped3A_120 : memref<!tpu.dma_semaphore, #tpu.memory_space<semaphore_mem>>) src(%arg9 : memref<64x128xf32, #tpu.memory_space<vmem>>) dst(%dma_wait3A_132 : memref<10112x128xf32, #tpu.memory_space<vmem_shared>>)
      tpu.yield
    }) : () -> ()
    %dma_wait3A_97 = arith.constant 4928 : i32
    %dma_wait3A_98 = tpu.memref_slice %arg7[%dma_wait3A_97] : memref<5120xi32, #tpu.memory_space<vmem>> -> memref<64xi32, #tpu.memory_space<vmem>>
    %dma_wait3A_99 = arith.constant 0 : i32
    %dma_wait3A_100 = arith.constant 0 : i32
    %dma_wait3A_101 = tpu.memref_slice %arg2[%dma_wait3A_99, %dma_wait3A_100] : memref<10000x128xf32, #tpu.memory_space<hbm>> -> memref<10000x128xf32, #tpu.memory_space<hbm>>
    tpu.wait_indirect_dma semaphore(%arg15 : memref<!tpu.dma_semaphore, #tpu.memory_space<semaphore_mem>>) src(%dma_wait3A_101 : memref<10000x128xf32, #tpu.memory_space<hbm>>) dst(%arg10 : memref<64x128xf32, #tpu.memory_space<vmem>>)
    %run_scoped3A_102 = arith.constant 77 : i32
    "tpu.region"() ({
      %run_scoped3A_120 = tpu.sem_alloc : memref<!tpu.dma_semaphore, #tpu.memory_space<semaphore_mem>>
      %dma_start3A_121 = arith.constant 0 : i32
      %dma_start3A_122 = tpu.memref_slice %arg8[%run_scoped3A_102, %dma_start3A_121] : memref<80x64xi32, #tpu.memory_space<vmem>> -> memref<1x64xi32, #tpu.memory_space<vmem>>
      %dma_start3A_123 = tpu.memref_squeeze %dma_start3A_122 : memref<1x64xi32, #tpu.memory_space<vmem>> -> memref<64xi32, #tpu.memory_space<vmem>>
      %dma_start3A_124 = arith.constant 0 : i32
      %dma_start3A_125 = arith.constant 0 : i32
      %dma_start3A_126 = tpu.memref_slice %arg13[%dma_start3A_124, %dma_start3A_125] : memref<10112x128xf32, #tpu.memory_space<vmem_shared>> -> memref<10112x128xf32, #tpu.memory_space<vmem_shared>>
      tpu.enqueue_indirect_dma source(%arg10 : memref<64x128xf32, #tpu.memory_space<vmem>>) target(%dma_start3A_126 : memref<10112x128xf32, #tpu.memory_space<vmem_shared>>) offsets(%dma_start3A_123 : memref<64xi32, #tpu.memory_space<vmem>>) semaphore(%run_scoped3A_120 : memref<!tpu.dma_semaphore, #tpu.memory_space<semaphore_mem>>) {add = true}
      %dma_wait3A_127 = arith.constant 0 : i32
      %dma_wait3A_128 = tpu.memref_slice %arg8[%run_scoped3A_102, %dma_wait3A_127] : memref<80x64xi32, #tpu.memory_space<vmem>> -> memref<1x64xi32, #tpu.memory_space<vmem>>
      %dma_wait3A_129 = tpu.memref_squeeze %dma_wait3A_128 : memref<1x64xi32, #tpu.memory_space<vmem>> -> memref<64xi32, #tpu.memory_space<vmem>>
      %dma_wait3A_130 = arith.constant 0 : i32
      %dma_wait3A_131 = arith.constant 0 : i32
      %dma_wait3A_132 = tpu.memref_slice %arg13[%dma_wait3A_130, %dma_wait3A_131] : memref<10112x128xf32, #tpu.memory_space<vmem_shared>> -> memref<10112x128xf32, #tpu.memory_space<vmem_shared>>
      tpu.wait_indirect_dma semaphore(%run_scoped3A_120 : memref<!tpu.dma_semaphore, #tpu.memory_space<semaphore_mem>>) src(%arg10 : memref<64x128xf32, #tpu.memory_space<vmem>>) dst(%dma_wait3A_132 : memref<10112x128xf32, #tpu.memory_space<vmem_shared>>)
      tpu.yield
    }) : () -> ()
    %dma_wait3A_103 = arith.constant 4992 : i32
    %dma_wait3A_104 = tpu.memref_slice %arg7[%dma_wait3A_103] : memref<5120xi32, #tpu.memory_space<vmem>> -> memref<64xi32, #tpu.memory_space<vmem>>
    %dma_wait3A_105 = arith.constant 0 : i32
    %dma_wait3A_106 = arith.constant 0 : i32
    %dma_wait3A_107 = tpu.memref_slice %arg2[%dma_wait3A_105, %dma_wait3A_106] : memref<10000x128xf32, #tpu.memory_space<hbm>> -> memref<10000x128xf32, #tpu.memory_space<hbm>>
    tpu.wait_indirect_dma semaphore(%arg16 : memref<!tpu.dma_semaphore, #tpu.memory_space<semaphore_mem>>) src(%dma_wait3A_107 : memref<10000x128xf32, #tpu.memory_space<hbm>>) dst(%arg11 : memref<64x128xf32, #tpu.memory_space<vmem>>)
    %run_scoped3A_108 = arith.constant 78 : i32
    "tpu.region"() ({
      %run_scoped3A_120 = tpu.sem_alloc : memref<!tpu.dma_semaphore, #tpu.memory_space<semaphore_mem>>
      %dma_start3A_121 = arith.constant 0 : i32
      %dma_start3A_122 = tpu.memref_slice %arg8[%run_scoped3A_108, %dma_start3A_121] : memref<80x64xi32, #tpu.memory_space<vmem>> -> memref<1x64xi32, #tpu.memory_space<vmem>>
      %dma_start3A_123 = tpu.memref_squeeze %dma_start3A_122 : memref<1x64xi32, #tpu.memory_space<vmem>> -> memref<64xi32, #tpu.memory_space<vmem>>
      %dma_start3A_124 = arith.constant 0 : i32
      %dma_start3A_125 = arith.constant 0 : i32
      %dma_start3A_126 = tpu.memref_slice %arg13[%dma_start3A_124, %dma_start3A_125] : memref<10112x128xf32, #tpu.memory_space<vmem_shared>> -> memref<10112x128xf32, #tpu.memory_space<vmem_shared>>
      tpu.enqueue_indirect_dma source(%arg11 : memref<64x128xf32, #tpu.memory_space<vmem>>) target(%dma_start3A_126 : memref<10112x128xf32, #tpu.memory_space<vmem_shared>>) offsets(%dma_start3A_123 : memref<64xi32, #tpu.memory_space<vmem>>) semaphore(%run_scoped3A_120 : memref<!tpu.dma_semaphore, #tpu.memory_space<semaphore_mem>>) {add = true}
      %dma_wait3A_127 = arith.constant 0 : i32
      %dma_wait3A_128 = tpu.memref_slice %arg8[%run_scoped3A_108, %dma_wait3A_127] : memref<80x64xi32, #tpu.memory_space<vmem>> -> memref<1x64xi32, #tpu.memory_space<vmem>>
      %dma_wait3A_129 = tpu.memref_squeeze %dma_wait3A_128 : memref<1x64xi32, #tpu.memory_space<vmem>> -> memref<64xi32, #tpu.memory_space<vmem>>
      %dma_wait3A_130 = arith.constant 0 : i32
      %dma_wait3A_131 = arith.constant 0 : i32
      %dma_wait3A_132 = tpu.memref_slice %arg13[%dma_wait3A_130, %dma_wait3A_131] : memref<10112x128xf32, #tpu.memory_space<vmem_shared>> -> memref<10112x128xf32, #tpu.memory_space<vmem_shared>>
      tpu.wait_indirect_dma semaphore(%run_scoped3A_120 : memref<!tpu.dma_semaphore, #tpu.memory_space<semaphore_mem>>) src(%arg11 : memref<64x128xf32, #tpu.memory_space<vmem>>) dst(%dma_wait3A_132 : memref<10112x128xf32, #tpu.memory_space<vmem_shared>>)
      tpu.yield
    }) : () -> ()
    %dma_wait3A_109 = arith.constant 5056 : i32
    %dma_wait3A_110 = tpu.memref_slice %arg7[%dma_wait3A_109] : memref<5120xi32, #tpu.memory_space<vmem>> -> memref<64xi32, #tpu.memory_space<vmem>>
    %dma_wait3A_111 = arith.constant 0 : i32
    %dma_wait3A_112 = arith.constant 0 : i32
    %dma_wait3A_113 = tpu.memref_slice %arg2[%dma_wait3A_111, %dma_wait3A_112] : memref<10000x128xf32, #tpu.memory_space<hbm>> -> memref<10000x128xf32, #tpu.memory_space<hbm>>
    tpu.wait_indirect_dma semaphore(%arg17 : memref<!tpu.dma_semaphore, #tpu.memory_space<semaphore_mem>>) src(%dma_wait3A_113 : memref<10000x128xf32, #tpu.memory_space<hbm>>) dst(%arg12 : memref<64x128xf32, #tpu.memory_space<vmem>>)
    %run_scoped3A_114 = arith.constant 79 : i32
    "tpu.region"() ({
      %run_scoped3A_120 = tpu.sem_alloc : memref<!tpu.dma_semaphore, #tpu.memory_space<semaphore_mem>>
      %dma_start3A_121 = arith.constant 0 : i32
      %dma_start3A_122 = tpu.memref_slice %arg8[%run_scoped3A_114, %dma_start3A_121] : memref<80x64xi32, #tpu.memory_space<vmem>> -> memref<1x64xi32, #tpu.memory_space<vmem>>
      %dma_start3A_123 = tpu.memref_squeeze %dma_start3A_122 : memref<1x64xi32, #tpu.memory_space<vmem>> -> memref<64xi32, #tpu.memory_space<vmem>>
      %dma_start3A_124 = arith.constant 0 : i32
      %dma_start3A_125 = arith.constant 0 : i32
      %dma_start3A_126 = tpu.memref_slice %arg13[%dma_start3A_124, %dma_start3A_125] : memref<10112x128xf32, #tpu.memory_space<vmem_shared>> -> memref<10112x128xf32, #tpu.memory_space<vmem_shared>>
      tpu.enqueue_indirect_dma source(%arg12 : memref<64x128xf32, #tpu.memory_space<vmem>>) target(%dma_start3A_126 : memref<10112x128xf32, #tpu.memory_space<vmem_shared>>) offsets(%dma_start3A_123 : memref<64xi32, #tpu.memory_space<vmem>>) semaphore(%run_scoped3A_120 : memref<!tpu.dma_semaphore, #tpu.memory_space<semaphore_mem>>) {add = true}
      %dma_wait3A_127 = arith.constant 0 : i32
      %dma_wait3A_128 = tpu.memref_slice %arg8[%run_scoped3A_114, %dma_wait3A_127] : memref<80x64xi32, #tpu.memory_space<vmem>> -> memref<1x64xi32, #tpu.memory_space<vmem>>
      %dma_wait3A_129 = tpu.memref_squeeze %dma_wait3A_128 : memref<1x64xi32, #tpu.memory_space<vmem>> -> memref<64xi32, #tpu.memory_space<vmem>>
      %dma_wait3A_130 = arith.constant 0 : i32
      %dma_wait3A_131 = arith.constant 0 : i32
      %dma_wait3A_132 = tpu.memref_slice %arg13[%dma_wait3A_130, %dma_wait3A_131] : memref<10112x128xf32, #tpu.memory_space<vmem_shared>> -> memref<10112x128xf32, #tpu.memory_space<vmem_shared>>
      tpu.wait_indirect_dma semaphore(%run_scoped3A_120 : memref<!tpu.dma_semaphore, #tpu.memory_space<semaphore_mem>>) src(%arg12 : memref<64x128xf32, #tpu.memory_space<vmem>>) dst(%dma_wait3A_132 : memref<10112x128xf32, #tpu.memory_space<vmem_shared>>)
      tpu.yield
    }) : () -> ()
    %barrier3A_115 = arith.constant 0 : index
    tpu.barrier barrier_id(%barrier3A_115)
    %mul3A_116 = arith.constant 632 : i32
    %mul3A_117 = arith.muli %arg1, %mul3A_116 : i32
    %mul3A_118 = arith.constant 632 : i32
    %mul3A_119 = arith.muli %arg1, %mul3A_118 : i32
    "tpu.region"() ({
      %run_scoped3A_120 = tpu.sem_alloc : memref<!tpu.dma_semaphore, #tpu.memory_space<semaphore_mem>>
      %dma_start3A_121 = arith.constant 0 : i32
      %dma_start3A_122 = tpu.memref_slice %arg6[%arg0, %mul3A_119, %dma_start3A_121] : memref<2x10112x128xf32, #tpu.memory_space<hbm>> -> memref<1x632x128xf32, #tpu.memory_space<hbm>>
      %dma_start3A_123 = tpu.memref_squeeze %dma_start3A_122 : memref<1x632x128xf32, #tpu.memory_space<hbm>> -> memref<632x128xf32, #tpu.memory_space<hbm>>
      %dma_start3A_124 = arith.constant 0 : i32
      %dma_start3A_125 = tpu.memref_slice %arg13[%mul3A_117, %dma_start3A_124] : memref<10112x128xf32, #tpu.memory_space<vmem_shared>> -> memref<632x128xf32, #tpu.memory_space<vmem_shared>>
      tpu.enqueue_dma source(%dma_start3A_125 : memref<632x128xf32, #tpu.memory_space<vmem_shared>>) target(%dma_start3A_123 : memref<632x128xf32, #tpu.memory_space<hbm>>) target_semaphore(%run_scoped3A_120 : memref<!tpu.dma_semaphore, #tpu.memory_space<semaphore_mem>>)
      %dma_wait3A_126 = arith.constant 0 : i32
      %dma_wait3A_127 = tpu.memref_slice %arg6[%arg0, %mul3A_119, %dma_wait3A_126] : memref<2x10112x128xf32, #tpu.memory_space<hbm>> -> memref<1x632x128xf32, #tpu.memory_space<hbm>>
      %dma_wait3A_128 = tpu.memref_squeeze %dma_wait3A_127 : memref<1x632x128xf32, #tpu.memory_space<hbm>> -> memref<632x128xf32, #tpu.memory_space<hbm>>
      %dma_wait3A_129 = arith.constant 0 : i32
      %dma_wait3A_130 = tpu.memref_slice %arg13[%mul3A_117, %dma_wait3A_129] : memref<10112x128xf32, #tpu.memory_space<vmem_shared>> -> memref<632x128xf32, #tpu.memory_space<vmem_shared>>
      tpu.wait_dma2 semaphore(%run_scoped3A_120 : memref<!tpu.dma_semaphore, #tpu.memory_space<semaphore_mem>>) src(%dma_wait3A_130 : memref<632x128xf32, #tpu.memory_space<vmem_shared>>) dst(%dma_wait3A_128 : memref<632x128xf32, #tpu.memory_space<hbm>>)
      tpu.yield
    }) : () -> ()
    return
  }
}

module attributes {stable_mosaic.version = 14 : i64} {
  func.func @_tc_dinv_body(%arg0: memref<32x10112xf32, #tpu.memory_space<vmem>>, %arg1: memref<10112x1xf32, #tpu.memory_space<vmem>>) attributes {dimension_semantics = [], scalar_prefetch = 0 : i64, scratch_operands = 0 : i64, tpu.core_type = #tpu.core_type<tc>} {
    %get3A = arith.constant 0 : index
    %get3A_0 = arith.constant 0 : index
    %get3A_1 = vector.load %arg0[%get3A, %get3A_0] : memref<32x10112xf32, #tpu.memory_space<vmem>>, vector<32x10112xf32>
    %reduce_sum3A = arith.constant dense<0.000000e+00> : vector<10112xf32>
    %reduce_sum3A_2 = vector.multi_reduction <add>, %get3A_1, %reduce_sum3A [0] : vector<32x10112xf32> to vector<10112xf32>
    %add3A = arith.constant 1.000000e+00 : f32
    %add3A_3 = vector.broadcast %add3A : f32 to vector<10112xf32>
    %add3A_4 = arith.addf %add3A_3, %reduce_sum3A_2 : vector<10112xf32>
    %rsqrt3A = math.rsqrt %add3A_4 : vector<10112xf32>
    %reshape3A = vector.shape_cast %rsqrt3A : vector<10112xf32> to vector<10112x1xf32>
    %swap3A = arith.constant 0 : index
    %swap3A_5 = arith.constant 0 : index
    %swap3A_6 = vector.load %arg1[%swap3A, %swap3A_5] : memref<10112x1xf32, #tpu.memory_space<vmem>>, vector<10112x1xf32>
    tpu.vector_store %arg1[%swap3A, %swap3A_5], %reshape3A {strides = array<i32>} : memref<10112x1xf32, #tpu.memory_space<vmem>>, vector<10112x1xf32>,
    return
  }
}

module attributes {stable_mosaic.version = 14 : i64} {
  func.func @_tc_pre_body(%arg0: i32, %arg1: memref<1000x128xf32, #tpu.memory_space<vmem>>, %arg2: memref<128x128xf32, #tpu.memory_space<vmem>>, %arg3: memref<1000x1xf32, #tpu.memory_space<vmem>>, %arg4: memref<1000x128xf32, #tpu.memory_space<vmem>>) attributes {dimension_semantics = [#tpu.dimension_semantics<arbitrary>], iteration_bounds = array<i64: 10>, scalar_prefetch = 0 : i64, scratch_operands = 0 : i64, tpu.core_type = #tpu.core_type<tc>, window_params = [{transform_indices = @transform_0, window_bounds = array<i64: 1000, 128>}, {pipeline_mode = #tpu.pipeline_mode<synchronous>, transform_indices = @transform_1, window_bounds = array<i64: 128, 128>}, {transform_indices = @transform_2, window_bounds = array<i64: 1000, 1>}, {transform_indices = @transform_3, window_bounds = array<i64: 1000, 128>}]} {
    %get3A = arith.constant 0 : index
    %get3A_0 = arith.constant 0 : index
    %get3A_1 = vector.load %arg3[%get3A, %get3A_0] : memref<1000x1xf32, #tpu.memory_space<vmem>>, vector<1000x1xf32>
    %get3A_2 = arith.constant 0 : index
    %get3A_3 = arith.constant 0 : index
    %get3A_4 = vector.load %arg1[%get3A_2, %get3A_3] : memref<1000x128xf32, #tpu.memory_space<vmem>>, vector<1000x128xf32>
    %get3A_5 = arith.constant 0 : index
    %get3A_6 = arith.constant 0 : index
    %get3A_7 = vector.load %arg2[%get3A_5, %get3A_6] : memref<128x128xf32, #tpu.memory_space<vmem>>, vector<128x128xf32>
    %dot_general3A = arith.constant dense<0.000000e+00> : vector<1000x128xf32>
    %dot_general3A_8 = tpu.matmul %get3A_4, %get3A_7, %dot_general3A {dimension_numbers = #tpu.dot_dimension_numbers<[1], [0], [0], [1], [0, 0, 1, 1], [], []>, precision = #tpu.contract_precision<fp32>, transpose_lhs_hint = false} : vector<1000x128xf32>, vector<128x128xf32>, vector<1000x128xf32> -> vector<1000x128xf32>
    %mul3A = vector.broadcast %get3A_1 : vector<1000x1xf32> to vector<1000x128xf32>
    %mul3A_9 = arith.mulf %mul3A, %dot_general3A_8 : vector<1000x128xf32>
    %swap3A = arith.constant 0 : index
    %swap3A_10 = arith.constant 0 : index
    %swap3A_11 = vector.load %arg4[%swap3A, %swap3A_10] : memref<1000x128xf32, #tpu.memory_space<vmem>>, vector<1000x128xf32>
    tpu.vector_store %arg4[%swap3A, %swap3A_10], %mul3A_9 {strides = array<i32>} : memref<1000x128xf32, #tpu.memory_space<vmem>>, vector<1000x128xf32>,
    return
  }
  func.func @transform_0(%arg0: i32) -> (i32, i32) {
    %c0_i32 = arith.constant 0 : i32
    %c0_i32_0 = arith.constant 0 : i32
    return %arg0, %c0_i32 : i32, i32
  }
  func.func @transform_1(%arg0: i32) -> (i32, i32) {
    %c0_i32 = arith.constant 0 : i32
    %c0_i32_0 = arith.constant 0 : i32
    %c0_i32_1 = arith.constant 0 : i32
    return %c0_i32, %c0_i32_0 : i32, i32
  }
  func.func @transform_2(%arg0: i32) -> (i32, i32) {
    %c0_i32 = arith.constant 0 : i32
    %c0_i32_0 = arith.constant 0 : i32
    return %arg0, %c0_i32 : i32, i32
  }
  func.func @transform_3(%arg0: i32) -> (i32, i32) {
    %c0_i32 = arith.constant 0 : i32
    %c0_i32_0 = arith.constant 0 : i32
    return %arg0, %c0_i32 : i32, i32
  }
}

module attributes {stable_mosaic.version = 14 : i64} {
  func.func @_tc_mid_body(%arg0: i32, %arg1: memref<2x1000x128xf32, #tpu.memory_space<vmem>>, %arg2: memref<1000x128xf32, #tpu.memory_space<vmem>>, %arg3: memref<1000x1xf32, #tpu.memory_space<vmem>>, %arg4: memref<1x128xf32, #tpu.memory_space<vmem>>, %arg5: memref<128x128xf32, #tpu.memory_space<vmem>>, %arg6: memref<1000x128xf32, #tpu.memory_space<vmem>>) attributes {dimension_semantics = [#tpu.dimension_semantics<arbitrary>], iteration_bounds = array<i64: 10>, scalar_prefetch = 0 : i64, scratch_operands = 0 : i64, tpu.core_type = #tpu.core_type<tc>, window_params = [{transform_indices = @transform_0, window_bounds = array<i64: 2, 1000, 128>}, {transform_indices = @transform_1, window_bounds = array<i64: 1000, 128>}, {transform_indices = @transform_2, window_bounds = array<i64: 1000, 1>}, {pipeline_mode = #tpu.pipeline_mode<synchronous>, transform_indices = @transform_3, window_bounds = array<i64: 1, 128>}, {pipeline_mode = #tpu.pipeline_mode<synchronous>, transform_indices = @transform_4, window_bounds = array<i64: 128, 128>}, {transform_indices = @transform_5, window_bounds = array<i64: 1000, 128>}]} {
    %get3A = arith.constant 0 : index
    %get3A_0 = arith.constant 0 : index
    %get3A_1 = vector.load %arg3[%get3A, %get3A_0] : memref<1000x1xf32, #tpu.memory_space<vmem>>, vector<1000x1xf32>
    %get3A_2 = arith.constant 0 : index
    %get3A_3 = arith.constant 0 : index
    %get3A_4 = arith.constant 0 : index
    %get3A_5 = vector.load %arg1[%get3A_2, %get3A_3, %get3A_4] : memref<2x1000x128xf32, #tpu.memory_space<vmem>>, vector<1x1000x128xf32>
    %get3A_6 = vector.shape_cast %get3A_5 : vector<1x1000x128xf32> to vector<1000x128xf32>
    %get3A_7 = arith.constant 1 : index
    %get3A_8 = arith.constant 0 : index
    %get3A_9 = arith.constant 0 : index
    %get3A_10 = vector.load %arg1[%get3A_7, %get3A_8, %get3A_9] : memref<2x1000x128xf32, #tpu.memory_space<vmem>>, vector<1x1000x128xf32>
    %get3A_11 = vector.shape_cast %get3A_10 : vector<1x1000x128xf32> to vector<1000x128xf32>
    %add3A = arith.addf %get3A_6, %get3A_11 : vector<1000x128xf32>
    %get3A_12 = arith.constant 0 : index
    %get3A_13 = arith.constant 0 : index
    %get3A_14 = vector.load %arg2[%get3A_12, %get3A_13] : memref<1000x128xf32, #tpu.memory_space<vmem>>, vector<1000x128xf32>
    %add3A_15 = arith.addf %add3A, %get3A_14 : vector<1000x128xf32>
    %mul3A = vector.broadcast %get3A_1 : vector<1000x1xf32> to vector<1000x128xf32>
    %mul3A_16 = arith.mulf %mul3A, %add3A_15 : vector<1000x128xf32>
    %get3A_17 = arith.constant 0 : index
    %get3A_18 = arith.constant 0 : index
    %get3A_19 = vector.load %arg4[%get3A_17, %get3A_18] : memref<1x128xf32, #tpu.memory_space<vmem>>, vector<1x128xf32>
    %add3A_20 = vector.broadcast %get3A_19 : vector<1x128xf32> to vector<1000x128xf32>
    %add3A_21 = arith.addf %mul3A_16, %add3A_20 : vector<1000x128xf32>
    %max3A = arith.constant 0.000000e+00 : f32
    %max3A_22 = vector.broadcast %max3A : f32 to vector<1000x128xf32>
    %max3A_23 = arith.maximumf %add3A_21, %max3A_22 : vector<1000x128xf32>
    %get3A_24 = arith.constant 0 : index
    %get3A_25 = arith.constant 0 : index
    %get3A_26 = vector.load %arg5[%get3A_24, %get3A_25] : memref<128x128xf32, #tpu.memory_space<vmem>>, vector<128x128xf32>
    %dot_general3A = arith.constant dense<0.000000e+00> : vector<1000x128xf32>
    %dot_general3A_27 = tpu.matmul %max3A_23, %get3A_26, %dot_general3A {dimension_numbers = #tpu.dot_dimension_numbers<[1], [0], [0], [1], [0, 0, 1, 1], [], []>, precision = #tpu.contract_precision<fp32>, transpose_lhs_hint = false} : vector<1000x128xf32>, vector<128x128xf32>, vector<1000x128xf32> -> vector<1000x128xf32>
    %mul3A_28 = vector.broadcast %get3A_1 : vector<1000x1xf32> to vector<1000x128xf32>
    %mul3A_29 = arith.mulf %mul3A_28, %dot_general3A_27 : vector<1000x128xf32>
    %swap3A = arith.constant 0 : index
    %swap3A_30 = arith.constant 0 : index
    %swap3A_31 = vector.load %arg6[%swap3A, %swap3A_30] : memref<1000x128xf32, #tpu.memory_space<vmem>>, vector<1000x128xf32>
    tpu.vector_store %arg6[%swap3A, %swap3A_30], %mul3A_29 {strides = array<i32>} : memref<1000x128xf32, #tpu.memory_space<vmem>>, vector<1000x128xf32>,
    return
  }
  func.func @transform_0(%arg0: i32) -> (i32, i32, i32) {
    %c0_i32 = arith.constant 0 : i32
    %c0_i32_0 = arith.constant 0 : i32
    %c0_i32_1 = arith.constant 0 : i32
    return %c0_i32, %arg0, %c0_i32_0 : i32, i32, i32
  }
  func.func @transform_1(%arg0: i32) -> (i32, i32) {
    %c0_i32 = arith.constant 0 : i32
    %c0_i32_0 = arith.constant 0 : i32
    return %arg0, %c0_i32 : i32, i32
  }
  func.func @transform_2(%arg0: i32) -> (i32, i32) {
    %c0_i32 = arith.constant 0 : i32
    %c0_i32_0 = arith.constant 0 : i32
    return %arg0, %c0_i32 : i32, i32
  }
  func.func @transform_3(%arg0: i32) -> (i32, i32) {
    %c0_i32 = arith.constant 0 : i32
    %c0_i32_0 = arith.constant 0 : i32
    %c0_i32_1 = arith.constant 0 : i32
    return %c0_i32, %c0_i32_0 : i32, i32
  }
  func.func @transform_4(%arg0: i32) -> (i32, i32) {
    %c0_i32 = arith.constant 0 : i32
    %c0_i32_0 = arith.constant 0 : i32
    %c0_i32_1 = arith.constant 0 : i32
    return %c0_i32, %c0_i32_0 : i32, i32
  }
  func.func @transform_5(%arg0: i32) -> (i32, i32) {
    %c0_i32 = arith.constant 0 : i32
    %c0_i32_0 = arith.constant 0 : i32
    return %arg0, %c0_i32 : i32, i32
  }
}

module attributes {stable_mosaic.version = 14 : i64} {
  func.func @_tc_post_body(%arg0: i32, %arg1: memref<2x1000x128xf32, #tpu.memory_space<vmem>>, %arg2: memref<1000x128xf32, #tpu.memory_space<vmem>>, %arg3: memref<1000x1xf32, #tpu.memory_space<vmem>>, %arg4: memref<1x128xf32, #tpu.memory_space<vmem>>, %arg5: memref<1000x128xf32, #tpu.memory_space<vmem>>) attributes {dimension_semantics = [#tpu.dimension_semantics<arbitrary>], iteration_bounds = array<i64: 10>, scalar_prefetch = 0 : i64, scratch_operands = 0 : i64, tpu.core_type = #tpu.core_type<tc>, window_params = [{transform_indices = @transform_0, window_bounds = array<i64: 2, 1000, 128>}, {transform_indices = @transform_1, window_bounds = array<i64: 1000, 128>}, {transform_indices = @transform_2, window_bounds = array<i64: 1000, 1>}, {pipeline_mode = #tpu.pipeline_mode<synchronous>, transform_indices = @transform_3, window_bounds = array<i64: 1, 128>}, {transform_indices = @transform_4, window_bounds = array<i64: 1000, 128>}]} {
    %get3A = arith.constant 0 : index
    %get3A_0 = arith.constant 0 : index
    %get3A_1 = arith.constant 0 : index
    %get3A_2 = vector.load %arg1[%get3A, %get3A_0, %get3A_1] : memref<2x1000x128xf32, #tpu.memory_space<vmem>>, vector<1x1000x128xf32>
    %get3A_3 = vector.shape_cast %get3A_2 : vector<1x1000x128xf32> to vector<1000x128xf32>
    %get3A_4 = arith.constant 1 : index
    %get3A_5 = arith.constant 0 : index
    %get3A_6 = arith.constant 0 : index
    %get3A_7 = vector.load %arg1[%get3A_4, %get3A_5, %get3A_6] : memref<2x1000x128xf32, #tpu.memory_space<vmem>>, vector<1x1000x128xf32>
    %get3A_8 = vector.shape_cast %get3A_7 : vector<1x1000x128xf32> to vector<1000x128xf32>
    %add3A = arith.addf %get3A_3, %get3A_8 : vector<1000x128xf32>
    %get3A_9 = arith.constant 0 : index
    %get3A_10 = arith.constant 0 : index
    %get3A_11 = vector.load %arg2[%get3A_9, %get3A_10] : memref<1000x128xf32, #tpu.memory_space<vmem>>, vector<1000x128xf32>
    %add3A_12 = arith.addf %add3A, %get3A_11 : vector<1000x128xf32>
    %get3A_13 = arith.constant 0 : index
    %get3A_14 = arith.constant 0 : index
    %get3A_15 = vector.load %arg3[%get3A_13, %get3A_14] : memref<1000x1xf32, #tpu.memory_space<vmem>>, vector<1000x1xf32>
    %mul3A = vector.broadcast %get3A_15 : vector<1000x1xf32> to vector<1000x128xf32>
    %mul3A_16 = arith.mulf %mul3A, %add3A_12 : vector<1000x128xf32>
    %get3A_17 = arith.constant 0 : index
    %get3A_18 = arith.constant 0 : index
    %get3A_19 = vector.load %arg4[%get3A_17, %get3A_18] : memref<1x128xf32, #tpu.memory_space<vmem>>, vector<1x128xf32>
    %add3A_20 = vector.broadcast %get3A_19 : vector<1x128xf32> to vector<1000x128xf32>
    %add3A_21 = arith.addf %mul3A_16, %add3A_20 : vector<1000x128xf32>
    %swap3A = arith.constant 0 : index
    %swap3A_22 = arith.constant 0 : index
    %swap3A_23 = vector.load %arg5[%swap3A, %swap3A_22] : memref<1000x128xf32, #tpu.memory_space<vmem>>, vector<1000x128xf32>
    tpu.vector_store %arg5[%swap3A, %swap3A_22], %add3A_21 {strides = array<i32>} : memref<1000x128xf32, #tpu.memory_space<vmem>>, vector<1000x128xf32>,
    return
  }
  func.func @transform_0(%arg0: i32) -> (i32, i32, i32) {
    %c0_i32 = arith.constant 0 : i32
    %c0_i32_0 = arith.constant 0 : i32
    %c0_i32_1 = arith.constant 0 : i32
    return %c0_i32, %arg0, %c0_i32_0 : i32, i32, i32
  }
  func.func @transform_1(%arg0: i32) -> (i32, i32) {
    %c0_i32 = arith.constant 0 : i32
    %c0_i32_0 = arith.constant 0 : i32
    return %arg0, %c0_i32 : i32, i32
  }
  func.func @transform_2(%arg0: i32) -> (i32, i32) {
    %c0_i32 = arith.constant 0 : i32
    %c0_i32_0 = arith.constant 0 : i32
    return %arg0, %c0_i32 : i32, i32
  }
  func.func @transform_3(%arg0: i32) -> (i32, i32) {
    %c0_i32 = arith.constant 0 : i32
    %c0_i32_0 = arith.constant 0 : i32
    %c0_i32_1 = arith.constant 0 : i32
    return %c0_i32, %c0_i32_0 : i32, i32
  }
  func.func @transform_4(%arg0: i32) -> (i32, i32) {
    %c0_i32 = arith.constant 0 : i32
    %c0_i32_0 = arith.constant 0 : i32
    return %arg0, %c0_i32 : i32, i32
  }
}

</mosaic_0001>

<sc_bundles>
// kernel: kernel.11.cloned.1.call-start
scs
__scs_entry_jumppad:
0x0: {  	(pc) =	sbr.rel $0x88, $3  }
0x1: {  	(tag) =	ssettag $0x0;
	lr =	simm.s32 $0x1  }
0x2: {  	[smem:$0x3F99] =	sst lr;
	_ =	strace $0xD0000000  }
0x3: {  	_ = 	snop  }
0x4: {  	_ = 	snop  }
0x5: {  	_ = 	snop  }
0x6: {  	_ = 	snop  }
0x7: {  	_ = 	snop  }
__scs_overlays_trampoline_lowered:
0x8: {  	[smem:$0x3FA8] =	sst s0  }
0x9: {  	[smem:$0x3FA9] =	sst s1  }
0xa: {  	[smem:$0x3FAA] =	sst s2  }
0xb: {  	[smem:$0x3FAB] =	sst s3  }
0xc: {  	[smem:$0x3FAC] =	sst s4  }
0xd: {  	[smem:$0x3FAD] =	sst s5  }
0xe: {  	[smem:$0x3FAE] =	sst s6  }
0xf: {  	[smem:$0x3FAF] =	sst s7  }
0x10: {  	[smem:$0x3FB0] =	sst s8  }
0x11: {  	[smem:$0x3FB1] =	sst s9;
	s0 =	simm.s32 @!p0 $0x0  }
0x12: {  	s1 =	sld [smem:$0x3F97];
	s0 =	simm.s32 @p0 $0x1  }
0x13: {  	[smem:$0x3FB2] =	sst s0;
	s0 =	simm.s32 @!p1 $0x0  }
0x14: {  	s2 =	sld [smem:$0x3F96];
	s0 =	simm.s32 @p1 $0x1  }
0x15: {  	[smem:$0x3FB3] =	sst s0;
	s0 =	simm.s32 @!p2 $0x0  }
0x16: {  	s3 =	sld [smem:$0x3FDB];
	s0 =	simm.s32 @p2 $0x1  }
0x17: {  	s4 =	simm.s32 $0x1BF5;
	[smem:$0x3FB5] =	sst s0  }
0x18: {  	s0 =	sld [smem:$0x3F98];
	_ =	swait.ge [sflag:s4], $0x0  }
0x19: {  	s7 =	sld [smem:$0x3F99]  }
0x1a: {  	s8 =	sadd.s32 $0xFFFFE003, lr  }
0x1b: {  	s9 =	sadd.s32 $0xFFFFFEF7, lr;
	s5 =	simm.s32 $0xFFFFFFFF;
	p2 =	slt.u32 s8, $0xFFFFF086  }
0x1c: {  	p1 =	slt.u32 s9, $0xF7A;
	s5 =	simm.s32 @!p2 $0x0  }
0x1d: {  	s5 =	simm.s32 @p1 $0x1;
	p0 =	seq.s32 s7, s2  }
0x1e: {  	s7 =	smul.u32 @!p0 $0xF7A, s2;
	p2 =	seq.s32 @!p0 s5, $0x0  }
0x1f: {  	s9 =	smul.u32 $0xF7A, s1;
	s8 =	simm.s32 @!p0 $0x1BF5;
	p2 =	por !p2, p0  }
0x20: {  	[sflag:s8] =	ssyncset.s32 @!p0 $0xFFFFF086;
	s6 =	sadd.s32 @!p0 s3, s7;
	s7 =	simm.s32 @!p0 $0x108  }
0x21: {  	s3 =	sadd.s32 s3, s9;
	s6 =	sadd.s32 @!p0 $0x88, s6;
	s7 =	simm.s32 @p2 $0x1082  }
0x22: {  	[simem:s7], [sflag:s8] =	dma.local @!p0 [hbm:s6], $0xF7A  }
0x23: {  	s9 =	sor.u32 $0xD0000000, s2;
	s6 =	simm.s32 $0x108;
	_ =	swait.ge @!p0 [sflag:s8], $0x0  }
0x24: {  	s3 =	sadd.s32 $0x88, s3;
	s6 =	simm.s32 @!p1 $0x1082;
	[sflag:s4] =	ssyncset.s32 $0xFFFFF086  }
0x25: {  	[simem:s6], [sflag:s4] =	dma.local [hbm:s3], $0xF7A  }
0x26: {  	[smem:$0x3F99] =	sst s1;
	(tag) =	ssettag s2;
	_ =	strace s9  }
0x27: {  	s1 =	sld [smem:$0x3FA9]  }
0x28: {  	s2 =	sld [smem:$0x3FAA]  }
0x29: {  	s4 =	sld [smem:$0x3FAC]  }
0x2a: {  	p0 =	seq.s32 s5, $0x0;
	s5 =	sld [smem:$0x3FAD]  }
0x2b: {  	s6 =	sld [smem:$0x3FAE]  }
0x2c: {  	s7 =	sld [smem:$0x3FAF]  }
0x2d: {  	s3 =	simm.s32 $0x108;
	s8 =	sld [smem:$0x3FB0]  }
0x2e: {  	s3 =	simm.s32 @!p0 $0x1082;
	s9 =	sld [smem:$0x3FB1]  }
0x2f: {  	lr =	sadd.s32 s0, s3;
	s0 =	sld [smem:$0x3FA8]  }
0x30: {  	s3 =	sld [smem:$0x3FAB]  }
0x31: {  	[smem:$0x3FB4] =	sst s10  }
0x32: {  	s10 =	sld [smem:$0x3FB2];
	_ =	sdelay $0x3  }
0x33: {  	p0 =	seq.s32 s10, $0x1;
	s10 =	sld [smem:$0x3FB4];
	_ =	sdelay $0x3  }
0x34: {  	[smem:$0x3FB4] =	sst s10  }
0x35: {  	s10 =	sld [smem:$0x3FB3];
	_ =	sdelay $0x3  }
0x36: {  	p1 =	seq.s32 s10, $0x1;
	s10 =	sld [smem:$0x3FB4];
	_ =	sdelay $0x3  }
0x37: {  	[smem:$0x3FB4] =	sst s10  }
0x38: {  	s10 =	sld [smem:$0x3FB5]  }
0x39: {  	_ = 	snop;
	(pc) =	sbr.ind lr, $3  }
0x3a: {  	_ = 	snop  }
0x3b: {  	_ = 	snop  }
0x3c: {  	p2 =	seq.s32 s10, $0x1;
	s10 =	sld [smem:$0x3FB4]  }
0x3d: {  	_ =	shalt  }
0x3e: {  	_ =	shalt  }
0x3f: {  	_ =	shalt  }
0x40: {  	_ =	shalt  }
0x41: {  	_ =	shalt  }
0x42: {  	_ =	shalt  }
0x43: {  	_ =	shalt  }
0x44: {  	_ =	shalt  }
0x45: {  	_ =	shalt  }
0x46: {  	_ =	shalt  }
0x47: {  	_ =	shalt  }
0x48: {  	_ =	shalt  }
0x49: {  	_ =	shalt  }
0x4a: {  	_ =	shalt  }
0x4b: {  	_ =	shalt  }
0x4c: {  	_ =	shalt  }
0x4d: {  	_ =	shalt  }
0x4e: {  	_ =	shalt  }
0x4f: {  	_ =	shalt  }
0x50: {  	_ =	shalt  }
0x51: {  	_ =	shalt  }
0x52: {  	_ =	shalt  }
0x53: {  	_ =	shalt  }
0x54: {  	_ =	shalt  }
0x55: {  	_ =	shalt  }
0x56: {  	_ =	shalt  }
0x57: {  	_ =	shalt  }
0x58: {  	_ =	shalt  }
0x59: {  	_ =	shalt  }
0x5a: {  	_ =	shalt  }
0x5b: {  	_ =	shalt  }
0x5c: {  	_ =	shalt  }
0x5d: {  	_ =	shalt  }
0x5e: {  	_ =	shalt  }
0x5f: {  	_ =	shalt  }
0x60: {  	_ =	shalt  }
0x61: {  	_ =	shalt  }
0x62: {  	_ =	shalt  }
0x63: {  	_ =	shalt  }
0x64: {  	_ =	shalt  }
0x65: {  	_ =	shalt  }
0x66: {  	_ =	shalt  }
0x67: {  	_ =	shalt  }
0x68: {  	_ =	shalt  }
0x69: {  	_ =	shalt  }
0x6a: {  	_ =	shalt  }
0x6b: {  	_ =	shalt  }
0x6c: {  	_ =	shalt  }
0x6d: {  	_ =	shalt  }
0x6e: {  	_ =	shalt  }
0x6f: {  	_ =	shalt  }
0x70: {  	_ =	shalt  }
0x71: {  	_ =	shalt  }
0x72: {  	_ =	shalt  }
0x73: {  	_ =	shalt  }
0x74: {  	_ =	shalt  }
0x75: {  	_ =	shalt  }
0x76: {  	_ =	shalt  }
0x77: {  	_ =	shalt  }
0x78: {  	_ =	shalt  }
0x79: {  	_ =	shalt  }
0x7a: {  	_ =	shalt  }
0x7b: {  	_ =	shalt  }
0x7c: {  	_ =	shalt  }
0x7d: {  	_ =	shalt  }
0x7e: {  	_ =	shalt  }
0x7f: {  	_ =	shalt  }
0x80: {  	_ =	shalt  }
0x81: {  	_ =	shalt  }
0x82: {  	_ =	shalt  }
0x83: {  	_ =	shalt  }
0x84: {  	_ =	shalt  }
0x85: {  	_ =	shalt  }
0x86: {  	_ =	shalt  }
0x87: {  	_ =	shalt  }
.Lfunc_end0:
.L_simem_size_0:
called_computation_lowered:
.L_overlay_start_0:
0x88: {  	s2 =	sld [smem:$0x3FD9]  }
0x89: {  	s3 =	sld [smem:$0x3FFE];
	_ =	sdelay $0x1  }
0x8a: {  	s1 =	srdreg.scid  }
0x8b: {  	s0 =	sand.u32 $0x1, s1  }
0x8c: {  	s17 =	sshll.u32 s0, $0xA;
	s2 =	sadd.s32 s3, s2  }
0x8d: {  	s2 =	sadd.s32 s2, s17  }
0x8e: {  	[smem:$0x3FC0] =	sst s2  }
0x8f: {  	_ = 	snop  }
0x90: {  	s2 =	sld [smem:$0x3FD0];
	(tm) =	ssettm $0x1  }
0x91: {  	s18 =	sld [smem:$0x3FFB];
	_ =	sdelay $0x3  }
0x92: {  	_ =	strace s18  }
0x93: {  	s3 =	sld [smem:$0x3FFC];
	_ =	sdelay $0x3  }
0x94: {  	_ =	strace s3  }
0x95: {  	s3 =	sld [smem:$0x3FFD];
	_ =	sdelay $0x3  }
0x96: {  	_ =	strace s3  }
0x97: {  	_ =	strace $0x8FFFFFFF  }
0x98: {  	s19 =	sld [smem:$0x3FDB];
	_ =	sdelay $0x1  }
0x99: {  	s4 =	simm.s32 $_scs_section_size  }
0x9a: {  	s5 =	simm.s32 $_size__tile_overlayer_lowered;
	s6 =	simm.s32 $_tile_overlayer_lowered  }
0x9b: {  	s22 =	simm.s32 $0x1BFF;
	s21 =	sshll.u32 s6, $0x1;
	s3 =	sadd.s32 s4, s19  }
0x9c: {  	s7 =	simm.s32 $0x0;
	s20 =	sshll.u32 s5, $0x1;
	s5 =	sadd.s32 s21, s3  }
0x9d: {  	[timem:s7], [sflag:s22] =	dma.local [hbm:s5], s20  }
0x9e: {  	_ =	swait.ge [sflag:s22], s20  }
0x9f: {  	s4 =	ssub.s32 $0x0, s20;
	[sflag:s22] =	ssyncset.done $0x0  }
0xa0: {  	[sflag:s22] =	ssyncadd.s32 s4;
	_ =	sdelay $0x1  }
0xa1: {  	s23 =	simm.s32 $0x1B8B  }
0xa2: {  	_ =	swait.ge [sflag:s23], $0x1  }
0xa3: {  	[sflag:s23] =	ssyncset.done $0x0  }
0xa4: {  	s25 =	simm.s32 $0x1B8E;
	s24 =	sld [smem:$0x3FFE];
	[sflag:s23] =	ssyncadd.s32 $0xFFFFFFFF  }
0xa5: {  	s26 =	simm.s32 $execute0_lowered;
	[smem:$0x3FD2] =	sst s25  }
0xa6: {  	s5 =	sshll.u32 s26, $0x1;
	_ =	strace $0x80000046;
	[dreg:$0x1] =	wrdreg $0xFFFFFFFF  }
0xa7: {  	s28 =	simm.s32 $_size_execute0_lowered;
	s3 =	sadd.s32 s3, s5;
	[dreg:$0x0] =	wrdreg $0x0  }
0xa8: {  	s5 =	sshll.u32 s28, $0x1;
	[dreg:$0x2] =	wrdreg s3  }
0xa9: {  	[dreg:$0x3] =	wrdreg s5  }
0xaa: {  	[dreg:$0x4] =	wrdreg $0xC0  }
0xab: {  	_ =	task [dreg:s7], $0x5FFFF  }
0xac: {  	[dreg:$0x1] =	wrdreg $0xFFFFFFFF  }
0xad: {  	[dreg:$0x0] =	wrdreg $0x60  }
0xae: {  	[dreg:$0x2] =	wrdreg s2  }
0xaf: {  	[dreg:$0x3] =	wrdreg s24  }
0xb0: {  	[dreg:$0x4] =	wrdreg $0x9  }
0xb1: {  	_ =	task.clear_ibuf [dreg:s7], $0x5FFFF;
	_ =	strace $0x90000046  }
0xb2: {  	s29 =	simm.s32 $0x9;
	_ =	strace $0x80000048  }
0xb3: {  	_ =	swait.ge [sflag:s29], $0x1  }
0xb4: {  	[sflag:s29] =	ssyncadd.s32 $0xFFFFFFFF  }
0xb5: {  	_ =	strace $0x90000048  }
0xb6: {  	_ =	sfence  }
0xb7: {  	s30 =	sld [smem:$0x0];
	_ =	sdelay $0x2  }
0xb8: {  	s31 =	sshll.u32 s1, $0xD;
	s1 =	sshrl.u32 s1, $0x2  }
0xb9: {  	s3 =	sand.u32 $0x4000, s31;
	s1 =	sadd.s32 s1, s30  }
0xba: {  	s0 =	sor.u32 s3, s0;
	s1 =	sshll.u32 s1, $0x11  }
0xbb: {  	s0 =	sor.u32 s1, s0  }
0xbc: {  	s0 =	sadd.s32 $0x8F2B, s0  }
0xbd: {  	[sflag:s0] =	ssyncadd.remote.s32 $0x1  }
0xbe: {  	_ =	sfence.sel $0xFFFF  }
0xbf: {  	[dreg:$0x0] =	wrdreg $0xFFFFFFFF;
	(pc) =	sbr.abs _section_cstart, $3  }
0xc0: {  	[dreg:$0x1] =	wrdreg $0xFFFFFFFF  }
0xc1: {  	_ =	task.clear_ibuf [dreg:s7], $0x2FFFF;
	_ =	strace $0x9FFFFFFF  }
0xc2: {  	(tm) =	ssettm $0x7FFFFFFF  }
0xc3: {  	_ =	shalt  }
tec
execute0_lowered:
.L_overlay_start_1:
0x0: {  	(tag) =	ssettag $0x1  }
0x1: {  	s0 =	srdreg.scid  }
0x2: {  	s3 =	sand.u32 $0x1, s0  }
0x3: {  	s4 =	rddreg [dreg:$0x0];
	s0 =	stileid.u32;
	s1 =	sshll.u32 s3, $0x4  }
0x4: {  	s5 =	rddreg [dreg:$0x1];
	s2 =	simm.s32 $0x0;
	s6 =	sor.u32 s0, s1  }
0x5: {  	s9 =	simm.s32 $0x400;
	[smem:$0x7FF] =	sst s2;
	s7 =	sshrl.u32 s6, $0x3  }
0x6: {  	s8 =	sshll.u32 s0, $0x7;
	s3 =	ssub.s32 $0x2, s3;
	s7 =	smul.u32 $0x13C00, s7  }
0x7: {  	s1 =	rddreg [dreg:$0x2];
	s8 =	sand.u32 $0x380, s8;
	s6 =	smul.u32 $0x500, s6  }
0x8: {  	_ =	strace $0x80000047;
	s30 =	sshrl.u32 s3, $0x1;
	s7 =	sor.u32 s8, s7  }
0x9: {  	s31 =	ssub.s32 s3, s30;
	s3 =	sadd.s32 s4, s6;
	s7 =	sshrl.u32 s7, $0x3  }
0xa: {  	s6 =	simm.s32 $0x1;
	s8 =	simm.s32 $0x80;
	s5 =	sadd.s32 s7, s5  }
0xb: {  	v0 =	vimm.f32 $0.0e+00;
	v1 =	vimm.f32 $1.000000000e+00;
	s7 =	simm.s32 $0x2800;
	s4 =	sadd.s32 $0x3400, s5;
	s5 =	smax.u32 s31, $0x1  }
.LBB2_1:
0xc: {  	s10 =	simm.s32 $0x40;
	s11 =	simm.s32 $0x0  }
.LBB2_2:
0xd: {  	p0 =	sne.s32 s10, $0x9DC0;
	[tilespmem:s11+$0x2800] =	vst v0;
	s11 =	smov.u32 s10;
	s10 =	sadd.s32 $0x40, s10  }
.Ltmp0:
0xe: {  	(pc) =	sbr.rel @p0 .LBB2_2-.Ltmp0, $2  }
0xf: {  	_ =	sdelay $0x2  }
0x10: {  	s11 =	sshra.s32 s11, $0x2  }
0x11: {  	[tilespmem:s11+$0x2800] =	vst v0;
	s10 =	simm.s32 $0x0  }
0x12: {  	[tilespmem:s10], [sflag:$0x1] =	stream.linear.gather [hbm4b:s3+s10], $0x2800, $0x38;
	[tilespmem:$0x4F80] =	vst v63  }
0x13: {  	_ =	swait.ge [sflag:s6], $0x2800  }
0x14: {  	[sflag:s6] =	ssyncset.done $0x0  }
0x15: {  	s11 =	simm.s32 $0x0;
	s10 =	simm.s32 $0x40;
	[sflag:s6] =	ssyncadd.s32 $0xFFFFD800  }
.LBB2_4:
0x16: {  	p0 =	sne.s32 s10, $0x9FC0;
	v2 =	vld [tilespmem:s11+$0x0];
	_ =	sdelay $0x3  }
.Ltmp1:
0x17: {  	(pc) =	sbr.rel @p0 .LBB2_4-.Ltmp1, $2  }
0x18: {  	_ =	sdelay $0x2  }
0x19: {  	s11 =	sshra.s32 s10, $0x2;
	s10 =	sadd.s32 $0x40, s10;
	[tilespmem:v2+s7+$0x0] =	vst.idx.add.f32.msk $0xffff, v1  }
0x1a: {  	v2 =	vld [tilespmem:s11+$0x0];
	_ =	sdelay $0x5  }
0x1b: {  	s2 =	sadd.s32 $0x1, s2  }
0x1c: {  	p0 =	sne.s32 s2, s5  }
.Ltmp2:
0x1d: {  	[tilespmem:v2+s7+$0x0] =	vst.idx.add.f32.msk $0xffff, v1;
	(pc) =	sbr.rel @p0 .LBB2_1-.Ltmp2, $4  }
0x1e: {  	[hbm4b:s4+s8] =	stream.strided.scatter [tilespmem:s7], [sflag:$0x1], $0x2780, s9, s8, $0x38;
	[tilespmem:$0x4F80] =	vst v63  }
0x1f: {  	_ =	swait.ge [sflag:s6], $0x2780  }
0x20: {  	[sflag:s6] =	ssyncset.done $0x0  }
0x21: {  	[sflag:s6] =	ssyncadd.s32 $0xFFFFD880  }
0x22: {  	_ =	sfence.sel $0x180000  }
0x23: {  	[bflag:$0x0] =	sbarrier.arrive $0xFFFF  }
0x24: {  	p0 =	sne.s32 s0, $0x0;
	_ =	strace $0x90000047  }
0x25: {  	s0 =	sadd.s32 @!p0 $0x100000, s1;
	[bflag:$0x2] =	sbarrier.arrive $0xFFFF  }
0x26: {  	[sflag:s0] =	ssyncadd.tile.s32 @!p0 $0x1;
	_ =	shalt  }
.Lfunc_end2:
_tile_overlayer_lowered:
.L_overlay_start_2:
0x27: {  	(tag) =	ssettag $0x2  }
0x28: {  	s0 =	rddreg [dreg:$0x0];
	s2 =	stileid.u32  }
0x29: {  	s1 =	rddreg [dreg:$0x1];
	p0 =	sne.s32 s2, $0x0  }
0x2a: {  	s3 =	rddreg [dreg:$0x2];
	[bflag:$0x3] =	sbarrier.arrive $0xFFFF;
	s2 =	simm.s32 @!p0 $0x1C01  }
0x2b: {  	[timem:s3], [sflag:s2] =	dma.local @!p0 [hbm:s0], s1  }
0x2c: {  	s0 =	simm.s32 @!p0 $0x1  }
0x2d: {  	_ =	swait.ge @!p0 [sflag:s0], s1  }
0x2e: {  	s1 =	ssub.s32 @!p0 $0x0, s1;
	[sflag:s0] =	ssyncset.done @!p0 $0x0  }
0x2f: {  	[sflag:s0] =	ssyncadd.s32 @!p0 s1  }
0x30: {  	[bflag:$0x3] =	sbarrier.arrive $0xFFFF  }
0x31: {  	_ =	shalt  }

// kernel: kernel.14.cloned.1.call-start
scs
__scs_entry_jumppad:
0x0: {  	(pc) =	sbr.rel $0x88, $3  }
0x1: {  	(tag) =	ssettag $0x0;
	lr =	simm.s32 $0x1  }
0x2: {  	[smem:$0x3F99] =	sst lr;
	_ =	strace $0xD0000000  }
0x3: {  	_ = 	snop  }
0x4: {  	_ = 	snop  }
0x5: {  	_ = 	snop  }
0x6: {  	_ = 	snop  }
0x7: {  	_ = 	snop  }
__scs_overlays_trampoline_lowered:
0x8: {  	[smem:$0x3FA8] =	sst s0  }
0x9: {  	[smem:$0x3FA9] =	sst s1  }
0xa: {  	[smem:$0x3FAA] =	sst s2  }
0xb: {  	[smem:$0x3FAB] =	sst s3  }
0xc: {  	[smem:$0x3FAC] =	sst s4  }
0xd: {  	[smem:$0x3FAD] =	sst s5  }
0xe: {  	[smem:$0x3FAE] =	sst s6  }
0xf: {  	[smem:$0x3FAF] =	sst s7  }
0x10: {  	[smem:$0x3FB0] =	sst s8  }
0x11: {  	[smem:$0x3FB1] =	sst s9;
	s0 =	simm.s32 @!p0 $0x0  }
0x12: {  	s1 =	sld [smem:$0x3F97];
	s0 =	simm.s32 @p0 $0x1  }
0x13: {  	[smem:$0x3FB2] =	sst s0;
	s0 =	simm.s32 @!p1 $0x0  }
0x14: {  	s2 =	sld [smem:$0x3F96];
	s0 =	simm.s32 @p1 $0x1  }
0x15: {  	[smem:$0x3FB3] =	sst s0;
	s0 =	simm.s32 @!p2 $0x0  }
0x16: {  	s3 =	sld [smem:$0x3FDB];
	s0 =	simm.s32 @p2 $0x1  }
0x17: {  	s4 =	simm.s32 $0x1BF5;
	[smem:$0x3FB5] =	sst s0  }
0x18: {  	s0 =	sld [smem:$0x3F98];
	_ =	swait.ge [sflag:s4], $0x0  }
0x19: {  	s7 =	sld [smem:$0x3F99]  }
0x1a: {  	s8 =	sadd.s32 $0xFFFFE003, lr  }
0x1b: {  	s9 =	sadd.s32 $0xFFFFFEF7, lr;
	s5 =	simm.s32 $0xFFFFFFFF;
	p2 =	slt.u32 s8, $0xFFFFF086  }
0x1c: {  	p1 =	slt.u32 s9, $0xF7A;
	s5 =	simm.s32 @!p2 $0x0  }
0x1d: {  	s5 =	simm.s32 @p1 $0x1;
	p0 =	seq.s32 s7, s2  }
0x1e: {  	s7 =	smul.u32 @!p0 $0xF7A, s2;
	p2 =	seq.s32 @!p0 s5, $0x0  }
0x1f: {  	s9 =	smul.u32 $0xF7A, s1;
	s8 =	simm.s32 @!p0 $0x1BF5;
	p2 =	por !p2, p0  }
0x20: {  	[sflag:s8] =	ssyncset.s32 @!p0 $0xFFFFF086;
	s6 =	sadd.s32 @!p0 s3, s7;
	s7 =	simm.s32 @!p0 $0x108  }
0x21: {  	s3 =	sadd.s32 s3, s9;
	s6 =	sadd.s32 @!p0 $0x88, s6;
	s7 =	simm.s32 @p2 $0x1082  }
0x22: {  	[simem:s7], [sflag:s8] =	dma.local @!p0 [hbm:s6], $0xF7A  }
0x23: {  	s9 =	sor.u32 $0xD0000000, s2;
	s6 =	simm.s32 $0x108;
	_ =	swait.ge @!p0 [sflag:s8], $0x0  }
0x24: {  	s3 =	sadd.s32 $0x88, s3;
	s6 =	simm.s32 @!p1 $0x1082;
	[sflag:s4] =	ssyncset.s32 $0xFFFFF086  }
0x25: {  	[simem:s6], [sflag:s4] =	dma.local [hbm:s3], $0xF7A  }
0x26: {  	[smem:$0x3F99] =	sst s1;
	(tag) =	ssettag s2;
	_ =	strace s9  }
0x27: {  	s1 =	sld [smem:$0x3FA9]  }
0x28: {  	s2 =	sld [smem:$0x3FAA]  }
0x29: {  	s4 =	sld [smem:$0x3FAC]  }
0x2a: {  	p0 =	seq.s32 s5, $0x0;
	s5 =	sld [smem:$0x3FAD]  }
0x2b: {  	s6 =	sld [smem:$0x3FAE]  }
0x2c: {  	s7 =	sld [smem:$0x3FAF]  }
0x2d: {  	s3 =	simm.s32 $0x108;
	s8 =	sld [smem:$0x3FB0]  }
0x2e: {  	s3 =	simm.s32 @!p0 $0x1082;
	s9 =	sld [smem:$0x3FB1]  }
0x2f: {  	lr =	sadd.s32 s0, s3;
	s0 =	sld [smem:$0x3FA8]  }
0x30: {  	s3 =	sld [smem:$0x3FAB]  }
0x31: {  	[smem:$0x3FB4] =	sst s10  }
0x32: {  	s10 =	sld [smem:$0x3FB2];
	_ =	sdelay $0x3  }
0x33: {  	p0 =	seq.s32 s10, $0x1;
	s10 =	sld [smem:$0x3FB4];
	_ =	sdelay $0x3  }
0x34: {  	[smem:$0x3FB4] =	sst s10  }
0x35: {  	s10 =	sld [smem:$0x3FB3];
	_ =	sdelay $0x3  }
0x36: {  	p1 =	seq.s32 s10, $0x1;
	s10 =	sld [smem:$0x3FB4];
	_ =	sdelay $0x3  }
0x37: {  	[smem:$0x3FB4] =	sst s10  }
0x38: {  	s10 =	sld [smem:$0x3FB5]  }
0x39: {  	_ = 	snop;
	(pc) =	sbr.ind lr, $3  }
0x3a: {  	_ = 	snop  }
0x3b: {  	_ = 	snop  }
0x3c: {  	p2 =	seq.s32 s10, $0x1;
	s10 =	sld [smem:$0x3FB4]  }
0x3d: {  	_ =	shalt  }
0x3e: {  	_ =	shalt  }
0x3f: {  	_ =	shalt  }
0x40: {  	_ =	shalt  }
0x41: {  	_ =	shalt  }
0x42: {  	_ =	shalt  }
0x43: {  	_ =	shalt  }
0x44: {  	_ =	shalt  }
0x45: {  	_ =	shalt  }
0x46: {  	_ =	shalt  }
0x47: {  	_ =	shalt  }
0x48: {  	_ =	shalt  }
0x49: {  	_ =	shalt  }
0x4a: {  	_ =	shalt  }
0x4b: {  	_ =	shalt  }
0x4c: {  	_ =	shalt  }
0x4d: {  	_ =	shalt  }
0x4e: {  	_ =	shalt  }
0x4f: {  	_ =	shalt  }
0x50: {  	_ =	shalt  }
0x51: {  	_ =	shalt  }
0x52: {  	_ =	shalt  }
0x53: {  	_ =	shalt  }
0x54: {  	_ =	shalt  }
0x55: {  	_ =	shalt  }
0x56: {  	_ =	shalt  }
0x57: {  	_ =	shalt  }
0x58: {  	_ =	shalt  }
0x59: {  	_ =	shalt  }
0x5a: {  	_ =	shalt  }
0x5b: {  	_ =	shalt  }
0x5c: {  	_ =	shalt  }
0x5d: {  	_ =	shalt  }
0x5e: {  	_ =	shalt  }
0x5f: {  	_ =	shalt  }
0x60: {  	_ =	shalt  }
0x61: {  	_ =	shalt  }
0x62: {  	_ =	shalt  }
0x63: {  	_ =	shalt  }
0x64: {  	_ =	shalt  }
0x65: {  	_ =	shalt  }
0x66: {  	_ =	shalt  }
0x67: {  	_ =	shalt  }
0x68: {  	_ =	shalt  }
0x69: {  	_ =	shalt  }
0x6a: {  	_ =	shalt  }
0x6b: {  	_ =	shalt  }
0x6c: {  	_ =	shalt  }
0x6d: {  	_ =	shalt  }
0x6e: {  	_ =	shalt  }
0x6f: {  	_ =	shalt  }
0x70: {  	_ =	shalt  }
0x71: {  	_ =	shalt  }
0x72: {  	_ =	shalt  }
0x73: {  	_ =	shalt  }
0x74: {  	_ =	shalt  }
0x75: {  	_ =	shalt  }
0x76: {  	_ =	shalt  }
0x77: {  	_ =	shalt  }
0x78: {  	_ =	shalt  }
0x79: {  	_ =	shalt  }
0x7a: {  	_ =	shalt  }
0x7b: {  	_ =	shalt  }
0x7c: {  	_ =	shalt  }
0x7d: {  	_ =	shalt  }
0x7e: {  	_ =	shalt  }
0x7f: {  	_ =	shalt  }
0x80: {  	_ =	shalt  }
0x81: {  	_ =	shalt  }
0x82: {  	_ =	shalt  }
0x83: {  	_ =	shalt  }
0x84: {  	_ =	shalt  }
0x85: {  	_ =	shalt  }
0x86: {  	_ =	shalt  }
0x87: {  	_ =	shalt  }
.Lfunc_end0:
.L_simem_size_0:
called_computation.1_lowered:
.L_overlay_start_0:
0x88: {  	s2 =	sld [smem:$0x3FD9]  }
0x89: {  	s3 =	sld [smem:$0x3FFE];
	_ =	sdelay $0x1  }
0x8a: {  	s1 =	srdreg.scid  }
0x8b: {  	s0 =	sand.u32 $0x1, s1  }
0x8c: {  	s17 =	sshll.u32 s0, $0xA;
	s2 =	sadd.s32 s3, s2  }
0x8d: {  	s2 =	sadd.s32 s2, s17  }
0x8e: {  	[smem:$0x3FC0] =	sst s2  }
0x8f: {  	_ = 	snop  }
0x90: {  	s2 =	sld [smem:$0x3FD0];
	(tm) =	ssettm $0x1  }
0x91: {  	s18 =	sld [smem:$0x3FFB];
	_ =	sdelay $0x3  }
0x92: {  	_ =	strace s18  }
0x93: {  	s3 =	sld [smem:$0x3FFC];
	_ =	sdelay $0x3  }
0x94: {  	_ =	strace s3  }
0x95: {  	s3 =	sld [smem:$0x3FFD];
	_ =	sdelay $0x3  }
0x96: {  	_ =	strace s3  }
0x97: {  	_ =	strace $0x8FFFFFFF  }
0x98: {  	s19 =	sld [smem:$0x3FDB];
	_ =	sdelay $0x1  }
0x99: {  	s4 =	simm.s32 $_scs_section_size  }
0x9a: {  	s5 =	simm.s32 $_size__tile_overlayer_lowered;
	s6 =	simm.s32 $_tile_overlayer_lowered  }
0x9b: {  	s22 =	simm.s32 $0x1BFF;
	s21 =	sshll.u32 s6, $0x1;
	s3 =	sadd.s32 s4, s19  }
0x9c: {  	s7 =	simm.s32 $0x0;
	s20 =	sshll.u32 s5, $0x1;
	s5 =	sadd.s32 s21, s3  }
0x9d: {  	[timem:s7], [sflag:s22] =	dma.local [hbm:s5], s20  }
0x9e: {  	_ =	swait.ge [sflag:s22], s20  }
0x9f: {  	s4 =	ssub.s32 $0x0, s20;
	[sflag:s22] =	ssyncset.done $0x0  }
0xa0: {  	[sflag:s22] =	ssyncadd.s32 s4;
	_ =	sdelay $0x1  }
0xa1: {  	s23 =	simm.s32 $0x1B8B  }
0xa2: {  	_ =	swait.ge [sflag:s23], $0x1  }
0xa3: {  	[sflag:s23] =	ssyncset.done $0x0  }
0xa4: {  	s25 =	simm.s32 $0x1B8E;
	s24 =	sld [smem:$0x3FFE];
	[sflag:s23] =	ssyncadd.s32 $0xFFFFFFFF  }
0xa5: {  	s26 =	simm.s32 $execute0_lowered;
	[smem:$0x3FD2] =	sst s25  }
0xa6: {  	s5 =	sshll.u32 s26, $0x1;
	_ =	strace $0x80000049;
	[dreg:$0x1] =	wrdreg $0xFFFFFFFF  }
0xa7: {  	s28 =	simm.s32 $_size_execute0_lowered;
	s3 =	sadd.s32 s3, s5;
	[dreg:$0x0] =	wrdreg $0x0  }
0xa8: {  	s5 =	sshll.u32 s28, $0x1;
	[dreg:$0x2] =	wrdreg s3  }
0xa9: {  	[dreg:$0x3] =	wrdreg s5  }
0xaa: {  	[dreg:$0x4] =	wrdreg $0xC0  }
0xab: {  	_ =	task [dreg:s7], $0x5FFFF  }
0xac: {  	[dreg:$0x1] =	wrdreg $0xFFFFFFFF  }
0xad: {  	[dreg:$0x0] =	wrdreg $0x60  }
0xae: {  	[dreg:$0x2] =	wrdreg s2  }
0xaf: {  	[dreg:$0x3] =	wrdreg s24  }
0xb0: {  	[dreg:$0x4] =	wrdreg $0xBC000  }
0xb1: {  	[dreg:$0x5] =	wrdreg $0x9  }
0xb2: {  	_ =	task.clear_ibuf [dreg:s7], $0x6FFFF;
	_ =	strace $0x90000049  }
0xb3: {  	s29 =	simm.s32 $0x9;
	_ =	strace $0x8000004B  }
0xb4: {  	_ =	swait.ge [sflag:s29], $0x1  }
0xb5: {  	[sflag:s29] =	ssyncadd.s32 $0xFFFFFFFF  }
0xb6: {  	_ =	strace $0x9000004B  }
0xb7: {  	_ =	sfence  }
0xb8: {  	s30 =	sld [smem:$0x0];
	_ =	sdelay $0x2  }
0xb9: {  	s31 =	sshll.u32 s1, $0xD;
	s1 =	sshrl.u32 s1, $0x2  }
0xba: {  	s3 =	sand.u32 $0x4000, s31;
	s1 =	sadd.s32 s1, s30  }
0xbb: {  	s0 =	sor.u32 s3, s0;
	s1 =	sshll.u32 s1, $0x11  }
0xbc: {  	s0 =	sor.u32 s1, s0  }
0xbd: {  	s0 =	sadd.s32 $0x8F2B, s0  }
0xbe: {  	[sflag:s0] =	ssyncadd.remote.s32 $0x1  }
0xbf: {  	_ =	sfence.sel $0xFFFF  }
0xc0: {  	[dreg:$0x0] =	wrdreg $0xFFFFFFFF;
	(pc) =	sbr.abs _section_cstart, $3  }
0xc1: {  	[dreg:$0x1] =	wrdreg $0xFFFFFFFF  }
0xc2: {  	_ =	task.clear_ibuf [dreg:s7], $0x2FFFF;
	_ =	strace $0x9FFFFFFF  }
0xc3: {  	(tm) =	ssettm $0x7FFFFFFF  }
tec
execute0_lowered:
.L_overlay_start_1:
0x0: {  	(tag) =	ssettag $0x1  }
0x1: {  	s0 =	srdreg.scid;
	s1 =	rddreg [dreg:$0x0]  }
0x2: {  	s12 =	stileid.u32;
	s5 =	rddreg [dreg:$0x1]  }
0x3: {  	s3 =	rddreg [dreg:$0x2];
	s4 =	simm.s32 $0x0;
	s14 =	simm.s32 $0x5  }
0x4: {  	s15 =	simm.s32 $0x1400;
	s16 =	simm.s32 $0x40;
	s17 =	simm.s32 $0x3C00  }
0x5: {  	s18 =	simm.s32 $0x5C00;
	s28 =	simm.s32 $0x3A00;
	s29 =	simm.s32 $0x3A80  }
0x6: {  	s30 =	simm.s32 $0x3B00;
	s31 =	simm.s32 $0x3B80;
	s0 =	sand.u32 $0x1, s0  }
0x7: {  	[smem:$0x7FF] =	sst s4;
	s8 =	smul.u32 $0x13C00, s12;
	s10 =	sadd.s32 $0xD200, s5  }
0x8: {  	s20 =	smul.u32 $0x4F000, s12;
	s21 =	sadd.s32 $0x3400, s5;
	s23 =	sshll.u32 s12, $0x6  }
0x9: {  	s2 =	sshll.u32 s0, $0x4;
	s7 =	smul.u32 $0x13C000, s0;
	_ =	strace $0x8000004A  }
0xa: {  	[dreg:$0x4] =	wrdreg s21;
	s0 =	ssub.s32 $0x2, s0;
	s2 =	sor.u32 s12, s2  }
0xb: {  	s21 =	simm.s32 $0xC0;
	s22 =	sshrl.u32 s0, $0x1;
	s6 =	smul.u32 $0x2800, s2  }
0xc: {  	s19 =	sadd.s32 s8, s7;
	s7 =	sshrl.u32 s20, $0x2;
	s11 =	smul.u32 $0x5000, s2  }
0xd: {  	s0 =	ssub.s32 s0, s22;
	s2 =	smul.u32 $0xA00, s2;
	s20 =	simm.s32 $0x7C00  }
0xe: {  	s22 =	simm.s32 $0x9C00;
	s7 =	sadd.s32 s7, s3;
	s12 =	smax.u32 s0, $0x1  }
0xf: {  	s6 =	sshrl.u32 s6, $0x3;
	s24 =	sshrl.u32 s11, $0x3;
	s2 =	sadd.s32 s10, s2  }
0x10: {  	s13 =	sshrl.u32 s7, $0x3;
	s9 =	sadd.s32 s6, s5;
	s6 =	sshrl.u32 s19, $0x3  }
0x11: {  	s26 =	sadd.s32 s10, s24;
	[dreg:$0x6] =	wrdreg s2;
	s19 =	simm.s32 $0x80  }
0x12: {  	s24 =	simm.s32 $0x2;
	s2 =	simm.s32 $0x0;
	s5 =	sadd.s32 s6, s5  }
0x13: {  	s6 =	sor.u32 $0x1C05, s23;
	s25 =	sadd.s32 $0x21200, s9;
	s9 =	sadd.s32 $0x21480, s9  }
0x14: {  	s10 =	sadd.s32 $0x500, s26;
	s23 =	simm.s32 $0x1;
	s26 =	simm.s32 $0x4  }
0x15: {  	[dreg:$0x5] =	wrdreg s25;
	s11 =	sadd.s32 $0x2B200, s5;
	s25 =	simm.s32 $0x3  }
.LBB2_1:
0x16: {  	s0 =	rddreg [dreg:$0x4]  }
0x17: {  	[spmem:s13], [sflag:s6] =	dma.local [hbm:s0], $0x2780  }
0x18: {  	_ =	swait.ge [sflag:s14], $0x2780  }
0x19: {  	[sflag:s14] =	ssyncset.done $0x0  }
0x1a: {  	[sflag:s14] =	ssyncadd.s32 $0xFFFFD880  }
0x1b: {  	[bflag:$0x0] =	sbarrier.arrive $0xFFFF  }
0x1c: {  	s5 =	rddreg [dreg:$0x5]  }
0x1d: {  	[tilespmem:s4], [sflag:$0x5] =	stream.linear.gather [hbm4b:s5+s4], $0x1400, $0x38;
	[tilespmem:$0x1F800] =	vst v63  }
0x1e: {  	_ =	swait.ge [sflag:s14], $0x1400  }
0x1f: {  	[sflag:s14] =	ssyncset.done $0x0  }
0x20: {  	s7 =	rddreg [dreg:$0x6];
	[sflag:s14] =	ssyncadd.s32 $0xFFFFEC00  }
0x21: {  	[tilespmem:s15], [sflag:$0x5] =	stream.linear.gather [hbm4b:s7+s4], $0x2800, $0x38;
	[tilespmem:$0x1F800] =	vst v63  }
0x22: {  	_ =	swait.ge [sflag:s14], $0x2800  }
0x23: {  	[sflag:s14] =	ssyncset.done $0x0  }
0x24: {  	[sflag:s14] =	ssyncadd.s32 $0xFFFFD800  }
0x25: {  	[tilespmem:s17], [sflag:$0x1] =	stream.indirect.gather [hbm4b:s1+s16], $0x80, s4, s16, $0xb8;
	[tilespmem:$0x1F800] =	vst v63  }
0x26: {  	_ = 	snop  }
0x27: {  	[tilespmem:s18], [sflag:$0x2] =	stream.indirect.gather [hbm4b:s1+s16], $0x80, s16, s16, $0xb8;
	[tilespmem:$0x1F800] =	vst v63  }
0x28: {  	_ = 	snop  }
0x29: {  	[tilespmem:s20], [sflag:$0x3] =	stream.indirect.gather [hbm4b:s1+s16], $0x80, s19, s16, $0xb8;
	[tilespmem:$0x1F800] =	vst v63  }
0x2a: {  	_ = 	snop  }
0x2b: {  	[tilespmem:s22], [sflag:$0x4] =	stream.indirect.gather [hbm4b:s1+s16], $0x80, s21, s16, $0xb8;
	[tilespmem:$0x1F800] =	vst v63  }
0x2c: {  	_ =	swait.ge [sflag:s23], $0x2000  }
0x2d: {  	[sflag:s23] =	ssyncset.done $0x0  }
0x2e: {  	s8 =	simm.s32 $0x1400;
	[sflag:s23] =	ssyncadd.s32 $0xFFFFE000  }
0x2f: {  	[spmem:s3] =	stream.indirect.scatter.add.f32 [tilespmem:s17], [sflag:$0x5], $0x80, s8, s16, $0xb8;
	[tilespmem:$0x1F800] =	vst v63  }
0x30: {  	_ =	swait.ge [sflag:s14], $0x2000  }
0x31: {  	[sflag:s14] =	ssyncset.done $0x0  }
0x32: {  	s5 =	simm.s32 $0x100;
	[sflag:s14] =	ssyncadd.s32 $0xFFFFE000  }
0x33: {  	[tilespmem:s17], [sflag:$0x1] =	stream.indirect.gather [hbm4b:s1+s16], $0x80, s5, s16, $0xb8;
	[tilespmem:$0x1F800] =	vst v63  }
0x34: {  	_ =	swait.ge [sflag:s24], $0x2000  }
0x35: {  	[sflag:s24] =	ssyncset.done $0x0  }
0x36: {  	s7 =	simm.s32 $0x1480;
	[sflag:s24] =	ssyncadd.s32 $0xFFFFE000  }
0x37: {  	[spmem:s3] =	stream.indirect.scatter.add.f32 [tilespmem:s18], [sflag:$0x5], $0x80, s7, s16, $0xb8;
	[tilespmem:$0x1F800] =	vst v63  }
0x38: {  	_ =	swait.ge [sflag:s14], $0x2000  }
0x39: {  	[sflag:s14] =	ssyncset.done $0x0  }
0x3a: {  	s8 =	simm.s32 $0x140;
	[sflag:s14] =	ssyncadd.s32 $0xFFFFE000  }
0x3b: {  	[tilespmem:s18], [sflag:$0x2] =	stream.indirect.gather [hbm4b:s1+s16], $0x80, s8, s16, $0xb8;
	[tilespmem:$0x1F800] =	vst v63  }
0x3c: {  	_ =	swait.ge [sflag:s25], $0x2000  }
0x3d: {  	[sflag:s25] =	ssyncset.done $0x0  }
0x3e: {  	s5 =	simm.s32 $0x1500;
	[sflag:s25] =	ssyncadd.s32 $0xFFFFE000  }
0x3f: {  	[spmem:s3] =	stream.indirect.scatter.add.f32 [tilespmem:s20], [sflag:$0x5], $0x80, s5, s16, $0xb8;
	[tilespmem:$0x1F800] =	vst v63  }
0x40: {  	_ =	swait.ge [sflag:s14], $0x2000  }
0x41: {  	[sflag:s14] =	ssyncset.done $0x0  }
0x42: {  	s7 =	simm.s32 $0x180;
	[sflag:s14] =	ssyncadd.s32 $0xFFFFE000  }
0x43: {  	[tilespmem:s20], [sflag:$0x3] =	stream.indirect.gather [hbm4b:s1+s16], $0x80, s7, s16, $0xb8;
	[tilespmem:$0x1F800] =	vst v63  }
0x44: {  	_ =	swait.ge [sflag:s26], $0x2000  }
0x45: {  	[sflag:s26] =	ssyncset.done $0x0  }
0x46: {  	s8 =	simm.s32 $0x1580;
	[sflag:s26] =	ssyncadd.s32 $0xFFFFE000  }
0x47: {  	[spmem:s3] =	stream.indirect.scatter.add.f32 [tilespmem:s22], [sflag:$0x5], $0x80, s8, s16, $0xb8;
	[tilespmem:$0x1F800] =	vst v63  }
0x48: {  	_ =	swait.ge [sflag:s14], $0x2000  }
0x49: {  	s0 =	simm.s32 $0x400;
	[sflag:s14] =	ssyncset.done $0x0  }
0x4a: {  	s5 =	simm.s32 $0x1780;
	s7 =	simm.s32 $0x1C0;
	[sflag:s14] =	ssyncadd.s32 $0xFFFFE000  }
.LBB2_2:
0x4b: {  	[tilespmem:s22], [sflag:$0x4] =	stream.indirect.gather [hbm4b:s1+s16], $0x80, s7, s16, $0xb8;
	[tilespmem:$0x1F800] =	vst v63  }
0x4c: {  	s7 =	smov.u32 s0  }
0x4d: {  	p0 =	sne.s32 s0, $0x4800;
	s0 =	sadd.s32 $0x400, s0;
	_ =	swait.ge [sflag:s23], $0x2000  }
0x4e: {  	[sflag:s23] =	ssyncset.done $0x0  }
0x4f: {  	s8 =	sadd.s32 $0xFFFFFE80, s5;
	[sflag:s23] =	ssyncadd.s32 $0xFFFFE000  }
0x50: {  	[spmem:s3] =	stream.indirect.scatter.add.f32 [tilespmem:s17], [sflag:$0x5], $0x80, s8, s16, $0xb8;
	[tilespmem:$0x1F800] =	vst v63  }
0x51: {  	_ =	swait.ge [sflag:s14], $0x2000  }
0x52: {  	s7 =	sshra.s32 s7, $0x2;
	[sflag:s14] =	ssyncset.done $0x0  }
0x53: {  	s8 =	sadd.s32 $0x100, s7;
	[sflag:s14] =	ssyncadd.s32 $0xFFFFE000  }
0x54: {  	[tilespmem:s17], [sflag:$0x1] =	stream.indirect.gather [hbm4b:s1+s16], $0x80, s8, s16, $0xb8;
	[tilespmem:$0x1F800] =	vst v63  }
0x55: {  	_ =	swait.ge [sflag:s24], $0x2000  }
0x56: {  	[sflag:s24] =	ssyncset.done $0x0  }
0x57: {  	s8 =	sadd.s32 $0xFFFFFF00, s5;
	[sflag:s24] =	ssyncadd.s32 $0xFFFFE000  }
0x58: {  	[spmem:s3] =	stream.indirect.scatter.add.f32 [tilespmem:s18], [sflag:$0x5], $0x80, s8, s16, $0xb8;
	[tilespmem:$0x1F800] =	vst v63  }
0x59: {  	_ =	swait.ge [sflag:s14], $0x2000  }
0x5a: {  	[sflag:s14] =	ssyncset.done $0x0  }
0x5b: {  	s8 =	sadd.s32 $0x140, s7;
	[sflag:s14] =	ssyncadd.s32 $0xFFFFE000  }
0x5c: {  	[tilespmem:s18], [sflag:$0x2] =	stream.indirect.gather [hbm4b:s1+s16], $0x80, s8, s16, $0xb8;
	[tilespmem:$0x1F800] =	vst v63  }
0x5d: {  	_ =	swait.ge [sflag:s25], $0x2000  }
0x5e: {  	[sflag:s25] =	ssyncset.done $0x0  }
0x5f: {  	s8 =	sadd.s32 $0xFFFFFF80, s5;
	[sflag:s25] =	ssyncadd.s32 $0xFFFFE000  }
0x60: {  	[spmem:s3] =	stream.indirect.scatter.add.f32 [tilespmem:s20], [sflag:$0x5], $0x80, s8, s16, $0xb8;
	[tilespmem:$0x1F800] =	vst v63  }
0x61: {  	_ =	swait.ge [sflag:s14], $0x2000  }
0x62: {  	[sflag:s14] =	ssyncset.done $0x0  }
0x63: {  	s8 =	sadd.s32 $0x180, s7;
	[sflag:s14] =	ssyncadd.s32 $0xFFFFE000  }
0x64: {  	[tilespmem:s20], [sflag:$0x3] =	stream.indirect.gather [hbm4b:s1+s16], $0x80, s8, s16, $0xb8;
	[tilespmem:$0x1F800] =	vst v63  }
0x65: {  	_ =	swait.ge [sflag:s26], $0x2000  }
0x66: {  	[sflag:s26] =	ssyncset.done $0x0  }
.Ltmp0:
0x67: {  	[sflag:s26] =	ssyncadd.s32 $0xFFFFE000;
	(pc) =	sbr.rel @p0 .LBB2_2-.Ltmp0, $4  }
0x68: {  	[spmem:s3] =	stream.indirect.scatter.add.f32 [tilespmem:s22], [sflag:$0x5], $0x80, s5, s16, $0xb8;
	[tilespmem:$0x1F800] =	vst v63  }
0x69: {  	_ =	swait.ge [sflag:s14], $0x2000  }
0x6a: {  	[sflag:s14] =	ssyncset.done $0x0  }
0x6b: {  	s7 =	sadd.s32 $0x1C0, s7;
	s5 =	sadd.s32 $0x200, s5;
	[sflag:s14] =	ssyncadd.s32 $0xFFFFE000  }
0x6c: {  	[tilespmem:s22], [sflag:$0x4] =	stream.indirect.gather [hbm4b:s1+s16], $0x80, s7, s16, $0xb8;
	[tilespmem:$0x1F800] =	vst v63  }
0x6d: {  	_ =	swait.ge [sflag:s23], $0x2000  }
0x6e: {  	[sflag:s23] =	ssyncset.done $0x0  }
0x6f: {  	[sflag:s23] =	ssyncadd.s32 $0xFFFFE000  }
0x70: {  	[spmem:s3] =	stream.indirect.scatter.add.f32 [tilespmem:s17], [sflag:$0x5], $0x80, s28, s16, $0xb8;
	[tilespmem:$0x1F800] =	vst v63  }
0x71: {  	_ =	swait.ge [sflag:s14], $0x2000  }
0x72: {  	[sflag:s14] =	ssyncset.done $0x0  }
0x73: {  	[sflag:s14] =	ssyncadd.s32 $0xFFFFE000  }
0x74: {  	_ =	swait.ge [sflag:s24], $0x2000  }
0x75: {  	[sflag:s24] =	ssyncset.done $0x0  }
0x76: {  	[sflag:s24] =	ssyncadd.s32 $0xFFFFE000  }
0x77: {  	[spmem:s3] =	stream.indirect.scatter.add.f32 [tilespmem:s18], [sflag:$0x5], $0x80, s29, s16, $0xb8;
	[tilespmem:$0x1F800] =	vst v63  }
0x78: {  	_ =	swait.ge [sflag:s14], $0x2000  }
0x79: {  	[sflag:s14] =	ssyncset.done $0x0  }
0x7a: {  	[sflag:s14] =	ssyncadd.s32 $0xFFFFE000  }
0x7b: {  	_ =	swait.ge [sflag:s25], $0x2000  }
0x7c: {  	[sflag:s25] =	ssyncset.done $0x0  }
0x7d: {  	[sflag:s25] =	ssyncadd.s32 $0xFFFFE000  }
0x7e: {  	[spmem:s3] =	stream.indirect.scatter.add.f32 [tilespmem:s20], [sflag:$0x5], $0x80, s30, s16, $0xb8;
	[tilespmem:$0x1F800] =	vst v63  }
0x7f: {  	_ =	swait.ge [sflag:s14], $0x2000  }
0x80: {  	[sflag:s14] =	ssyncset.done $0x0  }
0x81: {  	[sflag:s14] =	ssyncadd.s32 $0xFFFFE000  }
0x82: {  	_ =	swait.ge [sflag:s26], $0x2000  }
0x83: {  	[sflag:s26] =	ssyncset.done $0x0  }
0x84: {  	[sflag:s26] =	ssyncadd.s32 $0xFFFFE000  }
0x85: {  	[spmem:s3] =	stream.indirect.scatter.add.f32 [tilespmem:s22], [sflag:$0x5], $0x80, s31, s16, $0xb8;
	[tilespmem:$0x1F800] =	vst v63  }
0x86: {  	_ =	swait.ge [sflag:s14], $0x2000  }
0x87: {  	[sflag:s14] =	ssyncset.done $0x0  }
0x88: {  	s0 =	simm.s32 $0x0;
	[sflag:s14] =	ssyncadd.s32 $0xFFFFE000  }
0x89: {  	[tilespmem:s0], [sflag:$0x5] =	stream.linear.gather [hbm4b:s9+s0], $0x1400, $0x38;
	[tilespmem:$0x1F800] =	vst v63  }
0x8a: {  	_ =	swait.ge [sflag:s14], $0x1400  }
0x8b: {  	[sflag:s14] =	ssyncset.done $0x0  }
0x8c: {  	[sflag:s14] =	ssyncadd.s32 $0xFFFFEC00  }
0x8d: {  	[tilespmem:s15], [sflag:$0x5] =	stream.linear.gather [hbm4b:s10+s0], $0x2800, $0x38;
	[tilespmem:$0x1F800] =	vst v63  }
0x8e: {  	_ =	swait.ge [sflag:s14], $0x2800  }
0x8f: {  	[sflag:s14] =	ssyncset.done $0x0  }
0x90: {  	[sflag:s14] =	ssyncadd.s32 $0xFFFFD800  }
0x91: {  	[tilespmem:s17], [sflag:$0x1] =	stream.indirect.gather [hbm4b:s1+s16], $0x80, s0, s16, $0xb8;
	[tilespmem:$0x1F800] =	vst v63  }
0x92: {  	_ = 	snop  }
0x93: {  	[tilespmem:s18], [sflag:$0x2] =	stream.indirect.gather [hbm4b:s1+s16], $0x80, s16, s16, $0xb8;
	[tilespmem:$0x1F800] =	vst v63  }
0x94: {  	_ = 	snop  }
0x95: {  	[tilespmem:s20], [sflag:$0x3] =	stream.indirect.gather [hbm4b:s1+s16], $0x80, s19, s16, $0xb8;
	[tilespmem:$0x1F800] =	vst v63  }
0x96: {  	_ = 	snop  }
0x97: {  	[tilespmem:s22], [sflag:$0x4] =	stream.indirect.gather [hbm4b:s1+s16], $0x80, s21, s16, $0xb8;
	[tilespmem:$0x1F800] =	vst v63  }
0x98: {  	_ =	swait.ge [sflag:s23], $0x2000  }
0x99: {  	[sflag:s23] =	ssyncset.done $0x0  }
0x9a: {  	s8 =	simm.s32 $0x1400;
	[sflag:s23] =	ssyncadd.s32 $0xFFFFE000  }
0x9b: {  	[spmem:s3] =	stream.indirect.scatter.add.f32 [tilespmem:s17], [sflag:$0x5], $0x80, s8, s16, $0xb8;
	[tilespmem:$0x1F800] =	vst v63  }
0x9c: {  	_ =	swait.ge [sflag:s14], $0x2000  }
0x9d: {  	[sflag:s14] =	ssyncset.done $0x0  }
0x9e: {  	s5 =	simm.s32 $0x100;
	[sflag:s14] =	ssyncadd.s32 $0xFFFFE000  }
0x9f: {  	[tilespmem:s17], [sflag:$0x1] =	stream.indirect.gather [hbm4b:s1+s16], $0x80, s5, s16, $0xb8;
	[tilespmem:$0x1F800] =	vst v63  }
0xa0: {  	_ =	swait.ge [sflag:s24], $0x2000  }
0xa1: {  	[sflag:s24] =	ssyncset.done $0x0  }
0xa2: {  	s7 =	simm.s32 $0x1480;
	[sflag:s24] =	ssyncadd.s32 $0xFFFFE000  }
0xa3: {  	[spmem:s3] =	stream.indirect.scatter.add.f32 [tilespmem:s18], [sflag:$0x5], $0x80, s7, s16, $0xb8;
	[tilespmem:$0x1F800] =	vst v63  }
0xa4: {  	_ =	swait.ge [sflag:s14], $0x2000  }
0xa5: {  	[sflag:s14] =	ssyncset.done $0x0  }
0xa6: {  	s8 =	simm.s32 $0x140;
	[sflag:s14] =	ssyncadd.s32 $0xFFFFE000  }
0xa7: {  	[tilespmem:s18], [sflag:$0x2] =	stream.indirect.gather [hbm4b:s1+s16], $0x80, s8, s16, $0xb8;
	[tilespmem:$0x1F800] =	vst v63  }
0xa8: {  	_ =	swait.ge [sflag:s25], $0x2000  }
0xa9: {  	[sflag:s25] =	ssyncset.done $0x0  }
0xaa: {  	s5 =	simm.s32 $0x1500;
	[sflag:s25] =	ssyncadd.s32 $0xFFFFE000  }
0xab: {  	[spmem:s3] =	stream.indirect.scatter.add.f32 [tilespmem:s20], [sflag:$0x5], $0x80, s5, s16, $0xb8;
	[tilespmem:$0x1F800] =	vst v63  }
0xac: {  	_ =	swait.ge [sflag:s14], $0x2000  }
0xad: {  	[sflag:s14] =	ssyncset.done $0x0  }
0xae: {  	s7 =	simm.s32 $0x180;
	[sflag:s14] =	ssyncadd.s32 $0xFFFFE000  }
0xaf: {  	[tilespmem:s20], [sflag:$0x3] =	stream.indirect.gather [hbm4b:s1+s16], $0x80, s7, s16, $0xb8;
	[tilespmem:$0x1F800] =	vst v63  }
0xb0: {  	_ =	swait.ge [sflag:s26], $0x2000  }
0xb1: {  	[sflag:s26] =	ssyncset.done $0x0  }
0xb2: {  	s8 =	simm.s32 $0x1580;
	[sflag:s26] =	ssyncadd.s32 $0xFFFFE000  }
0xb3: {  	[spmem:s3] =	stream.indirect.scatter.add.f32 [tilespmem:s22], [sflag:$0x5], $0x80, s8, s16, $0xb8;
	[tilespmem:$0x1F800] =	vst v63  }
0xb4: {  	_ =	swait.ge [sflag:s14], $0x2000  }
0xb5: {  	s0 =	simm.s32 $0x400;
	[sflag:s14] =	ssyncset.done $0x0  }
0xb6: {  	s5 =	simm.s32 $0x1780;
	s7 =	simm.s32 $0x1C0;
	[sflag:s14] =	ssyncadd.s32 $0xFFFFE000  }
.LBB2_4:
0xb7: {  	[tilespmem:s22], [sflag:$0x4] =	stream.indirect.gather [hbm4b:s1+s16], $0x80, s7, s16, $0xb8;
	[tilespmem:$0x1F800] =	vst v63  }
0xb8: {  	s7 =	smov.u32 s0  }
0xb9: {  	p0 =	sne.s32 s0, $0x4800;
	s0 =	sadd.s32 $0x400, s0;
	_ =	swait.ge [sflag:s23], $0x2000  }
0xba: {  	[sflag:s23] =	ssyncset.done $0x0  }
0xbb: {  	s8 =	sadd.s32 $0xFFFFFE80, s5;
	[sflag:s23] =	ssyncadd.s32 $0xFFFFE000  }
0xbc: {  	[spmem:s3] =	stream.indirect.scatter.add.f32 [tilespmem:s17], [sflag:$0x5], $0x80, s8, s16, $0xb8;
	[tilespmem:$0x1F800] =	vst v63  }
0xbd: {  	_ =	swait.ge [sflag:s14], $0x2000  }
0xbe: {  	s7 =	sshra.s32 s7, $0x2;
	[sflag:s14] =	ssyncset.done $0x0  }
0xbf: {  	s8 =	sadd.s32 $0x100, s7;
	[sflag:s14] =	ssyncadd.s32 $0xFFFFE000  }
0xc0: {  	[tilespmem:s17], [sflag:$0x1] =	stream.indirect.gather [hbm4b:s1+s16], $0x80, s8, s16, $0xb8;
	[tilespmem:$0x1F800] =	vst v63  }
0xc1: {  	_ =	swait.ge [sflag:s24], $0x2000  }
0xc2: {  	[sflag:s24] =	ssyncset.done $0x0  }
0xc3: {  	s8 =	sadd.s32 $0xFFFFFF00, s5;
	[sflag:s24] =	ssyncadd.s32 $0xFFFFE000  }
0xc4: {  	[spmem:s3] =	stream.indirect.scatter.add.f32 [tilespmem:s18], [sflag:$0x5], $0x80, s8, s16, $0xb8;
	[tilespmem:$0x1F800] =	vst v63  }
0xc5: {  	_ =	swait.ge [sflag:s14], $0x2000  }
0xc6: {  	[sflag:s14] =	ssyncset.done $0x0  }
0xc7: {  	s8 =	sadd.s32 $0x140, s7;
	[sflag:s14] =	ssyncadd.s32 $0xFFFFE000  }
0xc8: {  	[tilespmem:s18], [sflag:$0x2] =	stream.indirect.gather [hbm4b:s1+s16], $0x80, s8, s16, $0xb8;
	[tilespmem:$0x1F800] =	vst v63  }
0xc9: {  	_ =	swait.ge [sflag:s25], $0x2000  }
0xca: {  	[sflag:s25] =	ssyncset.done $0x0  }
0xcb: {  	s8 =	sadd.s32 $0xFFFFFF80, s5;
	[sflag:s25] =	ssyncadd.s32 $0xFFFFE000  }
0xcc: {  	[spmem:s3] =	stream.indirect.scatter.add.f32 [tilespmem:s20], [sflag:$0x5], $0x80, s8, s16, $0xb8;
	[tilespmem:$0x1F800] =	vst v63  }
0xcd: {  	_ =	swait.ge [sflag:s14], $0x2000  }
0xce: {  	[sflag:s14] =	ssyncset.done $0x0  }
0xcf: {  	s8 =	sadd.s32 $0x180, s7;
	[sflag:s14] =	ssyncadd.s32 $0xFFFFE000  }
0xd0: {  	[tilespmem:s20], [sflag:$0x3] =	stream.indirect.gather [hbm4b:s1+s16], $0x80, s8, s16, $0xb8;
	[tilespmem:$0x1F800] =	vst v63  }
0xd1: {  	_ =	swait.ge [sflag:s26], $0x2000  }
0xd2: {  	[sflag:s26] =	ssyncset.done $0x0  }
.Ltmp1:
0xd3: {  	[sflag:s26] =	ssyncadd.s32 $0xFFFFE000;
	(pc) =	sbr.rel @p0 .LBB2_4-.Ltmp1, $4  }
0xd4: {  	[spmem:s3] =	stream.indirect.scatter.add.f32 [tilespmem:s22], [sflag:$0x5], $0x80, s5, s16, $0xb8;
	[tilespmem:$0x1F800] =	vst v63  }
0xd5: {  	_ =	swait.ge [sflag:s14], $0x2000  }
0xd6: {  	[sflag:s14] =	ssyncset.done $0x0  }
0xd7: {  	s7 =	sadd.s32 $0x1C0, s7;
	s5 =	sadd.s32 $0x200, s5;
	[sflag:s14] =	ssyncadd.s32 $0xFFFFE000  }
0xd8: {  	[tilespmem:s22], [sflag:$0x4] =	stream.indirect.gather [hbm4b:s1+s16], $0x80, s7, s16, $0xb8;
	[tilespmem:$0x1F800] =	vst v63  }
0xd9: {  	_ =	swait.ge [sflag:s23], $0x2000  }
0xda: {  	[sflag:s23] =	ssyncset.done $0x0  }
0xdb: {  	[sflag:s23] =	ssyncadd.s32 $0xFFFFE000  }
0xdc: {  	[spmem:s3] =	stream.indirect.scatter.add.f32 [tilespmem:s17], [sflag:$0x5], $0x80, s28, s16, $0xb8;
	[tilespmem:$0x1F800] =	vst v63  }
0xdd: {  	_ =	swait.ge [sflag:s14], $0x2000  }
0xde: {  	[sflag:s14] =	ssyncset.done $0x0  }
0xdf: {  	[sflag:s14] =	ssyncadd.s32 $0xFFFFE000  }
0xe0: {  	_ =	swait.ge [sflag:s24], $0x2000  }
0xe1: {  	[sflag:s24] =	ssyncset.done $0x0  }
0xe2: {  	[sflag:s24] =	ssyncadd.s32 $0xFFFFE000  }
0xe3: {  	[spmem:s3] =	stream.indirect.scatter.add.f32 [tilespmem:s18], [sflag:$0x5], $0x80, s29, s16, $0xb8;
	[tilespmem:$0x1F800] =	vst v63  }
0xe4: {  	_ =	swait.ge [sflag:s14], $0x2000  }
0xe5: {  	[sflag:s14] =	ssyncset.done $0x0  }
0xe6: {  	[sflag:s14] =	ssyncadd.s32 $0xFFFFE000  }
0xe7: {  	_ =	swait.ge [sflag:s25], $0x2000  }
0xe8: {  	[sflag:s25] =	ssyncset.done $0x0  }
0xe9: {  	[sflag:s25] =	ssyncadd.s32 $0xFFFFE000  }
0xea: {  	[spmem:s3] =	stream.indirect.scatter.add.f32 [tilespmem:s20], [sflag:$0x5], $0x80, s30, s16, $0xb8;
	[tilespmem:$0x1F800] =	vst v63  }
0xeb: {  	_ =	swait.ge [sflag:s14], $0x2000  }
0xec: {  	[sflag:s14] =	ssyncset.done $0x0  }
0xed: {  	[sflag:s14] =	ssyncadd.s32 $0xFFFFE000  }
0xee: {  	_ =	swait.ge [sflag:s26], $0x2000  }
0xef: {  	[sflag:s26] =	ssyncset.done $0x0  }
0xf0: {  	[sflag:s26] =	ssyncadd.s32 $0xFFFFE000  }
0xf1: {  	[spmem:s3] =	stream.indirect.scatter.add.f32 [tilespmem:s22], [sflag:$0x5], $0x80, s31, s16, $0xb8;
	[tilespmem:$0x1F800] =	vst v63  }
0xf2: {  	_ =	swait.ge [sflag:s14], $0x2000  }
0xf3: {  	s2 =	sadd.s32 $0x1, s2;
	[sflag:s14] =	ssyncset.done $0x0  }
0xf4: {  	p0 =	sne.s32 s2, s12;
	[sflag:s14] =	ssyncadd.s32 $0xFFFFE000  }
.Ltmp2:
0xf5: {  	[bflag:$0x0] =	sbarrier.arrive $0xFFFF;
	(pc) =	sbr.rel @p0 .LBB2_1-.Ltmp2, $4  }
0xf6: {  	[hbm:s11], [sflag:s6] =	dma.local [spmem:s13], $0x2780  }
0xf7: {  	_ =	swait.ge [sflag:s14], $0x2780  }
0xf8: {  	[sflag:s14] =	ssyncset.done $0x0  }
0xf9: {  	[sflag:s14] =	ssyncadd.s32 $0xFFFFD880  }
0xfa: {  	_ =	sfence.sel $0x180000  }
0xfb: {  	[bflag:$0x0] =	sbarrier.arrive $0xFFFF  }
0xfc: {  	_ =	strace $0x9000004A  }
0xfd: {  	s0 =	stileid.u32;
	[bflag:$0x2] =	sbarrier.arrive $0xFFFF  }
0xfe: {  	p0 =	sne.s32 s0, $0x0;
	s0 =	rddreg [dreg:$0x3]  }
0xff: {  	s0 =	sadd.s32 @!p0 $0x100000, s0  }
0x100: {  	[sflag:s0] =	ssyncadd.tile.s32 @!p0 $0x1;
	_ =	shalt  }
.Lfunc_end2:
_tile_overlayer_lowered:
.L_overlay_start_2:
0x101: {  	(tag) =	ssettag $0x2  }
0x102: {  	s0 =	rddreg [dreg:$0x0];
	s2 =	stileid.u32  }
0x103: {  	s1 =	rddreg [dreg:$0x1];
	p0 =	sne.s32 s2, $0x0  }
0x104: {  	s3 =	rddreg [dreg:$0x2];
	[bflag:$0x3] =	sbarrier.arrive $0xFFFF;
	s2 =	simm.s32 @!p0 $0x1C05  }
0x105: {  	[timem:s3], [sflag:s2] =	dma.local @!p0 [hbm:s0], s1  }
0x106: {  	s0 =	simm.s32 @!p0 $0x5  }
0x107: {  	_ =	swait.ge @!p0 [sflag:s0], s1  }
0x108: {  	s1 =	ssub.s32 @!p0 $0x0, s1;
	[sflag:s0] =	ssyncset.done @!p0 $0x0  }
0x109: {  	[sflag:s0] =	ssyncadd.s32 @!p0 s1  }
0x10a: {  	[bflag:$0x3] =	sbarrier.arrive $0xFFFF  }
0x10b: {  	_ =	shalt  }

// kernel: kernel.17.cloned.1.call-start
scs
__scs_entry_jumppad:
0x0: {  	(pc) =	sbr.rel $0x88, $3  }
0x1: {  	(tag) =	ssettag $0x0;
	lr =	simm.s32 $0x1  }
0x2: {  	[smem:$0x3F99] =	sst lr;
	_ =	strace $0xD0000000  }
0x3: {  	_ = 	snop  }
0x4: {  	_ = 	snop  }
0x5: {  	_ = 	snop  }
0x6: {  	_ = 	snop  }
0x7: {  	_ = 	snop  }
__scs_overlays_trampoline_lowered:
0x8: {  	[smem:$0x3FA8] =	sst s0  }
0x9: {  	[smem:$0x3FA9] =	sst s1  }
0xa: {  	[smem:$0x3FAA] =	sst s2  }
0xb: {  	[smem:$0x3FAB] =	sst s3  }
0xc: {  	[smem:$0x3FAC] =	sst s4  }
0xd: {  	[smem:$0x3FAD] =	sst s5  }
0xe: {  	[smem:$0x3FAE] =	sst s6  }
0xf: {  	[smem:$0x3FAF] =	sst s7  }
0x10: {  	[smem:$0x3FB0] =	sst s8  }
0x11: {  	[smem:$0x3FB1] =	sst s9;
	s0 =	simm.s32 @!p0 $0x0  }
0x12: {  	s1 =	sld [smem:$0x3F97];
	s0 =	simm.s32 @p0 $0x1  }
0x13: {  	[smem:$0x3FB2] =	sst s0;
	s0 =	simm.s32 @!p1 $0x0  }
0x14: {  	s2 =	sld [smem:$0x3F96];
	s0 =	simm.s32 @p1 $0x1  }
0x15: {  	[smem:$0x3FB3] =	sst s0;
	s0 =	simm.s32 @!p2 $0x0  }
0x16: {  	s3 =	sld [smem:$0x3FDB];
	s0 =	simm.s32 @p2 $0x1  }
0x17: {  	s4 =	simm.s32 $0x1BF5;
	[smem:$0x3FB5] =	sst s0  }
0x18: {  	s0 =	sld [smem:$0x3F98];
	_ =	swait.ge [sflag:s4], $0x0  }
0x19: {  	s7 =	sld [smem:$0x3F99]  }
0x1a: {  	s8 =	sadd.s32 $0xFFFFE003, lr  }
0x1b: {  	s9 =	sadd.s32 $0xFFFFFEF7, lr;
	s5 =	simm.s32 $0xFFFFFFFF;
	p2 =	slt.u32 s8, $0xFFFFF086  }
0x1c: {  	p1 =	slt.u32 s9, $0xF7A;
	s5 =	simm.s32 @!p2 $0x0  }
0x1d: {  	s5 =	simm.s32 @p1 $0x1;
	p0 =	seq.s32 s7, s2  }
0x1e: {  	s7 =	smul.u32 @!p0 $0xF7A, s2;
	p2 =	seq.s32 @!p0 s5, $0x0  }
0x1f: {  	s9 =	smul.u32 $0xF7A, s1;
	s8 =	simm.s32 @!p0 $0x1BF5;
	p2 =	por !p2, p0  }
0x20: {  	[sflag:s8] =	ssyncset.s32 @!p0 $0xFFFFF086;
	s6 =	sadd.s32 @!p0 s3, s7;
	s7 =	simm.s32 @!p0 $0x108  }
0x21: {  	s3 =	sadd.s32 s3, s9;
	s6 =	sadd.s32 @!p0 $0x88, s6;
	s7 =	simm.s32 @p2 $0x1082  }
0x22: {  	[simem:s7], [sflag:s8] =	dma.local @!p0 [hbm:s6], $0xF7A  }
0x23: {  	s9 =	sor.u32 $0xD0000000, s2;
	s6 =	simm.s32 $0x108;
	_ =	swait.ge @!p0 [sflag:s8], $0x0  }
0x24: {  	s3 =	sadd.s32 $0x88, s3;
	s6 =	simm.s32 @!p1 $0x1082;
	[sflag:s4] =	ssyncset.s32 $0xFFFFF086  }
0x25: {  	[simem:s6], [sflag:s4] =	dma.local [hbm:s3], $0xF7A  }
0x26: {  	[smem:$0x3F99] =	sst s1;
	(tag) =	ssettag s2;
	_ =	strace s9  }
0x27: {  	s1 =	sld [smem:$0x3FA9]  }
0x28: {  	s2 =	sld [smem:$0x3FAA]  }
0x29: {  	s4 =	sld [smem:$0x3FAC]  }
0x2a: {  	p0 =	seq.s32 s5, $0x0;
	s5 =	sld [smem:$0x3FAD]  }
0x2b: {  	s6 =	sld [smem:$0x3FAE]  }
0x2c: {  	s7 =	sld [smem:$0x3FAF]  }
0x2d: {  	s3 =	simm.s32 $0x108;
	s8 =	sld [smem:$0x3FB0]  }
0x2e: {  	s3 =	simm.s32 @!p0 $0x1082;
	s9 =	sld [smem:$0x3FB1]  }
0x2f: {  	lr =	sadd.s32 s0, s3;
	s0 =	sld [smem:$0x3FA8]  }
0x30: {  	s3 =	sld [smem:$0x3FAB]  }
0x31: {  	[smem:$0x3FB4] =	sst s10  }
0x32: {  	s10 =	sld [smem:$0x3FB2];
	_ =	sdelay $0x3  }
0x33: {  	p0 =	seq.s32 s10, $0x1;
	s10 =	sld [smem:$0x3FB4];
	_ =	sdelay $0x3  }
0x34: {  	[smem:$0x3FB4] =	sst s10  }
0x35: {  	s10 =	sld [smem:$0x3FB3];
	_ =	sdelay $0x3  }
0x36: {  	p1 =	seq.s32 s10, $0x1;
	s10 =	sld [smem:$0x3FB4];
	_ =	sdelay $0x3  }
0x37: {  	[smem:$0x3FB4] =	sst s10  }
0x38: {  	s10 =	sld [smem:$0x3FB5]  }
0x39: {  	_ = 	snop;
	(pc) =	sbr.ind lr, $3  }
0x3a: {  	_ = 	snop  }
0x3b: {  	_ = 	snop  }
0x3c: {  	p2 =	seq.s32 s10, $0x1;
	s10 =	sld [smem:$0x3FB4]  }
0x3d: {  	_ =	shalt  }
0x3e: {  	_ =	shalt  }
0x3f: {  	_ =	shalt  }
0x40: {  	_ =	shalt  }
0x41: {  	_ =	shalt  }
0x42: {  	_ =	shalt  }
0x43: {  	_ =	shalt  }
0x44: {  	_ =	shalt  }
0x45: {  	_ =	shalt  }
0x46: {  	_ =	shalt  }
0x47: {  	_ =	shalt  }
0x48: {  	_ =	shalt  }
0x49: {  	_ =	shalt  }
0x4a: {  	_ =	shalt  }
0x4b: {  	_ =	shalt  }
0x4c: {  	_ =	shalt  }
0x4d: {  	_ =	shalt  }
0x4e: {  	_ =	shalt  }
0x4f: {  	_ =	shalt  }
0x50: {  	_ =	shalt  }
0x51: {  	_ =	shalt  }
0x52: {  	_ =	shalt  }
0x53: {  	_ =	shalt  }
0x54: {  	_ =	shalt  }
0x55: {  	_ =	shalt  }
0x56: {  	_ =	shalt  }
0x57: {  	_ =	shalt  }
0x58: {  	_ =	shalt  }
0x59: {  	_ =	shalt  }
0x5a: {  	_ =	shalt  }
0x5b: {  	_ =	shalt  }
0x5c: {  	_ =	shalt  }
0x5d: {  	_ =	shalt  }
0x5e: {  	_ =	shalt  }
0x5f: {  	_ =	shalt  }
0x60: {  	_ =	shalt  }
0x61: {  	_ =	shalt  }
0x62: {  	_ =	shalt  }
0x63: {  	_ =	shalt  }
0x64: {  	_ =	shalt  }
0x65: {  	_ =	shalt  }
0x66: {  	_ =	shalt  }
0x67: {  	_ =	shalt  }
0x68: {  	_ =	shalt  }
0x69: {  	_ =	shalt  }
0x6a: {  	_ =	shalt  }
0x6b: {  	_ =	shalt  }
0x6c: {  	_ =	shalt  }
0x6d: {  	_ =	shalt  }
0x6e: {  	_ =	shalt  }
0x6f: {  	_ =	shalt  }
0x70: {  	_ =	shalt  }
0x71: {  	_ =	shalt  }
0x72: {  	_ =	shalt  }
0x73: {  	_ =	shalt  }
0x74: {  	_ =	shalt  }
0x75: {  	_ =	shalt  }
0x76: {  	_ =	shalt  }
0x77: {  	_ =	shalt  }
0x78: {  	_ =	shalt  }
0x79: {  	_ =	shalt  }
0x7a: {  	_ =	shalt  }
0x7b: {  	_ =	shalt  }
0x7c: {  	_ =	shalt  }
0x7d: {  	_ =	shalt  }
0x7e: {  	_ =	shalt  }
0x7f: {  	_ =	shalt  }
0x80: {  	_ =	shalt  }
0x81: {  	_ =	shalt  }
0x82: {  	_ =	shalt  }
0x83: {  	_ =	shalt  }
0x84: {  	_ =	shalt  }
0x85: {  	_ =	shalt  }
0x86: {  	_ =	shalt  }
0x87: {  	_ =	shalt  }
.Lfunc_end0:
.L_simem_size_0:
called_computation.2_lowered:
.L_overlay_start_0:
0x88: {  	s2 =	sld [smem:$0x3FD9]  }
0x89: {  	s3 =	sld [smem:$0x3FFE];
	_ =	sdelay $0x1  }
0x8a: {  	s1 =	srdreg.scid  }
0x8b: {  	s0 =	sand.u32 $0x1, s1  }
0x8c: {  	s17 =	sshll.u32 s0, $0xA;
	s2 =	sadd.s32 s3, s2  }
0x8d: {  	s2 =	sadd.s32 s2, s17  }
0x8e: {  	[smem:$0x3FC0] =	sst s2  }
0x8f: {  	_ = 	snop  }
0x90: {  	s2 =	sld [smem:$0x3FD0];
	(tm) =	ssettm $0x1  }
0x91: {  	s18 =	sld [smem:$0x3FFB];
	_ =	sdelay $0x3  }
0x92: {  	_ =	strace s18  }
0x93: {  	s3 =	sld [smem:$0x3FFC];
	_ =	sdelay $0x3  }
0x94: {  	_ =	strace s3  }
0x95: {  	s3 =	sld [smem:$0x3FFD];
	_ =	sdelay $0x3  }
0x96: {  	_ =	strace s3  }
0x97: {  	_ =	strace $0x8FFFFFFF  }
0x98: {  	s19 =	sld [smem:$0x3FDB];
	_ =	sdelay $0x1  }
0x99: {  	s4 =	simm.s32 $_scs_section_size  }
0x9a: {  	s5 =	simm.s32 $_size__tile_overlayer_lowered;
	s6 =	simm.s32 $_tile_overlayer_lowered  }
0x9b: {  	s22 =	simm.s32 $0x1BFF;
	s21 =	sshll.u32 s6, $0x1;
	s3 =	sadd.s32 s4, s19  }
0x9c: {  	s7 =	simm.s32 $0x0;
	s20 =	sshll.u32 s5, $0x1;
	s5 =	sadd.s32 s21, s3  }
0x9d: {  	[timem:s7], [sflag:s22] =	dma.local [hbm:s5], s20  }
0x9e: {  	_ =	swait.ge [sflag:s22], s20  }
0x9f: {  	s4 =	ssub.s32 $0x0, s20;
	[sflag:s22] =	ssyncset.done $0x0  }
0xa0: {  	[sflag:s22] =	ssyncadd.s32 s4;
	_ =	sdelay $0x1  }
0xa1: {  	s23 =	simm.s32 $0x1B8B  }
0xa2: {  	_ =	swait.ge [sflag:s23], $0x1  }
0xa3: {  	[sflag:s23] =	ssyncset.done $0x0  }
0xa4: {  	s25 =	simm.s32 $0x1B8E;
	s24 =	sld [smem:$0x3FFE];
	[sflag:s23] =	ssyncadd.s32 $0xFFFFFFFF  }
0xa5: {  	s26 =	simm.s32 $execute0_lowered;
	[smem:$0x3FD2] =	sst s25  }
0xa6: {  	s5 =	sshll.u32 s26, $0x1;
	_ =	strace $0x8000004C;
	[dreg:$0x1] =	wrdreg $0xFFFFFFFF  }
0xa7: {  	s28 =	simm.s32 $_size_execute0_lowered;
	s3 =	sadd.s32 s3, s5;
	[dreg:$0x0] =	wrdreg $0x0  }
0xa8: {  	s5 =	sshll.u32 s28, $0x1;
	[dreg:$0x2] =	wrdreg s3  }
0xa9: {  	[dreg:$0x3] =	wrdreg s5  }
0xaa: {  	[dreg:$0x4] =	wrdreg $0xC0  }
0xab: {  	_ =	task [dreg:s7], $0x5FFFF  }
0xac: {  	[dreg:$0x1] =	wrdreg $0xFFFFFFFF  }
0xad: {  	[dreg:$0x0] =	wrdreg $0x60  }
0xae: {  	[dreg:$0x2] =	wrdreg s2  }
0xaf: {  	[dreg:$0x3] =	wrdreg s24  }
0xb0: {  	[dreg:$0x4] =	wrdreg $0xBC000  }
0xb1: {  	[dreg:$0x5] =	wrdreg $0x9  }
0xb2: {  	_ =	task.clear_ibuf [dreg:s7], $0x6FFFF;
	_ =	strace $0x9000004C  }
0xb3: {  	s29 =	simm.s32 $0x9;
	_ =	strace $0x8000004E  }
0xb4: {  	_ =	swait.ge [sflag:s29], $0x1  }
0xb5: {  	[sflag:s29] =	ssyncadd.s32 $0xFFFFFFFF  }
0xb6: {  	_ =	strace $0x9000004E  }
0xb7: {  	_ =	sfence  }
0xb8: {  	s30 =	sld [smem:$0x0];
	_ =	sdelay $0x2  }
0xb9: {  	s31 =	sshll.u32 s1, $0xD;
	s1 =	sshrl.u32 s1, $0x2  }
0xba: {  	s3 =	sand.u32 $0x4000, s31;
	s1 =	sadd.s32 s1, s30  }
0xbb: {  	s0 =	sor.u32 s3, s0;
	s1 =	sshll.u32 s1, $0x11  }
0xbc: {  	s0 =	sor.u32 s1, s0  }
0xbd: {  	s0 =	sadd.s32 $0x8F2B, s0  }
0xbe: {  	[sflag:s0] =	ssyncadd.remote.s32 $0x1  }
0xbf: {  	_ =	sfence.sel $0xFFFF  }
0xc0: {  	[dreg:$0x0] =	wrdreg $0xFFFFFFFF;
	(pc) =	sbr.abs _section_cstart, $3  }
0xc1: {  	[dreg:$0x1] =	wrdreg $0xFFFFFFFF  }
0xc2: {  	_ =	task.clear_ibuf [dreg:s7], $0x2FFFF;
	_ =	strace $0x9FFFFFFF  }
0xc3: {  	(tm) =	ssettm $0x7FFFFFFF  }
tec
execute0_lowered:
.L_overlay_start_1:
0x0: {  	(tag) =	ssettag $0x1  }
0x1: {  	s0 =	srdreg.scid;
	s1 =	rddreg [dreg:$0x0]  }
0x2: {  	s12 =	stileid.u32;
	s5 =	rddreg [dreg:$0x1]  }
0x3: {  	s3 =	rddreg [dreg:$0x2];
	s4 =	simm.s32 $0x0;
	s14 =	simm.s32 $0x5  }
0x4: {  	s15 =	simm.s32 $0x1400;
	s16 =	simm.s32 $0x40;
	s17 =	simm.s32 $0x3C00  }
0x5: {  	s18 =	simm.s32 $0x5C00;
	s28 =	simm.s32 $0x3A00;
	s29 =	simm.s32 $0x3A80  }
0x6: {  	s30 =	simm.s32 $0x3B00;
	s31 =	simm.s32 $0x3B80;
	s0 =	sand.u32 $0x1, s0  }
0x7: {  	[smem:$0x7FF] =	sst s4;
	s8 =	smul.u32 $0x13C00, s12;
	s10 =	sadd.s32 $0xD200, s5  }
0x8: {  	s20 =	smul.u32 $0x4F000, s12;
	s21 =	sadd.s32 $0x3400, s5;
	s23 =	sshll.u32 s12, $0x6  }
0x9: {  	s2 =	sshll.u32 s0, $0x4;
	s7 =	smul.u32 $0x13C000, s0;
	_ =	strace $0x8000004D  }
0xa: {  	[dreg:$0x4] =	wrdreg s21;
	s0 =	ssub.s32 $0x2, s0;
	s2 =	sor.u32 s12, s2  }
0xb: {  	s21 =	simm.s32 $0xC0;
	s22 =	sshrl.u32 s0, $0x1;
	s6 =	smul.u32 $0x2800, s2  }
0xc: {  	s19 =	sadd.s32 s8, s7;
	s7 =	sshrl.u32 s20, $0x2;
	s11 =	smul.u32 $0x5000, s2  }
0xd: {  	s0 =	ssub.s32 s0, s22;
	s2 =	smul.u32 $0xA00, s2;
	s20 =	simm.s32 $0x7C00  }
0xe: {  	s22 =	simm.s32 $0x9C00;
	s7 =	sadd.s32 s7, s3;
	s12 =	smax.u32 s0, $0x1  }
0xf: {  	s6 =	sshrl.u32 s6, $0x3;
	s24 =	sshrl.u32 s11, $0x3;
	s2 =	sadd.s32 s10, s2  }
0x10: {  	s13 =	sshrl.u32 s7, $0x3;
	s9 =	sadd.s32 s6, s5;
	s6 =	sshrl.u32 s19, $0x3  }
0x11: {  	s26 =	sadd.s32 s10, s24;
	[dreg:$0x6] =	wrdreg s2;
	s19 =	simm.s32 $0x80  }
0x12: {  	s24 =	simm.s32 $0x2;
	s2 =	simm.s32 $0x0;
	s5 =	sadd.s32 s6, s5  }
0x13: {  	s6 =	sor.u32 $0x1C05, s23;
	s25 =	sadd.s32 $0x21200, s9;
	s9 =	sadd.s32 $0x21480, s9  }
0x14: {  	s10 =	sadd.s32 $0x500, s26;
	s23 =	simm.s32 $0x1;
	s26 =	simm.s32 $0x4  }
0x15: {  	[dreg:$0x5] =	wrdreg s25;
	s11 =	sadd.s32 $0x2B200, s5;
	s25 =	simm.s32 $0x3  }
.LBB2_1:
0x16: {  	s0 =	rddreg [dreg:$0x4]  }
0x17: {  	[spmem:s13], [sflag:s6] =	dma.local [hbm:s0], $0x2780  }
0x18: {  	_ =	swait.ge [sflag:s14], $0x2780  }
0x19: {  	[sflag:s14] =	ssyncset.done $0x0  }
0x1a: {  	[sflag:s14] =	ssyncadd.s32 $0xFFFFD880  }
0x1b: {  	[bflag:$0x0] =	sbarrier.arrive $0xFFFF  }
0x1c: {  	s5 =	rddreg [dreg:$0x5]  }
0x1d: {  	[tilespmem:s4], [sflag:$0x5] =	stream.linear.gather [hbm4b:s5+s4], $0x1400, $0x38;
	[tilespmem:$0x1F800] =	vst v63  }
0x1e: {  	_ =	swait.ge [sflag:s14], $0x1400  }
0x1f: {  	[sflag:s14] =	ssyncset.done $0x0  }
0x20: {  	s7 =	rddreg [dreg:$0x6];
	[sflag:s14] =	ssyncadd.s32 $0xFFFFEC00  }
0x21: {  	[tilespmem:s15], [sflag:$0x5] =	stream.linear.gather [hbm4b:s7+s4], $0x2800, $0x38;
	[tilespmem:$0x1F800] =	vst v63  }
0x22: {  	_ =	swait.ge [sflag:s14], $0x2800  }
0x23: {  	[sflag:s14] =	ssyncset.done $0x0  }
0x24: {  	[sflag:s14] =	ssyncadd.s32 $0xFFFFD800  }
0x25: {  	[tilespmem:s17], [sflag:$0x1] =	stream.indirect.gather [hbm4b:s1+s16], $0x80, s4, s16, $0xb8;
	[tilespmem:$0x1F800] =	vst v63  }
0x26: {  	_ = 	snop  }
0x27: {  	[tilespmem:s18], [sflag:$0x2] =	stream.indirect.gather [hbm4b:s1+s16], $0x80, s16, s16, $0xb8;
	[tilespmem:$0x1F800] =	vst v63  }
0x28: {  	_ = 	snop  }
0x29: {  	[tilespmem:s20], [sflag:$0x3] =	stream.indirect.gather [hbm4b:s1+s16], $0x80, s19, s16, $0xb8;
	[tilespmem:$0x1F800] =	vst v63  }
0x2a: {  	_ = 	snop  }
0x2b: {  	[tilespmem:s22], [sflag:$0x4] =	stream.indirect.gather [hbm4b:s1+s16], $0x80, s21, s16, $0xb8;
	[tilespmem:$0x1F800] =	vst v63  }
0x2c: {  	_ =	swait.ge [sflag:s23], $0x2000  }
0x2d: {  	[sflag:s23] =	ssyncset.done $0x0  }
0x2e: {  	s8 =	simm.s32 $0x1400;
	[sflag:s23] =	ssyncadd.s32 $0xFFFFE000  }
0x2f: {  	[spmem:s3] =	stream.indirect.scatter.add.f32 [tilespmem:s17], [sflag:$0x5], $0x80, s8, s16, $0xb8;
	[tilespmem:$0x1F800] =	vst v63  }
0x30: {  	_ =	swait.ge [sflag:s14], $0x2000  }
0x31: {  	[sflag:s14] =	ssyncset.done $0x0  }
0x32: {  	s5 =	simm.s32 $0x100;
	[sflag:s14] =	ssyncadd.s32 $0xFFFFE000  }
0x33: {  	[tilespmem:s17], [sflag:$0x1] =	stream.indirect.gather [hbm4b:s1+s16], $0x80, s5, s16, $0xb8;
	[tilespmem:$0x1F800] =	vst v63  }
0x34: {  	_ =	swait.ge [sflag:s24], $0x2000  }
0x35: {  	[sflag:s24] =	ssyncset.done $0x0  }
0x36: {  	s7 =	simm.s32 $0x1480;
	[sflag:s24] =	ssyncadd.s32 $0xFFFFE000  }
0x37: {  	[spmem:s3] =	stream.indirect.scatter.add.f32 [tilespmem:s18], [sflag:$0x5], $0x80, s7, s16, $0xb8;
	[tilespmem:$0x1F800] =	vst v63  }
0x38: {  	_ =	swait.ge [sflag:s14], $0x2000  }
0x39: {  	[sflag:s14] =	ssyncset.done $0x0  }
0x3a: {  	s8 =	simm.s32 $0x140;
	[sflag:s14] =	ssyncadd.s32 $0xFFFFE000  }
0x3b: {  	[tilespmem:s18], [sflag:$0x2] =	stream.indirect.gather [hbm4b:s1+s16], $0x80, s8, s16, $0xb8;
	[tilespmem:$0x1F800] =	vst v63  }
0x3c: {  	_ =	swait.ge [sflag:s25], $0x2000  }
0x3d: {  	[sflag:s25] =	ssyncset.done $0x0  }
0x3e: {  	s5 =	simm.s32 $0x1500;
	[sflag:s25] =	ssyncadd.s32 $0xFFFFE000  }
0x3f: {  	[spmem:s3] =	stream.indirect.scatter.add.f32 [tilespmem:s20], [sflag:$0x5], $0x80, s5, s16, $0xb8;
	[tilespmem:$0x1F800] =	vst v63  }
0x40: {  	_ =	swait.ge [sflag:s14], $0x2000  }
0x41: {  	[sflag:s14] =	ssyncset.done $0x0  }
0x42: {  	s7 =	simm.s32 $0x180;
	[sflag:s14] =	ssyncadd.s32 $0xFFFFE000  }
0x43: {  	[tilespmem:s20], [sflag:$0x3] =	stream.indirect.gather [hbm4b:s1+s16], $0x80, s7, s16, $0xb8;
	[tilespmem:$0x1F800] =	vst v63  }
0x44: {  	_ =	swait.ge [sflag:s26], $0x2000  }
0x45: {  	[sflag:s26] =	ssyncset.done $0x0  }
0x46: {  	s8 =	simm.s32 $0x1580;
	[sflag:s26] =	ssyncadd.s32 $0xFFFFE000  }
0x47: {  	[spmem:s3] =	stream.indirect.scatter.add.f32 [tilespmem:s22], [sflag:$0x5], $0x80, s8, s16, $0xb8;
	[tilespmem:$0x1F800] =	vst v63  }
0x48: {  	_ =	swait.ge [sflag:s14], $0x2000  }
0x49: {  	s0 =	simm.s32 $0x400;
	[sflag:s14] =	ssyncset.done $0x0  }
0x4a: {  	s5 =	simm.s32 $0x1780;
	s7 =	simm.s32 $0x1C0;
	[sflag:s14] =	ssyncadd.s32 $0xFFFFE000  }
.LBB2_2:
0x4b: {  	[tilespmem:s22], [sflag:$0x4] =	stream.indirect.gather [hbm4b:s1+s16], $0x80, s7, s16, $0xb8;
	[tilespmem:$0x1F800] =	vst v63  }
0x4c: {  	s7 =	smov.u32 s0  }
0x4d: {  	p0 =	sne.s32 s0, $0x4800;
	s0 =	sadd.s32 $0x400, s0;
	_ =	swait.ge [sflag:s23], $0x2000  }
0x4e: {  	[sflag:s23] =	ssyncset.done $0x0  }
0x4f: {  	s8 =	sadd.s32 $0xFFFFFE80, s5;
	[sflag:s23] =	ssyncadd.s32 $0xFFFFE000  }
0x50: {  	[spmem:s3] =	stream.indirect.scatter.add.f32 [tilespmem:s17], [sflag:$0x5], $0x80, s8, s16, $0xb8;
	[tilespmem:$0x1F800] =	vst v63  }
0x51: {  	_ =	swait.ge [sflag:s14], $0x2000  }
0x52: {  	s7 =	sshra.s32 s7, $0x2;
	[sflag:s14] =	ssyncset.done $0x0  }
0x53: {  	s8 =	sadd.s32 $0x100, s7;
	[sflag:s14] =	ssyncadd.s32 $0xFFFFE000  }
0x54: {  	[tilespmem:s17], [sflag:$0x1] =	stream.indirect.gather [hbm4b:s1+s16], $0x80, s8, s16, $0xb8;
	[tilespmem:$0x1F800] =	vst v63  }
0x55: {  	_ =	swait.ge [sflag:s24], $0x2000  }
0x56: {  	[sflag:s24] =	ssyncset.done $0x0  }
0x57: {  	s8 =	sadd.s32 $0xFFFFFF00, s5;
	[sflag:s24] =	ssyncadd.s32 $0xFFFFE000  }
0x58: {  	[spmem:s3] =	stream.indirect.scatter.add.f32 [tilespmem:s18], [sflag:$0x5], $0x80, s8, s16, $0xb8;
	[tilespmem:$0x1F800] =	vst v63  }
0x59: {  	_ =	swait.ge [sflag:s14], $0x2000  }
0x5a: {  	[sflag:s14] =	ssyncset.done $0x0  }
0x5b: {  	s8 =	sadd.s32 $0x140, s7;
	[sflag:s14] =	ssyncadd.s32 $0xFFFFE000  }
0x5c: {  	[tilespmem:s18], [sflag:$0x2] =	stream.indirect.gather [hbm4b:s1+s16], $0x80, s8, s16, $0xb8;
	[tilespmem:$0x1F800] =	vst v63  }
0x5d: {  	_ =	swait.ge [sflag:s25], $0x2000  }
0x5e: {  	[sflag:s25] =	ssyncset.done $0x0  }
0x5f: {  	s8 =	sadd.s32 $0xFFFFFF80, s5;
	[sflag:s25] =	ssyncadd.s32 $0xFFFFE000  }
0x60: {  	[spmem:s3] =	stream.indirect.scatter.add.f32 [tilespmem:s20], [sflag:$0x5], $0x80, s8, s16, $0xb8;
	[tilespmem:$0x1F800] =	vst v63  }
0x61: {  	_ =	swait.ge [sflag:s14], $0x2000  }
0x62: {  	[sflag:s14] =	ssyncset.done $0x0  }
0x63: {  	s8 =	sadd.s32 $0x180, s7;
	[sflag:s14] =	ssyncadd.s32 $0xFFFFE000  }
0x64: {  	[tilespmem:s20], [sflag:$0x3] =	stream.indirect.gather [hbm4b:s1+s16], $0x80, s8, s16, $0xb8;
	[tilespmem:$0x1F800] =	vst v63  }
0x65: {  	_ =	swait.ge [sflag:s26], $0x2000  }
0x66: {  	[sflag:s26] =	ssyncset.done $0x0  }
.Ltmp0:
0x67: {  	[sflag:s26] =	ssyncadd.s32 $0xFFFFE000;
	(pc) =	sbr.rel @p0 .LBB2_2-.Ltmp0, $4  }
0x68: {  	[spmem:s3] =	stream.indirect.scatter.add.f32 [tilespmem:s22], [sflag:$0x5], $0x80, s5, s16, $0xb8;
	[tilespmem:$0x1F800] =	vst v63  }
0x69: {  	_ =	swait.ge [sflag:s14], $0x2000  }
0x6a: {  	[sflag:s14] =	ssyncset.done $0x0  }
0x6b: {  	s7 =	sadd.s32 $0x1C0, s7;
	s5 =	sadd.s32 $0x200, s5;
	[sflag:s14] =	ssyncadd.s32 $0xFFFFE000  }
0x6c: {  	[tilespmem:s22], [sflag:$0x4] =	stream.indirect.gather [hbm4b:s1+s16], $0x80, s7, s16, $0xb8;
	[tilespmem:$0x1F800] =	vst v63  }
0x6d: {  	_ =	swait.ge [sflag:s23], $0x2000  }
0x6e: {  	[sflag:s23] =	ssyncset.done $0x0  }
0x6f: {  	[sflag:s23] =	ssyncadd.s32 $0xFFFFE000  }
0x70: {  	[spmem:s3] =	stream.indirect.scatter.add.f32 [tilespmem:s17], [sflag:$0x5], $0x80, s28, s16, $0xb8;
	[tilespmem:$0x1F800] =	vst v63  }
0x71: {  	_ =	swait.ge [sflag:s14], $0x2000  }
0x72: {  	[sflag:s14] =	ssyncset.done $0x0  }
0x73: {  	[sflag:s14] =	ssyncadd.s32 $0xFFFFE000  }
0x74: {  	_ =	swait.ge [sflag:s24], $0x2000  }
0x75: {  	[sflag:s24] =	ssyncset.done $0x0  }
0x76: {  	[sflag:s24] =	ssyncadd.s32 $0xFFFFE000  }
0x77: {  	[spmem:s3] =	stream.indirect.scatter.add.f32 [tilespmem:s18], [sflag:$0x5], $0x80, s29, s16, $0xb8;
	[tilespmem:$0x1F800] =	vst v63  }
0x78: {  	_ =	swait.ge [sflag:s14], $0x2000  }
0x79: {  	[sflag:s14] =	ssyncset.done $0x0  }
0x7a: {  	[sflag:s14] =	ssyncadd.s32 $0xFFFFE000  }
0x7b: {  	_ =	swait.ge [sflag:s25], $0x2000  }
0x7c: {  	[sflag:s25] =	ssyncset.done $0x0  }
0x7d: {  	[sflag:s25] =	ssyncadd.s32 $0xFFFFE000  }
0x7e: {  	[spmem:s3] =	stream.indirect.scatter.add.f32 [tilespmem:s20], [sflag:$0x5], $0x80, s30, s16, $0xb8;
	[tilespmem:$0x1F800] =	vst v63  }
0x7f: {  	_ =	swait.ge [sflag:s14], $0x2000  }
0x80: {  	[sflag:s14] =	ssyncset.done $0x0  }
0x81: {  	[sflag:s14] =	ssyncadd.s32 $0xFFFFE000  }
0x82: {  	_ =	swait.ge [sflag:s26], $0x2000  }
0x83: {  	[sflag:s26] =	ssyncset.done $0x0  }
0x84: {  	[sflag:s26] =	ssyncadd.s32 $0xFFFFE000  }
0x85: {  	[spmem:s3] =	stream.indirect.scatter.add.f32 [tilespmem:s22], [sflag:$0x5], $0x80, s31, s16, $0xb8;
	[tilespmem:$0x1F800] =	vst v63  }
0x86: {  	_ =	swait.ge [sflag:s14], $0x2000  }
0x87: {  	[sflag:s14] =	ssyncset.done $0x0  }
0x88: {  	s0 =	simm.s32 $0x0;
	[sflag:s14] =	ssyncadd.s32 $0xFFFFE000  }
0x89: {  	[tilespmem:s0], [sflag:$0x5] =	stream.linear.gather [hbm4b:s9+s0], $0x1400, $0x38;
	[tilespmem:$0x1F800] =	vst v63  }
0x8a: {  	_ =	swait.ge [sflag:s14], $0x1400  }
0x8b: {  	[sflag:s14] =	ssyncset.done $0x0  }
0x8c: {  	[sflag:s14] =	ssyncadd.s32 $0xFFFFEC00  }
0x8d: {  	[tilespmem:s15], [sflag:$0x5] =	stream.linear.gather [hbm4b:s10+s0], $0x2800, $0x38;
	[tilespmem:$0x1F800] =	vst v63  }
0x8e: {  	_ =	swait.ge [sflag:s14], $0x2800  }
0x8f: {  	[sflag:s14] =	ssyncset.done $0x0  }
0x90: {  	[sflag:s14] =	ssyncadd.s32 $0xFFFFD800  }
0x91: {  	[tilespmem:s17], [sflag:$0x1] =	stream.indirect.gather [hbm4b:s1+s16], $0x80, s0, s16, $0xb8;
	[tilespmem:$0x1F800] =	vst v63  }
0x92: {  	_ = 	snop  }
0x93: {  	[tilespmem:s18], [sflag:$0x2] =	stream.indirect.gather [hbm4b:s1+s16], $0x80, s16, s16, $0xb8;
	[tilespmem:$0x1F800] =	vst v63  }
0x94: {  	_ = 	snop  }
0x95: {  	[tilespmem:s20], [sflag:$0x3] =	stream.indirect.gather [hbm4b:s1+s16], $0x80, s19, s16, $0xb8;
	[tilespmem:$0x1F800] =	vst v63  }
0x96: {  	_ = 	snop  }
0x97: {  	[tilespmem:s22], [sflag:$0x4] =	stream.indirect.gather [hbm4b:s1+s16], $0x80, s21, s16, $0xb8;
	[tilespmem:$0x1F800] =	vst v63  }
0x98: {  	_ =	swait.ge [sflag:s23], $0x2000  }
0x99: {  	[sflag:s23] =	ssyncset.done $0x0  }
0x9a: {  	s8 =	simm.s32 $0x1400;
	[sflag:s23] =	ssyncadd.s32 $0xFFFFE000  }
0x9b: {  	[spmem:s3] =	stream.indirect.scatter.add.f32 [tilespmem:s17], [sflag:$0x5], $0x80, s8, s16, $0xb8;
	[tilespmem:$0x1F800] =	vst v63  }
0x9c: {  	_ =	swait.ge [sflag:s14], $0x2000  }
0x9d: {  	[sflag:s14] =	ssyncset.done $0x0  }
0x9e: {  	s5 =	simm.s32 $0x100;
	[sflag:s14] =	ssyncadd.s32 $0xFFFFE000  }
0x9f: {  	[tilespmem:s17], [sflag:$0x1] =	stream.indirect.gather [hbm4b:s1+s16], $0x80, s5, s16, $0xb8;
	[tilespmem:$0x1F800] =	vst v63  }
0xa0: {  	_ =	swait.ge [sflag:s24], $0x2000  }
0xa1: {  	[sflag:s24] =	ssyncset.done $0x0  }
0xa2: {  	s7 =	simm.s32 $0x1480;
	[sflag:s24] =	ssyncadd.s32 $0xFFFFE000  }
0xa3: {  	[spmem:s3] =	stream.indirect.scatter.add.f32 [tilespmem:s18], [sflag:$0x5], $0x80, s7, s16, $0xb8;
	[tilespmem:$0x1F800] =	vst v63  }
0xa4: {  	_ =	swait.ge [sflag:s14], $0x2000  }
0xa5: {  	[sflag:s14] =	ssyncset.done $0x0  }
0xa6: {  	s8 =	simm.s32 $0x140;
	[sflag:s14] =	ssyncadd.s32 $0xFFFFE000  }
0xa7: {  	[tilespmem:s18], [sflag:$0x2] =	stream.indirect.gather [hbm4b:s1+s16], $0x80, s8, s16, $0xb8;
	[tilespmem:$0x1F800] =	vst v63  }
0xa8: {  	_ =	swait.ge [sflag:s25], $0x2000  }
0xa9: {  	[sflag:s25] =	ssyncset.done $0x0  }
0xaa: {  	s5 =	simm.s32 $0x1500;
	[sflag:s25] =	ssyncadd.s32 $0xFFFFE000  }
0xab: {  	[spmem:s3] =	stream.indirect.scatter.add.f32 [tilespmem:s20], [sflag:$0x5], $0x80, s5, s16, $0xb8;
	[tilespmem:$0x1F800] =	vst v63  }
0xac: {  	_ =	swait.ge [sflag:s14], $0x2000  }
0xad: {  	[sflag:s14] =	ssyncset.done $0x0  }
0xae: {  	s7 =	simm.s32 $0x180;
	[sflag:s14] =	ssyncadd.s32 $0xFFFFE000  }
0xaf: {  	[tilespmem:s20], [sflag:$0x3] =	stream.indirect.gather [hbm4b:s1+s16], $0x80, s7, s16, $0xb8;
	[tilespmem:$0x1F800] =	vst v63  }
0xb0: {  	_ =	swait.ge [sflag:s26], $0x2000  }
0xb1: {  	[sflag:s26] =	ssyncset.done $0x0  }
0xb2: {  	s8 =	simm.s32 $0x1580;
	[sflag:s26] =	ssyncadd.s32 $0xFFFFE000  }
0xb3: {  	[spmem:s3] =	stream.indirect.scatter.add.f32 [tilespmem:s22], [sflag:$0x5], $0x80, s8, s16, $0xb8;
	[tilespmem:$0x1F800] =	vst v63  }
0xb4: {  	_ =	swait.ge [sflag:s14], $0x2000  }
0xb5: {  	s0 =	simm.s32 $0x400;
	[sflag:s14] =	ssyncset.done $0x0  }
0xb6: {  	s5 =	simm.s32 $0x1780;
	s7 =	simm.s32 $0x1C0;
	[sflag:s14] =	ssyncadd.s32 $0xFFFFE000  }
.LBB2_4:
0xb7: {  	[tilespmem:s22], [sflag:$0x4] =	stream.indirect.gather [hbm4b:s1+s16], $0x80, s7, s16, $0xb8;
	[tilespmem:$0x1F800] =	vst v63  }
0xb8: {  	s7 =	smov.u32 s0  }
0xb9: {  	p0 =	sne.s32 s0, $0x4800;
	s0 =	sadd.s32 $0x400, s0;
	_ =	swait.ge [sflag:s23], $0x2000  }
0xba: {  	[sflag:s23] =	ssyncset.done $0x0  }
0xbb: {  	s8 =	sadd.s32 $0xFFFFFE80, s5;
	[sflag:s23] =	ssyncadd.s32 $0xFFFFE000  }
0xbc: {  	[spmem:s3] =	stream.indirect.scatter.add.f32 [tilespmem:s17], [sflag:$0x5], $0x80, s8, s16, $0xb8;
	[tilespmem:$0x1F800] =	vst v63  }
0xbd: {  	_ =	swait.ge [sflag:s14], $0x2000  }
0xbe: {  	s7 =	sshra.s32 s7, $0x2;
	[sflag:s14] =	ssyncset.done $0x0  }
0xbf: {  	s8 =	sadd.s32 $0x100, s7;
	[sflag:s14] =	ssyncadd.s32 $0xFFFFE000  }
0xc0: {  	[tilespmem:s17], [sflag:$0x1] =	stream.indirect.gather [hbm4b:s1+s16], $0x80, s8, s16, $0xb8;
	[tilespmem:$0x1F800] =	vst v63  }
0xc1: {  	_ =	swait.ge [sflag:s24], $0x2000  }
0xc2: {  	[sflag:s24] =	ssyncset.done $0x0  }
0xc3: {  	s8 =	sadd.s32 $0xFFFFFF00, s5;
	[sflag:s24] =	ssyncadd.s32 $0xFFFFE000  }
0xc4: {  	[spmem:s3] =	stream.indirect.scatter.add.f32 [tilespmem:s18], [sflag:$0x5], $0x80, s8, s16, $0xb8;
	[tilespmem:$0x1F800] =	vst v63  }
0xc5: {  	_ =	swait.ge [sflag:s14], $0x2000  }
0xc6: {  	[sflag:s14] =	ssyncset.done $0x0  }
0xc7: {  	s8 =	sadd.s32 $0x140, s7;
	[sflag:s14] =	ssyncadd.s32 $0xFFFFE000  }
0xc8: {  	[tilespmem:s18], [sflag:$0x2] =	stream.indirect.gather [hbm4b:s1+s16], $0x80, s8, s16, $0xb8;
	[tilespmem:$0x1F800] =	vst v63  }
0xc9: {  	_ =	swait.ge [sflag:s25], $0x2000  }
0xca: {  	[sflag:s25] =	ssyncset.done $0x0  }
0xcb: {  	s8 =	sadd.s32 $0xFFFFFF80, s5;
	[sflag:s25] =	ssyncadd.s32 $0xFFFFE000  }
0xcc: {  	[spmem:s3] =	stream.indirect.scatter.add.f32 [tilespmem:s20], [sflag:$0x5], $0x80, s8, s16, $0xb8;
	[tilespmem:$0x1F800] =	vst v63  }
0xcd: {  	_ =	swait.ge [sflag:s14], $0x2000  }
0xce: {  	[sflag:s14] =	ssyncset.done $0x0  }
0xcf: {  	s8 =	sadd.s32 $0x180, s7;
	[sflag:s14] =	ssyncadd.s32 $0xFFFFE000  }
0xd0: {  	[tilespmem:s20], [sflag:$0x3] =	stream.indirect.gather [hbm4b:s1+s16], $0x80, s8, s16, $0xb8;
	[tilespmem:$0x1F800] =	vst v63  }
0xd1: {  	_ =	swait.ge [sflag:s26], $0x2000  }
0xd2: {  	[sflag:s26] =	ssyncset.done $0x0  }
.Ltmp1:
0xd3: {  	[sflag:s26] =	ssyncadd.s32 $0xFFFFE000;
	(pc) =	sbr.rel @p0 .LBB2_4-.Ltmp1, $4  }
0xd4: {  	[spmem:s3] =	stream.indirect.scatter.add.f32 [tilespmem:s22], [sflag:$0x5], $0x80, s5, s16, $0xb8;
	[tilespmem:$0x1F800] =	vst v63  }
0xd5: {  	_ =	swait.ge [sflag:s14], $0x2000  }
0xd6: {  	[sflag:s14] =	ssyncset.done $0x0  }
0xd7: {  	s7 =	sadd.s32 $0x1C0, s7;
	s5 =	sadd.s32 $0x200, s5;
	[sflag:s14] =	ssyncadd.s32 $0xFFFFE000  }
0xd8: {  	[tilespmem:s22], [sflag:$0x4] =	stream.indirect.gather [hbm4b:s1+s16], $0x80, s7, s16, $0xb8;
	[tilespmem:$0x1F800] =	vst v63  }
0xd9: {  	_ =	swait.ge [sflag:s23], $0x2000  }
0xda: {  	[sflag:s23] =	ssyncset.done $0x0  }
0xdb: {  	[sflag:s23] =	ssyncadd.s32 $0xFFFFE000  }
0xdc: {  	[spmem:s3] =	stream.indirect.scatter.add.f32 [tilespmem:s17], [sflag:$0x5], $0x80, s28, s16, $0xb8;
	[tilespmem:$0x1F800] =	vst v63  }
0xdd: {  	_ =	swait.ge [sflag:s14], $0x2000  }
0xde: {  	[sflag:s14] =	ssyncset.done $0x0  }
0xdf: {  	[sflag:s14] =	ssyncadd.s32 $0xFFFFE000  }
0xe0: {  	_ =	swait.ge [sflag:s24], $0x2000  }
0xe1: {  	[sflag:s24] =	ssyncset.done $0x0  }
0xe2: {  	[sflag:s24] =	ssyncadd.s32 $0xFFFFE000  }
0xe3: {  	[spmem:s3] =	stream.indirect.scatter.add.f32 [tilespmem:s18], [sflag:$0x5], $0x80, s29, s16, $0xb8;
	[tilespmem:$0x1F800] =	vst v63  }
0xe4: {  	_ =	swait.ge [sflag:s14], $0x2000  }
0xe5: {  	[sflag:s14] =	ssyncset.done $0x0  }
0xe6: {  	[sflag:s14] =	ssyncadd.s32 $0xFFFFE000  }
0xe7: {  	_ =	swait.ge [sflag:s25], $0x2000  }
0xe8: {  	[sflag:s25] =	ssyncset.done $0x0  }
0xe9: {  	[sflag:s25] =	ssyncadd.s32 $0xFFFFE000  }
0xea: {  	[spmem:s3] =	stream.indirect.scatter.add.f32 [tilespmem:s20], [sflag:$0x5], $0x80, s30, s16, $0xb8;
	[tilespmem:$0x1F800] =	vst v63  }
0xeb: {  	_ =	swait.ge [sflag:s14], $0x2000  }
0xec: {  	[sflag:s14] =	ssyncset.done $0x0  }
0xed: {  	[sflag:s14] =	ssyncadd.s32 $0xFFFFE000  }
0xee: {  	_ =	swait.ge [sflag:s26], $0x2000  }
0xef: {  	[sflag:s26] =	ssyncset.done $0x0  }
0xf0: {  	[sflag:s26] =	ssyncadd.s32 $0xFFFFE000  }
0xf1: {  	[spmem:s3] =	stream.indirect.scatter.add.f32 [tilespmem:s22], [sflag:$0x5], $0x80, s31, s16, $0xb8;
	[tilespmem:$0x1F800] =	vst v63  }
0xf2: {  	_ =	swait.ge [sflag:s14], $0x2000  }
0xf3: {  	s2 =	sadd.s32 $0x1, s2;
	[sflag:s14] =	ssyncset.done $0x0  }
0xf4: {  	p0 =	sne.s32 s2, s12;
	[sflag:s14] =	ssyncadd.s32 $0xFFFFE000  }
.Ltmp2:
0xf5: {  	[bflag:$0x0] =	sbarrier.arrive $0xFFFF;
	(pc) =	sbr.rel @p0 .LBB2_1-.Ltmp2, $4  }
0xf6: {  	[hbm:s11], [sflag:s6] =	dma.local [spmem:s13], $0x2780  }
0xf7: {  	_ =	swait.ge [sflag:s14], $0x2780  }
0xf8: {  	[sflag:s14] =	ssyncset.done $0x0  }
0xf9: {  	[sflag:s14] =	ssyncadd.s32 $0xFFFFD880  }
0xfa: {  	_ =	sfence.sel $0x180000  }
0xfb: {  	[bflag:$0x0] =	sbarrier.arrive $0xFFFF  }
0xfc: {  	_ =	strace $0x9000004D  }
0xfd: {  	s0 =	stileid.u32;
	[bflag:$0x2] =	sbarrier.arrive $0xFFFF  }
0xfe: {  	p0 =	sne.s32 s0, $0x0;
	s0 =	rddreg [dreg:$0x3]  }
0xff: {  	s0 =	sadd.s32 @!p0 $0x100000, s0  }
0x100: {  	[sflag:s0] =	ssyncadd.tile.s32 @!p0 $0x1;
	_ =	shalt  }
.Lfunc_end2:
_tile_overlayer_lowered:
.L_overlay_start_2:
0x101: {  	(tag) =	ssettag $0x2  }
0x102: {  	s0 =	rddreg [dreg:$0x0];
	s2 =	stileid.u32  }
0x103: {  	s1 =	rddreg [dreg:$0x1];
	p0 =	sne.s32 s2, $0x0  }
0x104: {  	s3 =	rddreg [dreg:$0x2];
	[bflag:$0x3] =	sbarrier.arrive $0xFFFF;
	s2 =	simm.s32 @!p0 $0x1C05  }
0x105: {  	[timem:s3], [sflag:s2] =	dma.local @!p0 [hbm:s0], s1  }
0x106: {  	s0 =	simm.s32 @!p0 $0x5  }
0x107: {  	_ =	swait.ge @!p0 [sflag:s0], s1  }
0x108: {  	s1 =	ssub.s32 @!p0 $0x0, s1;
	[sflag:s0] =	ssyncset.done @!p0 $0x0  }
0x109: {  	[sflag:s0] =	ssyncadd.s32 @!p0 s1  }
0x10a: {  	[bflag:$0x3] =	sbarrier.arrive $0xFFFF  }
0x10b: {  	_ =	shalt  }

// kernel: kernel.20.cloned.1.call-start
scs
__scs_entry_jumppad:
0x0: {  	(pc) =	sbr.rel $0x88, $3  }
0x1: {  	(tag) =	ssettag $0x0;
	lr =	simm.s32 $0x1  }
0x2: {  	[smem:$0x3F99] =	sst lr;
	_ =	strace $0xD0000000  }
0x3: {  	_ = 	snop  }
0x4: {  	_ = 	snop  }
0x5: {  	_ = 	snop  }
0x6: {  	_ = 	snop  }
0x7: {  	_ = 	snop  }
__scs_overlays_trampoline_lowered:
0x8: {  	[smem:$0x3FA8] =	sst s0  }
0x9: {  	[smem:$0x3FA9] =	sst s1  }
0xa: {  	[smem:$0x3FAA] =	sst s2  }
0xb: {  	[smem:$0x3FAB] =	sst s3  }
0xc: {  	[smem:$0x3FAC] =	sst s4  }
0xd: {  	[smem:$0x3FAD] =	sst s5  }
0xe: {  	[smem:$0x3FAE] =	sst s6  }
0xf: {  	[smem:$0x3FAF] =	sst s7  }
0x10: {  	[smem:$0x3FB0] =	sst s8  }
0x11: {  	[smem:$0x3FB1] =	sst s9;
	s0 =	simm.s32 @!p0 $0x0  }
0x12: {  	s1 =	sld [smem:$0x3F97];
	s0 =	simm.s32 @p0 $0x1  }
0x13: {  	[smem:$0x3FB2] =	sst s0;
	s0 =	simm.s32 @!p1 $0x0  }
0x14: {  	s2 =	sld [smem:$0x3F96];
	s0 =	simm.s32 @p1 $0x1  }
0x15: {  	[smem:$0x3FB3] =	sst s0;
	s0 =	simm.s32 @!p2 $0x0  }
0x16: {  	s3 =	sld [smem:$0x3FDB];
	s0 =	simm.s32 @p2 $0x1  }
0x17: {  	s4 =	simm.s32 $0x1BF5;
	[smem:$0x3FB5] =	sst s0  }
0x18: {  	s0 =	sld [smem:$0x3F98];
	_ =	swait.ge [sflag:s4], $0x0  }
0x19: {  	s7 =	sld [smem:$0x3F99]  }
0x1a: {  	s8 =	sadd.s32 $0xFFFFE003, lr  }
0x1b: {  	s9 =	sadd.s32 $0xFFFFFEF7, lr;
	s5 =	simm.s32 $0xFFFFFFFF;
	p2 =	slt.u32 s8, $0xFFFFF086  }
0x1c: {  	p1 =	slt.u32 s9, $0xF7A;
	s5 =	simm.s32 @!p2 $0x0  }
0x1d: {  	s5 =	simm.s32 @p1 $0x1;
	p0 =	seq.s32 s7, s2  }
0x1e: {  	s7 =	smul.u32 @!p0 $0xF7A, s2;
	p2 =	seq.s32 @!p0 s5, $0x0  }
0x1f: {  	s9 =	smul.u32 $0xF7A, s1;
	s8 =	simm.s32 @!p0 $0x1BF5;
	p2 =	por !p2, p0  }
0x20: {  	[sflag:s8] =	ssyncset.s32 @!p0 $0xFFFFF086;
	s6 =	sadd.s32 @!p0 s3, s7;
	s7 =	simm.s32 @!p0 $0x108  }
0x21: {  	s3 =	sadd.s32 s3, s9;
	s6 =	sadd.s32 @!p0 $0x88, s6;
	s7 =	simm.s32 @p2 $0x1082  }
0x22: {  	[simem:s7], [sflag:s8] =	dma.local @!p0 [hbm:s6], $0xF7A  }
0x23: {  	s9 =	sor.u32 $0xD0000000, s2;
	s6 =	simm.s32 $0x108;
	_ =	swait.ge @!p0 [sflag:s8], $0x0  }
0x24: {  	s3 =	sadd.s32 $0x88, s3;
	s6 =	simm.s32 @!p1 $0x1082;
	[sflag:s4] =	ssyncset.s32 $0xFFFFF086  }
0x25: {  	[simem:s6], [sflag:s4] =	dma.local [hbm:s3], $0xF7A  }
0x26: {  	[smem:$0x3F99] =	sst s1;
	(tag) =	ssettag s2;
	_ =	strace s9  }
0x27: {  	s1 =	sld [smem:$0x3FA9]  }
0x28: {  	s2 =	sld [smem:$0x3FAA]  }
0x29: {  	s4 =	sld [smem:$0x3FAC]  }
0x2a: {  	p0 =	seq.s32 s5, $0x0;
	s5 =	sld [smem:$0x3FAD]  }
0x2b: {  	s6 =	sld [smem:$0x3FAE]  }
0x2c: {  	s7 =	sld [smem:$0x3FAF]  }
0x2d: {  	s3 =	simm.s32 $0x108;
	s8 =	sld [smem:$0x3FB0]  }
0x2e: {  	s3 =	simm.s32 @!p0 $0x1082;
	s9 =	sld [smem:$0x3FB1]  }
0x2f: {  	lr =	sadd.s32 s0, s3;
	s0 =	sld [smem:$0x3FA8]  }
0x30: {  	s3 =	sld [smem:$0x3FAB]  }
0x31: {  	[smem:$0x3FB4] =	sst s10  }
0x32: {  	s10 =	sld [smem:$0x3FB2];
	_ =	sdelay $0x3  }
0x33: {  	p0 =	seq.s32 s10, $0x1;
	s10 =	sld [smem:$0x3FB4];
	_ =	sdelay $0x3  }
0x34: {  	[smem:$0x3FB4] =	sst s10  }
0x35: {  	s10 =	sld [smem:$0x3FB3];
	_ =	sdelay $0x3  }
0x36: {  	p1 =	seq.s32 s10, $0x1;
	s10 =	sld [smem:$0x3FB4];
	_ =	sdelay $0x3  }
0x37: {  	[smem:$0x3FB4] =	sst s10  }
0x38: {  	s10 =	sld [smem:$0x3FB5]  }
0x39: {  	_ = 	snop;
	(pc) =	sbr.ind lr, $3  }
0x3a: {  	_ = 	snop  }
0x3b: {  	_ = 	snop  }
0x3c: {  	p2 =	seq.s32 s10, $0x1;
	s10 =	sld [smem:$0x3FB4]  }
0x3d: {  	_ =	shalt  }
0x3e: {  	_ =	shalt  }
0x3f: {  	_ =	shalt  }
0x40: {  	_ =	shalt  }
0x41: {  	_ =	shalt  }
0x42: {  	_ =	shalt  }
0x43: {  	_ =	shalt  }
0x44: {  	_ =	shalt  }
0x45: {  	_ =	shalt  }
0x46: {  	_ =	shalt  }
0x47: {  	_ =	shalt  }
0x48: {  	_ =	shalt  }
0x49: {  	_ =	shalt  }
0x4a: {  	_ =	shalt  }
0x4b: {  	_ =	shalt  }
0x4c: {  	_ =	shalt  }
0x4d: {  	_ =	shalt  }
0x4e: {  	_ =	shalt  }
0x4f: {  	_ =	shalt  }
0x50: {  	_ =	shalt  }
0x51: {  	_ =	shalt  }
0x52: {  	_ =	shalt  }
0x53: {  	_ =	shalt  }
0x54: {  	_ =	shalt  }
0x55: {  	_ =	shalt  }
0x56: {  	_ =	shalt  }
0x57: {  	_ =	shalt  }
0x58: {  	_ =	shalt  }
0x59: {  	_ =	shalt  }
0x5a: {  	_ =	shalt  }
0x5b: {  	_ =	shalt  }
0x5c: {  	_ =	shalt  }
0x5d: {  	_ =	shalt  }
0x5e: {  	_ =	shalt  }
0x5f: {  	_ =	shalt  }
0x60: {  	_ =	shalt  }
0x61: {  	_ =	shalt  }
0x62: {  	_ =	shalt  }
0x63: {  	_ =	shalt  }
0x64: {  	_ =	shalt  }
0x65: {  	_ =	shalt  }
0x66: {  	_ =	shalt  }
0x67: {  	_ =	shalt  }
0x68: {  	_ =	shalt  }
0x69: {  	_ =	shalt  }
0x6a: {  	_ =	shalt  }
0x6b: {  	_ =	shalt  }
0x6c: {  	_ =	shalt  }
0x6d: {  	_ =	shalt  }
0x6e: {  	_ =	shalt  }
0x6f: {  	_ =	shalt  }
0x70: {  	_ =	shalt  }
0x71: {  	_ =	shalt  }
0x72: {  	_ =	shalt  }
0x73: {  	_ =	shalt  }
0x74: {  	_ =	shalt  }
0x75: {  	_ =	shalt  }
0x76: {  	_ =	shalt  }
0x77: {  	_ =	shalt  }
0x78: {  	_ =	shalt  }
0x79: {  	_ =	shalt  }
0x7a: {  	_ =	shalt  }
0x7b: {  	_ =	shalt  }
0x7c: {  	_ =	shalt  }
0x7d: {  	_ =	shalt  }
0x7e: {  	_ =	shalt  }
0x7f: {  	_ =	shalt  }
0x80: {  	_ =	shalt  }
0x81: {  	_ =	shalt  }
0x82: {  	_ =	shalt  }
0x83: {  	_ =	shalt  }
0x84: {  	_ =	shalt  }
0x85: {  	_ =	shalt  }
0x86: {  	_ =	shalt  }
0x87: {  	_ =	shalt  }
.Lfunc_end0:
.L_simem_size_0:
called_computation.3_lowered:
.L_overlay_start_0:
0x88: {  	s2 =	sld [smem:$0x3FD9]  }
0x89: {  	s3 =	sld [smem:$0x3FFE];
	_ =	sdelay $0x1  }
0x8a: {  	s1 =	srdreg.scid  }
0x8b: {  	s0 =	sand.u32 $0x1, s1  }
0x8c: {  	s17 =	sshll.u32 s0, $0xA;
	s2 =	sadd.s32 s3, s2  }
0x8d: {  	s2 =	sadd.s32 s2, s17  }
0x8e: {  	[smem:$0x3FC0] =	sst s2  }
0x8f: {  	_ = 	snop  }
0x90: {  	s2 =	sld [smem:$0x3FD0];
	(tm) =	ssettm $0x1  }
0x91: {  	s18 =	sld [smem:$0x3FFB];
	_ =	sdelay $0x3  }
0x92: {  	_ =	strace s18  }
0x93: {  	s3 =	sld [smem:$0x3FFC];
	_ =	sdelay $0x3  }
0x94: {  	_ =	strace s3  }
0x95: {  	s3 =	sld [smem:$0x3FFD];
	_ =	sdelay $0x3  }
0x96: {  	_ =	strace s3  }
0x97: {  	_ =	strace $0x8FFFFFFF  }
0x98: {  	s19 =	sld [smem:$0x3FDB];
	_ =	sdelay $0x1  }
0x99: {  	s4 =	simm.s32 $_scs_section_size  }
0x9a: {  	s5 =	simm.s32 $_size__tile_overlayer_lowered;
	s6 =	simm.s32 $_tile_overlayer_lowered  }
0x9b: {  	s22 =	simm.s32 $0x1BFF;
	s21 =	sshll.u32 s6, $0x1;
	s3 =	sadd.s32 s4, s19  }
0x9c: {  	s7 =	simm.s32 $0x0;
	s20 =	sshll.u32 s5, $0x1;
	s5 =	sadd.s32 s21, s3  }
0x9d: {  	[timem:s7], [sflag:s22] =	dma.local [hbm:s5], s20  }
0x9e: {  	_ =	swait.ge [sflag:s22], s20  }
0x9f: {  	s4 =	ssub.s32 $0x0, s20;
	[sflag:s22] =	ssyncset.done $0x0  }
0xa0: {  	[sflag:s22] =	ssyncadd.s32 s4;
	_ =	sdelay $0x1  }
0xa1: {  	s23 =	simm.s32 $0x1B8B  }
0xa2: {  	_ =	swait.ge [sflag:s23], $0x1  }
0xa3: {  	[sflag:s23] =	ssyncset.done $0x0  }
0xa4: {  	s25 =	simm.s32 $0x1B8E;
	s24 =	sld [smem:$0x3FFE];
	[sflag:s23] =	ssyncadd.s32 $0xFFFFFFFF  }
0xa5: {  	s26 =	simm.s32 $execute0_lowered;
	[smem:$0x3FD2] =	sst s25  }
0xa6: {  	s5 =	sshll.u32 s26, $0x1;
	_ =	strace $0x8000004F;
	[dreg:$0x1] =	wrdreg $0xFFFFFFFF  }
0xa7: {  	s28 =	simm.s32 $_size_execute0_lowered;
	s3 =	sadd.s32 s3, s5;
	[dreg:$0x0] =	wrdreg $0x0  }
0xa8: {  	s5 =	sshll.u32 s28, $0x1;
	[dreg:$0x2] =	wrdreg s3  }
0xa9: {  	[dreg:$0x3] =	wrdreg s5  }
0xaa: {  	[dreg:$0x4] =	wrdreg $0xC0  }
0xab: {  	_ =	task [dreg:s7], $0x5FFFF  }
0xac: {  	[dreg:$0x1] =	wrdreg $0xFFFFFFFF  }
0xad: {  	[dreg:$0x0] =	wrdreg $0x60  }
0xae: {  	[dreg:$0x2] =	wrdreg s2  }
0xaf: {  	[dreg:$0x3] =	wrdreg s24  }
0xb0: {  	[dreg:$0x4] =	wrdreg $0xBC000  }
0xb1: {  	[dreg:$0x5] =	wrdreg $0x9  }
0xb2: {  	_ =	task.clear_ibuf [dreg:s7], $0x6FFFF;
	_ =	strace $0x9000004F  }
0xb3: {  	s29 =	simm.s32 $0x9;
	_ =	strace $0x80000051  }
0xb4: {  	_ =	swait.ge [sflag:s29], $0x1  }
0xb5: {  	[sflag:s29] =	ssyncadd.s32 $0xFFFFFFFF  }
0xb6: {  	_ =	strace $0x90000051  }
0xb7: {  	_ =	sfence  }
0xb8: {  	s30 =	sld [smem:$0x0];
	_ =	sdelay $0x2  }
0xb9: {  	s31 =	sshll.u32 s1, $0xD;
	s1 =	sshrl.u32 s1, $0x2  }
0xba: {  	s3 =	sand.u32 $0x4000, s31;
	s1 =	sadd.s32 s1, s30  }
0xbb: {  	s0 =	sor.u32 s3, s0;
	s1 =	sshll.u32 s1, $0x11  }
0xbc: {  	s0 =	sor.u32 s1, s0  }
0xbd: {  	s0 =	sadd.s32 $0x8F2B, s0  }
0xbe: {  	[sflag:s0] =	ssyncadd.remote.s32 $0x1  }
0xbf: {  	_ =	sfence.sel $0xFFFF  }
0xc0: {  	[dreg:$0x0] =	wrdreg $0xFFFFFFFF;
	(pc) =	sbr.abs _section_cstart, $3  }
0xc1: {  	[dreg:$0x1] =	wrdreg $0xFFFFFFFF  }
0xc2: {  	_ =	task.clear_ibuf [dreg:s7], $0x2FFFF;
	_ =	strace $0x9FFFFFFF  }
0xc3: {  	(tm) =	ssettm $0x7FFFFFFF  }
tec
execute0_lowered:
.L_overlay_start_1:
0x0: {  	(tag) =	ssettag $0x1  }
0x1: {  	s0 =	srdreg.scid;
	s1 =	rddreg [dreg:$0x0]  }
0x2: {  	s12 =	stileid.u32;
	s5 =	rddreg [dreg:$0x1]  }
0x3: {  	s3 =	rddreg [dreg:$0x2];
	s4 =	simm.s32 $0x0;
	s14 =	simm.s32 $0x5  }
0x4: {  	s15 =	simm.s32 $0x1400;
	s16 =	simm.s32 $0x40;
	s17 =	simm.s32 $0x3C00  }
0x5: {  	s18 =	simm.s32 $0x5C00;
	s28 =	simm.s32 $0x3A00;
	s29 =	simm.s32 $0x3A80  }
0x6: {  	s30 =	simm.s32 $0x3B00;
	s31 =	simm.s32 $0x3B80;
	s0 =	sand.u32 $0x1, s0  }
0x7: {  	[smem:$0x7FF] =	sst s4;
	s8 =	smul.u32 $0x13C00, s12;
	s10 =	sadd.s32 $0xD200, s5  }
0x8: {  	s20 =	smul.u32 $0x4F000, s12;
	s21 =	sadd.s32 $0x3400, s5;
	s23 =	sshll.u32 s12, $0x6  }
0x9: {  	s2 =	sshll.u32 s0, $0x4;
	s7 =	smul.u32 $0x13C000, s0;
	_ =	strace $0x80000050  }
0xa: {  	[dreg:$0x4] =	wrdreg s21;
	s0 =	ssub.s32 $0x2, s0;
	s2 =	sor.u32 s12, s2  }
0xb: {  	s21 =	simm.s32 $0xC0;
	s22 =	sshrl.u32 s0, $0x1;
	s6 =	smul.u32 $0x2800, s2  }
0xc: {  	s19 =	sadd.s32 s8, s7;
	s7 =	sshrl.u32 s20, $0x2;
	s11 =	smul.u32 $0x5000, s2  }
0xd: {  	s0 =	ssub.s32 s0, s22;
	s2 =	smul.u32 $0xA00, s2;
	s20 =	simm.s32 $0x7C00  }
0xe: {  	s22 =	simm.s32 $0x9C00;
	s7 =	sadd.s32 s7, s3;
	s12 =	smax.u32 s0, $0x1  }
0xf: {  	s6 =	sshrl.u32 s6, $0x3;
	s24 =	sshrl.u32 s11, $0x3;
	s2 =	sadd.s32 s10, s2  }
0x10: {  	s13 =	sshrl.u32 s7, $0x3;
	s9 =	sadd.s32 s6, s5;
	s6 =	sshrl.u32 s19, $0x3  }
0x11: {  	s26 =	sadd.s32 s10, s24;
	[dreg:$0x6] =	wrdreg s2;
	s19 =	simm.s32 $0x80  }
0x12: {  	s24 =	simm.s32 $0x2;
	s2 =	simm.s32 $0x0;
	s5 =	sadd.s32 s6, s5  }
0x13: {  	s6 =	sor.u32 $0x1C05, s23;
	s25 =	sadd.s32 $0x21200, s9;
	s9 =	sadd.s32 $0x21480, s9  }
0x14: {  	s10 =	sadd.s32 $0x500, s26;
	s23 =	simm.s32 $0x1;
	s26 =	simm.s32 $0x4  }
0x15: {  	[dreg:$0x5] =	wrdreg s25;
	s11 =	sadd.s32 $0x2B200, s5;
	s25 =	simm.s32 $0x3  }
.LBB2_1:
0x16: {  	s0 =	rddreg [dreg:$0x4]  }
0x17: {  	[spmem:s13], [sflag:s6] =	dma.local [hbm:s0], $0x2780  }
0x18: {  	_ =	swait.ge [sflag:s14], $0x2780  }
0x19: {  	[sflag:s14] =	ssyncset.done $0x0  }
0x1a: {  	[sflag:s14] =	ssyncadd.s32 $0xFFFFD880  }
0x1b: {  	[bflag:$0x0] =	sbarrier.arrive $0xFFFF  }
0x1c: {  	s5 =	rddreg [dreg:$0x5]  }
0x1d: {  	[tilespmem:s4], [sflag:$0x5] =	stream.linear.gather [hbm4b:s5+s4], $0x1400, $0x38;
	[tilespmem:$0x1F800] =	vst v63  }
0x1e: {  	_ =	swait.ge [sflag:s14], $0x1400  }
0x1f: {  	[sflag:s14] =	ssyncset.done $0x0  }
0x20: {  	s7 =	rddreg [dreg:$0x6];
	[sflag:s14] =	ssyncadd.s32 $0xFFFFEC00  }
0x21: {  	[tilespmem:s15], [sflag:$0x5] =	stream.linear.gather [hbm4b:s7+s4], $0x2800, $0x38;
	[tilespmem:$0x1F800] =	vst v63  }
0x22: {  	_ =	swait.ge [sflag:s14], $0x2800  }
0x23: {  	[sflag:s14] =	ssyncset.done $0x0  }
0x24: {  	[sflag:s14] =	ssyncadd.s32 $0xFFFFD800  }
0x25: {  	[tilespmem:s17], [sflag:$0x1] =	stream.indirect.gather [hbm4b:s1+s16], $0x80, s4, s16, $0xb8;
	[tilespmem:$0x1F800] =	vst v63  }
0x26: {  	_ = 	snop  }
0x27: {  	[tilespmem:s18], [sflag:$0x2] =	stream.indirect.gather [hbm4b:s1+s16], $0x80, s16, s16, $0xb8;
	[tilespmem:$0x1F800] =	vst v63  }
0x28: {  	_ = 	snop  }
0x29: {  	[tilespmem:s20], [sflag:$0x3] =	stream.indirect.gather [hbm4b:s1+s16], $0x80, s19, s16, $0xb8;
	[tilespmem:$0x1F800] =	vst v63  }
0x2a: {  	_ = 	snop  }
0x2b: {  	[tilespmem:s22], [sflag:$0x4] =	stream.indirect.gather [hbm4b:s1+s16], $0x80, s21, s16, $0xb8;
	[tilespmem:$0x1F800] =	vst v63  }
0x2c: {  	_ =	swait.ge [sflag:s23], $0x2000  }
0x2d: {  	[sflag:s23] =	ssyncset.done $0x0  }
0x2e: {  	s8 =	simm.s32 $0x1400;
	[sflag:s23] =	ssyncadd.s32 $0xFFFFE000  }
0x2f: {  	[spmem:s3] =	stream.indirect.scatter.add.f32 [tilespmem:s17], [sflag:$0x5], $0x80, s8, s16, $0xb8;
	[tilespmem:$0x1F800] =	vst v63  }
0x30: {  	_ =	swait.ge [sflag:s14], $0x2000  }
0x31: {  	[sflag:s14] =	ssyncset.done $0x0  }
0x32: {  	s5 =	simm.s32 $0x100;
	[sflag:s14] =	ssyncadd.s32 $0xFFFFE000  }
0x33: {  	[tilespmem:s17], [sflag:$0x1] =	stream.indirect.gather [hbm4b:s1+s16], $0x80, s5, s16, $0xb8;
	[tilespmem:$0x1F800] =	vst v63  }
0x34: {  	_ =	swait.ge [sflag:s24], $0x2000  }
0x35: {  	[sflag:s24] =	ssyncset.done $0x0  }
0x36: {  	s7 =	simm.s32 $0x1480;
	[sflag:s24] =	ssyncadd.s32 $0xFFFFE000  }
0x37: {  	[spmem:s3] =	stream.indirect.scatter.add.f32 [tilespmem:s18], [sflag:$0x5], $0x80, s7, s16, $0xb8;
	[tilespmem:$0x1F800] =	vst v63  }
0x38: {  	_ =	swait.ge [sflag:s14], $0x2000  }
0x39: {  	[sflag:s14] =	ssyncset.done $0x0  }
0x3a: {  	s8 =	simm.s32 $0x140;
	[sflag:s14] =	ssyncadd.s32 $0xFFFFE000  }
0x3b: {  	[tilespmem:s18], [sflag:$0x2] =	stream.indirect.gather [hbm4b:s1+s16], $0x80, s8, s16, $0xb8;
	[tilespmem:$0x1F800] =	vst v63  }
0x3c: {  	_ =	swait.ge [sflag:s25], $0x2000  }
0x3d: {  	[sflag:s25] =	ssyncset.done $0x0  }
0x3e: {  	s5 =	simm.s32 $0x1500;
	[sflag:s25] =	ssyncadd.s32 $0xFFFFE000  }
0x3f: {  	[spmem:s3] =	stream.indirect.scatter.add.f32 [tilespmem:s20], [sflag:$0x5], $0x80, s5, s16, $0xb8;
	[tilespmem:$0x1F800] =	vst v63  }
0x40: {  	_ =	swait.ge [sflag:s14], $0x2000  }
0x41: {  	[sflag:s14] =	ssyncset.done $0x0  }
0x42: {  	s7 =	simm.s32 $0x180;
	[sflag:s14] =	ssyncadd.s32 $0xFFFFE000  }
0x43: {  	[tilespmem:s20], [sflag:$0x3] =	stream.indirect.gather [hbm4b:s1+s16], $0x80, s7, s16, $0xb8;
	[tilespmem:$0x1F800] =	vst v63  }
0x44: {  	_ =	swait.ge [sflag:s26], $0x2000  }
0x45: {  	[sflag:s26] =	ssyncset.done $0x0  }
0x46: {  	s8 =	simm.s32 $0x1580;
	[sflag:s26] =	ssyncadd.s32 $0xFFFFE000  }
0x47: {  	[spmem:s3] =	stream.indirect.scatter.add.f32 [tilespmem:s22], [sflag:$0x5], $0x80, s8, s16, $0xb8;
	[tilespmem:$0x1F800] =	vst v63  }
0x48: {  	_ =	swait.ge [sflag:s14], $0x2000  }
0x49: {  	s0 =	simm.s32 $0x400;
	[sflag:s14] =	ssyncset.done $0x0  }
0x4a: {  	s5 =	simm.s32 $0x1780;
	s7 =	simm.s32 $0x1C0;
	[sflag:s14] =	ssyncadd.s32 $0xFFFFE000  }
.LBB2_2:
0x4b: {  	[tilespmem:s22], [sflag:$0x4] =	stream.indirect.gather [hbm4b:s1+s16], $0x80, s7, s16, $0xb8;
	[tilespmem:$0x1F800] =	vst v63  }
0x4c: {  	s7 =	smov.u32 s0  }
0x4d: {  	p0 =	sne.s32 s0, $0x4800;
	s0 =	sadd.s32 $0x400, s0;
	_ =	swait.ge [sflag:s23], $0x2000  }
0x4e: {  	[sflag:s23] =	ssyncset.done $0x0  }
0x4f: {  	s8 =	sadd.s32 $0xFFFFFE80, s5;
	[sflag:s23] =	ssyncadd.s32 $0xFFFFE000  }
0x50: {  	[spmem:s3] =	stream.indirect.scatter.add.f32 [tilespmem:s17], [sflag:$0x5], $0x80, s8, s16, $0xb8;
	[tilespmem:$0x1F800] =	vst v63  }
0x51: {  	_ =	swait.ge [sflag:s14], $0x2000  }
0x52: {  	s7 =	sshra.s32 s7, $0x2;
	[sflag:s14] =	ssyncset.done $0x0  }
0x53: {  	s8 =	sadd.s32 $0x100, s7;
	[sflag:s14] =	ssyncadd.s32 $0xFFFFE000  }
0x54: {  	[tilespmem:s17], [sflag:$0x1] =	stream.indirect.gather [hbm4b:s1+s16], $0x80, s8, s16, $0xb8;
	[tilespmem:$0x1F800] =	vst v63  }
0x55: {  	_ =	swait.ge [sflag:s24], $0x2000  }
0x56: {  	[sflag:s24] =	ssyncset.done $0x0  }
0x57: {  	s8 =	sadd.s32 $0xFFFFFF00, s5;
	[sflag:s24] =	ssyncadd.s32 $0xFFFFE000  }
0x58: {  	[spmem:s3] =	stream.indirect.scatter.add.f32 [tilespmem:s18], [sflag:$0x5], $0x80, s8, s16, $0xb8;
	[tilespmem:$0x1F800] =	vst v63  }
0x59: {  	_ =	swait.ge [sflag:s14], $0x2000  }
0x5a: {  	[sflag:s14] =	ssyncset.done $0x0  }
0x5b: {  	s8 =	sadd.s32 $0x140, s7;
	[sflag:s14] =	ssyncadd.s32 $0xFFFFE000  }
0x5c: {  	[tilespmem:s18], [sflag:$0x2] =	stream.indirect.gather [hbm4b:s1+s16], $0x80, s8, s16, $0xb8;
	[tilespmem:$0x1F800] =	vst v63  }
0x5d: {  	_ =	swait.ge [sflag:s25], $0x2000  }
0x5e: {  	[sflag:s25] =	ssyncset.done $0x0  }
0x5f: {  	s8 =	sadd.s32 $0xFFFFFF80, s5;
	[sflag:s25] =	ssyncadd.s32 $0xFFFFE000  }
0x60: {  	[spmem:s3] =	stream.indirect.scatter.add.f32 [tilespmem:s20], [sflag:$0x5], $0x80, s8, s16, $0xb8;
	[tilespmem:$0x1F800] =	vst v63  }
0x61: {  	_ =	swait.ge [sflag:s14], $0x2000  }
0x62: {  	[sflag:s14] =	ssyncset.done $0x0  }
0x63: {  	s8 =	sadd.s32 $0x180, s7;
	[sflag:s14] =	ssyncadd.s32 $0xFFFFE000  }
0x64: {  	[tilespmem:s20], [sflag:$0x3] =	stream.indirect.gather [hbm4b:s1+s16], $0x80, s8, s16, $0xb8;
	[tilespmem:$0x1F800] =	vst v63  }
0x65: {  	_ =	swait.ge [sflag:s26], $0x2000  }
0x66: {  	[sflag:s26] =	ssyncset.done $0x0  }
.Ltmp0:
0x67: {  	[sflag:s26] =	ssyncadd.s32 $0xFFFFE000;
	(pc) =	sbr.rel @p0 .LBB2_2-.Ltmp0, $4  }
0x68: {  	[spmem:s3] =	stream.indirect.scatter.add.f32 [tilespmem:s22], [sflag:$0x5], $0x80, s5, s16, $0xb8;
	[tilespmem:$0x1F800] =	vst v63  }
0x69: {  	_ =	swait.ge [sflag:s14], $0x2000  }
0x6a: {  	[sflag:s14] =	ssyncset.done $0x0  }
0x6b: {  	s7 =	sadd.s32 $0x1C0, s7;
	s5 =	sadd.s32 $0x200, s5;
	[sflag:s14] =	ssyncadd.s32 $0xFFFFE000  }
0x6c: {  	[tilespmem:s22], [sflag:$0x4] =	stream.indirect.gather [hbm4b:s1+s16], $0x80, s7, s16, $0xb8;
	[tilespmem:$0x1F800] =	vst v63  }
0x6d: {  	_ =	swait.ge [sflag:s23], $0x2000  }
0x6e: {  	[sflag:s23] =	ssyncset.done $0x0  }
0x6f: {  	[sflag:s23] =	ssyncadd.s32 $0xFFFFE000  }
0x70: {  	[spmem:s3] =	stream.indirect.scatter.add.f32 [tilespmem:s17], [sflag:$0x5], $0x80, s28, s16, $0xb8;
	[tilespmem:$0x1F800] =	vst v63  }
0x71: {  	_ =	swait.ge [sflag:s14], $0x2000  }
0x72: {  	[sflag:s14] =	ssyncset.done $0x0  }
0x73: {  	[sflag:s14] =	ssyncadd.s32 $0xFFFFE000  }
0x74: {  	_ =	swait.ge [sflag:s24], $0x2000  }
0x75: {  	[sflag:s24] =	ssyncset.done $0x0  }
0x76: {  	[sflag:s24] =	ssyncadd.s32 $0xFFFFE000  }
0x77: {  	[spmem:s3] =	stream.indirect.scatter.add.f32 [tilespmem:s18], [sflag:$0x5], $0x80, s29, s16, $0xb8;
	[tilespmem:$0x1F800] =	vst v63  }
0x78: {  	_ =	swait.ge [sflag:s14], $0x2000  }
0x79: {  	[sflag:s14] =	ssyncset.done $0x0  }
0x7a: {  	[sflag:s14] =	ssyncadd.s32 $0xFFFFE000  }
0x7b: {  	_ =	swait.ge [sflag:s25], $0x2000  }
0x7c: {  	[sflag:s25] =	ssyncset.done $0x0  }
0x7d: {  	[sflag:s25] =	ssyncadd.s32 $0xFFFFE000  }
0x7e: {  	[spmem:s3] =	stream.indirect.scatter.add.f32 [tilespmem:s20], [sflag:$0x5], $0x80, s30, s16, $0xb8;
	[tilespmem:$0x1F800] =	vst v63  }
0x7f: {  	_ =	swait.ge [sflag:s14], $0x2000  }
0x80: {  	[sflag:s14] =	ssyncset.done $0x0  }
0x81: {  	[sflag:s14] =	ssyncadd.s32 $0xFFFFE000  }
0x82: {  	_ =	swait.ge [sflag:s26], $0x2000  }
0x83: {  	[sflag:s26] =	ssyncset.done $0x0  }
0x84: {  	[sflag:s26] =	ssyncadd.s32 $0xFFFFE000  }
0x85: {  	[spmem:s3] =	stream.indirect.scatter.add.f32 [tilespmem:s22], [sflag:$0x5], $0x80, s31, s16, $0xb8;
	[tilespmem:$0x1F800] =	vst v63  }
0x86: {  	_ =	swait.ge [sflag:s14], $0x2000  }
0x87: {  	[sflag:s14] =	ssyncset.done $0x0  }
0x88: {  	s0 =	simm.s32 $0x0;
	[sflag:s14] =	ssyncadd.s32 $0xFFFFE000  }
0x89: {  	[tilespmem:s0], [sflag:$0x5] =	stream.linear.gather [hbm4b:s9+s0], $0x1400, $0x38;
	[tilespmem:$0x1F800] =	vst v63  }
0x8a: {  	_ =	swait.ge [sflag:s14], $0x1400  }
0x8b: {  	[sflag:s14] =	ssyncset.done $0x0  }
0x8c: {  	[sflag:s14] =	ssyncadd.s32 $0xFFFFEC00  }
0x8d: {  	[tilespmem:s15], [sflag:$0x5] =	stream.linear.gather [hbm4b:s10+s0], $0x2800, $0x38;
	[tilespmem:$0x1F800] =	vst v63  }
0x8e: {  	_ =	swait.ge [sflag:s14], $0x2800  }
0x8f: {  	[sflag:s14] =	ssyncset.done $0x0  }
0x90: {  	[sflag:s14] =	ssyncadd.s32 $0xFFFFD800  }
0x91: {  	[tilespmem:s17], [sflag:$0x1] =	stream.indirect.gather [hbm4b:s1+s16], $0x80, s0, s16, $0xb8;
	[tilespmem:$0x1F800] =	vst v63  }
0x92: {  	_ = 	snop  }
0x93: {  	[tilespmem:s18], [sflag:$0x2] =	stream.indirect.gather [hbm4b:s1+s16], $0x80, s16, s16, $0xb8;
	[tilespmem:$0x1F800] =	vst v63  }
0x94: {  	_ = 	snop  }
0x95: {  	[tilespmem:s20], [sflag:$0x3] =	stream.indirect.gather [hbm4b:s1+s16], $0x80, s19, s16, $0xb8;
	[tilespmem:$0x1F800] =	vst v63  }
0x96: {  	_ = 	snop  }
0x97: {  	[tilespmem:s22], [sflag:$0x4] =	stream.indirect.gather [hbm4b:s1+s16], $0x80, s21, s16, $0xb8;
	[tilespmem:$0x1F800] =	vst v63  }
0x98: {  	_ =	swait.ge [sflag:s23], $0x2000  }
0x99: {  	[sflag:s23] =	ssyncset.done $0x0  }
0x9a: {  	s8 =	simm.s32 $0x1400;
	[sflag:s23] =	ssyncadd.s32 $0xFFFFE000  }
0x9b: {  	[spmem:s3] =	stream.indirect.scatter.add.f32 [tilespmem:s17], [sflag:$0x5], $0x80, s8, s16, $0xb8;
	[tilespmem:$0x1F800] =	vst v63  }
0x9c: {  	_ =	swait.ge [sflag:s14], $0x2000  }
0x9d: {  	[sflag:s14] =	ssyncset.done $0x0  }
0x9e: {  	s5 =	simm.s32 $0x100;
	[sflag:s14] =	ssyncadd.s32 $0xFFFFE000  }
0x9f: {  	[tilespmem:s17], [sflag:$0x1] =	stream.indirect.gather [hbm4b:s1+s16], $0x80, s5, s16, $0xb8;
	[tilespmem:$0x1F800] =	vst v63  }
0xa0: {  	_ =	swait.ge [sflag:s24], $0x2000  }
0xa1: {  	[sflag:s24] =	ssyncset.done $0x0  }
0xa2: {  	s7 =	simm.s32 $0x1480;
	[sflag:s24] =	ssyncadd.s32 $0xFFFFE000  }
0xa3: {  	[spmem:s3] =	stream.indirect.scatter.add.f32 [tilespmem:s18], [sflag:$0x5], $0x80, s7, s16, $0xb8;
	[tilespmem:$0x1F800] =	vst v63  }
0xa4: {  	_ =	swait.ge [sflag:s14], $0x2000  }
0xa5: {  	[sflag:s14] =	ssyncset.done $0x0  }
0xa6: {  	s8 =	simm.s32 $0x140;
	[sflag:s14] =	ssyncadd.s32 $0xFFFFE000  }
0xa7: {  	[tilespmem:s18], [sflag:$0x2] =	stream.indirect.gather [hbm4b:s1+s16], $0x80, s8, s16, $0xb8;
	[tilespmem:$0x1F800] =	vst v63  }
0xa8: {  	_ =	swait.ge [sflag:s25], $0x2000  }
0xa9: {  	[sflag:s25] =	ssyncset.done $0x0  }
0xaa: {  	s5 =	simm.s32 $0x1500;
	[sflag:s25] =	ssyncadd.s32 $0xFFFFE000  }
0xab: {  	[spmem:s3] =	stream.indirect.scatter.add.f32 [tilespmem:s20], [sflag:$0x5], $0x80, s5, s16, $0xb8;
	[tilespmem:$0x1F800] =	vst v63  }
0xac: {  	_ =	swait.ge [sflag:s14], $0x2000  }
0xad: {  	[sflag:s14] =	ssyncset.done $0x0  }
0xae: {  	s7 =	simm.s32 $0x180;
	[sflag:s14] =	ssyncadd.s32 $0xFFFFE000  }
0xaf: {  	[tilespmem:s20], [sflag:$0x3] =	stream.indirect.gather [hbm4b:s1+s16], $0x80, s7, s16, $0xb8;
	[tilespmem:$0x1F800] =	vst v63  }
0xb0: {  	_ =	swait.ge [sflag:s26], $0x2000  }
0xb1: {  	[sflag:s26] =	ssyncset.done $0x0  }
0xb2: {  	s8 =	simm.s32 $0x1580;
	[sflag:s26] =	ssyncadd.s32 $0xFFFFE000  }
0xb3: {  	[spmem:s3] =	stream.indirect.scatter.add.f32 [tilespmem:s22], [sflag:$0x5], $0x80, s8, s16, $0xb8;
	[tilespmem:$0x1F800] =	vst v63  }
0xb4: {  	_ =	swait.ge [sflag:s14], $0x2000  }
0xb5: {  	s0 =	simm.s32 $0x400;
	[sflag:s14] =	ssyncset.done $0x0  }
0xb6: {  	s5 =	simm.s32 $0x1780;
	s7 =	simm.s32 $0x1C0;
	[sflag:s14] =	ssyncadd.s32 $0xFFFFE000  }
.LBB2_4:
0xb7: {  	[tilespmem:s22], [sflag:$0x4] =	stream.indirect.gather [hbm4b:s1+s16], $0x80, s7, s16, $0xb8;
	[tilespmem:$0x1F800] =	vst v63  }
0xb8: {  	s7 =	smov.u32 s0  }
0xb9: {  	p0 =	sne.s32 s0, $0x4800;
	s0 =	sadd.s32 $0x400, s0;
	_ =	swait.ge [sflag:s23], $0x2000  }
0xba: {  	[sflag:s23] =	ssyncset.done $0x0  }
0xbb: {  	s8 =	sadd.s32 $0xFFFFFE80, s5;
	[sflag:s23] =	ssyncadd.s32 $0xFFFFE000  }
0xbc: {  	[spmem:s3] =	stream.indirect.scatter.add.f32 [tilespmem:s17], [sflag:$0x5], $0x80, s8, s16, $0xb8;
	[tilespmem:$0x1F800] =	vst v63  }
0xbd: {  	_ =	swait.ge [sflag:s14], $0x2000  }
0xbe: {  	s7 =	sshra.s32 s7, $0x2;
	[sflag:s14] =	ssyncset.done $0x0  }
0xbf: {  	s8 =	sadd.s32 $0x100, s7;
	[sflag:s14] =	ssyncadd.s32 $0xFFFFE000  }
0xc0: {  	[tilespmem:s17], [sflag:$0x1] =	stream.indirect.gather [hbm4b:s1+s16], $0x80, s8, s16, $0xb8;
	[tilespmem:$0x1F800] =	vst v63  }
0xc1: {  	_ =	swait.ge [sflag:s24], $0x2000  }
0xc2: {  	[sflag:s24] =	ssyncset.done $0x0  }
0xc3: {  	s8 =	sadd.s32 $0xFFFFFF00, s5;
	[sflag:s24] =	ssyncadd.s32 $0xFFFFE000  }
0xc4: {  	[spmem:s3] =	stream.indirect.scatter.add.f32 [tilespmem:s18], [sflag:$0x5], $0x80, s8, s16, $0xb8;
	[tilespmem:$0x1F800] =	vst v63  }
0xc5: {  	_ =	swait.ge [sflag:s14], $0x2000  }
0xc6: {  	[sflag:s14] =	ssyncset.done $0x0  }
0xc7: {  	s8 =	sadd.s32 $0x140, s7;
	[sflag:s14] =	ssyncadd.s32 $0xFFFFE000  }
0xc8: {  	[tilespmem:s18], [sflag:$0x2] =	stream.indirect.gather [hbm4b:s1+s16], $0x80, s8, s16, $0xb8;
	[tilespmem:$0x1F800] =	vst v63  }
0xc9: {  	_ =	swait.ge [sflag:s25], $0x2000  }
0xca: {  	[sflag:s25] =	ssyncset.done $0x0  }
0xcb: {  	s8 =	sadd.s32 $0xFFFFFF80, s5;
	[sflag:s25] =	ssyncadd.s32 $0xFFFFE000  }
0xcc: {  	[spmem:s3] =	stream.indirect.scatter.add.f32 [tilespmem:s20], [sflag:$0x5], $0x80, s8, s16, $0xb8;
	[tilespmem:$0x1F800] =	vst v63  }
0xcd: {  	_ =	swait.ge [sflag:s14], $0x2000  }
0xce: {  	[sflag:s14] =	ssyncset.done $0x0  }
0xcf: {  	s8 =	sadd.s32 $0x180, s7;
	[sflag:s14] =	ssyncadd.s32 $0xFFFFE000  }
0xd0: {  	[tilespmem:s20], [sflag:$0x3] =	stream.indirect.gather [hbm4b:s1+s16], $0x80, s8, s16, $0xb8;
	[tilespmem:$0x1F800] =	vst v63  }
0xd1: {  	_ =	swait.ge [sflag:s26], $0x2000  }
0xd2: {  	[sflag:s26] =	ssyncset.done $0x0  }
.Ltmp1:
0xd3: {  	[sflag:s26] =	ssyncadd.s32 $0xFFFFE000;
	(pc) =	sbr.rel @p0 .LBB2_4-.Ltmp1, $4  }
0xd4: {  	[spmem:s3] =	stream.indirect.scatter.add.f32 [tilespmem:s22], [sflag:$0x5], $0x80, s5, s16, $0xb8;
	[tilespmem:$0x1F800] =	vst v63  }
0xd5: {  	_ =	swait.ge [sflag:s14], $0x2000  }
0xd6: {  	[sflag:s14] =	ssyncset.done $0x0  }
0xd7: {  	s7 =	sadd.s32 $0x1C0, s7;
	s5 =	sadd.s32 $0x200, s5;
	[sflag:s14] =	ssyncadd.s32 $0xFFFFE000  }
0xd8: {  	[tilespmem:s22], [sflag:$0x4] =	stream.indirect.gather [hbm4b:s1+s16], $0x80, s7, s16, $0xb8;
	[tilespmem:$0x1F800] =	vst v63  }
0xd9: {  	_ =	swait.ge [sflag:s23], $0x2000  }
0xda: {  	[sflag:s23] =	ssyncset.done $0x0  }
0xdb: {  	[sflag:s23] =	ssyncadd.s32 $0xFFFFE000  }
0xdc: {  	[spmem:s3] =	stream.indirect.scatter.add.f32 [tilespmem:s17], [sflag:$0x5], $0x80, s28, s16, $0xb8;
	[tilespmem:$0x1F800] =	vst v63  }
0xdd: {  	_ =	swait.ge [sflag:s14], $0x2000  }
0xde: {  	[sflag:s14] =	ssyncset.done $0x0  }
0xdf: {  	[sflag:s14] =	ssyncadd.s32 $0xFFFFE000  }
0xe0: {  	_ =	swait.ge [sflag:s24], $0x2000  }
0xe1: {  	[sflag:s24] =	ssyncset.done $0x0  }
0xe2: {  	[sflag:s24] =	ssyncadd.s32 $0xFFFFE000  }
0xe3: {  	[spmem:s3] =	stream.indirect.scatter.add.f32 [tilespmem:s18], [sflag:$0x5], $0x80, s29, s16, $0xb8;
	[tilespmem:$0x1F800] =	vst v63  }
0xe4: {  	_ =	swait.ge [sflag:s14], $0x2000  }
0xe5: {  	[sflag:s14] =	ssyncset.done $0x0  }
0xe6: {  	[sflag:s14] =	ssyncadd.s32 $0xFFFFE000  }
0xe7: {  	_ =	swait.ge [sflag:s25], $0x2000  }
0xe8: {  	[sflag:s25] =	ssyncset.done $0x0  }
0xe9: {  	[sflag:s25] =	ssyncadd.s32 $0xFFFFE000  }
0xea: {  	[spmem:s3] =	stream.indirect.scatter.add.f32 [tilespmem:s20], [sflag:$0x5], $0x80, s30, s16, $0xb8;
	[tilespmem:$0x1F800] =	vst v63  }
0xeb: {  	_ =	swait.ge [sflag:s14], $0x2000  }
0xec: {  	[sflag:s14] =	ssyncset.done $0x0  }
0xed: {  	[sflag:s14] =	ssyncadd.s32 $0xFFFFE000  }
0xee: {  	_ =	swait.ge [sflag:s26], $0x2000  }
0xef: {  	[sflag:s26] =	ssyncset.done $0x0  }
0xf0: {  	[sflag:s26] =	ssyncadd.s32 $0xFFFFE000  }
0xf1: {  	[spmem:s3] =	stream.indirect.scatter.add.f32 [tilespmem:s22], [sflag:$0x5], $0x80, s31, s16, $0xb8;
	[tilespmem:$0x1F800] =	vst v63  }
0xf2: {  	_ =	swait.ge [sflag:s14], $0x2000  }
0xf3: {  	s2 =	sadd.s32 $0x1, s2;
	[sflag:s14] =	ssyncset.done $0x0  }
0xf4: {  	p0 =	sne.s32 s2, s12;
	[sflag:s14] =	ssyncadd.s32 $0xFFFFE000  }
.Ltmp2:
0xf5: {  	[bflag:$0x0] =	sbarrier.arrive $0xFFFF;
	(pc) =	sbr.rel @p0 .LBB2_1-.Ltmp2, $4  }
0xf6: {  	[hbm:s11], [sflag:s6] =	dma.local [spmem:s13], $0x2780  }
0xf7: {  	_ =	swait.ge [sflag:s14], $0x2780  }
0xf8: {  	[sflag:s14] =	ssyncset.done $0x0  }
0xf9: {  	[sflag:s14] =	ssyncadd.s32 $0xFFFFD880  }
0xfa: {  	_ =	sfence.sel $0x180000  }
0xfb: {  	[bflag:$0x0] =	sbarrier.arrive $0xFFFF  }
0xfc: {  	_ =	strace $0x90000050  }
0xfd: {  	s0 =	stileid.u32;
	[bflag:$0x2] =	sbarrier.arrive $0xFFFF  }
0xfe: {  	p0 =	sne.s32 s0, $0x0;
	s0 =	rddreg [dreg:$0x3]  }
0xff: {  	s0 =	sadd.s32 @!p0 $0x100000, s0  }
0x100: {  	[sflag:s0] =	ssyncadd.tile.s32 @!p0 $0x1;
	_ =	shalt  }
.Lfunc_end2:
_tile_overlayer_lowered:
.L_overlay_start_2:
0x101: {  	(tag) =	ssettag $0x2  }
0x102: {  	s0 =	rddreg [dreg:$0x0];
	s2 =	stileid.u32  }
0x103: {  	s1 =	rddreg [dreg:$0x1];
	p0 =	sne.s32 s2, $0x0  }
0x104: {  	s3 =	rddreg [dreg:$0x2];
	[bflag:$0x3] =	sbarrier.arrive $0xFFFF;
	s2 =	simm.s32 @!p0 $0x1C05  }
0x105: {  	[timem:s3], [sflag:s2] =	dma.local @!p0 [hbm:s0], s1  }
0x106: {  	s0 =	simm.s32 @!p0 $0x5  }
0x107: {  	_ =	swait.ge @!p0 [sflag:s0], s1  }
0x108: {  	s1 =	ssub.s32 @!p0 $0x0, s1;
	[sflag:s0] =	ssyncset.done @!p0 $0x0  }
0x109: {  	[sflag:s0] =	ssyncadd.s32 @!p0 s1  }
0x10a: {  	[bflag:$0x3] =	sbarrier.arrive $0xFFFF  }
0x10b: {  	_ =	shalt  }

</sc_bundles>
